<compile_context>
chip_gen: v7x
topology: tpu7x:2x2x1
jax: 0.10.2.dev20260603
libtpu: 0.0.44.dev20260713+nightly
codegen_flags: <defaults>
</compile_context>

<pallas_src>
import functools

import jax
import jax.numpy as jnp
from jax import lax
from jax.experimental import pallas as pl
from jax.experimental.pallas import tpu as pltpu
from jax.experimental.pallas import tpu_sc as plsc

B = 64
S = 30
H = 20
MAXV = 256
PAD = 512
N = B * S

PER_W = 128
ACT_W = N // PER_W
HALF = PER_W // 2

_LN2 = 0.6931471805599453
_SQRT2 = 1.4142135381698608


def _vlog(x):
    xi = lax.bitcast_convert_type(x, jnp.int32)
    e = lax.shift_right_arithmetic(xi, 23) - 127
    m = lax.bitcast_convert_type((xi & 0x007FFFFF) | 0x3F800000, jnp.float32)
    big = m > _SQRT2
    e = e + big.astype(jnp.int32)
    m = jnp.where(big, m * 0.5, m)
    t = (m - 1.0) / (m + 1.0)
    z = t * t
    p = 2.0 + z * (0.66666668653488159 + z * (0.40000000596046448
        + z * (0.28571429848670959 + z * 0.22222222222222222)))
    return e.astype(jnp.float32) * _LN2 + t * p


def _tc_prep(score_ref, upd_ref, cm_ref, ct_ref, ns_ref, ne_ref, nm_ref,
             wcls_ref, wext_ref, cto_ref, nso_ref, neo_ref, r_ref):
    best = score_ref[0]
    bidx = jnp.zeros((S, B), jnp.int32)
    for h in range(1, H):
        v = score_ref[h]
        better = v > best
        best = jnp.where(better, v, best)
        bidx = jnp.where(better, h, bidx)

    def pick(ref):
        acc = ref[0]
        for h in range(1, H):
            acc = jnp.where(bidx == h, ref[h], acc)
        return acc

    ok = upd_ref[...] == 1
    wcls = ((pick(cm_ref) == 1) & ok).astype(jnp.int32)
    wext = ((pick(nm_ref) == 1) & ok).astype(jnp.int32)
    s_iota = lax.broadcasted_iota(jnp.int32, (S, B), 0)
    b_iota = lax.broadcasted_iota(jnp.int32, (S, B), 1)
    r = s_iota * N + b_iota * S + s_iota
    rows = pl.ds(0, S)
    wcls_ref[rows, :] = wcls
    wext_ref[rows, :] = wext
    cto_ref[rows, :] = pick(ct_ref)
    nso_ref[rows, :] = pick(ns_ref)
    neo_ref[rows, :] = pick(ne_ref)
    r_ref[rows, :] = r


_I32SB = jax.ShapeDtypeStruct((32, B), jnp.int32)


@functools.partial(
    pl.kernel,
    mesh=plsc.VectorSubcoreMesh(core_axis_name="c", subcore_axis_name="s",
                                num_cores=1),
    out_type=jax.ShapeDtypeStruct((16,), jnp.float32),
    compiler_params=pltpu.CompilerParams(needs_layout_passes=False,
                                         disable_bounds_checks=True),
    scratch_types=[
        pltpu.VMEM((8, B), jnp.int32),
        pltpu.VMEM((8, B), jnp.int32),
        pltpu.VMEM((8, B), jnp.int32),
        pltpu.VMEM((8, B), jnp.int32),
        pltpu.VMEM((8, B), jnp.int32),
        pltpu.VMEM((8, B), jnp.int32),
        pltpu.VMEM((32, MAXV), jnp.float32),
        pltpu.VMEM((32, PAD), jnp.float32),
        pltpu.VMEM((32, PAD), jnp.float32),
        pltpu.VMEM((32, MAXV), jnp.float32),
        pltpu.VMEM((32, PAD), jnp.float32),
        pltpu.VMEM((32, PAD), jnp.float32),
        pltpu.VMEM((5 * 16,), jnp.float32),
        pltpu.VMEM((ACT_W * 5 * 16,), jnp.float32),
        pltpu.VMEM((16,), jnp.float32),
        pltpu.VMEM((16,), jnp.float32),
        pltpu.VMEM_SHARED((ACT_W * 5 * 16,), jnp.float32),
        pltpu.SemaphoreType.DMA,
        pltpu.SemaphoreType.DMA,
    ],
)
def _sc_loss(wcls_hbm, wext_hbm, ct_hbm, ns_hbm, ne_hbm, r_hbm,
             svp_hbm, sp_hbm, ep_hbm, out_hbm,
             wcls_v, wext_v, ct_v, ns_v, ne_v, r_v,
             svpva_v, spva_v, epva_v, svpvb_v, spvb_v, epvb_v,
             acc_v, all_v, tmp_v, outv_v, shared, sem, semb):
    wid = lax.axis_index("s")

    @pl.when(wid < ACT_W)
    def _work():
        sb = pl.multiple_of((2 * wid) & ~7, 8)
        o = (2 * wid) & 7
        blk = pl.ds(sb, 8)
        cps = [pltpu.async_copy(wcls_hbm.at[blk], wcls_v, sem),
               pltpu.async_copy(wext_hbm.at[blk], wext_v, sem),
               pltpu.async_copy(ct_hbm.at[blk], ct_v, sem),
               pltpu.async_copy(ns_hbm.at[blk], ns_v, sem),
               pltpu.async_copy(ne_hbm.at[blk], ne_v, sem),
               pltpu.async_copy(r_hbm.at[blk], r_v, sem)]
        for cp in cps:
            cp.wait()
        fl_svp = svp_hbm.reshape(S * N, MAXV)
        fl_sp = sp_hbm.reshape(S * N, PAD)
        fl_ep = ep_hbm.reshape(S * N, PAD)
        lanes = lax.broadcasted_iota(jnp.int32, (16,), 0)
        zero = jnp.zeros((16,), jnp.float32)
        cls_sum, cls_cnt = zero, zero
        s_sum, e_sum, ext_cnt = zero, zero, zero
        bufs = [(svpva_v, spva_v, epva_v, sem),
                (svpvb_v, spvb_v, epvb_v, semb)]

        def _fire(q):
            sv_b, sp_b, ep_b, sm = bufs[q % 2]
            idx_ref = r_v.at[o + q // 2, pl.ds((q % 2) * 32, 32)]
            return [pltpu.async_copy(fl_svp.at[idx_ref], sv_b, sm),
                    pltpu.async_copy(fl_sp.at[idx_ref], sp_b, sm),
                    pltpu.async_copy(fl_ep.at[idx_ref], ep_b, sm)]

        pend = _fire(0)
        for q in range(4):
            for cp in pend:
                cp.wait()
            if q < 3:
                pend = _fire(q + 1)
            sv_b, sp_b, ep_b, _ = bufs[q % 2]
            row_b = jnp.full((16,), o + q // 2, jnp.int32)
            for c in range(2):
                rows = c * 16 + lanes
                col = (q % 2) * 32 + c * 16 + lanes
                ctv = plsc.load_gather(ct_v, [row_b, col])
                nsv = plsc.load_gather(ns_v, [row_b, col])
                nev = plsc.load_gather(ne_v, [row_b, col])
                sv = plsc.load_gather(sv_b, [rows, ctv])
                st = plsc.load_gather(sp_b, [rows, nsv])
                en = plsc.load_gather(ep_b, [rows, nev])
                wcls = plsc.load_gather(wcls_v, [row_b, col]) == 1
                wext = plsc.load_gather(wext_v, [row_b, col]) == 1
                cls_sum = cls_sum + jnp.where(wcls, -_vlog(sv + 1e-5), 0.0)
                cls_cnt = cls_cnt + jnp.where(wcls, 1.0, 0.0)
                s_sum = s_sum + jnp.where(wext, -_vlog(st + 1e-5), 0.0)
                e_sum = e_sum + jnp.where(wext, -_vlog(en + 1e-5), 0.0)
                ext_cnt = ext_cnt + jnp.where(wext, 1.0, 0.0)
        acc_v[pl.ds(0, 16)] = cls_sum
        acc_v[pl.ds(16, 16)] = cls_cnt
        acc_v[pl.ds(32, 16)] = s_sum
        acc_v[pl.ds(48, 16)] = e_sum
        acc_v[pl.ds(64, 16)] = ext_cnt
        pltpu.sync_copy(acc_v, shared.at[pl.ds(wid * 80, 80)])

    plsc.subcore_barrier()

    @pl.when(wid == 0)
    def _reduce():
        pltpu.sync_copy(shared, all_v)
        tot = [jnp.zeros((16,), jnp.float32) for _ in range(5)]
        for w in range(ACT_W):
            for rr in range(5):
                tot[rr] = tot[rr] + all_v[pl.ds(w * 80 + rr * 16, 16)]
        full15 = jnp.full((16,), 15, jnp.int32)

        def lanesum(v):
            tmp_v[...] = jnp.cumsum(v)
            return plsc.load_gather(tmp_v, [full15])

        cls_sum = lanesum(tot[0])
        cls_cnt = lanesum(tot[1])
        s_sum = lanesum(tot[2])
        e_sum = lanesum(tot[3])
        ext_cnt = lanesum(tot[4])
        cls = jnp.where(cls_cnt > 0, cls_sum / jnp.maximum(cls_cnt, 1.0), 0.0)
        stl = jnp.where(ext_cnt > 0, s_sum / jnp.maximum(ext_cnt, 1.0), 0.0)
        enl = jnp.where(ext_cnt > 0, e_sum / jnp.maximum(ext_cnt, 1.0), 0.0)
        outv_v[...] = cls + stl + enl
        pltpu.sync_copy(outv_v, out_hbm)


def kernel(score, update_slot, startProb, endProb, slotValueProb,
           cata_target, cate_mask, noncate_start, noncate_end, noncate_mask):
    tr = lambda t: t.astype(jnp.int32).transpose(1, 2, 0)
    wcls, wext, ct, ns, ne, r = pl.pallas_call(
        _tc_prep,
        out_shape=[_I32SB] * 6,
    )(
        score.transpose(2, 1, 0),
        update_slot.astype(jnp.int32).T,
        tr(cate_mask),
        tr(cata_target),
        tr(noncate_start),
        tr(noncate_end),
        tr(noncate_mask),
    )
    out16 = _sc_loss(
        wcls, wext, ct, ns, ne, r,
        slotValueProb.transpose(1, 0, 2),
        startProb.transpose(1, 0, 2),
        endProb.transpose(1, 0, 2),
    )
    return out16[0]

# --- scband reference (transcript-rebuilt; emitter-appended) ---
"""Pipeline reference for scband-di-co-sgenerator-loss-40029095198940 (READ-ONLY COPY).

The authoritative reference and input builder live on the scoring server;
editing this copy changes nothing except your own understanding.
"""

import jax, jax.numpy as jnp
import numpy as np

B = 64
S = 30          # slotTypeNum
H = 20          # maxHistoryNum
MAXV = 256      # maxSlotValue
PAD = 512       # pad_size / seqLen
UPD = B * S     # updateSlotNum (update_slot is all ones)


def setup_inputs(seed: int = 0) -> dict:
    key = jax.random.key(seed)
    ks = jax.random.split(key, 10)
    score = jax.random.normal(ks[0], (B, S, H), dtype=jnp.float32)
    update_slot = jnp.ones((B, S), dtype=jnp.int32)
    startProb = jax.random.uniform(ks[1], (UPD, S, PAD), dtype=jnp.float32)
    endProb = jax.random.uniform(ks[2], (UPD, S, PAD), dtype=jnp.float32)
    slotValueProb = jax.random.uniform(ks[3], (UPD, S, MAXV), dtype=jnp.float32)
    cata_target = jax.random.randint(ks[4], (B, H, S), 0, MAXV)
    cate_mask = jax.random.randint(ks[5], (B, H, S), 0, 2)
    noncate_start = jax.random.randint(ks[6], (B, H, S), 0, PAD)
    noncate_end = jax.random.randint(ks[7], (B, H, S), 0, PAD)
    noncate_mask = jax.random.randint(ks[8], (B, H, S), 0, 3)
    return {"score": score, "update_slot": update_slot, "startProb": startProb,
            "endProb": endProb, "slotValueProb": slotValueProb,
            "cata_target": cata_target, "cate_mask": cate_mask,
            "noncate_start": noncate_start, "noncate_end": noncate_end,
            "noncate_mask": noncate_mask}


def _masked_nll(pred, target, w):
    # pred: [N, C] probabilities; target: [N] int; w: [N] {0,1} float
    # equals NLLLoss(mean) over rows where mask==1 applied to log(pred+1e-5)
    logp = jnp.log(pred + 1e-5)
    nll = -jnp.take_along_axis(logp, target[:, None], axis=1)[:, 0]
    cnt = jnp.sum(w)
    return jnp.where(cnt > 0, jnp.sum(w * nll) / jnp.maximum(cnt, 1.0), 0.0)


def reference(score, update_slot, startProb, endProb, slotValueProb,
              cata_target, cate_mask, noncate_start, noncate_end, noncate_mask):
    # pick best history turn per (batch, slot)
    sel = jnp.argmax(score, axis=-1)                        # [B, S]
    idx = jnp.broadcast_to(sel[:, :, None], (B, S, S))      # gather index along history dim
    g = lambda t: jnp.take_along_axis(t, idx, axis=1)
    cata_t = g(cata_target)
    cm = g(cate_mask)
    ns = g(noncate_start)
    ne = g(noncate_end)
    nm = g(noncate_mask)
    # diagonal slot mask (each updateSlot row supervises only its own slot)
    eye = jnp.eye(S, dtype=cm.dtype)[None, :, :]
    cm = cm * eye
    nm = nm * eye
    upd = (update_slot[:, :, None] == 1)                    # dict_update['update'] == 1
    # masked_select by update keeps whole rows; update_slot is all ones so
    # flattened ordering matches pred rows exactly -> weighted-mean NLL is
    # mathematically identical to torch's masked_select + NLLLoss(mean)
    w_cls = ((cm == 1) & upd).astype(jnp.float32).reshape(-1)
    w_ext = ((nm == 1) & upd).astype(jnp.float32).reshape(-1)
    svp = slotValueProb.reshape(-1, MAXV)
    sp = startProb.reshape(-1, PAD)
    ep = endProb.reshape(-1, PAD)
    cls_loss = _masked_nll(svp, cata_t.reshape(-1), w_cls)
    start_loss = _masked_nll(sp, ns.reshape(-1), w_ext)
    end_loss = _masked_nll(ep, ne.reshape(-1), w_ext)
    return cls_loss + start_loss + end_loss

if __name__ == "__main__":
    import jax
    _d = setup_inputs()
    print(jax.jit(kernel)(*tuple(_d.values())))

</pallas_src>

<mosaic_0001>
#map = affine_map<(d0, d1) -> (0, 0)>
#map1 = affine_map<(d0, d1) -> (0, 0, 0)>
#map2 = affine_map<(d0, d1) -> (0)>
module attributes {stable_mosaic.version = 14 : i64} {
  func.func @_sc_loss(%arg0: i32, %arg1: i32, %arg2: memref<32x64xi32, #tpu.memory_space<hbm>>, %arg3: memref<32x64xi32, #tpu.memory_space<hbm>>, %arg4: memref<32x64xi32, #tpu.memory_space<hbm>>, %arg5: memref<32x64xi32, #tpu.memory_space<hbm>>, %arg6: memref<32x64xi32, #tpu.memory_space<hbm>>, %arg7: memref<32x64xi32, #tpu.memory_space<hbm>>, %arg8: memref<30x1920x256xf32, #tpu.memory_space<hbm>>, %arg9: memref<30x1920x512xf32, #tpu.memory_space<hbm>>, %arg10: memref<30x1920x512xf32, #tpu.memory_space<hbm>>, %arg11: memref<16xf32, #tpu.memory_space<hbm>>, %arg12: memref<8x64xi32, #tpu.memory_space<vmem>>, %arg13: memref<8x64xi32, #tpu.memory_space<vmem>>, %arg14: memref<8x64xi32, #tpu.memory_space<vmem>>, %arg15: memref<8x64xi32, #tpu.memory_space<vmem>>, %arg16: memref<8x64xi32, #tpu.memory_space<vmem>>, %arg17: memref<8x64xi32, #tpu.memory_space<vmem>>, %arg18: memref<32x256xf32, #tpu.memory_space<vmem>>, %arg19: memref<32x512xf32, #tpu.memory_space<vmem>>, %arg20: memref<32x512xf32, #tpu.memory_space<vmem>>, %arg21: memref<32x256xf32, #tpu.memory_space<vmem>>, %arg22: memref<32x512xf32, #tpu.memory_space<vmem>>, %arg23: memref<32x512xf32, #tpu.memory_space<vmem>>, %arg24: memref<80xf32, #tpu.memory_space<vmem>>, %arg25: memref<1200xf32, #tpu.memory_space<vmem>>, %arg26: memref<16xf32, #tpu.memory_space<vmem>>, %arg27: memref<16xf32, #tpu.memory_space<vmem>>, %arg28: memref<1200xf32, #tpu.memory_space<vmem_shared>>, %arg29: memref<!tpu.dma_semaphore, #tpu.memory_space<semaphore_mem>>, %arg30: memref<!tpu.dma_semaphore, #tpu.memory_space<semaphore_mem>>) attributes {dimension_semantics = [#tpu.dimension_semantics<core_parallel>, #tpu.dimension_semantics<subcore_parallel>], iteration_bounds = array<i64: 1, 16>, scalar_prefetch = 0 : i64, scratch_operands = 19 : i64, tpu.core_type = #tpu.core_type<sc_vector_subcore>, window_params = [{transform_indices = #map}, {transform_indices = #map}, {transform_indices = #map}, {transform_indices = #map}, {transform_indices = #map}, {transform_indices = #map}, {transform_indices = #map1}, {transform_indices = #map1}, {transform_indices = #map1}, {transform_indices = #map2}]} {
    %lt3A = arith.constant 15 : i32
    %lt3A_0 = arith.cmpi slt, %arg1, %lt3A : i32
    %convert_element_type3A = arith.extui %lt3A_0 : i1 to i32
    %cond3A = arith.constant 0 : i32
    %cond3A_1 = arith.cmpi ne, %convert_element_type3A, %cond3A : i32
    scf.if %cond3A_1 {
      %mul3A = arith.constant 2 : i32
      %mul3A_6 = arith.muli %mul3A, %arg1 : i32
      %and3A = arith.constant -8 : i32
      %and3A_7 = arith.andi %mul3A_6, %and3A : i32
      %multiple_of3A = tpu.assume_multiple %and3A_7, 8 : i32
      %mul3A_8 = arith.constant 2 : i32
      %mul3A_9 = arith.muli %mul3A_8, %arg1 : i32
      %and3A_10 = arith.constant 7 : i32
      %and3A_11 = arith.andi %mul3A_9, %and3A_10 : i32
      %dma_start3A = arith.constant 0 : i32
      %dma_start3A_12 = tpu.memref_slice %arg2[%multiple_of3A, %dma_start3A] : memref<32x64xi32, #tpu.memory_space<hbm>> -> memref<8x64xi32, #tpu.memory_space<hbm>>
      %dma_start3A_13 = arith.constant 0 : i32
      %dma_start3A_14 = tpu.memref_slice %arg2[%multiple_of3A, %dma_start3A_13] : memref<32x64xi32, #tpu.memory_space<hbm>> -> memref<8x64xi32, #tpu.memory_space<hbm>>
      tpu.enqueue_dma source(%dma_start3A_14 : memref<8x64xi32, #tpu.memory_space<hbm>>) target(%arg12 : memref<8x64xi32, #tpu.memory_space<vmem>>) target_semaphore(%arg29 : memref<!tpu.dma_semaphore, #tpu.memory_space<semaphore_mem>>)
      %dma_start3A_15 = arith.constant 0 : i32
      %dma_start3A_16 = tpu.memref_slice %arg3[%multiple_of3A, %dma_start3A_15] : memref<32x64xi32, #tpu.memory_space<hbm>> -> memref<8x64xi32, #tpu.memory_space<hbm>>
      %dma_start3A_17 = arith.constant 0 : i32
      %dma_start3A_18 = tpu.memref_slice %arg3[%multiple_of3A, %dma_start3A_17] : memref<32x64xi32, #tpu.memory_space<hbm>> -> memref<8x64xi32, #tpu.memory_space<hbm>>
      tpu.enqueue_dma source(%dma_start3A_18 : memref<8x64xi32, #tpu.memory_space<hbm>>) target(%arg13 : memref<8x64xi32, #tpu.memory_space<vmem>>) target_semaphore(%arg29 : memref<!tpu.dma_semaphore, #tpu.memory_space<semaphore_mem>>)
      %dma_start3A_19 = arith.constant 0 : i32
      %dma_start3A_20 = tpu.memref_slice %arg4[%multiple_of3A, %dma_start3A_19] : memref<32x64xi32, #tpu.memory_space<hbm>> -> memref<8x64xi32, #tpu.memory_space<hbm>>
      %dma_start3A_21 = arith.constant 0 : i32
      %dma_start3A_22 = tpu.memref_slice %arg4[%multiple_of3A, %dma_start3A_21] : memref<32x64xi32, #tpu.memory_space<hbm>> -> memref<8x64xi32, #tpu.memory_space<hbm>>
      tpu.enqueue_dma source(%dma_start3A_22 : memref<8x64xi32, #tpu.memory_space<hbm>>) target(%arg14 : memref<8x64xi32, #tpu.memory_space<vmem>>) target_semaphore(%arg29 : memref<!tpu.dma_semaphore, #tpu.memory_space<semaphore_mem>>)
      %dma_start3A_23 = arith.constant 0 : i32
      %dma_start3A_24 = tpu.memref_slice %arg5[%multiple_of3A, %dma_start3A_23] : memref<32x64xi32, #tpu.memory_space<hbm>> -> memref<8x64xi32, #tpu.memory_space<hbm>>
      %dma_start3A_25 = arith.constant 0 : i32
      %dma_start3A_26 = tpu.memref_slice %arg5[%multiple_of3A, %dma_start3A_25] : memref<32x64xi32, #tpu.memory_space<hbm>> -> memref<8x64xi32, #tpu.memory_space<hbm>>
      tpu.enqueue_dma source(%dma_start3A_26 : memref<8x64xi32, #tpu.memory_space<hbm>>) target(%arg15 : memref<8x64xi32, #tpu.memory_space<vmem>>) target_semaphore(%arg29 : memref<!tpu.dma_semaphore, #tpu.memory_space<semaphore_mem>>)
      %dma_start3A_27 = arith.constant 0 : i32
      %dma_start3A_28 = tpu.memref_slice %arg6[%multiple_of3A, %dma_start3A_27] : memref<32x64xi32, #tpu.memory_space<hbm>> -> memref<8x64xi32, #tpu.memory_space<hbm>>
      %dma_start3A_29 = arith.constant 0 : i32
      %dma_start3A_30 = tpu.memref_slice %arg6[%multiple_of3A, %dma_start3A_29] : memref<32x64xi32, #tpu.memory_space<hbm>> -> memref<8x64xi32, #tpu.memory_space<hbm>>
      tpu.enqueue_dma source(%dma_start3A_30 : memref<8x64xi32, #tpu.memory_space<hbm>>) target(%arg16 : memref<8x64xi32, #tpu.memory_space<vmem>>) target_semaphore(%arg29 : memref<!tpu.dma_semaphore, #tpu.memory_space<semaphore_mem>>)
      %dma_start3A_31 = arith.constant 0 : i32
      %dma_start3A_32 = tpu.memref_slice %arg7[%multiple_of3A, %dma_start3A_31] : memref<32x64xi32, #tpu.memory_space<hbm>> -> memref<8x64xi32, #tpu.memory_space<hbm>>
      %dma_start3A_33 = arith.constant 0 : i32
      %dma_start3A_34 = tpu.memref_slice %arg7[%multiple_of3A, %dma_start3A_33] : memref<32x64xi32, #tpu.memory_space<hbm>> -> memref<8x64xi32, #tpu.memory_space<hbm>>
      tpu.enqueue_dma source(%dma_start3A_34 : memref<8x64xi32, #tpu.memory_space<hbm>>) target(%arg17 : memref<8x64xi32, #tpu.memory_space<vmem>>) target_semaphore(%arg29 : memref<!tpu.dma_semaphore, #tpu.memory_space<semaphore_mem>>)
      %dma_wait3A = arith.constant 0 : i32
      %dma_wait3A_35 = tpu.memref_slice %arg2[%multiple_of3A, %dma_wait3A] : memref<32x64xi32, #tpu.memory_space<hbm>> -> memref<8x64xi32, #tpu.memory_space<hbm>>
      %dma_wait3A_36 = arith.constant 0 : i32
      %dma_wait3A_37 = tpu.memref_slice %arg2[%multiple_of3A, %dma_wait3A_36] : memref<32x64xi32, #tpu.memory_space<hbm>> -> memref<8x64xi32, #tpu.memory_space<hbm>>
      tpu.wait_dma2 semaphore(%arg29 : memref<!tpu.dma_semaphore, #tpu.memory_space<semaphore_mem>>) src(%dma_wait3A_37 : memref<8x64xi32, #tpu.memory_space<hbm>>) dst(%arg12 : memref<8x64xi32, #tpu.memory_space<vmem>>)
      %dma_wait3A_38 = arith.constant 0 : i32
      %dma_wait3A_39 = tpu.memref_slice %arg3[%multiple_of3A, %dma_wait3A_38] : memref<32x64xi32, #tpu.memory_space<hbm>> -> memref<8x64xi32, #tpu.memory_space<hbm>>
      %dma_wait3A_40 = arith.constant 0 : i32
      %dma_wait3A_41 = tpu.memref_slice %arg3[%multiple_of3A, %dma_wait3A_40] : memref<32x64xi32, #tpu.memory_space<hbm>> -> memref<8x64xi32, #tpu.memory_space<hbm>>
      tpu.wait_dma2 semaphore(%arg29 : memref<!tpu.dma_semaphore, #tpu.memory_space<semaphore_mem>>) src(%dma_wait3A_41 : memref<8x64xi32, #tpu.memory_space<hbm>>) dst(%arg13 : memref<8x64xi32, #tpu.memory_space<vmem>>)
      %dma_wait3A_42 = arith.constant 0 : i32
      %dma_wait3A_43 = tpu.memref_slice %arg4[%multiple_of3A, %dma_wait3A_42] : memref<32x64xi32, #tpu.memory_space<hbm>> -> memref<8x64xi32, #tpu.memory_space<hbm>>
      %dma_wait3A_44 = arith.constant 0 : i32
      %dma_wait3A_45 = tpu.memref_slice %arg4[%multiple_of3A, %dma_wait3A_44] : memref<32x64xi32, #tpu.memory_space<hbm>> -> memref<8x64xi32, #tpu.memory_space<hbm>>
      tpu.wait_dma2 semaphore(%arg29 : memref<!tpu.dma_semaphore, #tpu.memory_space<semaphore_mem>>) src(%dma_wait3A_45 : memref<8x64xi32, #tpu.memory_space<hbm>>) dst(%arg14 : memref<8x64xi32, #tpu.memory_space<vmem>>)
      %dma_wait3A_46 = arith.constant 0 : i32
      %dma_wait3A_47 = tpu.memref_slice %arg5[%multiple_of3A, %dma_wait3A_46] : memref<32x64xi32, #tpu.memory_space<hbm>> -> memref<8x64xi32, #tpu.memory_space<hbm>>
      %dma_wait3A_48 = arith.constant 0 : i32
      %dma_wait3A_49 = tpu.memref_slice %arg5[%multiple_of3A, %dma_wait3A_48] : memref<32x64xi32, #tpu.memory_space<hbm>> -> memref<8x64xi32, #tpu.memory_space<hbm>>
      tpu.wait_dma2 semaphore(%arg29 : memref<!tpu.dma_semaphore, #tpu.memory_space<semaphore_mem>>) src(%dma_wait3A_49 : memref<8x64xi32, #tpu.memory_space<hbm>>) dst(%arg15 : memref<8x64xi32, #tpu.memory_space<vmem>>)
      %dma_wait3A_50 = arith.constant 0 : i32
      %dma_wait3A_51 = tpu.memref_slice %arg6[%multiple_of3A, %dma_wait3A_50] : memref<32x64xi32, #tpu.memory_space<hbm>> -> memref<8x64xi32, #tpu.memory_space<hbm>>
      %dma_wait3A_52 = arith.constant 0 : i32
      %dma_wait3A_53 = tpu.memref_slice %arg6[%multiple_of3A, %dma_wait3A_52] : memref<32x64xi32, #tpu.memory_space<hbm>> -> memref<8x64xi32, #tpu.memory_space<hbm>>
      tpu.wait_dma2 semaphore(%arg29 : memref<!tpu.dma_semaphore, #tpu.memory_space<semaphore_mem>>) src(%dma_wait3A_53 : memref<8x64xi32, #tpu.memory_space<hbm>>) dst(%arg16 : memref<8x64xi32, #tpu.memory_space<vmem>>)
      %dma_wait3A_54 = arith.constant 0 : i32
      %dma_wait3A_55 = tpu.memref_slice %arg7[%multiple_of3A, %dma_wait3A_54] : memref<32x64xi32, #tpu.memory_space<hbm>> -> memref<8x64xi32, #tpu.memory_space<hbm>>
      %dma_wait3A_56 = arith.constant 0 : i32
      %dma_wait3A_57 = tpu.memref_slice %arg7[%multiple_of3A, %dma_wait3A_56] : memref<32x64xi32, #tpu.memory_space<hbm>> -> memref<8x64xi32, #tpu.memory_space<hbm>>
      tpu.wait_dma2 semaphore(%arg29 : memref<!tpu.dma_semaphore, #tpu.memory_space<semaphore_mem>>) src(%dma_wait3A_57 : memref<8x64xi32, #tpu.memory_space<hbm>>) dst(%arg17 : memref<8x64xi32, #tpu.memory_space<vmem>>)
      %iota3A = tpu.iota {dimensions = array<i32: 0>} : vector<16xi32>
      %broadcast_in_dim3A = arith.constant 0.000000e+00 : f32
      %broadcast_in_dim3A_58 = vector.broadcast %broadcast_in_dim3A : f32 to vector<16xf32>
      %add3A = arith.constant 0 : i32
      %add3A_59 = arith.addi %and3A_11, %add3A : i32
      %dma_start3A_60 = arith.constant 0 : i32
      %dma_start3A_61 = tpu.memref_slice %arg17[%add3A_59, %dma_start3A_60] : memref<8x64xi32, #tpu.memory_space<vmem>> -> memref<1x32xi32, #tpu.memory_space<vmem>>
      %dma_start3A_62 = tpu.memref_squeeze %dma_start3A_61 : memref<1x32xi32, #tpu.memory_space<vmem>> -> memref<32xi32, #tpu.memory_space<vmem>>
      %dma_start3A_63 = tpu.memref_reshape %arg8 : memref<30x1920x256xf32, #tpu.memory_space<hbm>> -> memref<57600x256xf32, #tpu.memory_space<hbm>>
      %dma_start3A_64 = arith.constant 0 : i32
      %dma_start3A_65 = arith.constant 0 : i32
      %dma_start3A_66 = tpu.memref_slice %dma_start3A_63[%dma_start3A_64, %dma_start3A_65] : memref<57600x256xf32, #tpu.memory_space<hbm>> -> memref<57600x256xf32, #tpu.memory_space<hbm>>
      tpu.enqueue_indirect_dma source(%dma_start3A_66 : memref<57600x256xf32, #tpu.memory_space<hbm>>) target(%arg18 : memref<32x256xf32, #tpu.memory_space<vmem>>) offsets(%dma_start3A_62 : memref<32xi32, #tpu.memory_space<vmem>>) semaphore(%arg29 : memref<!tpu.dma_semaphore, #tpu.memory_space<semaphore_mem>>)
      %dma_start3A_67 = arith.constant 0 : i32
      %dma_start3A_68 = tpu.memref_slice %arg17[%add3A_59, %dma_start3A_67] : memref<8x64xi32, #tpu.memory_space<vmem>> -> memref<1x32xi32, #tpu.memory_space<vmem>>
      %dma_start3A_69 = tpu.memref_squeeze %dma_start3A_68 : memref<1x32xi32, #tpu.memory_space<vmem>> -> memref<32xi32, #tpu.memory_space<vmem>>
      %dma_start3A_70 = tpu.memref_reshape %arg9 : memref<30x1920x512xf32, #tpu.memory_space<hbm>> -> memref<57600x512xf32, #tpu.memory_space<hbm>>
      %dma_start3A_71 = arith.constant 0 : i32
      %dma_start3A_72 = arith.constant 0 : i32
      %dma_start3A_73 = tpu.memref_slice %dma_start3A_70[%dma_start3A_71, %dma_start3A_72] : memref<57600x512xf32, #tpu.memory_space<hbm>> -> memref<57600x512xf32, #tpu.memory_space<hbm>>
      tpu.enqueue_indirect_dma source(%dma_start3A_73 : memref<57600x512xf32, #tpu.memory_space<hbm>>) target(%arg19 : memref<32x512xf32, #tpu.memory_space<vmem>>) offsets(%dma_start3A_69 : memref<32xi32, #tpu.memory_space<vmem>>) semaphore(%arg29 : memref<!tpu.dma_semaphore, #tpu.memory_space<semaphore_mem>>)
      %dma_start3A_74 = arith.constant 0 : i32
      %dma_start3A_75 = tpu.memref_slice %arg17[%add3A_59, %dma_start3A_74] : memref<8x64xi32, #tpu.memory_space<vmem>> -> memref<1x32xi32, #tpu.memory_space<vmem>>
      %dma_start3A_76 = tpu.memref_squeeze %dma_start3A_75 : memref<1x32xi32, #tpu.memory_space<vmem>> -> memref<32xi32, #tpu.memory_space<vmem>>
      %dma_start3A_77 = tpu.memref_reshape %arg10 : memref<30x1920x512xf32, #tpu.memory_space<hbm>> -> memref<57600x512xf32, #tpu.memory_space<hbm>>
      %dma_start3A_78 = arith.constant 0 : i32
      %dma_start3A_79 = arith.constant 0 : i32
      %dma_start3A_80 = tpu.memref_slice %dma_start3A_77[%dma_start3A_78, %dma_start3A_79] : memref<57600x512xf32, #tpu.memory_space<hbm>> -> memref<57600x512xf32, #tpu.memory_space<hbm>>
      tpu.enqueue_indirect_dma source(%dma_start3A_80 : memref<57600x512xf32, #tpu.memory_space<hbm>>) target(%arg20 : memref<32x512xf32, #tpu.memory_space<vmem>>) offsets(%dma_start3A_76 : memref<32xi32, #tpu.memory_space<vmem>>) semaphore(%arg29 : memref<!tpu.dma_semaphore, #tpu.memory_space<semaphore_mem>>)
      %dma_wait3A_81 = arith.constant 0 : i32
      %dma_wait3A_82 = tpu.memref_slice %arg17[%add3A_59, %dma_wait3A_81] : memref<8x64xi32, #tpu.memory_space<vmem>> -> memref<1x32xi32, #tpu.memory_space<vmem>>
      %dma_wait3A_83 = tpu.memref_squeeze %dma_wait3A_82 : memref<1x32xi32, #tpu.memory_space<vmem>> -> memref<32xi32, #tpu.memory_space<vmem>>
      %dma_wait3A_84 = tpu.memref_reshape %arg8 : memref<30x1920x256xf32, #tpu.memory_space<hbm>> -> memref<57600x256xf32, #tpu.memory_space<hbm>>
      %dma_wait3A_85 = arith.constant 0 : i32
      %dma_wait3A_86 = arith.constant 0 : i32
      %dma_wait3A_87 = tpu.memref_slice %dma_wait3A_84[%dma_wait3A_85, %dma_wait3A_86] : memref<57600x256xf32, #tpu.memory_space<hbm>> -> memref<57600x256xf32, #tpu.memory_space<hbm>>
      tpu.wait_indirect_dma semaphore(%arg29 : memref<!tpu.dma_semaphore, #tpu.memory_space<semaphore_mem>>) src(%dma_wait3A_87 : memref<57600x256xf32, #tpu.memory_space<hbm>>) dst(%arg18 : memref<32x256xf32, #tpu.memory_space<vmem>>)
      %dma_wait3A_88 = arith.constant 0 : i32
      %dma_wait3A_89 = tpu.memref_slice %arg17[%add3A_59, %dma_wait3A_88] : memref<8x64xi32, #tpu.memory_space<vmem>> -> memref<1x32xi32, #tpu.memory_space<vmem>>
      %dma_wait3A_90 = tpu.memref_squeeze %dma_wait3A_89 : memref<1x32xi32, #tpu.memory_space<vmem>> -> memref<32xi32, #tpu.memory_space<vmem>>
      %dma_wait3A_91 = tpu.memref_reshape %arg9 : memref<30x1920x512xf32, #tpu.memory_space<hbm>> -> memref<57600x512xf32, #tpu.memory_space<hbm>>
      %dma_wait3A_92 = arith.constant 0 : i32
      %dma_wait3A_93 = arith.constant 0 : i32
      %dma_wait3A_94 = tpu.memref_slice %dma_wait3A_91[%dma_wait3A_92, %dma_wait3A_93] : memref<57600x512xf32, #tpu.memory_space<hbm>> -> memref<57600x512xf32, #tpu.memory_space<hbm>>
      tpu.wait_indirect_dma semaphore(%arg29 : memref<!tpu.dma_semaphore, #tpu.memory_space<semaphore_mem>>) src(%dma_wait3A_94 : memref<57600x512xf32, #tpu.memory_space<hbm>>) dst(%arg19 : memref<32x512xf32, #tpu.memory_space<vmem>>)
      %dma_wait3A_95 = arith.constant 0 : i32
      %dma_wait3A_96 = tpu.memref_slice %arg17[%add3A_59, %dma_wait3A_95] : memref<8x64xi32, #tpu.memory_space<vmem>> -> memref<1x32xi32, #tpu.memory_space<vmem>>
      %dma_wait3A_97 = tpu.memref_squeeze %dma_wait3A_96 : memref<1x32xi32, #tpu.memory_space<vmem>> -> memref<32xi32, #tpu.memory_space<vmem>>
      %dma_wait3A_98 = tpu.memref_reshape %arg10 : memref<30x1920x512xf32, #tpu.memory_space<hbm>> -> memref<57600x512xf32, #tpu.memory_space<hbm>>
      %dma_wait3A_99 = arith.constant 0 : i32
      %dma_wait3A_100 = arith.constant 0 : i32
      %dma_wait3A_101 = tpu.memref_slice %dma_wait3A_98[%dma_wait3A_99, %dma_wait3A_100] : memref<57600x512xf32, #tpu.memory_space<hbm>> -> memref<57600x512xf32, #tpu.memory_space<hbm>>
      tpu.wait_indirect_dma semaphore(%arg29 : memref<!tpu.dma_semaphore, #tpu.memory_space<semaphore_mem>>) src(%dma_wait3A_101 : memref<57600x512xf32, #tpu.memory_space<hbm>>) dst(%arg20 : memref<32x512xf32, #tpu.memory_space<vmem>>)
      %add3A_102 = arith.constant 0 : i32
      %add3A_103 = arith.addi %and3A_11, %add3A_102 : i32
      %dma_start3A_104 = arith.constant 32 : i32
      %dma_start3A_105 = tpu.memref_slice %arg17[%add3A_103, %dma_start3A_104] : memref<8x64xi32, #tpu.memory_space<vmem>> -> memref<1x32xi32, #tpu.memory_space<vmem>>
      %dma_start3A_106 = tpu.memref_squeeze %dma_start3A_105 : memref<1x32xi32, #tpu.memory_space<vmem>> -> memref<32xi32, #tpu.memory_space<vmem>>
      %dma_start3A_107 = tpu.memref_reshape %arg8 : memref<30x1920x256xf32, #tpu.memory_space<hbm>> -> memref<57600x256xf32, #tpu.memory_space<hbm>>
      %dma_start3A_108 = arith.constant 0 : i32
      %dma_start3A_109 = arith.constant 0 : i32
      %dma_start3A_110 = tpu.memref_slice %dma_start3A_107[%dma_start3A_108, %dma_start3A_109] : memref<57600x256xf32, #tpu.memory_space<hbm>> -> memref<57600x256xf32, #tpu.memory_space<hbm>>
      tpu.enqueue_indirect_dma source(%dma_start3A_110 : memref<57600x256xf32, #tpu.memory_space<hbm>>) target(%arg21 : memref<32x256xf32, #tpu.memory_space<vmem>>) offsets(%dma_start3A_106 : memref<32xi32, #tpu.memory_space<vmem>>) semaphore(%arg30 : memref<!tpu.dma_semaphore, #tpu.memory_space<semaphore_mem>>)
      %dma_start3A_111 = arith.constant 32 : i32
      %dma_start3A_112 = tpu.memref_slice %arg17[%add3A_103, %dma_start3A_111] : memref<8x64xi32, #tpu.memory_space<vmem>> -> memref<1x32xi32, #tpu.memory_space<vmem>>
      %dma_start3A_113 = tpu.memref_squeeze %dma_start3A_112 : memref<1x32xi32, #tpu.memory_space<vmem>> -> memref<32xi32, #tpu.memory_space<vmem>>
      %dma_start3A_114 = tpu.memref_reshape %arg9 : memref<30x1920x512xf32, #tpu.memory_space<hbm>> -> memref<57600x512xf32, #tpu.memory_space<hbm>>
      %dma_start3A_115 = arith.constant 0 : i32
      %dma_start3A_116 = arith.constant 0 : i32
      %dma_start3A_117 = tpu.memref_slice %dma_start3A_114[%dma_start3A_115, %dma_start3A_116] : memref<57600x512xf32, #tpu.memory_space<hbm>> -> memref<57600x512xf32, #tpu.memory_space<hbm>>
      tpu.enqueue_indirect_dma source(%dma_start3A_117 : memref<57600x512xf32, #tpu.memory_space<hbm>>) target(%arg22 : memref<32x512xf32, #tpu.memory_space<vmem>>) offsets(%dma_start3A_113 : memref<32xi32, #tpu.memory_space<vmem>>) semaphore(%arg30 : memref<!tpu.dma_semaphore, #tpu.memory_space<semaphore_mem>>)
      %dma_start3A_118 = arith.constant 32 : i32
      %dma_start3A_119 = tpu.memref_slice %arg17[%add3A_103, %dma_start3A_118] : memref<8x64xi32, #tpu.memory_space<vmem>> -> memref<1x32xi32, #tpu.memory_space<vmem>>
      %dma_start3A_120 = tpu.memref_squeeze %dma_start3A_119 : memref<1x32xi32, #tpu.memory_space<vmem>> -> memref<32xi32, #tpu.memory_space<vmem>>
      %dma_start3A_121 = tpu.memref_reshape %arg10 : memref<30x1920x512xf32, #tpu.memory_space<hbm>> -> memref<57600x512xf32, #tpu.memory_space<hbm>>
      %dma_start3A_122 = arith.constant 0 : i32
      %dma_start3A_123 = arith.constant 0 : i32
      %dma_start3A_124 = tpu.memref_slice %dma_start3A_121[%dma_start3A_122, %dma_start3A_123] : memref<57600x512xf32, #tpu.memory_space<hbm>> -> memref<57600x512xf32, #tpu.memory_space<hbm>>
      tpu.enqueue_indirect_dma source(%dma_start3A_124 : memref<57600x512xf32, #tpu.memory_space<hbm>>) target(%arg23 : memref<32x512xf32, #tpu.memory_space<vmem>>) offsets(%dma_start3A_120 : memref<32xi32, #tpu.memory_space<vmem>>) semaphore(%arg30 : memref<!tpu.dma_semaphore, #tpu.memory_space<semaphore_mem>>)
      %add3A_125 = arith.constant 0 : i32
      %add3A_126 = arith.addi %and3A_11, %add3A_125 : i32
      %broadcast_in_dim3A_127 = vector.broadcast %add3A_126 : i32 to vector<16xi32>
      %add3A_128 = arith.constant 0 : i32
      %add3A_129 = vector.broadcast %add3A_128 : i32 to vector<16xi32>
      %add3A_130 = arith.addi %add3A_129, %iota3A : vector<16xi32>
      %add3A_131 = arith.constant 0 : i32
      %add3A_132 = vector.broadcast %add3A_131 : i32 to vector<16xi32>
      %add3A_133 = arith.addi %add3A_132, %iota3A : vector<16xi32>
      %gather3A = tpu.vector_load_idx %arg14[%broadcast_in_dim3A_127, %add3A_133] : memref<8x64xi32, #tpu.memory_space<vmem>>[vector<16xi32>, vector<16xi32>], vector<16xi32>,
      %gather3A_134 = tpu.vector_load_idx %arg15[%broadcast_in_dim3A_127, %add3A_133] : memref<8x64xi32, #tpu.memory_space<vmem>>[vector<16xi32>, vector<16xi32>], vector<16xi32>,
      %gather3A_135 = tpu.vector_load_idx %arg16[%broadcast_in_dim3A_127, %add3A_133] : memref<8x64xi32, #tpu.memory_space<vmem>>[vector<16xi32>, vector<16xi32>], vector<16xi32>,
      %gather3A_136 = tpu.vector_load_idx %arg18[%add3A_130, %gather3A] : memref<32x256xf32, #tpu.memory_space<vmem>>[vector<16xi32>, vector<16xi32>], vector<16xf32>,
      %gather3A_137 = tpu.vector_load_idx %arg19[%add3A_130, %gather3A_134] : memref<32x512xf32, #tpu.memory_space<vmem>>[vector<16xi32>, vector<16xi32>], vector<16xf32>,
      %gather3A_138 = tpu.vector_load_idx %arg20[%add3A_130, %gather3A_135] : memref<32x512xf32, #tpu.memory_space<vmem>>[vector<16xi32>, vector<16xi32>], vector<16xf32>,
      %gather3A_139 = tpu.vector_load_idx %arg12[%broadcast_in_dim3A_127, %add3A_133] : memref<8x64xi32, #tpu.memory_space<vmem>>[vector<16xi32>, vector<16xi32>], vector<16xi32>,
      %eq3A_140 = arith.constant 1 : i32
      %eq3A_141 = vector.broadcast %eq3A_140 : i32 to vector<16xi32>
      %eq3A_142 = arith.cmpi eq, %gather3A_139, %eq3A_141 : vector<16xi32>
      %gather3A_143 = tpu.vector_load_idx %arg13[%broadcast_in_dim3A_127, %add3A_133] : memref<8x64xi32, #tpu.memory_space<vmem>>[vector<16xi32>, vector<16xi32>], vector<16xi32>,
      %eq3A_144 = arith.constant 1 : i32
      %eq3A_145 = vector.broadcast %eq3A_144 : i32 to vector<16xi32>
      %eq3A_146 = arith.cmpi eq, %gather3A_143, %eq3A_145 : vector<16xi32>
      %add3A_147 = arith.constant 9.99999974E-6 : f32
      %add3A_148 = vector.broadcast %add3A_147 : f32 to vector<16xf32>
      %add3A_149 = arith.addf %gather3A_136, %add3A_148 : vector<16xf32>
      %bitcast_convert_type3A = tpu.bitcast %add3A_149 : vector<16xf32> -> vector<16xi32>
      %shift_right_arithmetic3A = arith.constant 23 : i32
      %shift_right_arithmetic3A_150 = vector.broadcast %shift_right_arithmetic3A : i32 to vector<16xi32>
      %shift_right_arithmetic3A_151 = arith.shrsi %bitcast_convert_type3A, %shift_right_arithmetic3A_150 : vector<16xi32>
      %sub3A = arith.constant 127 : i32
      %sub3A_152 = vector.broadcast %sub3A : i32 to vector<16xi32>
      %sub3A_153 = arith.subi %shift_right_arithmetic3A_151, %sub3A_152 : vector<16xi32>
      %and3A_154 = arith.constant 8388607 : i32
      %and3A_155 = vector.broadcast %and3A_154 : i32 to vector<16xi32>
      %and3A_156 = arith.andi %bitcast_convert_type3A, %and3A_155 : vector<16xi32>
      %or3A = arith.constant 1065353216 : i32
      %or3A_157 = vector.broadcast %or3A : i32 to vector<16xi32>
      %or3A_158 = arith.ori %and3A_156, %or3A_157 : vector<16xi32>
      %bitcast_convert_type3A_159 = tpu.bitcast %or3A_158 : vector<16xi32> -> vector<16xf32>
      %gt3A = arith.constant 1.41421354 : f32
      %gt3A_160 = vector.broadcast %gt3A : f32 to vector<16xf32>
      %gt3A_161 = arith.cmpf ogt, %bitcast_convert_type3A_159, %gt3A_160 : vector<16xf32>
      %convert_element_type3A_162 = arith.extui %gt3A_161 : vector<16xi1> to vector<16xi32>
      %add3A_163 = arith.addi %sub3A_153, %convert_element_type3A_162 : vector<16xi32>
      %mul3A_164 = arith.constant 5.000000e-01 : f32
      %mul3A_165 = vector.broadcast %mul3A_164 : f32 to vector<16xf32>
      %mul3A_166 = arith.mulf %bitcast_convert_type3A_159, %mul3A_165 : vector<16xf32>
      %select_n3A = arith.select %gt3A_161, %mul3A_166, %bitcast_convert_type3A_159 : vector<16xi1>, vector<16xf32>
      %sub3A_167 = arith.constant 1.000000e+00 : f32
      %sub3A_168 = vector.broadcast %sub3A_167 : f32 to vector<16xf32>
      %sub3A_169 = arith.subf %select_n3A, %sub3A_168 : vector<16xf32>
      %add3A_170 = arith.constant 1.000000e+00 : f32
      %add3A_171 = vector.broadcast %add3A_170 : f32 to vector<16xf32>
      %add3A_172 = arith.addf %select_n3A, %add3A_171 : vector<16xf32>
      %div3A = arith.divf %sub3A_169, %add3A_172 : vector<16xf32>
      %mul3A_173 = arith.mulf %div3A, %div3A : vector<16xf32>
      %mul3A_174 = arith.constant 0.222222224 : f32
      %mul3A_175 = vector.broadcast %mul3A_174 : f32 to vector<16xf32>
      %mul3A_176 = arith.mulf %mul3A_173, %mul3A_175 : vector<16xf32>
      %add3A_177 = arith.constant 0.285714298 : f32
      %add3A_178 = vector.broadcast %add3A_177 : f32 to vector<16xf32>
      %add3A_179 = arith.addf %add3A_178, %mul3A_176 : vector<16xf32>
      %mul3A_180 = arith.mulf %mul3A_173, %add3A_179 : vector<16xf32>
      %add3A_181 = arith.constant 4.000000e-01 : f32
      %add3A_182 = vector.broadcast %add3A_181 : f32 to vector<16xf32>
      %add3A_183 = arith.addf %add3A_182, %mul3A_180 : vector<16xf32>
      %mul3A_184 = arith.mulf %mul3A_173, %add3A_183 : vector<16xf32>
      %add3A_185 = arith.constant 0.666666686 : f32
      %add3A_186 = vector.broadcast %add3A_185 : f32 to vector<16xf32>
      %add3A_187 = arith.addf %add3A_186, %mul3A_184 : vector<16xf32>
      %mul3A_188 = arith.mulf %mul3A_173, %add3A_187 : vector<16xf32>
      %add3A_189 = arith.constant 2.000000e+00 : f32
      %add3A_190 = vector.broadcast %add3A_189 : f32 to vector<16xf32>
      %add3A_191 = arith.addf %add3A_190, %mul3A_188 : vector<16xf32>
      %convert_element_type3A_192 = arith.sitofp %add3A_163 : vector<16xi32> to vector<16xf32>
      %mul3A_193 = arith.constant 0.693147182 : f32
      %mul3A_194 = vector.broadcast %mul3A_193 : f32 to vector<16xf32>
      %mul3A_195 = arith.mulf %convert_element_type3A_192, %mul3A_194 : vector<16xf32>
      %mul3A_196 = arith.mulf %div3A, %add3A_191 : vector<16xf32>
      %add3A_197 = arith.addf %mul3A_195, %mul3A_196 : vector<16xf32>
      %neg3A = arith.constant 0.000000e+00 : f32
      %neg3A_198 = vector.broadcast %neg3A : f32 to vector<16xf32>
      %neg3A_199 = arith.subf %neg3A_198, %add3A_197 : vector<16xf32>
      %jit3A = arith.constant 0.000000e+00 : f32
      %broadcast_in_dim3A_200 = vector.broadcast %jit3A : f32 to vector<16xf32>
      %select_n3A_201 = arith.select %eq3A_142, %neg3A_199, %broadcast_in_dim3A_200 : vector<16xi1>, vector<16xf32>
      %add3A_202 = arith.addf %broadcast_in_dim3A_58, %select_n3A_201 : vector<16xf32>
      %jit3A_203 = arith.constant 1.000000e+00 : f32
      %jit3A_204 = arith.constant 0.000000e+00 : f32
      %broadcast_in_dim3A_205 = vector.broadcast %jit3A_203 : f32 to vector<16xf32>
      %broadcast_in_dim3A_206 = vector.broadcast %jit3A_204 : f32 to vector<16xf32>
      %select_n3A_207 = arith.select %eq3A_142, %broadcast_in_dim3A_205, %broadcast_in_dim3A_206 : vector<16xi1>, vector<16xf32>
      %add3A_208 = arith.addf %broadcast_in_dim3A_58, %select_n3A_207 : vector<16xf32>
      %add3A_209 = arith.constant 9.99999974E-6 : f32
      %add3A_210 = vector.broadcast %add3A_209 : f32 to vector<16xf32>
      %add3A_211 = arith.addf %gather3A_137, %add3A_210 : vector<16xf32>
      %bitcast_convert_type3A_212 = tpu.bitcast %add3A_211 : vector<16xf32> -> vector<16xi32>
      %shift_right_arithmetic3A_213 = arith.constant 23 : i32
      %shift_right_arithmetic3A_214 = vector.broadcast %shift_right_arithmetic3A_213 : i32 to vector<16xi32>
      %shift_right_arithmetic3A_215 = arith.shrsi %bitcast_convert_type3A_212, %shift_right_arithmetic3A_214 : vector<16xi32>
      %sub3A_216 = arith.constant 127 : i32
      %sub3A_217 = vector.broadcast %sub3A_216 : i32 to vector<16xi32>
      %sub3A_218 = arith.subi %shift_right_arithmetic3A_215, %sub3A_217 : vector<16xi32>
      %and3A_219 = arith.constant 8388607 : i32
      %and3A_220 = vector.broadcast %and3A_219 : i32 to vector<16xi32>
      %and3A_221 = arith.andi %bitcast_convert_type3A_212, %and3A_220 : vector<16xi32>
      %or3A_222 = arith.constant 1065353216 : i32
      %or3A_223 = vector.broadcast %or3A_222 : i32 to vector<16xi32>
      %or3A_224 = arith.ori %and3A_221, %or3A_223 : vector<16xi32>
      %bitcast_convert_type3A_225 = tpu.bitcast %or3A_224 : vector<16xi32> -> vector<16xf32>
      %gt3A_226 = arith.constant 1.41421354 : f32
      %gt3A_227 = vector.broadcast %gt3A_226 : f32 to vector<16xf32>
      %gt3A_228 = arith.cmpf ogt, %bitcast_convert_type3A_225, %gt3A_227 : vector<16xf32>
      %convert_element_type3A_229 = arith.extui %gt3A_228 : vector<16xi1> to vector<16xi32>
      %add3A_230 = arith.addi %sub3A_218, %convert_element_type3A_229 : vector<16xi32>
      %mul3A_231 = arith.constant 5.000000e-01 : f32
      %mul3A_232 = vector.broadcast %mul3A_231 : f32 to vector<16xf32>
      %mul3A_233 = arith.mulf %bitcast_convert_type3A_225, %mul3A_232 : vector<16xf32>
      %select_n3A_234 = arith.select %gt3A_228, %mul3A_233, %bitcast_convert_type3A_225 : vector<16xi1>, vector<16xf32>
      %sub3A_235 = arith.constant 1.000000e+00 : f32
      %sub3A_236 = vector.broadcast %sub3A_235 : f32 to vector<16xf32>
      %sub3A_237 = arith.subf %select_n3A_234, %sub3A_236 : vector<16xf32>
      %add3A_238 = arith.constant 1.000000e+00 : f32
      %add3A_239 = vector.broadcast %add3A_238 : f32 to vector<16xf32>
      %add3A_240 = arith.addf %select_n3A_234, %add3A_239 : vector<16xf32>
      %div3A_241 = arith.divf %sub3A_237, %add3A_240 : vector<16xf32>
      %mul3A_242 = arith.mulf %div3A_241, %div3A_241 : vector<16xf32>
      %mul3A_243 = arith.constant 0.222222224 : f32
      %mul3A_244 = vector.broadcast %mul3A_243 : f32 to vector<16xf32>
      %mul3A_245 = arith.mulf %mul3A_242, %mul3A_244 : vector<16xf32>
      %add3A_246 = arith.constant 0.285714298 : f32
      %add3A_247 = vector.broadcast %add3A_246 : f32 to vector<16xf32>
      %add3A_248 = arith.addf %add3A_247, %mul3A_245 : vector<16xf32>
      %mul3A_249 = arith.mulf %mul3A_242, %add3A_248 : vector<16xf32>
      %add3A_250 = arith.constant 4.000000e-01 : f32
      %add3A_251 = vector.broadcast %add3A_250 : f32 to vector<16xf32>
      %add3A_252 = arith.addf %add3A_251, %mul3A_249 : vector<16xf32>
      %mul3A_253 = arith.mulf %mul3A_242, %add3A_252 : vector<16xf32>
      %add3A_254 = arith.constant 0.666666686 : f32
      %add3A_255 = vector.broadcast %add3A_254 : f32 to vector<16xf32>
      %add3A_256 = arith.addf %add3A_255, %mul3A_253 : vector<16xf32>
      %mul3A_257 = arith.mulf %mul3A_242, %add3A_256 : vector<16xf32>
      %add3A_258 = arith.constant 2.000000e+00 : f32
      %add3A_259 = vector.broadcast %add3A_258 : f32 to vector<16xf32>
      %add3A_260 = arith.addf %add3A_259, %mul3A_257 : vector<16xf32>
      %convert_element_type3A_261 = arith.sitofp %add3A_230 : vector<16xi32> to vector<16xf32>
      %mul3A_262 = arith.constant 0.693147182 : f32
      %mul3A_263 = vector.broadcast %mul3A_262 : f32 to vector<16xf32>
      %mul3A_264 = arith.mulf %convert_element_type3A_261, %mul3A_263 : vector<16xf32>
      %mul3A_265 = arith.mulf %div3A_241, %add3A_260 : vector<16xf32>
      %add3A_266 = arith.addf %mul3A_264, %mul3A_265 : vector<16xf32>
      %neg3A_267 = arith.constant 0.000000e+00 : f32
      %neg3A_268 = vector.broadcast %neg3A_267 : f32 to vector<16xf32>
      %neg3A_269 = arith.subf %neg3A_268, %add3A_266 : vector<16xf32>
      %jit3A_270 = arith.constant 0.000000e+00 : f32
      %broadcast_in_dim3A_271 = vector.broadcast %jit3A_270 : f32 to vector<16xf32>
      %select_n3A_272 = arith.select %eq3A_146, %neg3A_269, %broadcast_in_dim3A_271 : vector<16xi1>, vector<16xf32>
      %add3A_273 = arith.addf %broadcast_in_dim3A_58, %select_n3A_272 : vector<16xf32>
      %add3A_274 = arith.constant 9.99999974E-6 : f32
      %add3A_275 = vector.broadcast %add3A_274 : f32 to vector<16xf32>
      %add3A_276 = arith.addf %gather3A_138, %add3A_275 : vector<16xf32>
      %bitcast_convert_type3A_277 = tpu.bitcast %add3A_276 : vector<16xf32> -> vector<16xi32>
      %shift_right_arithmetic3A_278 = arith.constant 23 : i32
      %shift_right_arithmetic3A_279 = vector.broadcast %shift_right_arithmetic3A_278 : i32 to vector<16xi32>
      %shift_right_arithmetic3A_280 = arith.shrsi %bitcast_convert_type3A_277, %shift_right_arithmetic3A_279 : vector<16xi32>
      %sub3A_281 = arith.constant 127 : i32
      %sub3A_282 = vector.broadcast %sub3A_281 : i32 to vector<16xi32>
      %sub3A_283 = arith.subi %shift_right_arithmetic3A_280, %sub3A_282 : vector<16xi32>
      %and3A_284 = arith.constant 8388607 : i32
      %and3A_285 = vector.broadcast %and3A_284 : i32 to vector<16xi32>
      %and3A_286 = arith.andi %bitcast_convert_type3A_277, %and3A_285 : vector<16xi32>
      %or3A_287 = arith.constant 1065353216 : i32
      %or3A_288 = vector.broadcast %or3A_287 : i32 to vector<16xi32>
      %or3A_289 = arith.ori %and3A_286, %or3A_288 : vector<16xi32>
      %bitcast_convert_type3A_290 = tpu.bitcast %or3A_289 : vector<16xi32> -> vector<16xf32>
      %gt3A_291 = arith.constant 1.41421354 : f32
      %gt3A_292 = vector.broadcast %gt3A_291 : f32 to vector<16xf32>
      %gt3A_293 = arith.cmpf ogt, %bitcast_convert_type3A_290, %gt3A_292 : vector<16xf32>
      %convert_element_type3A_294 = arith.extui %gt3A_293 : vector<16xi1> to vector<16xi32>
      %add3A_295 = arith.addi %sub3A_283, %convert_element_type3A_294 : vector<16xi32>
      %mul3A_296 = arith.constant 5.000000e-01 : f32
      %mul3A_297 = vector.broadcast %mul3A_296 : f32 to vector<16xf32>
      %mul3A_298 = arith.mulf %bitcast_convert_type3A_290, %mul3A_297 : vector<16xf32>
      %select_n3A_299 = arith.select %gt3A_293, %mul3A_298, %bitcast_convert_type3A_290 : vector<16xi1>, vector<16xf32>
      %sub3A_300 = arith.constant 1.000000e+00 : f32
      %sub3A_301 = vector.broadcast %sub3A_300 : f32 to vector<16xf32>
      %sub3A_302 = arith.subf %select_n3A_299, %sub3A_301 : vector<16xf32>
      %add3A_303 = arith.constant 1.000000e+00 : f32
      %add3A_304 = vector.broadcast %add3A_303 : f32 to vector<16xf32>
      %add3A_305 = arith.addf %select_n3A_299, %add3A_304 : vector<16xf32>
      %div3A_306 = arith.divf %sub3A_302, %add3A_305 : vector<16xf32>
      %mul3A_307 = arith.mulf %div3A_306, %div3A_306 : vector<16xf32>
      %mul3A_308 = arith.constant 0.222222224 : f32
      %mul3A_309 = vector.broadcast %mul3A_308 : f32 to vector<16xf32>
      %mul3A_310 = arith.mulf %mul3A_307, %mul3A_309 : vector<16xf32>
      %add3A_311 = arith.constant 0.285714298 : f32
      %add3A_312 = vector.broadcast %add3A_311 : f32 to vector<16xf32>
      %add3A_313 = arith.addf %add3A_312, %mul3A_310 : vector<16xf32>
      %mul3A_314 = arith.mulf %mul3A_307, %add3A_313 : vector<16xf32>
      %add3A_315 = arith.constant 4.000000e-01 : f32
      %add3A_316 = vector.broadcast %add3A_315 : f32 to vector<16xf32>
      %add3A_317 = arith.addf %add3A_316, %mul3A_314 : vector<16xf32>
      %mul3A_318 = arith.mulf %mul3A_307, %add3A_317 : vector<16xf32>
      %add3A_319 = arith.constant 0.666666686 : f32
      %add3A_320 = vector.broadcast %add3A_319 : f32 to vector<16xf32>
      %add3A_321 = arith.addf %add3A_320, %mul3A_318 : vector<16xf32>
      %mul3A_322 = arith.mulf %mul3A_307, %add3A_321 : vector<16xf32>
      %add3A_323 = arith.constant 2.000000e+00 : f32
      %add3A_324 = vector.broadcast %add3A_323 : f32 to vector<16xf32>
      %add3A_325 = arith.addf %add3A_324, %mul3A_322 : vector<16xf32>
      %convert_element_type3A_326 = arith.sitofp %add3A_295 : vector<16xi32> to vector<16xf32>
      %mul3A_327 = arith.constant 0.693147182 : f32
      %mul3A_328 = vector.broadcast %mul3A_327 : f32 to vector<16xf32>
      %mul3A_329 = arith.mulf %convert_element_type3A_326, %mul3A_328 : vector<16xf32>
      %mul3A_330 = arith.mulf %div3A_306, %add3A_325 : vector<16xf32>
      %add3A_331 = arith.addf %mul3A_329, %mul3A_330 : vector<16xf32>
      %neg3A_332 = arith.constant 0.000000e+00 : f32
      %neg3A_333 = vector.broadcast %neg3A_332 : f32 to vector<16xf32>
      %neg3A_334 = arith.subf %neg3A_333, %add3A_331 : vector<16xf32>
      %jit3A_335 = arith.constant 0.000000e+00 : f32
      %broadcast_in_dim3A_336 = vector.broadcast %jit3A_335 : f32 to vector<16xf32>
      %select_n3A_337 = arith.select %eq3A_146, %neg3A_334, %broadcast_in_dim3A_336 : vector<16xi1>, vector<16xf32>
      %add3A_338 = arith.addf %broadcast_in_dim3A_58, %select_n3A_337 : vector<16xf32>
      %jit3A_339 = arith.constant 1.000000e+00 : f32
      %jit3A_340 = arith.constant 0.000000e+00 : f32
      %broadcast_in_dim3A_341 = vector.broadcast %jit3A_339 : f32 to vector<16xf32>
      %broadcast_in_dim3A_342 = vector.broadcast %jit3A_340 : f32 to vector<16xf32>
      %select_n3A_343 = arith.select %eq3A_146, %broadcast_in_dim3A_341, %broadcast_in_dim3A_342 : vector<16xi1>, vector<16xf32>
      %add3A_344 = arith.addf %broadcast_in_dim3A_58, %select_n3A_343 : vector<16xf32>
      %add3A_345 = arith.constant 16 : i32
      %add3A_346 = vector.broadcast %add3A_345 : i32 to vector<16xi32>
      %add3A_347 = arith.addi %add3A_346, %iota3A : vector<16xi32>
      %add3A_348 = arith.constant 16 : i32
      %add3A_349 = vector.broadcast %add3A_348 : i32 to vector<16xi32>
      %add3A_350 = arith.addi %add3A_349, %iota3A : vector<16xi32>
      %gather3A_351 = tpu.vector_load_idx %arg14[%broadcast_in_dim3A_127, %add3A_350] : memref<8x64xi32, #tpu.memory_space<vmem>>[vector<16xi32>, vector<16xi32>], vector<16xi32>,
      %gather3A_352 = tpu.vector_load_idx %arg15[%broadcast_in_dim3A_127, %add3A_350] : memref<8x64xi32, #tpu.memory_space<vmem>>[vector<16xi32>, vector<16xi32>], vector<16xi32>,
      %gather3A_353 = tpu.vector_load_idx %arg16[%broadcast_in_dim3A_127, %add3A_350] : memref<8x64xi32, #tpu.memory_space<vmem>>[vector<16xi32>, vector<16xi32>], vector<16xi32>,
      %gather3A_354 = tpu.vector_load_idx %arg18[%add3A_347, %gather3A_351] : memref<32x256xf32, #tpu.memory_space<vmem>>[vector<16xi32>, vector<16xi32>], vector<16xf32>,
      %gather3A_355 = tpu.vector_load_idx %arg19[%add3A_347, %gather3A_352] : memref<32x512xf32, #tpu.memory_space<vmem>>[vector<16xi32>, vector<16xi32>], vector<16xf32>,
      %gather3A_356 = tpu.vector_load_idx %arg20[%add3A_347, %gather3A_353] : memref<32x512xf32, #tpu.memory_space<vmem>>[vector<16xi32>, vector<16xi32>], vector<16xf32>,
      %gather3A_357 = tpu.vector_load_idx %arg12[%broadcast_in_dim3A_127, %add3A_350] : memref<8x64xi32, #tpu.memory_space<vmem>>[vector<16xi32>, vector<16xi32>], vector<16xi32>,
      %eq3A_358 = arith.constant 1 : i32
      %eq3A_359 = vector.broadcast %eq3A_358 : i32 to vector<16xi32>
      %eq3A_360 = arith.cmpi eq, %gather3A_357, %eq3A_359 : vector<16xi32>
      %gather3A_361 = tpu.vector_load_idx %arg13[%broadcast_in_dim3A_127, %add3A_350] : memref<8x64xi32, #tpu.memory_space<vmem>>[vector<16xi32>, vector<16xi32>], vector<16xi32>,
      %eq3A_362 = arith.constant 1 : i32
      %eq3A_363 = vector.broadcast %eq3A_362 : i32 to vector<16xi32>
      %eq3A_364 = arith.cmpi eq, %gather3A_361, %eq3A_363 : vector<16xi32>
      %add3A_365 = arith.constant 9.99999974E-6 : f32
      %add3A_366 = vector.broadcast %add3A_365 : f32 to vector<16xf32>
      %add3A_367 = arith.addf %gather3A_354, %add3A_366 : vector<16xf32>
      %bitcast_convert_type3A_368 = tpu.bitcast %add3A_367 : vector<16xf32> -> vector<16xi32>
      %shift_right_arithmetic3A_369 = arith.constant 23 : i32
      %shift_right_arithmetic3A_370 = vector.broadcast %shift_right_arithmetic3A_369 : i32 to vector<16xi32>
      %shift_right_arithmetic3A_371 = arith.shrsi %bitcast_convert_type3A_368, %shift_right_arithmetic3A_370 : vector<16xi32>
      %sub3A_372 = arith.constant 127 : i32
      %sub3A_373 = vector.broadcast %sub3A_372 : i32 to vector<16xi32>
      %sub3A_374 = arith.subi %shift_right_arithmetic3A_371, %sub3A_373 : vector<16xi32>
      %and3A_375 = arith.constant 8388607 : i32
      %and3A_376 = vector.broadcast %and3A_375 : i32 to vector<16xi32>
      %and3A_377 = arith.andi %bitcast_convert_type3A_368, %and3A_376 : vector<16xi32>
      %or3A_378 = arith.constant 1065353216 : i32
      %or3A_379 = vector.broadcast %or3A_378 : i32 to vector<16xi32>
      %or3A_380 = arith.ori %and3A_377, %or3A_379 : vector<16xi32>
      %bitcast_convert_type3A_381 = tpu.bitcast %or3A_380 : vector<16xi32> -> vector<16xf32>
      %gt3A_382 = arith.constant 1.41421354 : f32
      %gt3A_383 = vector.broadcast %gt3A_382 : f32 to vector<16xf32>
      %gt3A_384 = arith.cmpf ogt, %bitcast_convert_type3A_381, %gt3A_383 : vector<16xf32>
      %convert_element_type3A_385 = arith.extui %gt3A_384 : vector<16xi1> to vector<16xi32>
      %add3A_386 = arith.addi %sub3A_374, %convert_element_type3A_385 : vector<16xi32>
      %mul3A_387 = arith.constant 5.000000e-01 : f32
      %mul3A_388 = vector.broadcast %mul3A_387 : f32 to vector<16xf32>
      %mul3A_389 = arith.mulf %bitcast_convert_type3A_381, %mul3A_388 : vector<16xf32>
      %select_n3A_390 = arith.select %gt3A_384, %mul3A_389, %bitcast_convert_type3A_381 : vector<16xi1>, vector<16xf32>
      %sub3A_391 = arith.constant 1.000000e+00 : f32
      %sub3A_392 = vector.broadcast %sub3A_391 : f32 to vector<16xf32>
      %sub3A_393 = arith.subf %select_n3A_390, %sub3A_392 : vector<16xf32>
      %add3A_394 = arith.constant 1.000000e+00 : f32
      %add3A_395 = vector.broadcast %add3A_394 : f32 to vector<16xf32>
      %add3A_396 = arith.addf %select_n3A_390, %add3A_395 : vector<16xf32>
      %div3A_397 = arith.divf %sub3A_393, %add3A_396 : vector<16xf32>
      %mul3A_398 = arith.mulf %div3A_397, %div3A_397 : vector<16xf32>
      %mul3A_399 = arith.constant 0.222222224 : f32
      %mul3A_400 = vector.broadcast %mul3A_399 : f32 to vector<16xf32>
      %mul3A_401 = arith.mulf %mul3A_398, %mul3A_400 : vector<16xf32>
      %add3A_402 = arith.constant 0.285714298 : f32
      %add3A_403 = vector.broadcast %add3A_402 : f32 to vector<16xf32>
      %add3A_404 = arith.addf %add3A_403, %mul3A_401 : vector<16xf32>
      %mul3A_405 = arith.mulf %mul3A_398, %add3A_404 : vector<16xf32>
      %add3A_406 = arith.constant 4.000000e-01 : f32
      %add3A_407 = vector.broadcast %add3A_406 : f32 to vector<16xf32>
      %add3A_408 = arith.addf %add3A_407, %mul3A_405 : vector<16xf32>
      %mul3A_409 = arith.mulf %mul3A_398, %add3A_408 : vector<16xf32>
      %add3A_410 = arith.constant 0.666666686 : f32
      %add3A_411 = vector.broadcast %add3A_410 : f32 to vector<16xf32>
      %add3A_412 = arith.addf %add3A_411, %mul3A_409 : vector<16xf32>
      %mul3A_413 = arith.mulf %mul3A_398, %add3A_412 : vector<16xf32>
      %add3A_414 = arith.constant 2.000000e+00 : f32
      %add3A_415 = vector.broadcast %add3A_414 : f32 to vector<16xf32>
      %add3A_416 = arith.addf %add3A_415, %mul3A_413 : vector<16xf32>
      %convert_element_type3A_417 = arith.sitofp %add3A_386 : vector<16xi32> to vector<16xf32>
      %mul3A_418 = arith.constant 0.693147182 : f32
      %mul3A_419 = vector.broadcast %mul3A_418 : f32 to vector<16xf32>
      %mul3A_420 = arith.mulf %convert_element_type3A_417, %mul3A_419 : vector<16xf32>
      %mul3A_421 = arith.mulf %div3A_397, %add3A_416 : vector<16xf32>
      %add3A_422 = arith.addf %mul3A_420, %mul3A_421 : vector<16xf32>
      %neg3A_423 = arith.constant 0.000000e+00 : f32
      %neg3A_424 = vector.broadcast %neg3A_423 : f32 to vector<16xf32>
      %neg3A_425 = arith.subf %neg3A_424, %add3A_422 : vector<16xf32>
      %jit3A_426 = arith.constant 0.000000e+00 : f32
      %broadcast_in_dim3A_427 = vector.broadcast %jit3A_426 : f32 to vector<16xf32>
      %select_n3A_428 = arith.select %eq3A_360, %neg3A_425, %broadcast_in_dim3A_427 : vector<16xi1>, vector<16xf32>
      %add3A_429 = arith.addf %add3A_202, %select_n3A_428 : vector<16xf32>
      %jit3A_430 = arith.constant 1.000000e+00 : f32
      %jit3A_431 = arith.constant 0.000000e+00 : f32
      %broadcast_in_dim3A_432 = vector.broadcast %jit3A_430 : f32 to vector<16xf32>
      %broadcast_in_dim3A_433 = vector.broadcast %jit3A_431 : f32 to vector<16xf32>
      %select_n3A_434 = arith.select %eq3A_360, %broadcast_in_dim3A_432, %broadcast_in_dim3A_433 : vector<16xi1>, vector<16xf32>
      %add3A_435 = arith.addf %add3A_208, %select_n3A_434 : vector<16xf32>
      %add3A_436 = arith.constant 9.99999974E-6 : f32
      %add3A_437 = vector.broadcast %add3A_436 : f32 to vector<16xf32>
      %add3A_438 = arith.addf %gather3A_355, %add3A_437 : vector<16xf32>
      %bitcast_convert_type3A_439 = tpu.bitcast %add3A_438 : vector<16xf32> -> vector<16xi32>
      %shift_right_arithmetic3A_440 = arith.constant 23 : i32
      %shift_right_arithmetic3A_441 = vector.broadcast %shift_right_arithmetic3A_440 : i32 to vector<16xi32>
      %shift_right_arithmetic3A_442 = arith.shrsi %bitcast_convert_type3A_439, %shift_right_arithmetic3A_441 : vector<16xi32>
      %sub3A_443 = arith.constant 127 : i32
      %sub3A_444 = vector.broadcast %sub3A_443 : i32 to vector<16xi32>
      %sub3A_445 = arith.subi %shift_right_arithmetic3A_442, %sub3A_444 : vector<16xi32>
      %and3A_446 = arith.constant 8388607 : i32
      %and3A_447 = vector.broadcast %and3A_446 : i32 to vector<16xi32>
      %and3A_448 = arith.andi %bitcast_convert_type3A_439, %and3A_447 : vector<16xi32>
      %or3A_449 = arith.constant 1065353216 : i32
      %or3A_450 = vector.broadcast %or3A_449 : i32 to vector<16xi32>
      %or3A_451 = arith.ori %and3A_448, %or3A_450 : vector<16xi32>
      %bitcast_convert_type3A_452 = tpu.bitcast %or3A_451 : vector<16xi32> -> vector<16xf32>
      %gt3A_453 = arith.constant 1.41421354 : f32
      %gt3A_454 = vector.broadcast %gt3A_453 : f32 to vector<16xf32>
      %gt3A_455 = arith.cmpf ogt, %bitcast_convert_type3A_452, %gt3A_454 : vector<16xf32>
      %convert_element_type3A_456 = arith.extui %gt3A_455 : vector<16xi1> to vector<16xi32>
      %add3A_457 = arith.addi %sub3A_445, %convert_element_type3A_456 : vector<16xi32>
      %mul3A_458 = arith.constant 5.000000e-01 : f32
      %mul3A_459 = vector.broadcast %mul3A_458 : f32 to vector<16xf32>
      %mul3A_460 = arith.mulf %bitcast_convert_type3A_452, %mul3A_459 : vector<16xf32>
      %select_n3A_461 = arith.select %gt3A_455, %mul3A_460, %bitcast_convert_type3A_452 : vector<16xi1>, vector<16xf32>
      %sub3A_462 = arith.constant 1.000000e+00 : f32
      %sub3A_463 = vector.broadcast %sub3A_462 : f32 to vector<16xf32>
      %sub3A_464 = arith.subf %select_n3A_461, %sub3A_463 : vector<16xf32>
      %add3A_465 = arith.constant 1.000000e+00 : f32
      %add3A_466 = vector.broadcast %add3A_465 : f32 to vector<16xf32>
      %add3A_467 = arith.addf %select_n3A_461, %add3A_466 : vector<16xf32>
      %div3A_468 = arith.divf %sub3A_464, %add3A_467 : vector<16xf32>
      %mul3A_469 = arith.mulf %div3A_468, %div3A_468 : vector<16xf32>
      %mul3A_470 = arith.constant 0.222222224 : f32
      %mul3A_471 = vector.broadcast %mul3A_470 : f32 to vector<16xf32>
      %mul3A_472 = arith.mulf %mul3A_469, %mul3A_471 : vector<16xf32>
      %add3A_473 = arith.constant 0.285714298 : f32
      %add3A_474 = vector.broadcast %add3A_473 : f32 to vector<16xf32>
      %add3A_475 = arith.addf %add3A_474, %mul3A_472 : vector<16xf32>
      %mul3A_476 = arith.mulf %mul3A_469, %add3A_475 : vector<16xf32>
      %add3A_477 = arith.constant 4.000000e-01 : f32
      %add3A_478 = vector.broadcast %add3A_477 : f32 to vector<16xf32>
      %add3A_479 = arith.addf %add3A_478, %mul3A_476 : vector<16xf32>
      %mul3A_480 = arith.mulf %mul3A_469, %add3A_479 : vector<16xf32>
      %add3A_481 = arith.constant 0.666666686 : f32
      %add3A_482 = vector.broadcast %add3A_481 : f32 to vector<16xf32>
      %add3A_483 = arith.addf %add3A_482, %mul3A_480 : vector<16xf32>
      %mul3A_484 = arith.mulf %mul3A_469, %add3A_483 : vector<16xf32>
      %add3A_485 = arith.constant 2.000000e+00 : f32
      %add3A_486 = vector.broadcast %add3A_485 : f32 to vector<16xf32>
      %add3A_487 = arith.addf %add3A_486, %mul3A_484 : vector<16xf32>
      %convert_element_type3A_488 = arith.sitofp %add3A_457 : vector<16xi32> to vector<16xf32>
      %mul3A_489 = arith.constant 0.693147182 : f32
      %mul3A_490 = vector.broadcast %mul3A_489 : f32 to vector<16xf32>
      %mul3A_491 = arith.mulf %convert_element_type3A_488, %mul3A_490 : vector<16xf32>
      %mul3A_492 = arith.mulf %div3A_468, %add3A_487 : vector<16xf32>
      %add3A_493 = arith.addf %mul3A_491, %mul3A_492 : vector<16xf32>
      %neg3A_494 = arith.constant 0.000000e+00 : f32
      %neg3A_495 = vector.broadcast %neg3A_494 : f32 to vector<16xf32>
      %neg3A_496 = arith.subf %neg3A_495, %add3A_493 : vector<16xf32>
      %jit3A_497 = arith.constant 0.000000e+00 : f32
      %broadcast_in_dim3A_498 = vector.broadcast %jit3A_497 : f32 to vector<16xf32>
      %select_n3A_499 = arith.select %eq3A_364, %neg3A_496, %broadcast_in_dim3A_498 : vector<16xi1>, vector<16xf32>
      %add3A_500 = arith.addf %add3A_273, %select_n3A_499 : vector<16xf32>
      %add3A_501 = arith.constant 9.99999974E-6 : f32
      %add3A_502 = vector.broadcast %add3A_501 : f32 to vector<16xf32>
      %add3A_503 = arith.addf %gather3A_356, %add3A_502 : vector<16xf32>
      %bitcast_convert_type3A_504 = tpu.bitcast %add3A_503 : vector<16xf32> -> vector<16xi32>
      %shift_right_arithmetic3A_505 = arith.constant 23 : i32
      %shift_right_arithmetic3A_506 = vector.broadcast %shift_right_arithmetic3A_505 : i32 to vector<16xi32>
      %shift_right_arithmetic3A_507 = arith.shrsi %bitcast_convert_type3A_504, %shift_right_arithmetic3A_506 : vector<16xi32>
      %sub3A_508 = arith.constant 127 : i32
      %sub3A_509 = vector.broadcast %sub3A_508 : i32 to vector<16xi32>
      %sub3A_510 = arith.subi %shift_right_arithmetic3A_507, %sub3A_509 : vector<16xi32>
      %and3A_511 = arith.constant 8388607 : i32
      %and3A_512 = vector.broadcast %and3A_511 : i32 to vector<16xi32>
      %and3A_513 = arith.andi %bitcast_convert_type3A_504, %and3A_512 : vector<16xi32>
      %or3A_514 = arith.constant 1065353216 : i32
      %or3A_515 = vector.broadcast %or3A_514 : i32 to vector<16xi32>
      %or3A_516 = arith.ori %and3A_513, %or3A_515 : vector<16xi32>
      %bitcast_convert_type3A_517 = tpu.bitcast %or3A_516 : vector<16xi32> -> vector<16xf32>
      %gt3A_518 = arith.constant 1.41421354 : f32
      %gt3A_519 = vector.broadcast %gt3A_518 : f32 to vector<16xf32>
      %gt3A_520 = arith.cmpf ogt, %bitcast_convert_type3A_517, %gt3A_519 : vector<16xf32>
      %convert_element_type3A_521 = arith.extui %gt3A_520 : vector<16xi1> to vector<16xi32>
      %add3A_522 = arith.addi %sub3A_510, %convert_element_type3A_521 : vector<16xi32>
      %mul3A_523 = arith.constant 5.000000e-01 : f32
      %mul3A_524 = vector.broadcast %mul3A_523 : f32 to vector<16xf32>
      %mul3A_525 = arith.mulf %bitcast_convert_type3A_517, %mul3A_524 : vector<16xf32>
      %select_n3A_526 = arith.select %gt3A_520, %mul3A_525, %bitcast_convert_type3A_517 : vector<16xi1>, vector<16xf32>
      %sub3A_527 = arith.constant 1.000000e+00 : f32
      %sub3A_528 = vector.broadcast %sub3A_527 : f32 to vector<16xf32>
      %sub3A_529 = arith.subf %select_n3A_526, %sub3A_528 : vector<16xf32>
      %add3A_530 = arith.constant 1.000000e+00 : f32
      %add3A_531 = vector.broadcast %add3A_530 : f32 to vector<16xf32>
      %add3A_532 = arith.addf %select_n3A_526, %add3A_531 : vector<16xf32>
      %div3A_533 = arith.divf %sub3A_529, %add3A_532 : vector<16xf32>
      %mul3A_534 = arith.mulf %div3A_533, %div3A_533 : vector<16xf32>
      %mul3A_535 = arith.constant 0.222222224 : f32
      %mul3A_536 = vector.broadcast %mul3A_535 : f32 to vector<16xf32>
      %mul3A_537 = arith.mulf %mul3A_534, %mul3A_536 : vector<16xf32>
      %add3A_538 = arith.constant 0.285714298 : f32
      %add3A_539 = vector.broadcast %add3A_538 : f32 to vector<16xf32>
      %add3A_540 = arith.addf %add3A_539, %mul3A_537 : vector<16xf32>
      %mul3A_541 = arith.mulf %mul3A_534, %add3A_540 : vector<16xf32>
      %add3A_542 = arith.constant 4.000000e-01 : f32
      %add3A_543 = vector.broadcast %add3A_542 : f32 to vector<16xf32>
      %add3A_544 = arith.addf %add3A_543, %mul3A_541 : vector<16xf32>
      %mul3A_545 = arith.mulf %mul3A_534, %add3A_544 : vector<16xf32>
      %add3A_546 = arith.constant 0.666666686 : f32
      %add3A_547 = vector.broadcast %add3A_546 : f32 to vector<16xf32>
      %add3A_548 = arith.addf %add3A_547, %mul3A_545 : vector<16xf32>
      %mul3A_549 = arith.mulf %mul3A_534, %add3A_548 : vector<16xf32>
      %add3A_550 = arith.constant 2.000000e+00 : f32
      %add3A_551 = vector.broadcast %add3A_550 : f32 to vector<16xf32>
      %add3A_552 = arith.addf %add3A_551, %mul3A_549 : vector<16xf32>
      %convert_element_type3A_553 = arith.sitofp %add3A_522 : vector<16xi32> to vector<16xf32>
      %mul3A_554 = arith.constant 0.693147182 : f32
      %mul3A_555 = vector.broadcast %mul3A_554 : f32 to vector<16xf32>
      %mul3A_556 = arith.mulf %convert_element_type3A_553, %mul3A_555 : vector<16xf32>
      %mul3A_557 = arith.mulf %div3A_533, %add3A_552 : vector<16xf32>
      %add3A_558 = arith.addf %mul3A_556, %mul3A_557 : vector<16xf32>
      %neg3A_559 = arith.constant 0.000000e+00 : f32
      %neg3A_560 = vector.broadcast %neg3A_559 : f32 to vector<16xf32>
      %neg3A_561 = arith.subf %neg3A_560, %add3A_558 : vector<16xf32>
      %jit3A_562 = arith.constant 0.000000e+00 : f32
      %broadcast_in_dim3A_563 = vector.broadcast %jit3A_562 : f32 to vector<16xf32>
      %select_n3A_564 = arith.select %eq3A_364, %neg3A_561, %broadcast_in_dim3A_563 : vector<16xi1>, vector<16xf32>
      %add3A_565 = arith.addf %add3A_338, %select_n3A_564 : vector<16xf32>
      %jit3A_566 = arith.constant 1.000000e+00 : f32
      %jit3A_567 = arith.constant 0.000000e+00 : f32
      %broadcast_in_dim3A_568 = vector.broadcast %jit3A_566 : f32 to vector<16xf32>
      %broadcast_in_dim3A_569 = vector.broadcast %jit3A_567 : f32 to vector<16xf32>
      %select_n3A_570 = arith.select %eq3A_364, %broadcast_in_dim3A_568, %broadcast_in_dim3A_569 : vector<16xi1>, vector<16xf32>
      %add3A_571 = arith.addf %add3A_344, %select_n3A_570 : vector<16xf32>
      %dma_wait3A_572 = arith.constant 32 : i32
      %dma_wait3A_573 = tpu.memref_slice %arg17[%add3A_103, %dma_wait3A_572] : memref<8x64xi32, #tpu.memory_space<vmem>> -> memref<1x32xi32, #tpu.memory_space<vmem>>
      %dma_wait3A_574 = tpu.memref_squeeze %dma_wait3A_573 : memref<1x32xi32, #tpu.memory_space<vmem>> -> memref<32xi32, #tpu.memory_space<vmem>>
      %dma_wait3A_575 = tpu.memref_reshape %arg8 : memref<30x1920x256xf32, #tpu.memory_space<hbm>> -> memref<57600x256xf32, #tpu.memory_space<hbm>>
      %dma_wait3A_576 = arith.constant 0 : i32
      %dma_wait3A_577 = arith.constant 0 : i32
      %dma_wait3A_578 = tpu.memref_slice %dma_wait3A_575[%dma_wait3A_576, %dma_wait3A_577] : memref<57600x256xf32, #tpu.memory_space<hbm>> -> memref<57600x256xf32, #tpu.memory_space<hbm>>
      tpu.wait_indirect_dma semaphore(%arg30 : memref<!tpu.dma_semaphore, #tpu.memory_space<semaphore_mem>>) src(%dma_wait3A_578 : memref<57600x256xf32, #tpu.memory_space<hbm>>) dst(%arg21 : memref<32x256xf32, #tpu.memory_space<vmem>>)
      %dma_wait3A_579 = arith.constant 32 : i32
      %dma_wait3A_580 = tpu.memref_slice %arg17[%add3A_103, %dma_wait3A_579] : memref<8x64xi32, #tpu.memory_space<vmem>> -> memref<1x32xi32, #tpu.memory_space<vmem>>
      %dma_wait3A_581 = tpu.memref_squeeze %dma_wait3A_580 : memref<1x32xi32, #tpu.memory_space<vmem>> -> memref<32xi32, #tpu.memory_space<vmem>>
      %dma_wait3A_582 = tpu.memref_reshape %arg9 : memref<30x1920x512xf32, #tpu.memory_space<hbm>> -> memref<57600x512xf32, #tpu.memory_space<hbm>>
      %dma_wait3A_583 = arith.constant 0 : i32
      %dma_wait3A_584 = arith.constant 0 : i32
      %dma_wait3A_585 = tpu.memref_slice %dma_wait3A_582[%dma_wait3A_583, %dma_wait3A_584] : memref<57600x512xf32, #tpu.memory_space<hbm>> -> memref<57600x512xf32, #tpu.memory_space<hbm>>
      tpu.wait_indirect_dma semaphore(%arg30 : memref<!tpu.dma_semaphore, #tpu.memory_space<semaphore_mem>>) src(%dma_wait3A_585 : memref<57600x512xf32, #tpu.memory_space<hbm>>) dst(%arg22 : memref<32x512xf32, #tpu.memory_space<vmem>>)
      %dma_wait3A_586 = arith.constant 32 : i32
      %dma_wait3A_587 = tpu.memref_slice %arg17[%add3A_103, %dma_wait3A_586] : memref<8x64xi32, #tpu.memory_space<vmem>> -> memref<1x32xi32, #tpu.memory_space<vmem>>
      %dma_wait3A_588 = tpu.memref_squeeze %dma_wait3A_587 : memref<1x32xi32, #tpu.memory_space<vmem>> -> memref<32xi32, #tpu.memory_space<vmem>>
      %dma_wait3A_589 = tpu.memref_reshape %arg10 : memref<30x1920x512xf32, #tpu.memory_space<hbm>> -> memref<57600x512xf32, #tpu.memory_space<hbm>>
      %dma_wait3A_590 = arith.constant 0 : i32
      %dma_wait3A_591 = arith.constant 0 : i32
      %dma_wait3A_592 = tpu.memref_slice %dma_wait3A_589[%dma_wait3A_590, %dma_wait3A_591] : memref<57600x512xf32, #tpu.memory_space<hbm>> -> memref<57600x512xf32, #tpu.memory_space<hbm>>
      tpu.wait_indirect_dma semaphore(%arg30 : memref<!tpu.dma_semaphore, #tpu.memory_space<semaphore_mem>>) src(%dma_wait3A_592 : memref<57600x512xf32, #tpu.memory_space<hbm>>) dst(%arg23 : memref<32x512xf32, #tpu.memory_space<vmem>>)
      %add3A_593 = arith.constant 1 : i32
      %add3A_594 = arith.addi %and3A_11, %add3A_593 : i32
      %dma_start3A_595 = arith.constant 0 : i32
      %dma_start3A_596 = tpu.memref_slice %arg17[%add3A_594, %dma_start3A_595] : memref<8x64xi32, #tpu.memory_space<vmem>> -> memref<1x32xi32, #tpu.memory_space<vmem>>
      %dma_start3A_597 = tpu.memref_squeeze %dma_start3A_596 : memref<1x32xi32, #tpu.memory_space<vmem>> -> memref<32xi32, #tpu.memory_space<vmem>>
      %dma_start3A_598 = tpu.memref_reshape %arg8 : memref<30x1920x256xf32, #tpu.memory_space<hbm>> -> memref<57600x256xf32, #tpu.memory_space<hbm>>
      %dma_start3A_599 = arith.constant 0 : i32
      %dma_start3A_600 = arith.constant 0 : i32
      %dma_start3A_601 = tpu.memref_slice %dma_start3A_598[%dma_start3A_599, %dma_start3A_600] : memref<57600x256xf32, #tpu.memory_space<hbm>> -> memref<57600x256xf32, #tpu.memory_space<hbm>>
      tpu.enqueue_indirect_dma source(%dma_start3A_601 : memref<57600x256xf32, #tpu.memory_space<hbm>>) target(%arg18 : memref<32x256xf32, #tpu.memory_space<vmem>>) offsets(%dma_start3A_597 : memref<32xi32, #tpu.memory_space<vmem>>) semaphore(%arg29 : memref<!tpu.dma_semaphore, #tpu.memory_space<semaphore_mem>>)
      %dma_start3A_602 = arith.constant 0 : i32
      %dma_start3A_603 = tpu.memref_slice %arg17[%add3A_594, %dma_start3A_602] : memref<8x64xi32, #tpu.memory_space<vmem>> -> memref<1x32xi32, #tpu.memory_space<vmem>>
      %dma_start3A_604 = tpu.memref_squeeze %dma_start3A_603 : memref<1x32xi32, #tpu.memory_space<vmem>> -> memref<32xi32, #tpu.memory_space<vmem>>
      %dma_start3A_605 = tpu.memref_reshape %arg9 : memref<30x1920x512xf32, #tpu.memory_space<hbm>> -> memref<57600x512xf32, #tpu.memory_space<hbm>>
      %dma_start3A_606 = arith.constant 0 : i32
      %dma_start3A_607 = arith.constant 0 : i32
      %dma_start3A_608 = tpu.memref_slice %dma_start3A_605[%dma_start3A_606, %dma_start3A_607] : memref<57600x512xf32, #tpu.memory_space<hbm>> -> memref<57600x512xf32, #tpu.memory_space<hbm>>
      tpu.enqueue_indirect_dma source(%dma_start3A_608 : memref<57600x512xf32, #tpu.memory_space<hbm>>) target(%arg19 : memref<32x512xf32, #tpu.memory_space<vmem>>) offsets(%dma_start3A_604 : memref<32xi32, #tpu.memory_space<vmem>>) semaphore(%arg29 : memref<!tpu.dma_semaphore, #tpu.memory_space<semaphore_mem>>)
      %dma_start3A_609 = arith.constant 0 : i32
      %dma_start3A_610 = tpu.memref_slice %arg17[%add3A_594, %dma_start3A_609] : memref<8x64xi32, #tpu.memory_space<vmem>> -> memref<1x32xi32, #tpu.memory_space<vmem>>
      %dma_start3A_611 = tpu.memref_squeeze %dma_start3A_610 : memref<1x32xi32, #tpu.memory_space<vmem>> -> memref<32xi32, #tpu.memory_space<vmem>>
      %dma_start3A_612 = tpu.memref_reshape %arg10 : memref<30x1920x512xf32, #tpu.memory_space<hbm>> -> memref<57600x512xf32, #tpu.memory_space<hbm>>
      %dma_start3A_613 = arith.constant 0 : i32
      %dma_start3A_614 = arith.constant 0 : i32
      %dma_start3A_615 = tpu.memref_slice %dma_start3A_612[%dma_start3A_613, %dma_start3A_614] : memref<57600x512xf32, #tpu.memory_space<hbm>> -> memref<57600x512xf32, #tpu.memory_space<hbm>>
      tpu.enqueue_indirect_dma source(%dma_start3A_615 : memref<57600x512xf32, #tpu.memory_space<hbm>>) target(%arg20 : memref<32x512xf32, #tpu.memory_space<vmem>>) offsets(%dma_start3A_611 : memref<32xi32, #tpu.memory_space<vmem>>) semaphore(%arg29 : memref<!tpu.dma_semaphore, #tpu.memory_space<semaphore_mem>>)
      %add3A_616 = arith.constant 0 : i32
      %add3A_617 = arith.addi %and3A_11, %add3A_616 : i32
      %broadcast_in_dim3A_618 = vector.broadcast %add3A_617 : i32 to vector<16xi32>
      %add3A_619 = arith.constant 0 : i32
      %add3A_620 = vector.broadcast %add3A_619 : i32 to vector<16xi32>
      %add3A_621 = arith.addi %add3A_620, %iota3A : vector<16xi32>
      %add3A_622 = arith.constant 32 : i32
      %add3A_623 = vector.broadcast %add3A_622 : i32 to vector<16xi32>
      %add3A_624 = arith.addi %add3A_623, %iota3A : vector<16xi32>
      %gather3A_625 = tpu.vector_load_idx %arg14[%broadcast_in_dim3A_618, %add3A_624] : memref<8x64xi32, #tpu.memory_space<vmem>>[vector<16xi32>, vector<16xi32>], vector<16xi32>,
      %gather3A_626 = tpu.vector_load_idx %arg15[%broadcast_in_dim3A_618, %add3A_624] : memref<8x64xi32, #tpu.memory_space<vmem>>[vector<16xi32>, vector<16xi32>], vector<16xi32>,
      %gather3A_627 = tpu.vector_load_idx %arg16[%broadcast_in_dim3A_618, %add3A_624] : memref<8x64xi32, #tpu.memory_space<vmem>>[vector<16xi32>, vector<16xi32>], vector<16xi32>,
      %gather3A_628 = tpu.vector_load_idx %arg21[%add3A_621, %gather3A_625] : memref<32x256xf32, #tpu.memory_space<vmem>>[vector<16xi32>, vector<16xi32>], vector<16xf32>,
      %gather3A_629 = tpu.vector_load_idx %arg22[%add3A_621, %gather3A_626] : memref<32x512xf32, #tpu.memory_space<vmem>>[vector<16xi32>, vector<16xi32>], vector<16xf32>,
      %gather3A_630 = tpu.vector_load_idx %arg23[%add3A_621, %gather3A_627] : memref<32x512xf32, #tpu.memory_space<vmem>>[vector<16xi32>, vector<16xi32>], vector<16xf32>,
      %gather3A_631 = tpu.vector_load_idx %arg12[%broadcast_in_dim3A_618, %add3A_624] : memref<8x64xi32, #tpu.memory_space<vmem>>[vector<16xi32>, vector<16xi32>], vector<16xi32>,
      %eq3A_632 = arith.constant 1 : i32
      %eq3A_633 = vector.broadcast %eq3A_632 : i32 to vector<16xi32>
      %eq3A_634 = arith.cmpi eq, %gather3A_631, %eq3A_633 : vector<16xi32>
      %gather3A_635 = tpu.vector_load_idx %arg13[%broadcast_in_dim3A_618, %add3A_624] : memref<8x64xi32, #tpu.memory_space<vmem>>[vector<16xi32>, vector<16xi32>], vector<16xi32>,
      %eq3A_636 = arith.constant 1 : i32
      %eq3A_637 = vector.broadcast %eq3A_636 : i32 to vector<16xi32>
      %eq3A_638 = arith.cmpi eq, %gather3A_635, %eq3A_637 : vector<16xi32>
      %add3A_639 = arith.constant 9.99999974E-6 : f32
      %add3A_640 = vector.broadcast %add3A_639 : f32 to vector<16xf32>
      %add3A_641 = arith.addf %gather3A_628, %add3A_640 : vector<16xf32>
      %bitcast_convert_type3A_642 = tpu.bitcast %add3A_641 : vector<16xf32> -> vector<16xi32>
      %shift_right_arithmetic3A_643 = arith.constant 23 : i32
      %shift_right_arithmetic3A_644 = vector.broadcast %shift_right_arithmetic3A_643 : i32 to vector<16xi32>
      %shift_right_arithmetic3A_645 = arith.shrsi %bitcast_convert_type3A_642, %shift_right_arithmetic3A_644 : vector<16xi32>
      %sub3A_646 = arith.constant 127 : i32
      %sub3A_647 = vector.broadcast %sub3A_646 : i32 to vector<16xi32>
      %sub3A_648 = arith.subi %shift_right_arithmetic3A_645, %sub3A_647 : vector<16xi32>
      %and3A_649 = arith.constant 8388607 : i32
      %and3A_650 = vector.broadcast %and3A_649 : i32 to vector<16xi32>
      %and3A_651 = arith.andi %bitcast_convert_type3A_642, %and3A_650 : vector<16xi32>
      %or3A_652 = arith.constant 1065353216 : i32
      %or3A_653 = vector.broadcast %or3A_652 : i32 to vector<16xi32>
      %or3A_654 = arith.ori %and3A_651, %or3A_653 : vector<16xi32>
      %bitcast_convert_type3A_655 = tpu.bitcast %or3A_654 : vector<16xi32> -> vector<16xf32>
      %gt3A_656 = arith.constant 1.41421354 : f32
      %gt3A_657 = vector.broadcast %gt3A_656 : f32 to vector<16xf32>
      %gt3A_658 = arith.cmpf ogt, %bitcast_convert_type3A_655, %gt3A_657 : vector<16xf32>
      %convert_element_type3A_659 = arith.extui %gt3A_658 : vector<16xi1> to vector<16xi32>
      %add3A_660 = arith.addi %sub3A_648, %convert_element_type3A_659 : vector<16xi32>
      %mul3A_661 = arith.constant 5.000000e-01 : f32
      %mul3A_662 = vector.broadcast %mul3A_661 : f32 to vector<16xf32>
      %mul3A_663 = arith.mulf %bitcast_convert_type3A_655, %mul3A_662 : vector<16xf32>
      %select_n3A_664 = arith.select %gt3A_658, %mul3A_663, %bitcast_convert_type3A_655 : vector<16xi1>, vector<16xf32>
      %sub3A_665 = arith.constant 1.000000e+00 : f32
      %sub3A_666 = vector.broadcast %sub3A_665 : f32 to vector<16xf32>
      %sub3A_667 = arith.subf %select_n3A_664, %sub3A_666 : vector<16xf32>
      %add3A_668 = arith.constant 1.000000e+00 : f32
      %add3A_669 = vector.broadcast %add3A_668 : f32 to vector<16xf32>
      %add3A_670 = arith.addf %select_n3A_664, %add3A_669 : vector<16xf32>
      %div3A_671 = arith.divf %sub3A_667, %add3A_670 : vector<16xf32>
      %mul3A_672 = arith.mulf %div3A_671, %div3A_671 : vector<16xf32>
      %mul3A_673 = arith.constant 0.222222224 : f32
      %mul3A_674 = vector.broadcast %mul3A_673 : f32 to vector<16xf32>
      %mul3A_675 = arith.mulf %mul3A_672, %mul3A_674 : vector<16xf32>
      %add3A_676 = arith.constant 0.285714298 : f32
      %add3A_677 = vector.broadcast %add3A_676 : f32 to vector<16xf32>
      %add3A_678 = arith.addf %add3A_677, %mul3A_675 : vector<16xf32>
      %mul3A_679 = arith.mulf %mul3A_672, %add3A_678 : vector<16xf32>
      %add3A_680 = arith.constant 4.000000e-01 : f32
      %add3A_681 = vector.broadcast %add3A_680 : f32 to vector<16xf32>
      %add3A_682 = arith.addf %add3A_681, %mul3A_679 : vector<16xf32>
      %mul3A_683 = arith.mulf %mul3A_672, %add3A_682 : vector<16xf32>
      %add3A_684 = arith.constant 0.666666686 : f32
      %add3A_685 = vector.broadcast %add3A_684 : f32 to vector<16xf32>
      %add3A_686 = arith.addf %add3A_685, %mul3A_683 : vector<16xf32>
      %mul3A_687 = arith.mulf %mul3A_672, %add3A_686 : vector<16xf32>
      %add3A_688 = arith.constant 2.000000e+00 : f32
      %add3A_689 = vector.broadcast %add3A_688 : f32 to vector<16xf32>
      %add3A_690 = arith.addf %add3A_689, %mul3A_687 : vector<16xf32>
      %convert_element_type3A_691 = arith.sitofp %add3A_660 : vector<16xi32> to vector<16xf32>
      %mul3A_692 = arith.constant 0.693147182 : f32
      %mul3A_693 = vector.broadcast %mul3A_692 : f32 to vector<16xf32>
      %mul3A_694 = arith.mulf %convert_element_type3A_691, %mul3A_693 : vector<16xf32>
      %mul3A_695 = arith.mulf %div3A_671, %add3A_690 : vector<16xf32>
      %add3A_696 = arith.addf %mul3A_694, %mul3A_695 : vector<16xf32>
      %neg3A_697 = arith.constant 0.000000e+00 : f32
      %neg3A_698 = vector.broadcast %neg3A_697 : f32 to vector<16xf32>
      %neg3A_699 = arith.subf %neg3A_698, %add3A_696 : vector<16xf32>
      %jit3A_700 = arith.constant 0.000000e+00 : f32
      %broadcast_in_dim3A_701 = vector.broadcast %jit3A_700 : f32 to vector<16xf32>
      %select_n3A_702 = arith.select %eq3A_634, %neg3A_699, %broadcast_in_dim3A_701 : vector<16xi1>, vector<16xf32>
      %add3A_703 = arith.addf %add3A_429, %select_n3A_702 : vector<16xf32>
      %jit3A_704 = arith.constant 1.000000e+00 : f32
      %jit3A_705 = arith.constant 0.000000e+00 : f32
      %broadcast_in_dim3A_706 = vector.broadcast %jit3A_704 : f32 to vector<16xf32>
      %broadcast_in_dim3A_707 = vector.broadcast %jit3A_705 : f32 to vector<16xf32>
      %select_n3A_708 = arith.select %eq3A_634, %broadcast_in_dim3A_706, %broadcast_in_dim3A_707 : vector<16xi1>, vector<16xf32>
      %add3A_709 = arith.addf %add3A_435, %select_n3A_708 : vector<16xf32>
      %add3A_710 = arith.constant 9.99999974E-6 : f32
      %add3A_711 = vector.broadcast %add3A_710 : f32 to vector<16xf32>
      %add3A_712 = arith.addf %gather3A_629, %add3A_711 : vector<16xf32>
      %bitcast_convert_type3A_713 = tpu.bitcast %add3A_712 : vector<16xf32> -> vector<16xi32>
      %shift_right_arithmetic3A_714 = arith.constant 23 : i32
      %shift_right_arithmetic3A_715 = vector.broadcast %shift_right_arithmetic3A_714 : i32 to vector<16xi32>
      %shift_right_arithmetic3A_716 = arith.shrsi %bitcast_convert_type3A_713, %shift_right_arithmetic3A_715 : vector<16xi32>
      %sub3A_717 = arith.constant 127 : i32
      %sub3A_718 = vector.broadcast %sub3A_717 : i32 to vector<16xi32>
      %sub3A_719 = arith.subi %shift_right_arithmetic3A_716, %sub3A_718 : vector<16xi32>
      %and3A_720 = arith.constant 8388607 : i32
      %and3A_721 = vector.broadcast %and3A_720 : i32 to vector<16xi32>
      %and3A_722 = arith.andi %bitcast_convert_type3A_713, %and3A_721 : vector<16xi32>
      %or3A_723 = arith.constant 1065353216 : i32
      %or3A_724 = vector.broadcast %or3A_723 : i32 to vector<16xi32>
      %or3A_725 = arith.ori %and3A_722, %or3A_724 : vector<16xi32>
      %bitcast_convert_type3A_726 = tpu.bitcast %or3A_725 : vector<16xi32> -> vector<16xf32>
      %gt3A_727 = arith.constant 1.41421354 : f32
      %gt3A_728 = vector.broadcast %gt3A_727 : f32 to vector<16xf32>
      %gt3A_729 = arith.cmpf ogt, %bitcast_convert_type3A_726, %gt3A_728 : vector<16xf32>
      %convert_element_type3A_730 = arith.extui %gt3A_729 : vector<16xi1> to vector<16xi32>
      %add3A_731 = arith.addi %sub3A_719, %convert_element_type3A_730 : vector<16xi32>
      %mul3A_732 = arith.constant 5.000000e-01 : f32
      %mul3A_733 = vector.broadcast %mul3A_732 : f32 to vector<16xf32>
      %mul3A_734 = arith.mulf %bitcast_convert_type3A_726, %mul3A_733 : vector<16xf32>
      %select_n3A_735 = arith.select %gt3A_729, %mul3A_734, %bitcast_convert_type3A_726 : vector<16xi1>, vector<16xf32>
      %sub3A_736 = arith.constant 1.000000e+00 : f32
      %sub3A_737 = vector.broadcast %sub3A_736 : f32 to vector<16xf32>
      %sub3A_738 = arith.subf %select_n3A_735, %sub3A_737 : vector<16xf32>
      %add3A_739 = arith.constant 1.000000e+00 : f32
      %add3A_740 = vector.broadcast %add3A_739 : f32 to vector<16xf32>
      %add3A_741 = arith.addf %select_n3A_735, %add3A_740 : vector<16xf32>
      %div3A_742 = arith.divf %sub3A_738, %add3A_741 : vector<16xf32>
      %mul3A_743 = arith.mulf %div3A_742, %div3A_742 : vector<16xf32>
      %mul3A_744 = arith.constant 0.222222224 : f32
      %mul3A_745 = vector.broadcast %mul3A_744 : f32 to vector<16xf32>
      %mul3A_746 = arith.mulf %mul3A_743, %mul3A_745 : vector<16xf32>
      %add3A_747 = arith.constant 0.285714298 : f32
      %add3A_748 = vector.broadcast %add3A_747 : f32 to vector<16xf32>
      %add3A_749 = arith.addf %add3A_748, %mul3A_746 : vector<16xf32>
      %mul3A_750 = arith.mulf %mul3A_743, %add3A_749 : vector<16xf32>
      %add3A_751 = arith.constant 4.000000e-01 : f32
      %add3A_752 = vector.broadcast %add3A_751 : f32 to vector<16xf32>
      %add3A_753 = arith.addf %add3A_752, %mul3A_750 : vector<16xf32>
      %mul3A_754 = arith.mulf %mul3A_743, %add3A_753 : vector<16xf32>
      %add3A_755 = arith.constant 0.666666686 : f32
      %add3A_756 = vector.broadcast %add3A_755 : f32 to vector<16xf32>
      %add3A_757 = arith.addf %add3A_756, %mul3A_754 : vector<16xf32>
      %mul3A_758 = arith.mulf %mul3A_743, %add3A_757 : vector<16xf32>
      %add3A_759 = arith.constant 2.000000e+00 : f32
      %add3A_760 = vector.broadcast %add3A_759 : f32 to vector<16xf32>
      %add3A_761 = arith.addf %add3A_760, %mul3A_758 : vector<16xf32>
      %convert_element_type3A_762 = arith.sitofp %add3A_731 : vector<16xi32> to vector<16xf32>
      %mul3A_763 = arith.constant 0.693147182 : f32
      %mul3A_764 = vector.broadcast %mul3A_763 : f32 to vector<16xf32>
      %mul3A_765 = arith.mulf %convert_element_type3A_762, %mul3A_764 : vector<16xf32>
      %mul3A_766 = arith.mulf %div3A_742, %add3A_761 : vector<16xf32>
      %add3A_767 = arith.addf %mul3A_765, %mul3A_766 : vector<16xf32>
      %neg3A_768 = arith.constant 0.000000e+00 : f32
      %neg3A_769 = vector.broadcast %neg3A_768 : f32 to vector<16xf32>
      %neg3A_770 = arith.subf %neg3A_769, %add3A_767 : vector<16xf32>
      %jit3A_771 = arith.constant 0.000000e+00 : f32
      %broadcast_in_dim3A_772 = vector.broadcast %jit3A_771 : f32 to vector<16xf32>
      %select_n3A_773 = arith.select %eq3A_638, %neg3A_770, %broadcast_in_dim3A_772 : vector<16xi1>, vector<16xf32>
      %add3A_774 = arith.addf %add3A_500, %select_n3A_773 : vector<16xf32>
      %add3A_775 = arith.constant 9.99999974E-6 : f32
      %add3A_776 = vector.broadcast %add3A_775 : f32 to vector<16xf32>
      %add3A_777 = arith.addf %gather3A_630, %add3A_776 : vector<16xf32>
      %bitcast_convert_type3A_778 = tpu.bitcast %add3A_777 : vector<16xf32> -> vector<16xi32>
      %shift_right_arithmetic3A_779 = arith.constant 23 : i32
      %shift_right_arithmetic3A_780 = vector.broadcast %shift_right_arithmetic3A_779 : i32 to vector<16xi32>
      %shift_right_arithmetic3A_781 = arith.shrsi %bitcast_convert_type3A_778, %shift_right_arithmetic3A_780 : vector<16xi32>
      %sub3A_782 = arith.constant 127 : i32
      %sub3A_783 = vector.broadcast %sub3A_782 : i32 to vector<16xi32>
      %sub3A_784 = arith.subi %shift_right_arithmetic3A_781, %sub3A_783 : vector<16xi32>
      %and3A_785 = arith.constant 8388607 : i32
      %and3A_786 = vector.broadcast %and3A_785 : i32 to vector<16xi32>
      %and3A_787 = arith.andi %bitcast_convert_type3A_778, %and3A_786 : vector<16xi32>
      %or3A_788 = arith.constant 1065353216 : i32
      %or3A_789 = vector.broadcast %or3A_788 : i32 to vector<16xi32>
      %or3A_790 = arith.ori %and3A_787, %or3A_789 : vector<16xi32>
      %bitcast_convert_type3A_791 = tpu.bitcast %or3A_790 : vector<16xi32> -> vector<16xf32>
      %gt3A_792 = arith.constant 1.41421354 : f32
      %gt3A_793 = vector.broadcast %gt3A_792 : f32 to vector<16xf32>
      %gt3A_794 = arith.cmpf ogt, %bitcast_convert_type3A_791, %gt3A_793 : vector<16xf32>
      %convert_element_type3A_795 = arith.extui %gt3A_794 : vector<16xi1> to vector<16xi32>
      %add3A_796 = arith.addi %sub3A_784, %convert_element_type3A_795 : vector<16xi32>
      %mul3A_797 = arith.constant 5.000000e-01 : f32
      %mul3A_798 = vector.broadcast %mul3A_797 : f32 to vector<16xf32>
      %mul3A_799 = arith.mulf %bitcast_convert_type3A_791, %mul3A_798 : vector<16xf32>
      %select_n3A_800 = arith.select %gt3A_794, %mul3A_799, %bitcast_convert_type3A_791 : vector<16xi1>, vector<16xf32>
      %sub3A_801 = arith.constant 1.000000e+00 : f32
      %sub3A_802 = vector.broadcast %sub3A_801 : f32 to vector<16xf32>
      %sub3A_803 = arith.subf %select_n3A_800, %sub3A_802 : vector<16xf32>
      %add3A_804 = arith.constant 1.000000e+00 : f32
      %add3A_805 = vector.broadcast %add3A_804 : f32 to vector<16xf32>
      %add3A_806 = arith.addf %select_n3A_800, %add3A_805 : vector<16xf32>
      %div3A_807 = arith.divf %sub3A_803, %add3A_806 : vector<16xf32>
      %mul3A_808 = arith.mulf %div3A_807, %div3A_807 : vector<16xf32>
      %mul3A_809 = arith.constant 0.222222224 : f32
      %mul3A_810 = vector.broadcast %mul3A_809 : f32 to vector<16xf32>
      %mul3A_811 = arith.mulf %mul3A_808, %mul3A_810 : vector<16xf32>
      %add3A_812 = arith.constant 0.285714298 : f32
      %add3A_813 = vector.broadcast %add3A_812 : f32 to vector<16xf32>
      %add3A_814 = arith.addf %add3A_813, %mul3A_811 : vector<16xf32>
      %mul3A_815 = arith.mulf %mul3A_808, %add3A_814 : vector<16xf32>
      %add3A_816 = arith.constant 4.000000e-01 : f32
      %add3A_817 = vector.broadcast %add3A_816 : f32 to vector<16xf32>
      %add3A_818 = arith.addf %add3A_817, %mul3A_815 : vector<16xf32>
      %mul3A_819 = arith.mulf %mul3A_808, %add3A_818 : vector<16xf32>
      %add3A_820 = arith.constant 0.666666686 : f32
      %add3A_821 = vector.broadcast %add3A_820 : f32 to vector<16xf32>
      %add3A_822 = arith.addf %add3A_821, %mul3A_819 : vector<16xf32>
      %mul3A_823 = arith.mulf %mul3A_808, %add3A_822 : vector<16xf32>
      %add3A_824 = arith.constant 2.000000e+00 : f32
      %add3A_825 = vector.broadcast %add3A_824 : f32 to vector<16xf32>
      %add3A_826 = arith.addf %add3A_825, %mul3A_823 : vector<16xf32>
      %convert_element_type3A_827 = arith.sitofp %add3A_796 : vector<16xi32> to vector<16xf32>
      %mul3A_828 = arith.constant 0.693147182 : f32
      %mul3A_829 = vector.broadcast %mul3A_828 : f32 to vector<16xf32>
      %mul3A_830 = arith.mulf %convert_element_type3A_827, %mul3A_829 : vector<16xf32>
      %mul3A_831 = arith.mulf %div3A_807, %add3A_826 : vector<16xf32>
      %add3A_832 = arith.addf %mul3A_830, %mul3A_831 : vector<16xf32>
      %neg3A_833 = arith.constant 0.000000e+00 : f32
      %neg3A_834 = vector.broadcast %neg3A_833 : f32 to vector<16xf32>
      %neg3A_835 = arith.subf %neg3A_834, %add3A_832 : vector<16xf32>
      %jit3A_836 = arith.constant 0.000000e+00 : f32
      %broadcast_in_dim3A_837 = vector.broadcast %jit3A_836 : f32 to vector<16xf32>
      %select_n3A_838 = arith.select %eq3A_638, %neg3A_835, %broadcast_in_dim3A_837 : vector<16xi1>, vector<16xf32>
      %add3A_839 = arith.addf %add3A_565, %select_n3A_838 : vector<16xf32>
      %jit3A_840 = arith.constant 1.000000e+00 : f32
      %jit3A_841 = arith.constant 0.000000e+00 : f32
      %broadcast_in_dim3A_842 = vector.broadcast %jit3A_840 : f32 to vector<16xf32>
      %broadcast_in_dim3A_843 = vector.broadcast %jit3A_841 : f32 to vector<16xf32>
      %select_n3A_844 = arith.select %eq3A_638, %broadcast_in_dim3A_842, %broadcast_in_dim3A_843 : vector<16xi1>, vector<16xf32>
      %add3A_845 = arith.addf %add3A_571, %select_n3A_844 : vector<16xf32>
      %add3A_846 = arith.constant 16 : i32
      %add3A_847 = vector.broadcast %add3A_846 : i32 to vector<16xi32>
      %add3A_848 = arith.addi %add3A_847, %iota3A : vector<16xi32>
      %add3A_849 = arith.constant 48 : i32
      %add3A_850 = vector.broadcast %add3A_849 : i32 to vector<16xi32>
      %add3A_851 = arith.addi %add3A_850, %iota3A : vector<16xi32>
      %gather3A_852 = tpu.vector_load_idx %arg14[%broadcast_in_dim3A_618, %add3A_851] : memref<8x64xi32, #tpu.memory_space<vmem>>[vector<16xi32>, vector<16xi32>], vector<16xi32>,
      %gather3A_853 = tpu.vector_load_idx %arg15[%broadcast_in_dim3A_618, %add3A_851] : memref<8x64xi32, #tpu.memory_space<vmem>>[vector<16xi32>, vector<16xi32>], vector<16xi32>,
      %gather3A_854 = tpu.vector_load_idx %arg16[%broadcast_in_dim3A_618, %add3A_851] : memref<8x64xi32, #tpu.memory_space<vmem>>[vector<16xi32>, vector<16xi32>], vector<16xi32>,
      %gather3A_855 = tpu.vector_load_idx %arg21[%add3A_848, %gather3A_852] : memref<32x256xf32, #tpu.memory_space<vmem>>[vector<16xi32>, vector<16xi32>], vector<16xf32>,
      %gather3A_856 = tpu.vector_load_idx %arg22[%add3A_848, %gather3A_853] : memref<32x512xf32, #tpu.memory_space<vmem>>[vector<16xi32>, vector<16xi32>], vector<16xf32>,
      %gather3A_857 = tpu.vector_load_idx %arg23[%add3A_848, %gather3A_854] : memref<32x512xf32, #tpu.memory_space<vmem>>[vector<16xi32>, vector<16xi32>], vector<16xf32>,
      %gather3A_858 = tpu.vector_load_idx %arg12[%broadcast_in_dim3A_618, %add3A_851] : memref<8x64xi32, #tpu.memory_space<vmem>>[vector<16xi32>, vector<16xi32>], vector<16xi32>,
      %eq3A_859 = arith.constant 1 : i32
      %eq3A_860 = vector.broadcast %eq3A_859 : i32 to vector<16xi32>
      %eq3A_861 = arith.cmpi eq, %gather3A_858, %eq3A_860 : vector<16xi32>
      %gather3A_862 = tpu.vector_load_idx %arg13[%broadcast_in_dim3A_618, %add3A_851] : memref<8x64xi32, #tpu.memory_space<vmem>>[vector<16xi32>, vector<16xi32>], vector<16xi32>,
      %eq3A_863 = arith.constant 1 : i32
      %eq3A_864 = vector.broadcast %eq3A_863 : i32 to vector<16xi32>
      %eq3A_865 = arith.cmpi eq, %gather3A_862, %eq3A_864 : vector<16xi32>
      %add3A_866 = arith.constant 9.99999974E-6 : f32
      %add3A_867 = vector.broadcast %add3A_866 : f32 to vector<16xf32>
      %add3A_868 = arith.addf %gather3A_855, %add3A_867 : vector<16xf32>
      %bitcast_convert_type3A_869 = tpu.bitcast %add3A_868 : vector<16xf32> -> vector<16xi32>
      %shift_right_arithmetic3A_870 = arith.constant 23 : i32
      %shift_right_arithmetic3A_871 = vector.broadcast %shift_right_arithmetic3A_870 : i32 to vector<16xi32>
      %shift_right_arithmetic3A_872 = arith.shrsi %bitcast_convert_type3A_869, %shift_right_arithmetic3A_871 : vector<16xi32>
      %sub3A_873 = arith.constant 127 : i32
      %sub3A_874 = vector.broadcast %sub3A_873 : i32 to vector<16xi32>
      %sub3A_875 = arith.subi %shift_right_arithmetic3A_872, %sub3A_874 : vector<16xi32>
      %and3A_876 = arith.constant 8388607 : i32
      %and3A_877 = vector.broadcast %and3A_876 : i32 to vector<16xi32>
      %and3A_878 = arith.andi %bitcast_convert_type3A_869, %and3A_877 : vector<16xi32>
      %or3A_879 = arith.constant 1065353216 : i32
      %or3A_880 = vector.broadcast %or3A_879 : i32 to vector<16xi32>
      %or3A_881 = arith.ori %and3A_878, %or3A_880 : vector<16xi32>
      %bitcast_convert_type3A_882 = tpu.bitcast %or3A_881 : vector<16xi32> -> vector<16xf32>
      %gt3A_883 = arith.constant 1.41421354 : f32
      %gt3A_884 = vector.broadcast %gt3A_883 : f32 to vector<16xf32>
      %gt3A_885 = arith.cmpf ogt, %bitcast_convert_type3A_882, %gt3A_884 : vector<16xf32>
      %convert_element_type3A_886 = arith.extui %gt3A_885 : vector<16xi1> to vector<16xi32>
      %add3A_887 = arith.addi %sub3A_875, %convert_element_type3A_886 : vector<16xi32>
      %mul3A_888 = arith.constant 5.000000e-01 : f32
      %mul3A_889 = vector.broadcast %mul3A_888 : f32 to vector<16xf32>
      %mul3A_890 = arith.mulf %bitcast_convert_type3A_882, %mul3A_889 : vector<16xf32>
      %select_n3A_891 = arith.select %gt3A_885, %mul3A_890, %bitcast_convert_type3A_882 : vector<16xi1>, vector<16xf32>
      %sub3A_892 = arith.constant 1.000000e+00 : f32
      %sub3A_893 = vector.broadcast %sub3A_892 : f32 to vector<16xf32>
      %sub3A_894 = arith.subf %select_n3A_891, %sub3A_893 : vector<16xf32>
      %add3A_895 = arith.constant 1.000000e+00 : f32
      %add3A_896 = vector.broadcast %add3A_895 : f32 to vector<16xf32>
      %add3A_897 = arith.addf %select_n3A_891, %add3A_896 : vector<16xf32>
      %div3A_898 = arith.divf %sub3A_894, %add3A_897 : vector<16xf32>
      %mul3A_899 = arith.mulf %div3A_898, %div3A_898 : vector<16xf32>
      %mul3A_900 = arith.constant 0.222222224 : f32
      %mul3A_901 = vector.broadcast %mul3A_900 : f32 to vector<16xf32>
      %mul3A_902 = arith.mulf %mul3A_899, %mul3A_901 : vector<16xf32>
      %add3A_903 = arith.constant 0.285714298 : f32
      %add3A_904 = vector.broadcast %add3A_903 : f32 to vector<16xf32>
      %add3A_905 = arith.addf %add3A_904, %mul3A_902 : vector<16xf32>
      %mul3A_906 = arith.mulf %mul3A_899, %add3A_905 : vector<16xf32>
      %add3A_907 = arith.constant 4.000000e-01 : f32
      %add3A_908 = vector.broadcast %add3A_907 : f32 to vector<16xf32>
      %add3A_909 = arith.addf %add3A_908, %mul3A_906 : vector<16xf32>
      %mul3A_910 = arith.mulf %mul3A_899, %add3A_909 : vector<16xf32>
      %add3A_911 = arith.constant 0.666666686 : f32
      %add3A_912 = vector.broadcast %add3A_911 : f32 to vector<16xf32>
      %add3A_913 = arith.addf %add3A_912, %mul3A_910 : vector<16xf32>
      %mul3A_914 = arith.mulf %mul3A_899, %add3A_913 : vector<16xf32>
      %add3A_915 = arith.constant 2.000000e+00 : f32
      %add3A_916 = vector.broadcast %add3A_915 : f32 to vector<16xf32>
      %add3A_917 = arith.addf %add3A_916, %mul3A_914 : vector<16xf32>
      %convert_element_type3A_918 = arith.sitofp %add3A_887 : vector<16xi32> to vector<16xf32>
      %mul3A_919 = arith.constant 0.693147182 : f32
      %mul3A_920 = vector.broadcast %mul3A_919 : f32 to vector<16xf32>
      %mul3A_921 = arith.mulf %convert_element_type3A_918, %mul3A_920 : vector<16xf32>
      %mul3A_922 = arith.mulf %div3A_898, %add3A_917 : vector<16xf32>
      %add3A_923 = arith.addf %mul3A_921, %mul3A_922 : vector<16xf32>
      %neg3A_924 = arith.constant 0.000000e+00 : f32
      %neg3A_925 = vector.broadcast %neg3A_924 : f32 to vector<16xf32>
      %neg3A_926 = arith.subf %neg3A_925, %add3A_923 : vector<16xf32>
      %jit3A_927 = arith.constant 0.000000e+00 : f32
      %broadcast_in_dim3A_928 = vector.broadcast %jit3A_927 : f32 to vector<16xf32>
      %select_n3A_929 = arith.select %eq3A_861, %neg3A_926, %broadcast_in_dim3A_928 : vector<16xi1>, vector<16xf32>
      %add3A_930 = arith.addf %add3A_703, %select_n3A_929 : vector<16xf32>
      %jit3A_931 = arith.constant 1.000000e+00 : f32
      %jit3A_932 = arith.constant 0.000000e+00 : f32
      %broadcast_in_dim3A_933 = vector.broadcast %jit3A_931 : f32 to vector<16xf32>
      %broadcast_in_dim3A_934 = vector.broadcast %jit3A_932 : f32 to vector<16xf32>
      %select_n3A_935 = arith.select %eq3A_861, %broadcast_in_dim3A_933, %broadcast_in_dim3A_934 : vector<16xi1>, vector<16xf32>
      %add3A_936 = arith.addf %add3A_709, %select_n3A_935 : vector<16xf32>
      %add3A_937 = arith.constant 9.99999974E-6 : f32
      %add3A_938 = vector.broadcast %add3A_937 : f32 to vector<16xf32>
      %add3A_939 = arith.addf %gather3A_856, %add3A_938 : vector<16xf32>
      %bitcast_convert_type3A_940 = tpu.bitcast %add3A_939 : vector<16xf32> -> vector<16xi32>
      %shift_right_arithmetic3A_941 = arith.constant 23 : i32
      %shift_right_arithmetic3A_942 = vector.broadcast %shift_right_arithmetic3A_941 : i32 to vector<16xi32>
      %shift_right_arithmetic3A_943 = arith.shrsi %bitcast_convert_type3A_940, %shift_right_arithmetic3A_942 : vector<16xi32>
      %sub3A_944 = arith.constant 127 : i32
      %sub3A_945 = vector.broadcast %sub3A_944 : i32 to vector<16xi32>
      %sub3A_946 = arith.subi %shift_right_arithmetic3A_943, %sub3A_945 : vector<16xi32>
      %and3A_947 = arith.constant 8388607 : i32
      %and3A_948 = vector.broadcast %and3A_947 : i32 to vector<16xi32>
      %and3A_949 = arith.andi %bitcast_convert_type3A_940, %and3A_948 : vector<16xi32>
      %or3A_950 = arith.constant 1065353216 : i32
      %or3A_951 = vector.broadcast %or3A_950 : i32 to vector<16xi32>
      %or3A_952 = arith.ori %and3A_949, %or3A_951 : vector<16xi32>
      %bitcast_convert_type3A_953 = tpu.bitcast %or3A_952 : vector<16xi32> -> vector<16xf32>
      %gt3A_954 = arith.constant 1.41421354 : f32
      %gt3A_955 = vector.broadcast %gt3A_954 : f32 to vector<16xf32>
      %gt3A_956 = arith.cmpf ogt, %bitcast_convert_type3A_953, %gt3A_955 : vector<16xf32>
      %convert_element_type3A_957 = arith.extui %gt3A_956 : vector<16xi1> to vector<16xi32>
      %add3A_958 = arith.addi %sub3A_946, %convert_element_type3A_957 : vector<16xi32>
      %mul3A_959 = arith.constant 5.000000e-01 : f32
      %mul3A_960 = vector.broadcast %mul3A_959 : f32 to vector<16xf32>
      %mul3A_961 = arith.mulf %bitcast_convert_type3A_953, %mul3A_960 : vector<16xf32>
      %select_n3A_962 = arith.select %gt3A_956, %mul3A_961, %bitcast_convert_type3A_953 : vector<16xi1>, vector<16xf32>
      %sub3A_963 = arith.constant 1.000000e+00 : f32
      %sub3A_964 = vector.broadcast %sub3A_963 : f32 to vector<16xf32>
      %sub3A_965 = arith.subf %select_n3A_962, %sub3A_964 : vector<16xf32>
      %add3A_966 = arith.constant 1.000000e+00 : f32
      %add3A_967 = vector.broadcast %add3A_966 : f32 to vector<16xf32>
      %add3A_968 = arith.addf %select_n3A_962, %add3A_967 : vector<16xf32>
      %div3A_969 = arith.divf %sub3A_965, %add3A_968 : vector<16xf32>
      %mul3A_970 = arith.mulf %div3A_969, %div3A_969 : vector<16xf32>
      %mul3A_971 = arith.constant 0.222222224 : f32
      %mul3A_972 = vector.broadcast %mul3A_971 : f32 to vector<16xf32>
      %mul3A_973 = arith.mulf %mul3A_970, %mul3A_972 : vector<16xf32>
      %add3A_974 = arith.constant 0.285714298 : f32
      %add3A_975 = vector.broadcast %add3A_974 : f32 to vector<16xf32>
      %add3A_976 = arith.addf %add3A_975, %mul3A_973 : vector<16xf32>
      %mul3A_977 = arith.mulf %mul3A_970, %add3A_976 : vector<16xf32>
      %add3A_978 = arith.constant 4.000000e-01 : f32
      %add3A_979 = vector.broadcast %add3A_978 : f32 to vector<16xf32>
      %add3A_980 = arith.addf %add3A_979, %mul3A_977 : vector<16xf32>
      %mul3A_981 = arith.mulf %mul3A_970, %add3A_980 : vector<16xf32>
      %add3A_982 = arith.constant 0.666666686 : f32
      %add3A_983 = vector.broadcast %add3A_982 : f32 to vector<16xf32>
      %add3A_984 = arith.addf %add3A_983, %mul3A_981 : vector<16xf32>
      %mul3A_985 = arith.mulf %mul3A_970, %add3A_984 : vector<16xf32>
      %add3A_986 = arith.constant 2.000000e+00 : f32
      %add3A_987 = vector.broadcast %add3A_986 : f32 to vector<16xf32>
      %add3A_988 = arith.addf %add3A_987, %mul3A_985 : vector<16xf32>
      %convert_element_type3A_989 = arith.sitofp %add3A_958 : vector<16xi32> to vector<16xf32>
      %mul3A_990 = arith.constant 0.693147182 : f32
      %mul3A_991 = vector.broadcast %mul3A_990 : f32 to vector<16xf32>
      %mul3A_992 = arith.mulf %convert_element_type3A_989, %mul3A_991 : vector<16xf32>
      %mul3A_993 = arith.mulf %div3A_969, %add3A_988 : vector<16xf32>
      %add3A_994 = arith.addf %mul3A_992, %mul3A_993 : vector<16xf32>
      %neg3A_995 = arith.constant 0.000000e+00 : f32
      %neg3A_996 = vector.broadcast %neg3A_995 : f32 to vector<16xf32>
      %neg3A_997 = arith.subf %neg3A_996, %add3A_994 : vector<16xf32>
      %jit3A_998 = arith.constant 0.000000e+00 : f32
      %broadcast_in_dim3A_999 = vector.broadcast %jit3A_998 : f32 to vector<16xf32>
      %select_n3A_1000 = arith.select %eq3A_865, %neg3A_997, %broadcast_in_dim3A_999 : vector<16xi1>, vector<16xf32>
      %add3A_1001 = arith.addf %add3A_774, %select_n3A_1000 : vector<16xf32>
      %add3A_1002 = arith.constant 9.99999974E-6 : f32
      %add3A_1003 = vector.broadcast %add3A_1002 : f32 to vector<16xf32>
      %add3A_1004 = arith.addf %gather3A_857, %add3A_1003 : vector<16xf32>
      %bitcast_convert_type3A_1005 = tpu.bitcast %add3A_1004 : vector<16xf32> -> vector<16xi32>
      %shift_right_arithmetic3A_1006 = arith.constant 23 : i32
      %shift_right_arithmetic3A_1007 = vector.broadcast %shift_right_arithmetic3A_1006 : i32 to vector<16xi32>
      %shift_right_arithmetic3A_1008 = arith.shrsi %bitcast_convert_type3A_1005, %shift_right_arithmetic3A_1007 : vector<16xi32>
      %sub3A_1009 = arith.constant 127 : i32
      %sub3A_1010 = vector.broadcast %sub3A_1009 : i32 to vector<16xi32>
      %sub3A_1011 = arith.subi %shift_right_arithmetic3A_1008, %sub3A_1010 : vector<16xi32>
      %and3A_1012 = arith.constant 8388607 : i32
      %and3A_1013 = vector.broadcast %and3A_1012 : i32 to vector<16xi32>
      %and3A_1014 = arith.andi %bitcast_convert_type3A_1005, %and3A_1013 : vector<16xi32>
      %or3A_1015 = arith.constant 1065353216 : i32
      %or3A_1016 = vector.broadcast %or3A_1015 : i32 to vector<16xi32>
      %or3A_1017 = arith.ori %and3A_1014, %or3A_1016 : vector<16xi32>
      %bitcast_convert_type3A_1018 = tpu.bitcast %or3A_1017 : vector<16xi32> -> vector<16xf32>
      %gt3A_1019 = arith.constant 1.41421354 : f32
      %gt3A_1020 = vector.broadcast %gt3A_1019 : f32 to vector<16xf32>
      %gt3A_1021 = arith.cmpf ogt, %bitcast_convert_type3A_1018, %gt3A_1020 : vector<16xf32>
      %convert_element_type3A_1022 = arith.extui %gt3A_1021 : vector<16xi1> to vector<16xi32>
      %add3A_1023 = arith.addi %sub3A_1011, %convert_element_type3A_1022 : vector<16xi32>
      %mul3A_1024 = arith.constant 5.000000e-01 : f32
      %mul3A_1025 = vector.broadcast %mul3A_1024 : f32 to vector<16xf32>
      %mul3A_1026 = arith.mulf %bitcast_convert_type3A_1018, %mul3A_1025 : vector<16xf32>
      %select_n3A_1027 = arith.select %gt3A_1021, %mul3A_1026, %bitcast_convert_type3A_1018 : vector<16xi1>, vector<16xf32>
      %sub3A_1028 = arith.constant 1.000000e+00 : f32
      %sub3A_1029 = vector.broadcast %sub3A_1028 : f32 to vector<16xf32>
      %sub3A_1030 = arith.subf %select_n3A_1027, %sub3A_1029 : vector<16xf32>
      %add3A_1031 = arith.constant 1.000000e+00 : f32
      %add3A_1032 = vector.broadcast %add3A_1031 : f32 to vector<16xf32>
      %add3A_1033 = arith.addf %select_n3A_1027, %add3A_1032 : vector<16xf32>
      %div3A_1034 = arith.divf %sub3A_1030, %add3A_1033 : vector<16xf32>
      %mul3A_1035 = arith.mulf %div3A_1034, %div3A_1034 : vector<16xf32>
      %mul3A_1036 = arith.constant 0.222222224 : f32
      %mul3A_1037 = vector.broadcast %mul3A_1036 : f32 to vector<16xf32>
      %mul3A_1038 = arith.mulf %mul3A_1035, %mul3A_1037 : vector<16xf32>
      %add3A_1039 = arith.constant 0.285714298 : f32
      %add3A_1040 = vector.broadcast %add3A_1039 : f32 to vector<16xf32>
      %add3A_1041 = arith.addf %add3A_1040, %mul3A_1038 : vector<16xf32>
      %mul3A_1042 = arith.mulf %mul3A_1035, %add3A_1041 : vector<16xf32>
      %add3A_1043 = arith.constant 4.000000e-01 : f32
      %add3A_1044 = vector.broadcast %add3A_1043 : f32 to vector<16xf32>
      %add3A_1045 = arith.addf %add3A_1044, %mul3A_1042 : vector<16xf32>
      %mul3A_1046 = arith.mulf %mul3A_1035, %add3A_1045 : vector<16xf32>
      %add3A_1047 = arith.constant 0.666666686 : f32
      %add3A_1048 = vector.broadcast %add3A_1047 : f32 to vector<16xf32>
      %add3A_1049 = arith.addf %add3A_1048, %mul3A_1046 : vector<16xf32>
      %mul3A_1050 = arith.mulf %mul3A_1035, %add3A_1049 : vector<16xf32>
      %add3A_1051 = arith.constant 2.000000e+00 : f32
      %add3A_1052 = vector.broadcast %add3A_1051 : f32 to vector<16xf32>
      %add3A_1053 = arith.addf %add3A_1052, %mul3A_1050 : vector<16xf32>
      %convert_element_type3A_1054 = arith.sitofp %add3A_1023 : vector<16xi32> to vector<16xf32>
      %mul3A_1055 = arith.constant 0.693147182 : f32
      %mul3A_1056 = vector.broadcast %mul3A_1055 : f32 to vector<16xf32>
      %mul3A_1057 = arith.mulf %convert_element_type3A_1054, %mul3A_1056 : vector<16xf32>
      %mul3A_1058 = arith.mulf %div3A_1034, %add3A_1053 : vector<16xf32>
      %add3A_1059 = arith.addf %mul3A_1057, %mul3A_1058 : vector<16xf32>
      %neg3A_1060 = arith.constant 0.000000e+00 : f32
      %neg3A_1061 = vector.broadcast %neg3A_1060 : f32 to vector<16xf32>
      %neg3A_1062 = arith.subf %neg3A_1061, %add3A_1059 : vector<16xf32>
      %jit3A_1063 = arith.constant 0.000000e+00 : f32
      %broadcast_in_dim3A_1064 = vector.broadcast %jit3A_1063 : f32 to vector<16xf32>
      %select_n3A_1065 = arith.select %eq3A_865, %neg3A_1062, %broadcast_in_dim3A_1064 : vector<16xi1>, vector<16xf32>
      %add3A_1066 = arith.addf %add3A_839, %select_n3A_1065 : vector<16xf32>
      %jit3A_1067 = arith.constant 1.000000e+00 : f32
      %jit3A_1068 = arith.constant 0.000000e+00 : f32
      %broadcast_in_dim3A_1069 = vector.broadcast %jit3A_1067 : f32 to vector<16xf32>
      %broadcast_in_dim3A_1070 = vector.broadcast %jit3A_1068 : f32 to vector<16xf32>
      %select_n3A_1071 = arith.select %eq3A_865, %broadcast_in_dim3A_1069, %broadcast_in_dim3A_1070 : vector<16xi1>, vector<16xf32>
      %add3A_1072 = arith.addf %add3A_845, %select_n3A_1071 : vector<16xf32>
      %dma_wait3A_1073 = arith.constant 0 : i32
      %dma_wait3A_1074 = tpu.memref_slice %arg17[%add3A_594, %dma_wait3A_1073] : memref<8x64xi32, #tpu.memory_space<vmem>> -> memref<1x32xi32, #tpu.memory_space<vmem>>
      %dma_wait3A_1075 = tpu.memref_squeeze %dma_wait3A_1074 : memref<1x32xi32, #tpu.memory_space<vmem>> -> memref<32xi32, #tpu.memory_space<vmem>>
      %dma_wait3A_1076 = tpu.memref_reshape %arg8 : memref<30x1920x256xf32, #tpu.memory_space<hbm>> -> memref<57600x256xf32, #tpu.memory_space<hbm>>
      %dma_wait3A_1077 = arith.constant 0 : i32
      %dma_wait3A_1078 = arith.constant 0 : i32
      %dma_wait3A_1079 = tpu.memref_slice %dma_wait3A_1076[%dma_wait3A_1077, %dma_wait3A_1078] : memref<57600x256xf32, #tpu.memory_space<hbm>> -> memref<57600x256xf32, #tpu.memory_space<hbm>>
      tpu.wait_indirect_dma semaphore(%arg29 : memref<!tpu.dma_semaphore, #tpu.memory_space<semaphore_mem>>) src(%dma_wait3A_1079 : memref<57600x256xf32, #tpu.memory_space<hbm>>) dst(%arg18 : memref<32x256xf32, #tpu.memory_space<vmem>>)
      %dma_wait3A_1080 = arith.constant 0 : i32
      %dma_wait3A_1081 = tpu.memref_slice %arg17[%add3A_594, %dma_wait3A_1080] : memref<8x64xi32, #tpu.memory_space<vmem>> -> memref<1x32xi32, #tpu.memory_space<vmem>>
      %dma_wait3A_1082 = tpu.memref_squeeze %dma_wait3A_1081 : memref<1x32xi32, #tpu.memory_space<vmem>> -> memref<32xi32, #tpu.memory_space<vmem>>
      %dma_wait3A_1083 = tpu.memref_reshape %arg9 : memref<30x1920x512xf32, #tpu.memory_space<hbm>> -> memref<57600x512xf32, #tpu.memory_space<hbm>>
      %dma_wait3A_1084 = arith.constant 0 : i32
      %dma_wait3A_1085 = arith.constant 0 : i32
      %dma_wait3A_1086 = tpu.memref_slice %dma_wait3A_1083[%dma_wait3A_1084, %dma_wait3A_1085] : memref<57600x512xf32, #tpu.memory_space<hbm>> -> memref<57600x512xf32, #tpu.memory_space<hbm>>
      tpu.wait_indirect_dma semaphore(%arg29 : memref<!tpu.dma_semaphore, #tpu.memory_space<semaphore_mem>>) src(%dma_wait3A_1086 : memref<57600x512xf32, #tpu.memory_space<hbm>>) dst(%arg19 : memref<32x512xf32, #tpu.memory_space<vmem>>)
      %dma_wait3A_1087 = arith.constant 0 : i32
      %dma_wait3A_1088 = tpu.memref_slice %arg17[%add3A_594, %dma_wait3A_1087] : memref<8x64xi32, #tpu.memory_space<vmem>> -> memref<1x32xi32, #tpu.memory_space<vmem>>
      %dma_wait3A_1089 = tpu.memref_squeeze %dma_wait3A_1088 : memref<1x32xi32, #tpu.memory_space<vmem>> -> memref<32xi32, #tpu.memory_space<vmem>>
      %dma_wait3A_1090 = tpu.memref_reshape %arg10 : memref<30x1920x512xf32, #tpu.memory_space<hbm>> -> memref<57600x512xf32, #tpu.memory_space<hbm>>
      %dma_wait3A_1091 = arith.constant 0 : i32
      %dma_wait3A_1092 = arith.constant 0 : i32
      %dma_wait3A_1093 = tpu.memref_slice %dma_wait3A_1090[%dma_wait3A_1091, %dma_wait3A_1092] : memref<57600x512xf32, #tpu.memory_space<hbm>> -> memref<57600x512xf32, #tpu.memory_space<hbm>>
      tpu.wait_indirect_dma semaphore(%arg29 : memref<!tpu.dma_semaphore, #tpu.memory_space<semaphore_mem>>) src(%dma_wait3A_1093 : memref<57600x512xf32, #tpu.memory_space<hbm>>) dst(%arg20 : memref<32x512xf32, #tpu.memory_space<vmem>>)
      %add3A_1094 = arith.constant 1 : i32
      %add3A_1095 = arith.addi %and3A_11, %add3A_1094 : i32
      %dma_start3A_1096 = arith.constant 32 : i32
      %dma_start3A_1097 = tpu.memref_slice %arg17[%add3A_1095, %dma_start3A_1096] : memref<8x64xi32, #tpu.memory_space<vmem>> -> memref<1x32xi32, #tpu.memory_space<vmem>>
      %dma_start3A_1098 = tpu.memref_squeeze %dma_start3A_1097 : memref<1x32xi32, #tpu.memory_space<vmem>> -> memref<32xi32, #tpu.memory_space<vmem>>
      %dma_start3A_1099 = tpu.memref_reshape %arg8 : memref<30x1920x256xf32, #tpu.memory_space<hbm>> -> memref<57600x256xf32, #tpu.memory_space<hbm>>
      %dma_start3A_1100 = arith.constant 0 : i32
      %dma_start3A_1101 = arith.constant 0 : i32
      %dma_start3A_1102 = tpu.memref_slice %dma_start3A_1099[%dma_start3A_1100, %dma_start3A_1101] : memref<57600x256xf32, #tpu.memory_space<hbm>> -> memref<57600x256xf32, #tpu.memory_space<hbm>>
      tpu.enqueue_indirect_dma source(%dma_start3A_1102 : memref<57600x256xf32, #tpu.memory_space<hbm>>) target(%arg21 : memref<32x256xf32, #tpu.memory_space<vmem>>) offsets(%dma_start3A_1098 : memref<32xi32, #tpu.memory_space<vmem>>) semaphore(%arg30 : memref<!tpu.dma_semaphore, #tpu.memory_space<semaphore_mem>>)
      %dma_start3A_1103 = arith.constant 32 : i32
      %dma_start3A_1104 = tpu.memref_slice %arg17[%add3A_1095, %dma_start3A_1103] : memref<8x64xi32, #tpu.memory_space<vmem>> -> memref<1x32xi32, #tpu.memory_space<vmem>>
      %dma_start3A_1105 = tpu.memref_squeeze %dma_start3A_1104 : memref<1x32xi32, #tpu.memory_space<vmem>> -> memref<32xi32, #tpu.memory_space<vmem>>
      %dma_start3A_1106 = tpu.memref_reshape %arg9 : memref<30x1920x512xf32, #tpu.memory_space<hbm>> -> memref<57600x512xf32, #tpu.memory_space<hbm>>
      %dma_start3A_1107 = arith.constant 0 : i32
      %dma_start3A_1108 = arith.constant 0 : i32
      %dma_start3A_1109 = tpu.memref_slice %dma_start3A_1106[%dma_start3A_1107, %dma_start3A_1108] : memref<57600x512xf32, #tpu.memory_space<hbm>> -> memref<57600x512xf32, #tpu.memory_space<hbm>>
      tpu.enqueue_indirect_dma source(%dma_start3A_1109 : memref<57600x512xf32, #tpu.memory_space<hbm>>) target(%arg22 : memref<32x512xf32, #tpu.memory_space<vmem>>) offsets(%dma_start3A_1105 : memref<32xi32, #tpu.memory_space<vmem>>) semaphore(%arg30 : memref<!tpu.dma_semaphore, #tpu.memory_space<semaphore_mem>>)
      %dma_start3A_1110 = arith.constant 32 : i32
      %dma_start3A_1111 = tpu.memref_slice %arg17[%add3A_1095, %dma_start3A_1110] : memref<8x64xi32, #tpu.memory_space<vmem>> -> memref<1x32xi32, #tpu.memory_space<vmem>>
      %dma_start3A_1112 = tpu.memref_squeeze %dma_start3A_1111 : memref<1x32xi32, #tpu.memory_space<vmem>> -> memref<32xi32, #tpu.memory_space<vmem>>
      %dma_start3A_1113 = tpu.memref_reshape %arg10 : memref<30x1920x512xf32, #tpu.memory_space<hbm>> -> memref<57600x512xf32, #tpu.memory_space<hbm>>
      %dma_start3A_1114 = arith.constant 0 : i32
      %dma_start3A_1115 = arith.constant 0 : i32
      %dma_start3A_1116 = tpu.memref_slice %dma_start3A_1113[%dma_start3A_1114, %dma_start3A_1115] : memref<57600x512xf32, #tpu.memory_space<hbm>> -> memref<57600x512xf32, #tpu.memory_space<hbm>>
      tpu.enqueue_indirect_dma source(%dma_start3A_1116 : memref<57600x512xf32, #tpu.memory_space<hbm>>) target(%arg23 : memref<32x512xf32, #tpu.memory_space<vmem>>) offsets(%dma_start3A_1112 : memref<32xi32, #tpu.memory_space<vmem>>) semaphore(%arg30 : memref<!tpu.dma_semaphore, #tpu.memory_space<semaphore_mem>>)
      %add3A_1117 = arith.constant 1 : i32
      %add3A_1118 = arith.addi %and3A_11, %add3A_1117 : i32
      %broadcast_in_dim3A_1119 = vector.broadcast %add3A_1118 : i32 to vector<16xi32>
      %add3A_1120 = arith.constant 0 : i32
      %add3A_1121 = vector.broadcast %add3A_1120 : i32 to vector<16xi32>
      %add3A_1122 = arith.addi %add3A_1121, %iota3A : vector<16xi32>
      %add3A_1123 = arith.constant 0 : i32
      %add3A_1124 = vector.broadcast %add3A_1123 : i32 to vector<16xi32>
      %add3A_1125 = arith.addi %add3A_1124, %iota3A : vector<16xi32>
      %gather3A_1126 = tpu.vector_load_idx %arg14[%broadcast_in_dim3A_1119, %add3A_1125] : memref<8x64xi32, #tpu.memory_space<vmem>>[vector<16xi32>, vector<16xi32>], vector<16xi32>,
      %gather3A_1127 = tpu.vector_load_idx %arg15[%broadcast_in_dim3A_1119, %add3A_1125] : memref<8x64xi32, #tpu.memory_space<vmem>>[vector<16xi32>, vector<16xi32>], vector<16xi32>,
      %gather3A_1128 = tpu.vector_load_idx %arg16[%broadcast_in_dim3A_1119, %add3A_1125] : memref<8x64xi32, #tpu.memory_space<vmem>>[vector<16xi32>, vector<16xi32>], vector<16xi32>,
      %gather3A_1129 = tpu.vector_load_idx %arg18[%add3A_1122, %gather3A_1126] : memref<32x256xf32, #tpu.memory_space<vmem>>[vector<16xi32>, vector<16xi32>], vector<16xf32>,
      %gather3A_1130 = tpu.vector_load_idx %arg19[%add3A_1122, %gather3A_1127] : memref<32x512xf32, #tpu.memory_space<vmem>>[vector<16xi32>, vector<16xi32>], vector<16xf32>,
      %gather3A_1131 = tpu.vector_load_idx %arg20[%add3A_1122, %gather3A_1128] : memref<32x512xf32, #tpu.memory_space<vmem>>[vector<16xi32>, vector<16xi32>], vector<16xf32>,
      %gather3A_1132 = tpu.vector_load_idx %arg12[%broadcast_in_dim3A_1119, %add3A_1125] : memref<8x64xi32, #tpu.memory_space<vmem>>[vector<16xi32>, vector<16xi32>], vector<16xi32>,
      %eq3A_1133 = arith.constant 1 : i32
      %eq3A_1134 = vector.broadcast %eq3A_1133 : i32 to vector<16xi32>
      %eq3A_1135 = arith.cmpi eq, %gather3A_1132, %eq3A_1134 : vector<16xi32>
      %gather3A_1136 = tpu.vector_load_idx %arg13[%broadcast_in_dim3A_1119, %add3A_1125] : memref<8x64xi32, #tpu.memory_space<vmem>>[vector<16xi32>, vector<16xi32>], vector<16xi32>,
      %eq3A_1137 = arith.constant 1 : i32
      %eq3A_1138 = vector.broadcast %eq3A_1137 : i32 to vector<16xi32>
      %eq3A_1139 = arith.cmpi eq, %gather3A_1136, %eq3A_1138 : vector<16xi32>
      %add3A_1140 = arith.constant 9.99999974E-6 : f32
      %add3A_1141 = vector.broadcast %add3A_1140 : f32 to vector<16xf32>
      %add3A_1142 = arith.addf %gather3A_1129, %add3A_1141 : vector<16xf32>
      %bitcast_convert_type3A_1143 = tpu.bitcast %add3A_1142 : vector<16xf32> -> vector<16xi32>
      %shift_right_arithmetic3A_1144 = arith.constant 23 : i32
      %shift_right_arithmetic3A_1145 = vector.broadcast %shift_right_arithmetic3A_1144 : i32 to vector<16xi32>
      %shift_right_arithmetic3A_1146 = arith.shrsi %bitcast_convert_type3A_1143, %shift_right_arithmetic3A_1145 : vector<16xi32>
      %sub3A_1147 = arith.constant 127 : i32
      %sub3A_1148 = vector.broadcast %sub3A_1147 : i32 to vector<16xi32>
      %sub3A_1149 = arith.subi %shift_right_arithmetic3A_1146, %sub3A_1148 : vector<16xi32>
      %and3A_1150 = arith.constant 8388607 : i32
      %and3A_1151 = vector.broadcast %and3A_1150 : i32 to vector<16xi32>
      %and3A_1152 = arith.andi %bitcast_convert_type3A_1143, %and3A_1151 : vector<16xi32>
      %or3A_1153 = arith.constant 1065353216 : i32
      %or3A_1154 = vector.broadcast %or3A_1153 : i32 to vector<16xi32>
      %or3A_1155 = arith.ori %and3A_1152, %or3A_1154 : vector<16xi32>
      %bitcast_convert_type3A_1156 = tpu.bitcast %or3A_1155 : vector<16xi32> -> vector<16xf32>
      %gt3A_1157 = arith.constant 1.41421354 : f32
      %gt3A_1158 = vector.broadcast %gt3A_1157 : f32 to vector<16xf32>
      %gt3A_1159 = arith.cmpf ogt, %bitcast_convert_type3A_1156, %gt3A_1158 : vector<16xf32>
      %convert_element_type3A_1160 = arith.extui %gt3A_1159 : vector<16xi1> to vector<16xi32>
      %add3A_1161 = arith.addi %sub3A_1149, %convert_element_type3A_1160 : vector<16xi32>
      %mul3A_1162 = arith.constant 5.000000e-01 : f32
      %mul3A_1163 = vector.broadcast %mul3A_1162 : f32 to vector<16xf32>
      %mul3A_1164 = arith.mulf %bitcast_convert_type3A_1156, %mul3A_1163 : vector<16xf32>
      %select_n3A_1165 = arith.select %gt3A_1159, %mul3A_1164, %bitcast_convert_type3A_1156 : vector<16xi1>, vector<16xf32>
      %sub3A_1166 = arith.constant 1.000000e+00 : f32
      %sub3A_1167 = vector.broadcast %sub3A_1166 : f32 to vector<16xf32>
      %sub3A_1168 = arith.subf %select_n3A_1165, %sub3A_1167 : vector<16xf32>
      %add3A_1169 = arith.constant 1.000000e+00 : f32
      %add3A_1170 = vector.broadcast %add3A_1169 : f32 to vector<16xf32>
      %add3A_1171 = arith.addf %select_n3A_1165, %add3A_1170 : vector<16xf32>
      %div3A_1172 = arith.divf %sub3A_1168, %add3A_1171 : vector<16xf32>
      %mul3A_1173 = arith.mulf %div3A_1172, %div3A_1172 : vector<16xf32>
      %mul3A_1174 = arith.constant 0.222222224 : f32
      %mul3A_1175 = vector.broadcast %mul3A_1174 : f32 to vector<16xf32>
      %mul3A_1176 = arith.mulf %mul3A_1173, %mul3A_1175 : vector<16xf32>
      %add3A_1177 = arith.constant 0.285714298 : f32
      %add3A_1178 = vector.broadcast %add3A_1177 : f32 to vector<16xf32>
      %add3A_1179 = arith.addf %add3A_1178, %mul3A_1176 : vector<16xf32>
      %mul3A_1180 = arith.mulf %mul3A_1173, %add3A_1179 : vector<16xf32>
      %add3A_1181 = arith.constant 4.000000e-01 : f32
      %add3A_1182 = vector.broadcast %add3A_1181 : f32 to vector<16xf32>
      %add3A_1183 = arith.addf %add3A_1182, %mul3A_1180 : vector<16xf32>
      %mul3A_1184 = arith.mulf %mul3A_1173, %add3A_1183 : vector<16xf32>
      %add3A_1185 = arith.constant 0.666666686 : f32
      %add3A_1186 = vector.broadcast %add3A_1185 : f32 to vector<16xf32>
      %add3A_1187 = arith.addf %add3A_1186, %mul3A_1184 : vector<16xf32>
      %mul3A_1188 = arith.mulf %mul3A_1173, %add3A_1187 : vector<16xf32>
      %add3A_1189 = arith.constant 2.000000e+00 : f32
      %add3A_1190 = vector.broadcast %add3A_1189 : f32 to vector<16xf32>
      %add3A_1191 = arith.addf %add3A_1190, %mul3A_1188 : vector<16xf32>
      %convert_element_type3A_1192 = arith.sitofp %add3A_1161 : vector<16xi32> to vector<16xf32>
      %mul3A_1193 = arith.constant 0.693147182 : f32
      %mul3A_1194 = vector.broadcast %mul3A_1193 : f32 to vector<16xf32>
      %mul3A_1195 = arith.mulf %convert_element_type3A_1192, %mul3A_1194 : vector<16xf32>
      %mul3A_1196 = arith.mulf %div3A_1172, %add3A_1191 : vector<16xf32>
      %add3A_1197 = arith.addf %mul3A_1195, %mul3A_1196 : vector<16xf32>
      %neg3A_1198 = arith.constant 0.000000e+00 : f32
      %neg3A_1199 = vector.broadcast %neg3A_1198 : f32 to vector<16xf32>
      %neg3A_1200 = arith.subf %neg3A_1199, %add3A_1197 : vector<16xf32>
      %jit3A_1201 = arith.constant 0.000000e+00 : f32
      %broadcast_in_dim3A_1202 = vector.broadcast %jit3A_1201 : f32 to vector<16xf32>
      %select_n3A_1203 = arith.select %eq3A_1135, %neg3A_1200, %broadcast_in_dim3A_1202 : vector<16xi1>, vector<16xf32>
      %add3A_1204 = arith.addf %add3A_930, %select_n3A_1203 : vector<16xf32>
      %jit3A_1205 = arith.constant 1.000000e+00 : f32
      %jit3A_1206 = arith.constant 0.000000e+00 : f32
      %broadcast_in_dim3A_1207 = vector.broadcast %jit3A_1205 : f32 to vector<16xf32>
      %broadcast_in_dim3A_1208 = vector.broadcast %jit3A_1206 : f32 to vector<16xf32>
      %select_n3A_1209 = arith.select %eq3A_1135, %broadcast_in_dim3A_1207, %broadcast_in_dim3A_1208 : vector<16xi1>, vector<16xf32>
      %add3A_1210 = arith.addf %add3A_936, %select_n3A_1209 : vector<16xf32>
      %add3A_1211 = arith.constant 9.99999974E-6 : f32
      %add3A_1212 = vector.broadcast %add3A_1211 : f32 to vector<16xf32>
      %add3A_1213 = arith.addf %gather3A_1130, %add3A_1212 : vector<16xf32>
      %bitcast_convert_type3A_1214 = tpu.bitcast %add3A_1213 : vector<16xf32> -> vector<16xi32>
      %shift_right_arithmetic3A_1215 = arith.constant 23 : i32
      %shift_right_arithmetic3A_1216 = vector.broadcast %shift_right_arithmetic3A_1215 : i32 to vector<16xi32>
      %shift_right_arithmetic3A_1217 = arith.shrsi %bitcast_convert_type3A_1214, %shift_right_arithmetic3A_1216 : vector<16xi32>
      %sub3A_1218 = arith.constant 127 : i32
      %sub3A_1219 = vector.broadcast %sub3A_1218 : i32 to vector<16xi32>
      %sub3A_1220 = arith.subi %shift_right_arithmetic3A_1217, %sub3A_1219 : vector<16xi32>
      %and3A_1221 = arith.constant 8388607 : i32
      %and3A_1222 = vector.broadcast %and3A_1221 : i32 to vector<16xi32>
      %and3A_1223 = arith.andi %bitcast_convert_type3A_1214, %and3A_1222 : vector<16xi32>
      %or3A_1224 = arith.constant 1065353216 : i32
      %or3A_1225 = vector.broadcast %or3A_1224 : i32 to vector<16xi32>
      %or3A_1226 = arith.ori %and3A_1223, %or3A_1225 : vector<16xi32>
      %bitcast_convert_type3A_1227 = tpu.bitcast %or3A_1226 : vector<16xi32> -> vector<16xf32>
      %gt3A_1228 = arith.constant 1.41421354 : f32
      %gt3A_1229 = vector.broadcast %gt3A_1228 : f32 to vector<16xf32>
      %gt3A_1230 = arith.cmpf ogt, %bitcast_convert_type3A_1227, %gt3A_1229 : vector<16xf32>
      %convert_element_type3A_1231 = arith.extui %gt3A_1230 : vector<16xi1> to vector<16xi32>
      %add3A_1232 = arith.addi %sub3A_1220, %convert_element_type3A_1231 : vector<16xi32>
      %mul3A_1233 = arith.constant 5.000000e-01 : f32
      %mul3A_1234 = vector.broadcast %mul3A_1233 : f32 to vector<16xf32>
      %mul3A_1235 = arith.mulf %bitcast_convert_type3A_1227, %mul3A_1234 : vector<16xf32>
      %select_n3A_1236 = arith.select %gt3A_1230, %mul3A_1235, %bitcast_convert_type3A_1227 : vector<16xi1>, vector<16xf32>
      %sub3A_1237 = arith.constant 1.000000e+00 : f32
      %sub3A_1238 = vector.broadcast %sub3A_1237 : f32 to vector<16xf32>
      %sub3A_1239 = arith.subf %select_n3A_1236, %sub3A_1238 : vector<16xf32>
      %add3A_1240 = arith.constant 1.000000e+00 : f32
      %add3A_1241 = vector.broadcast %add3A_1240 : f32 to vector<16xf32>
      %add3A_1242 = arith.addf %select_n3A_1236, %add3A_1241 : vector<16xf32>
      %div3A_1243 = arith.divf %sub3A_1239, %add3A_1242 : vector<16xf32>
      %mul3A_1244 = arith.mulf %div3A_1243, %div3A_1243 : vector<16xf32>
      %mul3A_1245 = arith.constant 0.222222224 : f32
      %mul3A_1246 = vector.broadcast %mul3A_1245 : f32 to vector<16xf32>
      %mul3A_1247 = arith.mulf %mul3A_1244, %mul3A_1246 : vector<16xf32>
      %add3A_1248 = arith.constant 0.285714298 : f32
      %add3A_1249 = vector.broadcast %add3A_1248 : f32 to vector<16xf32>
      %add3A_1250 = arith.addf %add3A_1249, %mul3A_1247 : vector<16xf32>
      %mul3A_1251 = arith.mulf %mul3A_1244, %add3A_1250 : vector<16xf32>
      %add3A_1252 = arith.constant 4.000000e-01 : f32
      %add3A_1253 = vector.broadcast %add3A_1252 : f32 to vector<16xf32>
      %add3A_1254 = arith.addf %add3A_1253, %mul3A_1251 : vector<16xf32>
      %mul3A_1255 = arith.mulf %mul3A_1244, %add3A_1254 : vector<16xf32>
      %add3A_1256 = arith.constant 0.666666686 : f32
      %add3A_1257 = vector.broadcast %add3A_1256 : f32 to vector<16xf32>
      %add3A_1258 = arith.addf %add3A_1257, %mul3A_1255 : vector<16xf32>
      %mul3A_1259 = arith.mulf %mul3A_1244, %add3A_1258 : vector<16xf32>
      %add3A_1260 = arith.constant 2.000000e+00 : f32
      %add3A_1261 = vector.broadcast %add3A_1260 : f32 to vector<16xf32>
      %add3A_1262 = arith.addf %add3A_1261, %mul3A_1259 : vector<16xf32>
      %convert_element_type3A_1263 = arith.sitofp %add3A_1232 : vector<16xi32> to vector<16xf32>
      %mul3A_1264 = arith.constant 0.693147182 : f32
      %mul3A_1265 = vector.broadcast %mul3A_1264 : f32 to vector<16xf32>
      %mul3A_1266 = arith.mulf %convert_element_type3A_1263, %mul3A_1265 : vector<16xf32>
      %mul3A_1267 = arith.mulf %div3A_1243, %add3A_1262 : vector<16xf32>
      %add3A_1268 = arith.addf %mul3A_1266, %mul3A_1267 : vector<16xf32>
      %neg3A_1269 = arith.constant 0.000000e+00 : f32
      %neg3A_1270 = vector.broadcast %neg3A_1269 : f32 to vector<16xf32>
      %neg3A_1271 = arith.subf %neg3A_1270, %add3A_1268 : vector<16xf32>
      %jit3A_1272 = arith.constant 0.000000e+00 : f32
      %broadcast_in_dim3A_1273 = vector.broadcast %jit3A_1272 : f32 to vector<16xf32>
      %select_n3A_1274 = arith.select %eq3A_1139, %neg3A_1271, %broadcast_in_dim3A_1273 : vector<16xi1>, vector<16xf32>
      %add3A_1275 = arith.addf %add3A_1001, %select_n3A_1274 : vector<16xf32>
      %add3A_1276 = arith.constant 9.99999974E-6 : f32
      %add3A_1277 = vector.broadcast %add3A_1276 : f32 to vector<16xf32>
      %add3A_1278 = arith.addf %gather3A_1131, %add3A_1277 : vector<16xf32>
      %bitcast_convert_type3A_1279 = tpu.bitcast %add3A_1278 : vector<16xf32> -> vector<16xi32>
      %shift_right_arithmetic3A_1280 = arith.constant 23 : i32
      %shift_right_arithmetic3A_1281 = vector.broadcast %shift_right_arithmetic3A_1280 : i32 to vector<16xi32>
      %shift_right_arithmetic3A_1282 = arith.shrsi %bitcast_convert_type3A_1279, %shift_right_arithmetic3A_1281 : vector<16xi32>
      %sub3A_1283 = arith.constant 127 : i32
      %sub3A_1284 = vector.broadcast %sub3A_1283 : i32 to vector<16xi32>
      %sub3A_1285 = arith.subi %shift_right_arithmetic3A_1282, %sub3A_1284 : vector<16xi32>
      %and3A_1286 = arith.constant 8388607 : i32
      %and3A_1287 = vector.broadcast %and3A_1286 : i32 to vector<16xi32>
      %and3A_1288 = arith.andi %bitcast_convert_type3A_1279, %and3A_1287 : vector<16xi32>
      %or3A_1289 = arith.constant 1065353216 : i32
      %or3A_1290 = vector.broadcast %or3A_1289 : i32 to vector<16xi32>
      %or3A_1291 = arith.ori %and3A_1288, %or3A_1290 : vector<16xi32>
      %bitcast_convert_type3A_1292 = tpu.bitcast %or3A_1291 : vector<16xi32> -> vector<16xf32>
      %gt3A_1293 = arith.constant 1.41421354 : f32
      %gt3A_1294 = vector.broadcast %gt3A_1293 : f32 to vector<16xf32>
      %gt3A_1295 = arith.cmpf ogt, %bitcast_convert_type3A_1292, %gt3A_1294 : vector<16xf32>
      %convert_element_type3A_1296 = arith.extui %gt3A_1295 : vector<16xi1> to vector<16xi32>
      %add3A_1297 = arith.addi %sub3A_1285, %convert_element_type3A_1296 : vector<16xi32>
      %mul3A_1298 = arith.constant 5.000000e-01 : f32
      %mul3A_1299 = vector.broadcast %mul3A_1298 : f32 to vector<16xf32>
      %mul3A_1300 = arith.mulf %bitcast_convert_type3A_1292, %mul3A_1299 : vector<16xf32>
      %select_n3A_1301 = arith.select %gt3A_1295, %mul3A_1300, %bitcast_convert_type3A_1292 : vector<16xi1>, vector<16xf32>
      %sub3A_1302 = arith.constant 1.000000e+00 : f32
      %sub3A_1303 = vector.broadcast %sub3A_1302 : f32 to vector<16xf32>
      %sub3A_1304 = arith.subf %select_n3A_1301, %sub3A_1303 : vector<16xf32>
      %add3A_1305 = arith.constant 1.000000e+00 : f32
      %add3A_1306 = vector.broadcast %add3A_1305 : f32 to vector<16xf32>
      %add3A_1307 = arith.addf %select_n3A_1301, %add3A_1306 : vector<16xf32>
      %div3A_1308 = arith.divf %sub3A_1304, %add3A_1307 : vector<16xf32>
      %mul3A_1309 = arith.mulf %div3A_1308, %div3A_1308 : vector<16xf32>
      %mul3A_1310 = arith.constant 0.222222224 : f32
      %mul3A_1311 = vector.broadcast %mul3A_1310 : f32 to vector<16xf32>
      %mul3A_1312 = arith.mulf %mul3A_1309, %mul3A_1311 : vector<16xf32>
      %add3A_1313 = arith.constant 0.285714298 : f32
      %add3A_1314 = vector.broadcast %add3A_1313 : f32 to vector<16xf32>
      %add3A_1315 = arith.addf %add3A_1314, %mul3A_1312 : vector<16xf32>
      %mul3A_1316 = arith.mulf %mul3A_1309, %add3A_1315 : vector<16xf32>
      %add3A_1317 = arith.constant 4.000000e-01 : f32
      %add3A_1318 = vector.broadcast %add3A_1317 : f32 to vector<16xf32>
      %add3A_1319 = arith.addf %add3A_1318, %mul3A_1316 : vector<16xf32>
      %mul3A_1320 = arith.mulf %mul3A_1309, %add3A_1319 : vector<16xf32>
      %add3A_1321 = arith.constant 0.666666686 : f32
      %add3A_1322 = vector.broadcast %add3A_1321 : f32 to vector<16xf32>
      %add3A_1323 = arith.addf %add3A_1322, %mul3A_1320 : vector<16xf32>
      %mul3A_1324 = arith.mulf %mul3A_1309, %add3A_1323 : vector<16xf32>
      %add3A_1325 = arith.constant 2.000000e+00 : f32
      %add3A_1326 = vector.broadcast %add3A_1325 : f32 to vector<16xf32>
      %add3A_1327 = arith.addf %add3A_1326, %mul3A_1324 : vector<16xf32>
      %convert_element_type3A_1328 = arith.sitofp %add3A_1297 : vector<16xi32> to vector<16xf32>
      %mul3A_1329 = arith.constant 0.693147182 : f32
      %mul3A_1330 = vector.broadcast %mul3A_1329 : f32 to vector<16xf32>
      %mul3A_1331 = arith.mulf %convert_element_type3A_1328, %mul3A_1330 : vector<16xf32>
      %mul3A_1332 = arith.mulf %div3A_1308, %add3A_1327 : vector<16xf32>
      %add3A_1333 = arith.addf %mul3A_1331, %mul3A_1332 : vector<16xf32>
      %neg3A_1334 = arith.constant 0.000000e+00 : f32
      %neg3A_1335 = vector.broadcast %neg3A_1334 : f32 to vector<16xf32>
      %neg3A_1336 = arith.subf %neg3A_1335, %add3A_1333 : vector<16xf32>
      %jit3A_1337 = arith.constant 0.000000e+00 : f32
      %broadcast_in_dim3A_1338 = vector.broadcast %jit3A_1337 : f32 to vector<16xf32>
      %select_n3A_1339 = arith.select %eq3A_1139, %neg3A_1336, %broadcast_in_dim3A_1338 : vector<16xi1>, vector<16xf32>
      %add3A_1340 = arith.addf %add3A_1066, %select_n3A_1339 : vector<16xf32>
      %jit3A_1341 = arith.constant 1.000000e+00 : f32
      %jit3A_1342 = arith.constant 0.000000e+00 : f32
      %broadcast_in_dim3A_1343 = vector.broadcast %jit3A_1341 : f32 to vector<16xf32>
      %broadcast_in_dim3A_1344 = vector.broadcast %jit3A_1342 : f32 to vector<16xf32>
      %select_n3A_1345 = arith.select %eq3A_1139, %broadcast_in_dim3A_1343, %broadcast_in_dim3A_1344 : vector<16xi1>, vector<16xf32>
      %add3A_1346 = arith.addf %add3A_1072, %select_n3A_1345 : vector<16xf32>
      %add3A_1347 = arith.constant 16 : i32
      %add3A_1348 = vector.broadcast %add3A_1347 : i32 to vector<16xi32>
      %add3A_1349 = arith.addi %add3A_1348, %iota3A : vector<16xi32>
      %add3A_1350 = arith.constant 16 : i32
      %add3A_1351 = vector.broadcast %add3A_1350 : i32 to vector<16xi32>
      %add3A_1352 = arith.addi %add3A_1351, %iota3A : vector<16xi32>
      %gather3A_1353 = tpu.vector_load_idx %arg14[%broadcast_in_dim3A_1119, %add3A_1352] : memref<8x64xi32, #tpu.memory_space<vmem>>[vector<16xi32>, vector<16xi32>], vector<16xi32>,
      %gather3A_1354 = tpu.vector_load_idx %arg15[%broadcast_in_dim3A_1119, %add3A_1352] : memref<8x64xi32, #tpu.memory_space<vmem>>[vector<16xi32>, vector<16xi32>], vector<16xi32>,
      %gather3A_1355 = tpu.vector_load_idx %arg16[%broadcast_in_dim3A_1119, %add3A_1352] : memref<8x64xi32, #tpu.memory_space<vmem>>[vector<16xi32>, vector<16xi32>], vector<16xi32>,
      %gather3A_1356 = tpu.vector_load_idx %arg18[%add3A_1349, %gather3A_1353] : memref<32x256xf32, #tpu.memory_space<vmem>>[vector<16xi32>, vector<16xi32>], vector<16xf32>,
      %gather3A_1357 = tpu.vector_load_idx %arg19[%add3A_1349, %gather3A_1354] : memref<32x512xf32, #tpu.memory_space<vmem>>[vector<16xi32>, vector<16xi32>], vector<16xf32>,
      %gather3A_1358 = tpu.vector_load_idx %arg20[%add3A_1349, %gather3A_1355] : memref<32x512xf32, #tpu.memory_space<vmem>>[vector<16xi32>, vector<16xi32>], vector<16xf32>,
      %gather3A_1359 = tpu.vector_load_idx %arg12[%broadcast_in_dim3A_1119, %add3A_1352] : memref<8x64xi32, #tpu.memory_space<vmem>>[vector<16xi32>, vector<16xi32>], vector<16xi32>,
      %eq3A_1360 = arith.constant 1 : i32
      %eq3A_1361 = vector.broadcast %eq3A_1360 : i32 to vector<16xi32>
      %eq3A_1362 = arith.cmpi eq, %gather3A_1359, %eq3A_1361 : vector<16xi32>
      %gather3A_1363 = tpu.vector_load_idx %arg13[%broadcast_in_dim3A_1119, %add3A_1352] : memref<8x64xi32, #tpu.memory_space<vmem>>[vector<16xi32>, vector<16xi32>], vector<16xi32>,
      %eq3A_1364 = arith.constant 1 : i32
      %eq3A_1365 = vector.broadcast %eq3A_1364 : i32 to vector<16xi32>
      %eq3A_1366 = arith.cmpi eq, %gather3A_1363, %eq3A_1365 : vector<16xi32>
      %add3A_1367 = arith.constant 9.99999974E-6 : f32
      %add3A_1368 = vector.broadcast %add3A_1367 : f32 to vector<16xf32>
      %add3A_1369 = arith.addf %gather3A_1356, %add3A_1368 : vector<16xf32>
      %bitcast_convert_type3A_1370 = tpu.bitcast %add3A_1369 : vector<16xf32> -> vector<16xi32>
      %shift_right_arithmetic3A_1371 = arith.constant 23 : i32
      %shift_right_arithmetic3A_1372 = vector.broadcast %shift_right_arithmetic3A_1371 : i32 to vector<16xi32>
      %shift_right_arithmetic3A_1373 = arith.shrsi %bitcast_convert_type3A_1370, %shift_right_arithmetic3A_1372 : vector<16xi32>
      %sub3A_1374 = arith.constant 127 : i32
      %sub3A_1375 = vector.broadcast %sub3A_1374 : i32 to vector<16xi32>
      %sub3A_1376 = arith.subi %shift_right_arithmetic3A_1373, %sub3A_1375 : vector<16xi32>
      %and3A_1377 = arith.constant 8388607 : i32
      %and3A_1378 = vector.broadcast %and3A_1377 : i32 to vector<16xi32>
      %and3A_1379 = arith.andi %bitcast_convert_type3A_1370, %and3A_1378 : vector<16xi32>
      %or3A_1380 = arith.constant 1065353216 : i32
      %or3A_1381 = vector.broadcast %or3A_1380 : i32 to vector<16xi32>
      %or3A_1382 = arith.ori %and3A_1379, %or3A_1381 : vector<16xi32>
      %bitcast_convert_type3A_1383 = tpu.bitcast %or3A_1382 : vector<16xi32> -> vector<16xf32>
      %gt3A_1384 = arith.constant 1.41421354 : f32
      %gt3A_1385 = vector.broadcast %gt3A_1384 : f32 to vector<16xf32>
      %gt3A_1386 = arith.cmpf ogt, %bitcast_convert_type3A_1383, %gt3A_1385 : vector<16xf32>
      %convert_element_type3A_1387 = arith.extui %gt3A_1386 : vector<16xi1> to vector<16xi32>
      %add3A_1388 = arith.addi %sub3A_1376, %convert_element_type3A_1387 : vector<16xi32>
      %mul3A_1389 = arith.constant 5.000000e-01 : f32
      %mul3A_1390 = vector.broadcast %mul3A_1389 : f32 to vector<16xf32>
      %mul3A_1391 = arith.mulf %bitcast_convert_type3A_1383, %mul3A_1390 : vector<16xf32>
      %select_n3A_1392 = arith.select %gt3A_1386, %mul3A_1391, %bitcast_convert_type3A_1383 : vector<16xi1>, vector<16xf32>
      %sub3A_1393 = arith.constant 1.000000e+00 : f32
      %sub3A_1394 = vector.broadcast %sub3A_1393 : f32 to vector<16xf32>
      %sub3A_1395 = arith.subf %select_n3A_1392, %sub3A_1394 : vector<16xf32>
      %add3A_1396 = arith.constant 1.000000e+00 : f32
      %add3A_1397 = vector.broadcast %add3A_1396 : f32 to vector<16xf32>
      %add3A_1398 = arith.addf %select_n3A_1392, %add3A_1397 : vector<16xf32>
      %div3A_1399 = arith.divf %sub3A_1395, %add3A_1398 : vector<16xf32>
      %mul3A_1400 = arith.mulf %div3A_1399, %div3A_1399 : vector<16xf32>
      %mul3A_1401 = arith.constant 0.222222224 : f32
      %mul3A_1402 = vector.broadcast %mul3A_1401 : f32 to vector<16xf32>
      %mul3A_1403 = arith.mulf %mul3A_1400, %mul3A_1402 : vector<16xf32>
      %add3A_1404 = arith.constant 0.285714298 : f32
      %add3A_1405 = vector.broadcast %add3A_1404 : f32 to vector<16xf32>
      %add3A_1406 = arith.addf %add3A_1405, %mul3A_1403 : vector<16xf32>
      %mul3A_1407 = arith.mulf %mul3A_1400, %add3A_1406 : vector<16xf32>
      %add3A_1408 = arith.constant 4.000000e-01 : f32
      %add3A_1409 = vector.broadcast %add3A_1408 : f32 to vector<16xf32>
      %add3A_1410 = arith.addf %add3A_1409, %mul3A_1407 : vector<16xf32>
      %mul3A_1411 = arith.mulf %mul3A_1400, %add3A_1410 : vector<16xf32>
      %add3A_1412 = arith.constant 0.666666686 : f32
      %add3A_1413 = vector.broadcast %add3A_1412 : f32 to vector<16xf32>
      %add3A_1414 = arith.addf %add3A_1413, %mul3A_1411 : vector<16xf32>
      %mul3A_1415 = arith.mulf %mul3A_1400, %add3A_1414 : vector<16xf32>
      %add3A_1416 = arith.constant 2.000000e+00 : f32
      %add3A_1417 = vector.broadcast %add3A_1416 : f32 to vector<16xf32>
      %add3A_1418 = arith.addf %add3A_1417, %mul3A_1415 : vector<16xf32>
      %convert_element_type3A_1419 = arith.sitofp %add3A_1388 : vector<16xi32> to vector<16xf32>
      %mul3A_1420 = arith.constant 0.693147182 : f32
      %mul3A_1421 = vector.broadcast %mul3A_1420 : f32 to vector<16xf32>
      %mul3A_1422 = arith.mulf %convert_element_type3A_1419, %mul3A_1421 : vector<16xf32>
      %mul3A_1423 = arith.mulf %div3A_1399, %add3A_1418 : vector<16xf32>
      %add3A_1424 = arith.addf %mul3A_1422, %mul3A_1423 : vector<16xf32>
      %neg3A_1425 = arith.constant 0.000000e+00 : f32
      %neg3A_1426 = vector.broadcast %neg3A_1425 : f32 to vector<16xf32>
      %neg3A_1427 = arith.subf %neg3A_1426, %add3A_1424 : vector<16xf32>
      %jit3A_1428 = arith.constant 0.000000e+00 : f32
      %broadcast_in_dim3A_1429 = vector.broadcast %jit3A_1428 : f32 to vector<16xf32>
      %select_n3A_1430 = arith.select %eq3A_1362, %neg3A_1427, %broadcast_in_dim3A_1429 : vector<16xi1>, vector<16xf32>
      %add3A_1431 = arith.addf %add3A_1204, %select_n3A_1430 : vector<16xf32>
      %jit3A_1432 = arith.constant 1.000000e+00 : f32
      %jit3A_1433 = arith.constant 0.000000e+00 : f32
      %broadcast_in_dim3A_1434 = vector.broadcast %jit3A_1432 : f32 to vector<16xf32>
      %broadcast_in_dim3A_1435 = vector.broadcast %jit3A_1433 : f32 to vector<16xf32>
      %select_n3A_1436 = arith.select %eq3A_1362, %broadcast_in_dim3A_1434, %broadcast_in_dim3A_1435 : vector<16xi1>, vector<16xf32>
      %add3A_1437 = arith.addf %add3A_1210, %select_n3A_1436 : vector<16xf32>
      %add3A_1438 = arith.constant 9.99999974E-6 : f32
      %add3A_1439 = vector.broadcast %add3A_1438 : f32 to vector<16xf32>
      %add3A_1440 = arith.addf %gather3A_1357, %add3A_1439 : vector<16xf32>
      %bitcast_convert_type3A_1441 = tpu.bitcast %add3A_1440 : vector<16xf32> -> vector<16xi32>
      %shift_right_arithmetic3A_1442 = arith.constant 23 : i32
      %shift_right_arithmetic3A_1443 = vector.broadcast %shift_right_arithmetic3A_1442 : i32 to vector<16xi32>
      %shift_right_arithmetic3A_1444 = arith.shrsi %bitcast_convert_type3A_1441, %shift_right_arithmetic3A_1443 : vector<16xi32>
      %sub3A_1445 = arith.constant 127 : i32
      %sub3A_1446 = vector.broadcast %sub3A_1445 : i32 to vector<16xi32>
      %sub3A_1447 = arith.subi %shift_right_arithmetic3A_1444, %sub3A_1446 : vector<16xi32>
      %and3A_1448 = arith.constant 8388607 : i32
      %and3A_1449 = vector.broadcast %and3A_1448 : i32 to vector<16xi32>
      %and3A_1450 = arith.andi %bitcast_convert_type3A_1441, %and3A_1449 : vector<16xi32>
      %or3A_1451 = arith.constant 1065353216 : i32
      %or3A_1452 = vector.broadcast %or3A_1451 : i32 to vector<16xi32>
      %or3A_1453 = arith.ori %and3A_1450, %or3A_1452 : vector<16xi32>
      %bitcast_convert_type3A_1454 = tpu.bitcast %or3A_1453 : vector<16xi32> -> vector<16xf32>
      %gt3A_1455 = arith.constant 1.41421354 : f32
      %gt3A_1456 = vector.broadcast %gt3A_1455 : f32 to vector<16xf32>
      %gt3A_1457 = arith.cmpf ogt, %bitcast_convert_type3A_1454, %gt3A_1456 : vector<16xf32>
      %convert_element_type3A_1458 = arith.extui %gt3A_1457 : vector<16xi1> to vector<16xi32>
      %add3A_1459 = arith.addi %sub3A_1447, %convert_element_type3A_1458 : vector<16xi32>
      %mul3A_1460 = arith.constant 5.000000e-01 : f32
      %mul3A_1461 = vector.broadcast %mul3A_1460 : f32 to vector<16xf32>
      %mul3A_1462 = arith.mulf %bitcast_convert_type3A_1454, %mul3A_1461 : vector<16xf32>
      %select_n3A_1463 = arith.select %gt3A_1457, %mul3A_1462, %bitcast_convert_type3A_1454 : vector<16xi1>, vector<16xf32>
      %sub3A_1464 = arith.constant 1.000000e+00 : f32
      %sub3A_1465 = vector.broadcast %sub3A_1464 : f32 to vector<16xf32>
      %sub3A_1466 = arith.subf %select_n3A_1463, %sub3A_1465 : vector<16xf32>
      %add3A_1467 = arith.constant 1.000000e+00 : f32
      %add3A_1468 = vector.broadcast %add3A_1467 : f32 to vector<16xf32>
      %add3A_1469 = arith.addf %select_n3A_1463, %add3A_1468 : vector<16xf32>
      %div3A_1470 = arith.divf %sub3A_1466, %add3A_1469 : vector<16xf32>
      %mul3A_1471 = arith.mulf %div3A_1470, %div3A_1470 : vector<16xf32>
      %mul3A_1472 = arith.constant 0.222222224 : f32
      %mul3A_1473 = vector.broadcast %mul3A_1472 : f32 to vector<16xf32>
      %mul3A_1474 = arith.mulf %mul3A_1471, %mul3A_1473 : vector<16xf32>
      %add3A_1475 = arith.constant 0.285714298 : f32
      %add3A_1476 = vector.broadcast %add3A_1475 : f32 to vector<16xf32>
      %add3A_1477 = arith.addf %add3A_1476, %mul3A_1474 : vector<16xf32>
      %mul3A_1478 = arith.mulf %mul3A_1471, %add3A_1477 : vector<16xf32>
      %add3A_1479 = arith.constant 4.000000e-01 : f32
      %add3A_1480 = vector.broadcast %add3A_1479 : f32 to vector<16xf32>
      %add3A_1481 = arith.addf %add3A_1480, %mul3A_1478 : vector<16xf32>
      %mul3A_1482 = arith.mulf %mul3A_1471, %add3A_1481 : vector<16xf32>
      %add3A_1483 = arith.constant 0.666666686 : f32
      %add3A_1484 = vector.broadcast %add3A_1483 : f32 to vector<16xf32>
      %add3A_1485 = arith.addf %add3A_1484, %mul3A_1482 : vector<16xf32>
      %mul3A_1486 = arith.mulf %mul3A_1471, %add3A_1485 : vector<16xf32>
      %add3A_1487 = arith.constant 2.000000e+00 : f32
      %add3A_1488 = vector.broadcast %add3A_1487 : f32 to vector<16xf32>
      %add3A_1489 = arith.addf %add3A_1488, %mul3A_1486 : vector<16xf32>
      %convert_element_type3A_1490 = arith.sitofp %add3A_1459 : vector<16xi32> to vector<16xf32>
      %mul3A_1491 = arith.constant 0.693147182 : f32
      %mul3A_1492 = vector.broadcast %mul3A_1491 : f32 to vector<16xf32>
      %mul3A_1493 = arith.mulf %convert_element_type3A_1490, %mul3A_1492 : vector<16xf32>
      %mul3A_1494 = arith.mulf %div3A_1470, %add3A_1489 : vector<16xf32>
      %add3A_1495 = arith.addf %mul3A_1493, %mul3A_1494 : vector<16xf32>
      %neg3A_1496 = arith.constant 0.000000e+00 : f32
      %neg3A_1497 = vector.broadcast %neg3A_1496 : f32 to vector<16xf32>
      %neg3A_1498 = arith.subf %neg3A_1497, %add3A_1495 : vector<16xf32>
      %jit3A_1499 = arith.constant 0.000000e+00 : f32
      %broadcast_in_dim3A_1500 = vector.broadcast %jit3A_1499 : f32 to vector<16xf32>
      %select_n3A_1501 = arith.select %eq3A_1366, %neg3A_1498, %broadcast_in_dim3A_1500 : vector<16xi1>, vector<16xf32>
      %add3A_1502 = arith.addf %add3A_1275, %select_n3A_1501 : vector<16xf32>
      %add3A_1503 = arith.constant 9.99999974E-6 : f32
      %add3A_1504 = vector.broadcast %add3A_1503 : f32 to vector<16xf32>
      %add3A_1505 = arith.addf %gather3A_1358, %add3A_1504 : vector<16xf32>
      %bitcast_convert_type3A_1506 = tpu.bitcast %add3A_1505 : vector<16xf32> -> vector<16xi32>
      %shift_right_arithmetic3A_1507 = arith.constant 23 : i32
      %shift_right_arithmetic3A_1508 = vector.broadcast %shift_right_arithmetic3A_1507 : i32 to vector<16xi32>
      %shift_right_arithmetic3A_1509 = arith.shrsi %bitcast_convert_type3A_1506, %shift_right_arithmetic3A_1508 : vector<16xi32>
      %sub3A_1510 = arith.constant 127 : i32
      %sub3A_1511 = vector.broadcast %sub3A_1510 : i32 to vector<16xi32>
      %sub3A_1512 = arith.subi %shift_right_arithmetic3A_1509, %sub3A_1511 : vector<16xi32>
      %and3A_1513 = arith.constant 8388607 : i32
      %and3A_1514 = vector.broadcast %and3A_1513 : i32 to vector<16xi32>
      %and3A_1515 = arith.andi %bitcast_convert_type3A_1506, %and3A_1514 : vector<16xi32>
      %or3A_1516 = arith.constant 1065353216 : i32
      %or3A_1517 = vector.broadcast %or3A_1516 : i32 to vector<16xi32>
      %or3A_1518 = arith.ori %and3A_1515, %or3A_1517 : vector<16xi32>
      %bitcast_convert_type3A_1519 = tpu.bitcast %or3A_1518 : vector<16xi32> -> vector<16xf32>
      %gt3A_1520 = arith.constant 1.41421354 : f32
      %gt3A_1521 = vector.broadcast %gt3A_1520 : f32 to vector<16xf32>
      %gt3A_1522 = arith.cmpf ogt, %bitcast_convert_type3A_1519, %gt3A_1521 : vector<16xf32>
      %convert_element_type3A_1523 = arith.extui %gt3A_1522 : vector<16xi1> to vector<16xi32>
      %add3A_1524 = arith.addi %sub3A_1512, %convert_element_type3A_1523 : vector<16xi32>
      %mul3A_1525 = arith.constant 5.000000e-01 : f32
      %mul3A_1526 = vector.broadcast %mul3A_1525 : f32 to vector<16xf32>
      %mul3A_1527 = arith.mulf %bitcast_convert_type3A_1519, %mul3A_1526 : vector<16xf32>
      %select_n3A_1528 = arith.select %gt3A_1522, %mul3A_1527, %bitcast_convert_type3A_1519 : vector<16xi1>, vector<16xf32>
      %sub3A_1529 = arith.constant 1.000000e+00 : f32
      %sub3A_1530 = vector.broadcast %sub3A_1529 : f32 to vector<16xf32>
      %sub3A_1531 = arith.subf %select_n3A_1528, %sub3A_1530 : vector<16xf32>
      %add3A_1532 = arith.constant 1.000000e+00 : f32
      %add3A_1533 = vector.broadcast %add3A_1532 : f32 to vector<16xf32>
      %add3A_1534 = arith.addf %select_n3A_1528, %add3A_1533 : vector<16xf32>
      %div3A_1535 = arith.divf %sub3A_1531, %add3A_1534 : vector<16xf32>
      %mul3A_1536 = arith.mulf %div3A_1535, %div3A_1535 : vector<16xf32>
      %mul3A_1537 = arith.constant 0.222222224 : f32
      %mul3A_1538 = vector.broadcast %mul3A_1537 : f32 to vector<16xf32>
      %mul3A_1539 = arith.mulf %mul3A_1536, %mul3A_1538 : vector<16xf32>
      %add3A_1540 = arith.constant 0.285714298 : f32
      %add3A_1541 = vector.broadcast %add3A_1540 : f32 to vector<16xf32>
      %add3A_1542 = arith.addf %add3A_1541, %mul3A_1539 : vector<16xf32>
      %mul3A_1543 = arith.mulf %mul3A_1536, %add3A_1542 : vector<16xf32>
      %add3A_1544 = arith.constant 4.000000e-01 : f32
      %add3A_1545 = vector.broadcast %add3A_1544 : f32 to vector<16xf32>
      %add3A_1546 = arith.addf %add3A_1545, %mul3A_1543 : vector<16xf32>
      %mul3A_1547 = arith.mulf %mul3A_1536, %add3A_1546 : vector<16xf32>
      %add3A_1548 = arith.constant 0.666666686 : f32
      %add3A_1549 = vector.broadcast %add3A_1548 : f32 to vector<16xf32>
      %add3A_1550 = arith.addf %add3A_1549, %mul3A_1547 : vector<16xf32>
      %mul3A_1551 = arith.mulf %mul3A_1536, %add3A_1550 : vector<16xf32>
      %add3A_1552 = arith.constant 2.000000e+00 : f32
      %add3A_1553 = vector.broadcast %add3A_1552 : f32 to vector<16xf32>
      %add3A_1554 = arith.addf %add3A_1553, %mul3A_1551 : vector<16xf32>
      %convert_element_type3A_1555 = arith.sitofp %add3A_1524 : vector<16xi32> to vector<16xf32>
      %mul3A_1556 = arith.constant 0.693147182 : f32
      %mul3A_1557 = vector.broadcast %mul3A_1556 : f32 to vector<16xf32>
      %mul3A_1558 = arith.mulf %convert_element_type3A_1555, %mul3A_1557 : vector<16xf32>
      %mul3A_1559 = arith.mulf %div3A_1535, %add3A_1554 : vector<16xf32>
      %add3A_1560 = arith.addf %mul3A_1558, %mul3A_1559 : vector<16xf32>
      %neg3A_1561 = arith.constant 0.000000e+00 : f32
      %neg3A_1562 = vector.broadcast %neg3A_1561 : f32 to vector<16xf32>
      %neg3A_1563 = arith.subf %neg3A_1562, %add3A_1560 : vector<16xf32>
      %jit3A_1564 = arith.constant 0.000000e+00 : f32
      %broadcast_in_dim3A_1565 = vector.broadcast %jit3A_1564 : f32 to vector<16xf32>
      %select_n3A_1566 = arith.select %eq3A_1366, %neg3A_1563, %broadcast_in_dim3A_1565 : vector<16xi1>, vector<16xf32>
      %add3A_1567 = arith.addf %add3A_1340, %select_n3A_1566 : vector<16xf32>
      %jit3A_1568 = arith.constant 1.000000e+00 : f32
      %jit3A_1569 = arith.constant 0.000000e+00 : f32
      %broadcast_in_dim3A_1570 = vector.broadcast %jit3A_1568 : f32 to vector<16xf32>
      %broadcast_in_dim3A_1571 = vector.broadcast %jit3A_1569 : f32 to vector<16xf32>
      %select_n3A_1572 = arith.select %eq3A_1366, %broadcast_in_dim3A_1570, %broadcast_in_dim3A_1571 : vector<16xi1>, vector<16xf32>
      %add3A_1573 = arith.addf %add3A_1346, %select_n3A_1572 : vector<16xf32>
      %dma_wait3A_1574 = arith.constant 32 : i32
      %dma_wait3A_1575 = tpu.memref_slice %arg17[%add3A_1095, %dma_wait3A_1574] : memref<8x64xi32, #tpu.memory_space<vmem>> -> memref<1x32xi32, #tpu.memory_space<vmem>>
      %dma_wait3A_1576 = tpu.memref_squeeze %dma_wait3A_1575 : memref<1x32xi32, #tpu.memory_space<vmem>> -> memref<32xi32, #tpu.memory_space<vmem>>
      %dma_wait3A_1577 = tpu.memref_reshape %arg8 : memref<30x1920x256xf32, #tpu.memory_space<hbm>> -> memref<57600x256xf32, #tpu.memory_space<hbm>>
      %dma_wait3A_1578 = arith.constant 0 : i32
      %dma_wait3A_1579 = arith.constant 0 : i32
      %dma_wait3A_1580 = tpu.memref_slice %dma_wait3A_1577[%dma_wait3A_1578, %dma_wait3A_1579] : memref<57600x256xf32, #tpu.memory_space<hbm>> -> memref<57600x256xf32, #tpu.memory_space<hbm>>
      tpu.wait_indirect_dma semaphore(%arg30 : memref<!tpu.dma_semaphore, #tpu.memory_space<semaphore_mem>>) src(%dma_wait3A_1580 : memref<57600x256xf32, #tpu.memory_space<hbm>>) dst(%arg21 : memref<32x256xf32, #tpu.memory_space<vmem>>)
      %dma_wait3A_1581 = arith.constant 32 : i32
      %dma_wait3A_1582 = tpu.memref_slice %arg17[%add3A_1095, %dma_wait3A_1581] : memref<8x64xi32, #tpu.memory_space<vmem>> -> memref<1x32xi32, #tpu.memory_space<vmem>>
      %dma_wait3A_1583 = tpu.memref_squeeze %dma_wait3A_1582 : memref<1x32xi32, #tpu.memory_space<vmem>> -> memref<32xi32, #tpu.memory_space<vmem>>
      %dma_wait3A_1584 = tpu.memref_reshape %arg9 : memref<30x1920x512xf32, #tpu.memory_space<hbm>> -> memref<57600x512xf32, #tpu.memory_space<hbm>>
      %dma_wait3A_1585 = arith.constant 0 : i32
      %dma_wait3A_1586 = arith.constant 0 : i32
      %dma_wait3A_1587 = tpu.memref_slice %dma_wait3A_1584[%dma_wait3A_1585, %dma_wait3A_1586] : memref<57600x512xf32, #tpu.memory_space<hbm>> -> memref<57600x512xf32, #tpu.memory_space<hbm>>
      tpu.wait_indirect_dma semaphore(%arg30 : memref<!tpu.dma_semaphore, #tpu.memory_space<semaphore_mem>>) src(%dma_wait3A_1587 : memref<57600x512xf32, #tpu.memory_space<hbm>>) dst(%arg22 : memref<32x512xf32, #tpu.memory_space<vmem>>)
      %dma_wait3A_1588 = arith.constant 32 : i32
      %dma_wait3A_1589 = tpu.memref_slice %arg17[%add3A_1095, %dma_wait3A_1588] : memref<8x64xi32, #tpu.memory_space<vmem>> -> memref<1x32xi32, #tpu.memory_space<vmem>>
      %dma_wait3A_1590 = tpu.memref_squeeze %dma_wait3A_1589 : memref<1x32xi32, #tpu.memory_space<vmem>> -> memref<32xi32, #tpu.memory_space<vmem>>
      %dma_wait3A_1591 = tpu.memref_reshape %arg10 : memref<30x1920x512xf32, #tpu.memory_space<hbm>> -> memref<57600x512xf32, #tpu.memory_space<hbm>>
      %dma_wait3A_1592 = arith.constant 0 : i32
      %dma_wait3A_1593 = arith.constant 0 : i32
      %dma_wait3A_1594 = tpu.memref_slice %dma_wait3A_1591[%dma_wait3A_1592, %dma_wait3A_1593] : memref<57600x512xf32, #tpu.memory_space<hbm>> -> memref<57600x512xf32, #tpu.memory_space<hbm>>
      tpu.wait_indirect_dma semaphore(%arg30 : memref<!tpu.dma_semaphore, #tpu.memory_space<semaphore_mem>>) src(%dma_wait3A_1594 : memref<57600x512xf32, #tpu.memory_space<hbm>>) dst(%arg23 : memref<32x512xf32, #tpu.memory_space<vmem>>)
      %add3A_1595 = arith.constant 1 : i32
      %add3A_1596 = arith.addi %and3A_11, %add3A_1595 : i32
      %broadcast_in_dim3A_1597 = vector.broadcast %add3A_1596 : i32 to vector<16xi32>
      %add3A_1598 = arith.constant 0 : i32
      %add3A_1599 = vector.broadcast %add3A_1598 : i32 to vector<16xi32>
      %add3A_1600 = arith.addi %add3A_1599, %iota3A : vector<16xi32>
      %add3A_1601 = arith.constant 32 : i32
      %add3A_1602 = vector.broadcast %add3A_1601 : i32 to vector<16xi32>
      %add3A_1603 = arith.addi %add3A_1602, %iota3A : vector<16xi32>
      %gather3A_1604 = tpu.vector_load_idx %arg14[%broadcast_in_dim3A_1597, %add3A_1603] : memref<8x64xi32, #tpu.memory_space<vmem>>[vector<16xi32>, vector<16xi32>], vector<16xi32>,
      %gather3A_1605 = tpu.vector_load_idx %arg15[%broadcast_in_dim3A_1597, %add3A_1603] : memref<8x64xi32, #tpu.memory_space<vmem>>[vector<16xi32>, vector<16xi32>], vector<16xi32>,
      %gather3A_1606 = tpu.vector_load_idx %arg16[%broadcast_in_dim3A_1597, %add3A_1603] : memref<8x64xi32, #tpu.memory_space<vmem>>[vector<16xi32>, vector<16xi32>], vector<16xi32>,
      %gather3A_1607 = tpu.vector_load_idx %arg21[%add3A_1600, %gather3A_1604] : memref<32x256xf32, #tpu.memory_space<vmem>>[vector<16xi32>, vector<16xi32>], vector<16xf32>,
      %gather3A_1608 = tpu.vector_load_idx %arg22[%add3A_1600, %gather3A_1605] : memref<32x512xf32, #tpu.memory_space<vmem>>[vector<16xi32>, vector<16xi32>], vector<16xf32>,
      %gather3A_1609 = tpu.vector_load_idx %arg23[%add3A_1600, %gather3A_1606] : memref<32x512xf32, #tpu.memory_space<vmem>>[vector<16xi32>, vector<16xi32>], vector<16xf32>,
      %gather3A_1610 = tpu.vector_load_idx %arg12[%broadcast_in_dim3A_1597, %add3A_1603] : memref<8x64xi32, #tpu.memory_space<vmem>>[vector<16xi32>, vector<16xi32>], vector<16xi32>,
      %eq3A_1611 = arith.constant 1 : i32
      %eq3A_1612 = vector.broadcast %eq3A_1611 : i32 to vector<16xi32>
      %eq3A_1613 = arith.cmpi eq, %gather3A_1610, %eq3A_1612 : vector<16xi32>
      %gather3A_1614 = tpu.vector_load_idx %arg13[%broadcast_in_dim3A_1597, %add3A_1603] : memref<8x64xi32, #tpu.memory_space<vmem>>[vector<16xi32>, vector<16xi32>], vector<16xi32>,
      %eq3A_1615 = arith.constant 1 : i32
      %eq3A_1616 = vector.broadcast %eq3A_1615 : i32 to vector<16xi32>
      %eq3A_1617 = arith.cmpi eq, %gather3A_1614, %eq3A_1616 : vector<16xi32>
      %add3A_1618 = arith.constant 9.99999974E-6 : f32
      %add3A_1619 = vector.broadcast %add3A_1618 : f32 to vector<16xf32>
      %add3A_1620 = arith.addf %gather3A_1607, %add3A_1619 : vector<16xf32>
      %bitcast_convert_type3A_1621 = tpu.bitcast %add3A_1620 : vector<16xf32> -> vector<16xi32>
      %shift_right_arithmetic3A_1622 = arith.constant 23 : i32
      %shift_right_arithmetic3A_1623 = vector.broadcast %shift_right_arithmetic3A_1622 : i32 to vector<16xi32>
      %shift_right_arithmetic3A_1624 = arith.shrsi %bitcast_convert_type3A_1621, %shift_right_arithmetic3A_1623 : vector<16xi32>
      %sub3A_1625 = arith.constant 127 : i32
      %sub3A_1626 = vector.broadcast %sub3A_1625 : i32 to vector<16xi32>
      %sub3A_1627 = arith.subi %shift_right_arithmetic3A_1624, %sub3A_1626 : vector<16xi32>
      %and3A_1628 = arith.constant 8388607 : i32
      %and3A_1629 = vector.broadcast %and3A_1628 : i32 to vector<16xi32>
      %and3A_1630 = arith.andi %bitcast_convert_type3A_1621, %and3A_1629 : vector<16xi32>
      %or3A_1631 = arith.constant 1065353216 : i32
      %or3A_1632 = vector.broadcast %or3A_1631 : i32 to vector<16xi32>
      %or3A_1633 = arith.ori %and3A_1630, %or3A_1632 : vector<16xi32>
      %bitcast_convert_type3A_1634 = tpu.bitcast %or3A_1633 : vector<16xi32> -> vector<16xf32>
      %gt3A_1635 = arith.constant 1.41421354 : f32
      %gt3A_1636 = vector.broadcast %gt3A_1635 : f32 to vector<16xf32>
      %gt3A_1637 = arith.cmpf ogt, %bitcast_convert_type3A_1634, %gt3A_1636 : vector<16xf32>
      %convert_element_type3A_1638 = arith.extui %gt3A_1637 : vector<16xi1> to vector<16xi32>
      %add3A_1639 = arith.addi %sub3A_1627, %convert_element_type3A_1638 : vector<16xi32>
      %mul3A_1640 = arith.constant 5.000000e-01 : f32
      %mul3A_1641 = vector.broadcast %mul3A_1640 : f32 to vector<16xf32>
      %mul3A_1642 = arith.mulf %bitcast_convert_type3A_1634, %mul3A_1641 : vector<16xf32>
      %select_n3A_1643 = arith.select %gt3A_1637, %mul3A_1642, %bitcast_convert_type3A_1634 : vector<16xi1>, vector<16xf32>
      %sub3A_1644 = arith.constant 1.000000e+00 : f32
      %sub3A_1645 = vector.broadcast %sub3A_1644 : f32 to vector<16xf32>
      %sub3A_1646 = arith.subf %select_n3A_1643, %sub3A_1645 : vector<16xf32>
      %add3A_1647 = arith.constant 1.000000e+00 : f32
      %add3A_1648 = vector.broadcast %add3A_1647 : f32 to vector<16xf32>
      %add3A_1649 = arith.addf %select_n3A_1643, %add3A_1648 : vector<16xf32>
      %div3A_1650 = arith.divf %sub3A_1646, %add3A_1649 : vector<16xf32>
      %mul3A_1651 = arith.mulf %div3A_1650, %div3A_1650 : vector<16xf32>
      %mul3A_1652 = arith.constant 0.222222224 : f32
      %mul3A_1653 = vector.broadcast %mul3A_1652 : f32 to vector<16xf32>
      %mul3A_1654 = arith.mulf %mul3A_1651, %mul3A_1653 : vector<16xf32>
      %add3A_1655 = arith.constant 0.285714298 : f32
      %add3A_1656 = vector.broadcast %add3A_1655 : f32 to vector<16xf32>
      %add3A_1657 = arith.addf %add3A_1656, %mul3A_1654 : vector<16xf32>
      %mul3A_1658 = arith.mulf %mul3A_1651, %add3A_1657 : vector<16xf32>
      %add3A_1659 = arith.constant 4.000000e-01 : f32
      %add3A_1660 = vector.broadcast %add3A_1659 : f32 to vector<16xf32>
      %add3A_1661 = arith.addf %add3A_1660, %mul3A_1658 : vector<16xf32>
      %mul3A_1662 = arith.mulf %mul3A_1651, %add3A_1661 : vector<16xf32>
      %add3A_1663 = arith.constant 0.666666686 : f32
      %add3A_1664 = vector.broadcast %add3A_1663 : f32 to vector<16xf32>
      %add3A_1665 = arith.addf %add3A_1664, %mul3A_1662 : vector<16xf32>
      %mul3A_1666 = arith.mulf %mul3A_1651, %add3A_1665 : vector<16xf32>
      %add3A_1667 = arith.constant 2.000000e+00 : f32
      %add3A_1668 = vector.broadcast %add3A_1667 : f32 to vector<16xf32>
      %add3A_1669 = arith.addf %add3A_1668, %mul3A_1666 : vector<16xf32>
      %convert_element_type3A_1670 = arith.sitofp %add3A_1639 : vector<16xi32> to vector<16xf32>
      %mul3A_1671 = arith.constant 0.693147182 : f32
      %mul3A_1672 = vector.broadcast %mul3A_1671 : f32 to vector<16xf32>
      %mul3A_1673 = arith.mulf %convert_element_type3A_1670, %mul3A_1672 : vector<16xf32>
      %mul3A_1674 = arith.mulf %div3A_1650, %add3A_1669 : vector<16xf32>
      %add3A_1675 = arith.addf %mul3A_1673, %mul3A_1674 : vector<16xf32>
      %neg3A_1676 = arith.constant 0.000000e+00 : f32
      %neg3A_1677 = vector.broadcast %neg3A_1676 : f32 to vector<16xf32>
      %neg3A_1678 = arith.subf %neg3A_1677, %add3A_1675 : vector<16xf32>
      %jit3A_1679 = arith.constant 0.000000e+00 : f32
      %broadcast_in_dim3A_1680 = vector.broadcast %jit3A_1679 : f32 to vector<16xf32>
      %select_n3A_1681 = arith.select %eq3A_1613, %neg3A_1678, %broadcast_in_dim3A_1680 : vector<16xi1>, vector<16xf32>
      %add3A_1682 = arith.addf %add3A_1431, %select_n3A_1681 : vector<16xf32>
      %jit3A_1683 = arith.constant 1.000000e+00 : f32
      %jit3A_1684 = arith.constant 0.000000e+00 : f32
      %broadcast_in_dim3A_1685 = vector.broadcast %jit3A_1683 : f32 to vector<16xf32>
      %broadcast_in_dim3A_1686 = vector.broadcast %jit3A_1684 : f32 to vector<16xf32>
      %select_n3A_1687 = arith.select %eq3A_1613, %broadcast_in_dim3A_1685, %broadcast_in_dim3A_1686 : vector<16xi1>, vector<16xf32>
      %add3A_1688 = arith.addf %add3A_1437, %select_n3A_1687 : vector<16xf32>
      %add3A_1689 = arith.constant 9.99999974E-6 : f32
      %add3A_1690 = vector.broadcast %add3A_1689 : f32 to vector<16xf32>
      %add3A_1691 = arith.addf %gather3A_1608, %add3A_1690 : vector<16xf32>
      %bitcast_convert_type3A_1692 = tpu.bitcast %add3A_1691 : vector<16xf32> -> vector<16xi32>
      %shift_right_arithmetic3A_1693 = arith.constant 23 : i32
      %shift_right_arithmetic3A_1694 = vector.broadcast %shift_right_arithmetic3A_1693 : i32 to vector<16xi32>
      %shift_right_arithmetic3A_1695 = arith.shrsi %bitcast_convert_type3A_1692, %shift_right_arithmetic3A_1694 : vector<16xi32>
      %sub3A_1696 = arith.constant 127 : i32
      %sub3A_1697 = vector.broadcast %sub3A_1696 : i32 to vector<16xi32>
      %sub3A_1698 = arith.subi %shift_right_arithmetic3A_1695, %sub3A_1697 : vector<16xi32>
      %and3A_1699 = arith.constant 8388607 : i32
      %and3A_1700 = vector.broadcast %and3A_1699 : i32 to vector<16xi32>
      %and3A_1701 = arith.andi %bitcast_convert_type3A_1692, %and3A_1700 : vector<16xi32>
      %or3A_1702 = arith.constant 1065353216 : i32
      %or3A_1703 = vector.broadcast %or3A_1702 : i32 to vector<16xi32>
      %or3A_1704 = arith.ori %and3A_1701, %or3A_1703 : vector<16xi32>
      %bitcast_convert_type3A_1705 = tpu.bitcast %or3A_1704 : vector<16xi32> -> vector<16xf32>
      %gt3A_1706 = arith.constant 1.41421354 : f32
      %gt3A_1707 = vector.broadcast %gt3A_1706 : f32 to vector<16xf32>
      %gt3A_1708 = arith.cmpf ogt, %bitcast_convert_type3A_1705, %gt3A_1707 : vector<16xf32>
      %convert_element_type3A_1709 = arith.extui %gt3A_1708 : vector<16xi1> to vector<16xi32>
      %add3A_1710 = arith.addi %sub3A_1698, %convert_element_type3A_1709 : vector<16xi32>
      %mul3A_1711 = arith.constant 5.000000e-01 : f32
      %mul3A_1712 = vector.broadcast %mul3A_1711 : f32 to vector<16xf32>
      %mul3A_1713 = arith.mulf %bitcast_convert_type3A_1705, %mul3A_1712 : vector<16xf32>
      %select_n3A_1714 = arith.select %gt3A_1708, %mul3A_1713, %bitcast_convert_type3A_1705 : vector<16xi1>, vector<16xf32>
      %sub3A_1715 = arith.constant 1.000000e+00 : f32
      %sub3A_1716 = vector.broadcast %sub3A_1715 : f32 to vector<16xf32>
      %sub3A_1717 = arith.subf %select_n3A_1714, %sub3A_1716 : vector<16xf32>
      %add3A_1718 = arith.constant 1.000000e+00 : f32
      %add3A_1719 = vector.broadcast %add3A_1718 : f32 to vector<16xf32>
      %add3A_1720 = arith.addf %select_n3A_1714, %add3A_1719 : vector<16xf32>
      %div3A_1721 = arith.divf %sub3A_1717, %add3A_1720 : vector<16xf32>
      %mul3A_1722 = arith.mulf %div3A_1721, %div3A_1721 : vector<16xf32>
      %mul3A_1723 = arith.constant 0.222222224 : f32
      %mul3A_1724 = vector.broadcast %mul3A_1723 : f32 to vector<16xf32>
      %mul3A_1725 = arith.mulf %mul3A_1722, %mul3A_1724 : vector<16xf32>
      %add3A_1726 = arith.constant 0.285714298 : f32
      %add3A_1727 = vector.broadcast %add3A_1726 : f32 to vector<16xf32>
      %add3A_1728 = arith.addf %add3A_1727, %mul3A_1725 : vector<16xf32>
      %mul3A_1729 = arith.mulf %mul3A_1722, %add3A_1728 : vector<16xf32>
      %add3A_1730 = arith.constant 4.000000e-01 : f32
      %add3A_1731 = vector.broadcast %add3A_1730 : f32 to vector<16xf32>
      %add3A_1732 = arith.addf %add3A_1731, %mul3A_1729 : vector<16xf32>
      %mul3A_1733 = arith.mulf %mul3A_1722, %add3A_1732 : vector<16xf32>
      %add3A_1734 = arith.constant 0.666666686 : f32
      %add3A_1735 = vector.broadcast %add3A_1734 : f32 to vector<16xf32>
      %add3A_1736 = arith.addf %add3A_1735, %mul3A_1733 : vector<16xf32>
      %mul3A_1737 = arith.mulf %mul3A_1722, %add3A_1736 : vector<16xf32>
      %add3A_1738 = arith.constant 2.000000e+00 : f32
      %add3A_1739 = vector.broadcast %add3A_1738 : f32 to vector<16xf32>
      %add3A_1740 = arith.addf %add3A_1739, %mul3A_1737 : vector<16xf32>
      %convert_element_type3A_1741 = arith.sitofp %add3A_1710 : vector<16xi32> to vector<16xf32>
      %mul3A_1742 = arith.constant 0.693147182 : f32
      %mul3A_1743 = vector.broadcast %mul3A_1742 : f32 to vector<16xf32>
      %mul3A_1744 = arith.mulf %convert_element_type3A_1741, %mul3A_1743 : vector<16xf32>
      %mul3A_1745 = arith.mulf %div3A_1721, %add3A_1740 : vector<16xf32>
      %add3A_1746 = arith.addf %mul3A_1744, %mul3A_1745 : vector<16xf32>
      %neg3A_1747 = arith.constant 0.000000e+00 : f32
      %neg3A_1748 = vector.broadcast %neg3A_1747 : f32 to vector<16xf32>
      %neg3A_1749 = arith.subf %neg3A_1748, %add3A_1746 : vector<16xf32>
      %jit3A_1750 = arith.constant 0.000000e+00 : f32
      %broadcast_in_dim3A_1751 = vector.broadcast %jit3A_1750 : f32 to vector<16xf32>
      %select_n3A_1752 = arith.select %eq3A_1617, %neg3A_1749, %broadcast_in_dim3A_1751 : vector<16xi1>, vector<16xf32>
      %add3A_1753 = arith.addf %add3A_1502, %select_n3A_1752 : vector<16xf32>
      %add3A_1754 = arith.constant 9.99999974E-6 : f32
      %add3A_1755 = vector.broadcast %add3A_1754 : f32 to vector<16xf32>
      %add3A_1756 = arith.addf %gather3A_1609, %add3A_1755 : vector<16xf32>
      %bitcast_convert_type3A_1757 = tpu.bitcast %add3A_1756 : vector<16xf32> -> vector<16xi32>
      %shift_right_arithmetic3A_1758 = arith.constant 23 : i32
      %shift_right_arithmetic3A_1759 = vector.broadcast %shift_right_arithmetic3A_1758 : i32 to vector<16xi32>
      %shift_right_arithmetic3A_1760 = arith.shrsi %bitcast_convert_type3A_1757, %shift_right_arithmetic3A_1759 : vector<16xi32>
      %sub3A_1761 = arith.constant 127 : i32
      %sub3A_1762 = vector.broadcast %sub3A_1761 : i32 to vector<16xi32>
      %sub3A_1763 = arith.subi %shift_right_arithmetic3A_1760, %sub3A_1762 : vector<16xi32>
      %and3A_1764 = arith.constant 8388607 : i32
      %and3A_1765 = vector.broadcast %and3A_1764 : i32 to vector<16xi32>
      %and3A_1766 = arith.andi %bitcast_convert_type3A_1757, %and3A_1765 : vector<16xi32>
      %or3A_1767 = arith.constant 1065353216 : i32
      %or3A_1768 = vector.broadcast %or3A_1767 : i32 to vector<16xi32>
      %or3A_1769 = arith.ori %and3A_1766, %or3A_1768 : vector<16xi32>
      %bitcast_convert_type3A_1770 = tpu.bitcast %or3A_1769 : vector<16xi32> -> vector<16xf32>
      %gt3A_1771 = arith.constant 1.41421354 : f32
      %gt3A_1772 = vector.broadcast %gt3A_1771 : f32 to vector<16xf32>
      %gt3A_1773 = arith.cmpf ogt, %bitcast_convert_type3A_1770, %gt3A_1772 : vector<16xf32>
      %convert_element_type3A_1774 = arith.extui %gt3A_1773 : vector<16xi1> to vector<16xi32>
      %add3A_1775 = arith.addi %sub3A_1763, %convert_element_type3A_1774 : vector<16xi32>
      %mul3A_1776 = arith.constant 5.000000e-01 : f32
      %mul3A_1777 = vector.broadcast %mul3A_1776 : f32 to vector<16xf32>
      %mul3A_1778 = arith.mulf %bitcast_convert_type3A_1770, %mul3A_1777 : vector<16xf32>
      %select_n3A_1779 = arith.select %gt3A_1773, %mul3A_1778, %bitcast_convert_type3A_1770 : vector<16xi1>, vector<16xf32>
      %sub3A_1780 = arith.constant 1.000000e+00 : f32
      %sub3A_1781 = vector.broadcast %sub3A_1780 : f32 to vector<16xf32>
      %sub3A_1782 = arith.subf %select_n3A_1779, %sub3A_1781 : vector<16xf32>
      %add3A_1783 = arith.constant 1.000000e+00 : f32
      %add3A_1784 = vector.broadcast %add3A_1783 : f32 to vector<16xf32>
      %add3A_1785 = arith.addf %select_n3A_1779, %add3A_1784 : vector<16xf32>
      %div3A_1786 = arith.divf %sub3A_1782, %add3A_1785 : vector<16xf32>
      %mul3A_1787 = arith.mulf %div3A_1786, %div3A_1786 : vector<16xf32>
      %mul3A_1788 = arith.constant 0.222222224 : f32
      %mul3A_1789 = vector.broadcast %mul3A_1788 : f32 to vector<16xf32>
      %mul3A_1790 = arith.mulf %mul3A_1787, %mul3A_1789 : vector<16xf32>
      %add3A_1791 = arith.constant 0.285714298 : f32
      %add3A_1792 = vector.broadcast %add3A_1791 : f32 to vector<16xf32>
      %add3A_1793 = arith.addf %add3A_1792, %mul3A_1790 : vector<16xf32>
      %mul3A_1794 = arith.mulf %mul3A_1787, %add3A_1793 : vector<16xf32>
      %add3A_1795 = arith.constant 4.000000e-01 : f32
      %add3A_1796 = vector.broadcast %add3A_1795 : f32 to vector<16xf32>
      %add3A_1797 = arith.addf %add3A_1796, %mul3A_1794 : vector<16xf32>
      %mul3A_1798 = arith.mulf %mul3A_1787, %add3A_1797 : vector<16xf32>
      %add3A_1799 = arith.constant 0.666666686 : f32
      %add3A_1800 = vector.broadcast %add3A_1799 : f32 to vector<16xf32>
      %add3A_1801 = arith.addf %add3A_1800, %mul3A_1798 : vector<16xf32>
      %mul3A_1802 = arith.mulf %mul3A_1787, %add3A_1801 : vector<16xf32>
      %add3A_1803 = arith.constant 2.000000e+00 : f32
      %add3A_1804 = vector.broadcast %add3A_1803 : f32 to vector<16xf32>
      %add3A_1805 = arith.addf %add3A_1804, %mul3A_1802 : vector<16xf32>
      %convert_element_type3A_1806 = arith.sitofp %add3A_1775 : vector<16xi32> to vector<16xf32>
      %mul3A_1807 = arith.constant 0.693147182 : f32
      %mul3A_1808 = vector.broadcast %mul3A_1807 : f32 to vector<16xf32>
      %mul3A_1809 = arith.mulf %convert_element_type3A_1806, %mul3A_1808 : vector<16xf32>
      %mul3A_1810 = arith.mulf %div3A_1786, %add3A_1805 : vector<16xf32>
      %add3A_1811 = arith.addf %mul3A_1809, %mul3A_1810 : vector<16xf32>
      %neg3A_1812 = arith.constant 0.000000e+00 : f32
      %neg3A_1813 = vector.broadcast %neg3A_1812 : f32 to vector<16xf32>
      %neg3A_1814 = arith.subf %neg3A_1813, %add3A_1811 : vector<16xf32>
      %jit3A_1815 = arith.constant 0.000000e+00 : f32
      %broadcast_in_dim3A_1816 = vector.broadcast %jit3A_1815 : f32 to vector<16xf32>
      %select_n3A_1817 = arith.select %eq3A_1617, %neg3A_1814, %broadcast_in_dim3A_1816 : vector<16xi1>, vector<16xf32>
      %add3A_1818 = arith.addf %add3A_1567, %select_n3A_1817 : vector<16xf32>
      %jit3A_1819 = arith.constant 1.000000e+00 : f32
      %jit3A_1820 = arith.constant 0.000000e+00 : f32
      %broadcast_in_dim3A_1821 = vector.broadcast %jit3A_1819 : f32 to vector<16xf32>
      %broadcast_in_dim3A_1822 = vector.broadcast %jit3A_1820 : f32 to vector<16xf32>
      %select_n3A_1823 = arith.select %eq3A_1617, %broadcast_in_dim3A_1821, %broadcast_in_dim3A_1822 : vector<16xi1>, vector<16xf32>
      %add3A_1824 = arith.addf %add3A_1573, %select_n3A_1823 : vector<16xf32>
      %add3A_1825 = arith.constant 16 : i32
      %add3A_1826 = vector.broadcast %add3A_1825 : i32 to vector<16xi32>
      %add3A_1827 = arith.addi %add3A_1826, %iota3A : vector<16xi32>
      %add3A_1828 = arith.constant 48 : i32
      %add3A_1829 = vector.broadcast %add3A_1828 : i32 to vector<16xi32>
      %add3A_1830 = arith.addi %add3A_1829, %iota3A : vector<16xi32>
      %gather3A_1831 = tpu.vector_load_idx %arg14[%broadcast_in_dim3A_1597, %add3A_1830] : memref<8x64xi32, #tpu.memory_space<vmem>>[vector<16xi32>, vector<16xi32>], vector<16xi32>,
      %gather3A_1832 = tpu.vector_load_idx %arg15[%broadcast_in_dim3A_1597, %add3A_1830] : memref<8x64xi32, #tpu.memory_space<vmem>>[vector<16xi32>, vector<16xi32>], vector<16xi32>,
      %gather3A_1833 = tpu.vector_load_idx %arg16[%broadcast_in_dim3A_1597, %add3A_1830] : memref<8x64xi32, #tpu.memory_space<vmem>>[vector<16xi32>, vector<16xi32>], vector<16xi32>,
      %gather3A_1834 = tpu.vector_load_idx %arg21[%add3A_1827, %gather3A_1831] : memref<32x256xf32, #tpu.memory_space<vmem>>[vector<16xi32>, vector<16xi32>], vector<16xf32>,
      %gather3A_1835 = tpu.vector_load_idx %arg22[%add3A_1827, %gather3A_1832] : memref<32x512xf32, #tpu.memory_space<vmem>>[vector<16xi32>, vector<16xi32>], vector<16xf32>,
      %gather3A_1836 = tpu.vector_load_idx %arg23[%add3A_1827, %gather3A_1833] : memref<32x512xf32, #tpu.memory_space<vmem>>[vector<16xi32>, vector<16xi32>], vector<16xf32>,
      %gather3A_1837 = tpu.vector_load_idx %arg12[%broadcast_in_dim3A_1597, %add3A_1830] : memref<8x64xi32, #tpu.memory_space<vmem>>[vector<16xi32>, vector<16xi32>], vector<16xi32>,
      %eq3A_1838 = arith.constant 1 : i32
      %eq3A_1839 = vector.broadcast %eq3A_1838 : i32 to vector<16xi32>
      %eq3A_1840 = arith.cmpi eq, %gather3A_1837, %eq3A_1839 : vector<16xi32>
      %gather3A_1841 = tpu.vector_load_idx %arg13[%broadcast_in_dim3A_1597, %add3A_1830] : memref<8x64xi32, #tpu.memory_space<vmem>>[vector<16xi32>, vector<16xi32>], vector<16xi32>,
      %eq3A_1842 = arith.constant 1 : i32
      %eq3A_1843 = vector.broadcast %eq3A_1842 : i32 to vector<16xi32>
      %eq3A_1844 = arith.cmpi eq, %gather3A_1841, %eq3A_1843 : vector<16xi32>
      %add3A_1845 = arith.constant 9.99999974E-6 : f32
      %add3A_1846 = vector.broadcast %add3A_1845 : f32 to vector<16xf32>
      %add3A_1847 = arith.addf %gather3A_1834, %add3A_1846 : vector<16xf32>
      %bitcast_convert_type3A_1848 = tpu.bitcast %add3A_1847 : vector<16xf32> -> vector<16xi32>
      %shift_right_arithmetic3A_1849 = arith.constant 23 : i32
      %shift_right_arithmetic3A_1850 = vector.broadcast %shift_right_arithmetic3A_1849 : i32 to vector<16xi32>
      %shift_right_arithmetic3A_1851 = arith.shrsi %bitcast_convert_type3A_1848, %shift_right_arithmetic3A_1850 : vector<16xi32>
      %sub3A_1852 = arith.constant 127 : i32
      %sub3A_1853 = vector.broadcast %sub3A_1852 : i32 to vector<16xi32>
      %sub3A_1854 = arith.subi %shift_right_arithmetic3A_1851, %sub3A_1853 : vector<16xi32>
      %and3A_1855 = arith.constant 8388607 : i32
      %and3A_1856 = vector.broadcast %and3A_1855 : i32 to vector<16xi32>
      %and3A_1857 = arith.andi %bitcast_convert_type3A_1848, %and3A_1856 : vector<16xi32>
      %or3A_1858 = arith.constant 1065353216 : i32
      %or3A_1859 = vector.broadcast %or3A_1858 : i32 to vector<16xi32>
      %or3A_1860 = arith.ori %and3A_1857, %or3A_1859 : vector<16xi32>
      %bitcast_convert_type3A_1861 = tpu.bitcast %or3A_1860 : vector<16xi32> -> vector<16xf32>
      %gt3A_1862 = arith.constant 1.41421354 : f32
      %gt3A_1863 = vector.broadcast %gt3A_1862 : f32 to vector<16xf32>
      %gt3A_1864 = arith.cmpf ogt, %bitcast_convert_type3A_1861, %gt3A_1863 : vector<16xf32>
      %convert_element_type3A_1865 = arith.extui %gt3A_1864 : vector<16xi1> to vector<16xi32>
      %add3A_1866 = arith.addi %sub3A_1854, %convert_element_type3A_1865 : vector<16xi32>
      %mul3A_1867 = arith.constant 5.000000e-01 : f32
      %mul3A_1868 = vector.broadcast %mul3A_1867 : f32 to vector<16xf32>
      %mul3A_1869 = arith.mulf %bitcast_convert_type3A_1861, %mul3A_1868 : vector<16xf32>
      %select_n3A_1870 = arith.select %gt3A_1864, %mul3A_1869, %bitcast_convert_type3A_1861 : vector<16xi1>, vector<16xf32>
      %sub3A_1871 = arith.constant 1.000000e+00 : f32
      %sub3A_1872 = vector.broadcast %sub3A_1871 : f32 to vector<16xf32>
      %sub3A_1873 = arith.subf %select_n3A_1870, %sub3A_1872 : vector<16xf32>
      %add3A_1874 = arith.constant 1.000000e+00 : f32
      %add3A_1875 = vector.broadcast %add3A_1874 : f32 to vector<16xf32>
      %add3A_1876 = arith.addf %select_n3A_1870, %add3A_1875 : vector<16xf32>
      %div3A_1877 = arith.divf %sub3A_1873, %add3A_1876 : vector<16xf32>
      %mul3A_1878 = arith.mulf %div3A_1877, %div3A_1877 : vector<16xf32>
      %mul3A_1879 = arith.constant 0.222222224 : f32
      %mul3A_1880 = vector.broadcast %mul3A_1879 : f32 to vector<16xf32>
      %mul3A_1881 = arith.mulf %mul3A_1878, %mul3A_1880 : vector<16xf32>
      %add3A_1882 = arith.constant 0.285714298 : f32
      %add3A_1883 = vector.broadcast %add3A_1882 : f32 to vector<16xf32>
      %add3A_1884 = arith.addf %add3A_1883, %mul3A_1881 : vector<16xf32>
      %mul3A_1885 = arith.mulf %mul3A_1878, %add3A_1884 : vector<16xf32>
      %add3A_1886 = arith.constant 4.000000e-01 : f32
      %add3A_1887 = vector.broadcast %add3A_1886 : f32 to vector<16xf32>
      %add3A_1888 = arith.addf %add3A_1887, %mul3A_1885 : vector<16xf32>
      %mul3A_1889 = arith.mulf %mul3A_1878, %add3A_1888 : vector<16xf32>
      %add3A_1890 = arith.constant 0.666666686 : f32
      %add3A_1891 = vector.broadcast %add3A_1890 : f32 to vector<16xf32>
      %add3A_1892 = arith.addf %add3A_1891, %mul3A_1889 : vector<16xf32>
      %mul3A_1893 = arith.mulf %mul3A_1878, %add3A_1892 : vector<16xf32>
      %add3A_1894 = arith.constant 2.000000e+00 : f32
      %add3A_1895 = vector.broadcast %add3A_1894 : f32 to vector<16xf32>
      %add3A_1896 = arith.addf %add3A_1895, %mul3A_1893 : vector<16xf32>
      %convert_element_type3A_1897 = arith.sitofp %add3A_1866 : vector<16xi32> to vector<16xf32>
      %mul3A_1898 = arith.constant 0.693147182 : f32
      %mul3A_1899 = vector.broadcast %mul3A_1898 : f32 to vector<16xf32>
      %mul3A_1900 = arith.mulf %convert_element_type3A_1897, %mul3A_1899 : vector<16xf32>
      %mul3A_1901 = arith.mulf %div3A_1877, %add3A_1896 : vector<16xf32>
      %add3A_1902 = arith.addf %mul3A_1900, %mul3A_1901 : vector<16xf32>
      %neg3A_1903 = arith.constant 0.000000e+00 : f32
      %neg3A_1904 = vector.broadcast %neg3A_1903 : f32 to vector<16xf32>
      %neg3A_1905 = arith.subf %neg3A_1904, %add3A_1902 : vector<16xf32>
      %jit3A_1906 = arith.constant 0.000000e+00 : f32
      %broadcast_in_dim3A_1907 = vector.broadcast %jit3A_1906 : f32 to vector<16xf32>
      %select_n3A_1908 = arith.select %eq3A_1840, %neg3A_1905, %broadcast_in_dim3A_1907 : vector<16xi1>, vector<16xf32>
      %add3A_1909 = arith.addf %add3A_1682, %select_n3A_1908 : vector<16xf32>
      %jit3A_1910 = arith.constant 1.000000e+00 : f32
      %jit3A_1911 = arith.constant 0.000000e+00 : f32
      %broadcast_in_dim3A_1912 = vector.broadcast %jit3A_1910 : f32 to vector<16xf32>
      %broadcast_in_dim3A_1913 = vector.broadcast %jit3A_1911 : f32 to vector<16xf32>
      %select_n3A_1914 = arith.select %eq3A_1840, %broadcast_in_dim3A_1912, %broadcast_in_dim3A_1913 : vector<16xi1>, vector<16xf32>
      %add3A_1915 = arith.addf %add3A_1688, %select_n3A_1914 : vector<16xf32>
      %add3A_1916 = arith.constant 9.99999974E-6 : f32
      %add3A_1917 = vector.broadcast %add3A_1916 : f32 to vector<16xf32>
      %add3A_1918 = arith.addf %gather3A_1835, %add3A_1917 : vector<16xf32>
      %bitcast_convert_type3A_1919 = tpu.bitcast %add3A_1918 : vector<16xf32> -> vector<16xi32>
      %shift_right_arithmetic3A_1920 = arith.constant 23 : i32
      %shift_right_arithmetic3A_1921 = vector.broadcast %shift_right_arithmetic3A_1920 : i32 to vector<16xi32>
      %shift_right_arithmetic3A_1922 = arith.shrsi %bitcast_convert_type3A_1919, %shift_right_arithmetic3A_1921 : vector<16xi32>
      %sub3A_1923 = arith.constant 127 : i32
      %sub3A_1924 = vector.broadcast %sub3A_1923 : i32 to vector<16xi32>
      %sub3A_1925 = arith.subi %shift_right_arithmetic3A_1922, %sub3A_1924 : vector<16xi32>
      %and3A_1926 = arith.constant 8388607 : i32
      %and3A_1927 = vector.broadcast %and3A_1926 : i32 to vector<16xi32>
      %and3A_1928 = arith.andi %bitcast_convert_type3A_1919, %and3A_1927 : vector<16xi32>
      %or3A_1929 = arith.constant 1065353216 : i32
      %or3A_1930 = vector.broadcast %or3A_1929 : i32 to vector<16xi32>
      %or3A_1931 = arith.ori %and3A_1928, %or3A_1930 : vector<16xi32>
      %bitcast_convert_type3A_1932 = tpu.bitcast %or3A_1931 : vector<16xi32> -> vector<16xf32>
      %gt3A_1933 = arith.constant 1.41421354 : f32
      %gt3A_1934 = vector.broadcast %gt3A_1933 : f32 to vector<16xf32>
      %gt3A_1935 = arith.cmpf ogt, %bitcast_convert_type3A_1932, %gt3A_1934 : vector<16xf32>
      %convert_element_type3A_1936 = arith.extui %gt3A_1935 : vector<16xi1> to vector<16xi32>
      %add3A_1937 = arith.addi %sub3A_1925, %convert_element_type3A_1936 : vector<16xi32>
      %mul3A_1938 = arith.constant 5.000000e-01 : f32
      %mul3A_1939 = vector.broadcast %mul3A_1938 : f32 to vector<16xf32>
      %mul3A_1940 = arith.mulf %bitcast_convert_type3A_1932, %mul3A_1939 : vector<16xf32>
      %select_n3A_1941 = arith.select %gt3A_1935, %mul3A_1940, %bitcast_convert_type3A_1932 : vector<16xi1>, vector<16xf32>
      %sub3A_1942 = arith.constant 1.000000e+00 : f32
      %sub3A_1943 = vector.broadcast %sub3A_1942 : f32 to vector<16xf32>
      %sub3A_1944 = arith.subf %select_n3A_1941, %sub3A_1943 : vector<16xf32>
      %add3A_1945 = arith.constant 1.000000e+00 : f32
      %add3A_1946 = vector.broadcast %add3A_1945 : f32 to vector<16xf32>
      %add3A_1947 = arith.addf %select_n3A_1941, %add3A_1946 : vector<16xf32>
      %div3A_1948 = arith.divf %sub3A_1944, %add3A_1947 : vector<16xf32>
      %mul3A_1949 = arith.mulf %div3A_1948, %div3A_1948 : vector<16xf32>
      %mul3A_1950 = arith.constant 0.222222224 : f32
      %mul3A_1951 = vector.broadcast %mul3A_1950 : f32 to vector<16xf32>
      %mul3A_1952 = arith.mulf %mul3A_1949, %mul3A_1951 : vector<16xf32>
      %add3A_1953 = arith.constant 0.285714298 : f32
      %add3A_1954 = vector.broadcast %add3A_1953 : f32 to vector<16xf32>
      %add3A_1955 = arith.addf %add3A_1954, %mul3A_1952 : vector<16xf32>
      %mul3A_1956 = arith.mulf %mul3A_1949, %add3A_1955 : vector<16xf32>
      %add3A_1957 = arith.constant 4.000000e-01 : f32
      %add3A_1958 = vector.broadcast %add3A_1957 : f32 to vector<16xf32>
      %add3A_1959 = arith.addf %add3A_1958, %mul3A_1956 : vector<16xf32>
      %mul3A_1960 = arith.mulf %mul3A_1949, %add3A_1959 : vector<16xf32>
      %add3A_1961 = arith.constant 0.666666686 : f32
      %add3A_1962 = vector.broadcast %add3A_1961 : f32 to vector<16xf32>
      %add3A_1963 = arith.addf %add3A_1962, %mul3A_1960 : vector<16xf32>
      %mul3A_1964 = arith.mulf %mul3A_1949, %add3A_1963 : vector<16xf32>
      %add3A_1965 = arith.constant 2.000000e+00 : f32
      %add3A_1966 = vector.broadcast %add3A_1965 : f32 to vector<16xf32>
      %add3A_1967 = arith.addf %add3A_1966, %mul3A_1964 : vector<16xf32>
      %convert_element_type3A_1968 = arith.sitofp %add3A_1937 : vector<16xi32> to vector<16xf32>
      %mul3A_1969 = arith.constant 0.693147182 : f32
      %mul3A_1970 = vector.broadcast %mul3A_1969 : f32 to vector<16xf32>
      %mul3A_1971 = arith.mulf %convert_element_type3A_1968, %mul3A_1970 : vector<16xf32>
      %mul3A_1972 = arith.mulf %div3A_1948, %add3A_1967 : vector<16xf32>
      %add3A_1973 = arith.addf %mul3A_1971, %mul3A_1972 : vector<16xf32>
      %neg3A_1974 = arith.constant 0.000000e+00 : f32
      %neg3A_1975 = vector.broadcast %neg3A_1974 : f32 to vector<16xf32>
      %neg3A_1976 = arith.subf %neg3A_1975, %add3A_1973 : vector<16xf32>
      %jit3A_1977 = arith.constant 0.000000e+00 : f32
      %broadcast_in_dim3A_1978 = vector.broadcast %jit3A_1977 : f32 to vector<16xf32>
      %select_n3A_1979 = arith.select %eq3A_1844, %neg3A_1976, %broadcast_in_dim3A_1978 : vector<16xi1>, vector<16xf32>
      %add3A_1980 = arith.addf %add3A_1753, %select_n3A_1979 : vector<16xf32>
      %add3A_1981 = arith.constant 9.99999974E-6 : f32
      %add3A_1982 = vector.broadcast %add3A_1981 : f32 to vector<16xf32>
      %add3A_1983 = arith.addf %gather3A_1836, %add3A_1982 : vector<16xf32>
      %bitcast_convert_type3A_1984 = tpu.bitcast %add3A_1983 : vector<16xf32> -> vector<16xi32>
      %shift_right_arithmetic3A_1985 = arith.constant 23 : i32
      %shift_right_arithmetic3A_1986 = vector.broadcast %shift_right_arithmetic3A_1985 : i32 to vector<16xi32>
      %shift_right_arithmetic3A_1987 = arith.shrsi %bitcast_convert_type3A_1984, %shift_right_arithmetic3A_1986 : vector<16xi32>
      %sub3A_1988 = arith.constant 127 : i32
      %sub3A_1989 = vector.broadcast %sub3A_1988 : i32 to vector<16xi32>
      %sub3A_1990 = arith.subi %shift_right_arithmetic3A_1987, %sub3A_1989 : vector<16xi32>
      %and3A_1991 = arith.constant 8388607 : i32
      %and3A_1992 = vector.broadcast %and3A_1991 : i32 to vector<16xi32>
      %and3A_1993 = arith.andi %bitcast_convert_type3A_1984, %and3A_1992 : vector<16xi32>
      %or3A_1994 = arith.constant 1065353216 : i32
      %or3A_1995 = vector.broadcast %or3A_1994 : i32 to vector<16xi32>
      %or3A_1996 = arith.ori %and3A_1993, %or3A_1995 : vector<16xi32>
      %bitcast_convert_type3A_1997 = tpu.bitcast %or3A_1996 : vector<16xi32> -> vector<16xf32>
      %gt3A_1998 = arith.constant 1.41421354 : f32
      %gt3A_1999 = vector.broadcast %gt3A_1998 : f32 to vector<16xf32>
      %gt3A_2000 = arith.cmpf ogt, %bitcast_convert_type3A_1997, %gt3A_1999 : vector<16xf32>
      %convert_element_type3A_2001 = arith.extui %gt3A_2000 : vector<16xi1> to vector<16xi32>
      %add3A_2002 = arith.addi %sub3A_1990, %convert_element_type3A_2001 : vector<16xi32>
      %mul3A_2003 = arith.constant 5.000000e-01 : f32
      %mul3A_2004 = vector.broadcast %mul3A_2003 : f32 to vector<16xf32>
      %mul3A_2005 = arith.mulf %bitcast_convert_type3A_1997, %mul3A_2004 : vector<16xf32>
      %select_n3A_2006 = arith.select %gt3A_2000, %mul3A_2005, %bitcast_convert_type3A_1997 : vector<16xi1>, vector<16xf32>
      %sub3A_2007 = arith.constant 1.000000e+00 : f32
      %sub3A_2008 = vector.broadcast %sub3A_2007 : f32 to vector<16xf32>
      %sub3A_2009 = arith.subf %select_n3A_2006, %sub3A_2008 : vector<16xf32>
      %add3A_2010 = arith.constant 1.000000e+00 : f32
      %add3A_2011 = vector.broadcast %add3A_2010 : f32 to vector<16xf32>
      %add3A_2012 = arith.addf %select_n3A_2006, %add3A_2011 : vector<16xf32>
      %div3A_2013 = arith.divf %sub3A_2009, %add3A_2012 : vector<16xf32>
      %mul3A_2014 = arith.mulf %div3A_2013, %div3A_2013 : vector<16xf32>
      %mul3A_2015 = arith.constant 0.222222224 : f32
      %mul3A_2016 = vector.broadcast %mul3A_2015 : f32 to vector<16xf32>
      %mul3A_2017 = arith.mulf %mul3A_2014, %mul3A_2016 : vector<16xf32>
      %add3A_2018 = arith.constant 0.285714298 : f32
      %add3A_2019 = vector.broadcast %add3A_2018 : f32 to vector<16xf32>
      %add3A_2020 = arith.addf %add3A_2019, %mul3A_2017 : vector<16xf32>
      %mul3A_2021 = arith.mulf %mul3A_2014, %add3A_2020 : vector<16xf32>
      %add3A_2022 = arith.constant 4.000000e-01 : f32
      %add3A_2023 = vector.broadcast %add3A_2022 : f32 to vector<16xf32>
      %add3A_2024 = arith.addf %add3A_2023, %mul3A_2021 : vector<16xf32>
      %mul3A_2025 = arith.mulf %mul3A_2014, %add3A_2024 : vector<16xf32>
      %add3A_2026 = arith.constant 0.666666686 : f32
      %add3A_2027 = vector.broadcast %add3A_2026 : f32 to vector<16xf32>
      %add3A_2028 = arith.addf %add3A_2027, %mul3A_2025 : vector<16xf32>
      %mul3A_2029 = arith.mulf %mul3A_2014, %add3A_2028 : vector<16xf32>
      %add3A_2030 = arith.constant 2.000000e+00 : f32
      %add3A_2031 = vector.broadcast %add3A_2030 : f32 to vector<16xf32>
      %add3A_2032 = arith.addf %add3A_2031, %mul3A_2029 : vector<16xf32>
      %convert_element_type3A_2033 = arith.sitofp %add3A_2002 : vector<16xi32> to vector<16xf32>
      %mul3A_2034 = arith.constant 0.693147182 : f32
      %mul3A_2035 = vector.broadcast %mul3A_2034 : f32 to vector<16xf32>
      %mul3A_2036 = arith.mulf %convert_element_type3A_2033, %mul3A_2035 : vector<16xf32>
      %mul3A_2037 = arith.mulf %div3A_2013, %add3A_2032 : vector<16xf32>
      %add3A_2038 = arith.addf %mul3A_2036, %mul3A_2037 : vector<16xf32>
      %neg3A_2039 = arith.constant 0.000000e+00 : f32
      %neg3A_2040 = vector.broadcast %neg3A_2039 : f32 to vector<16xf32>
      %neg3A_2041 = arith.subf %neg3A_2040, %add3A_2038 : vector<16xf32>
      %jit3A_2042 = arith.constant 0.000000e+00 : f32
      %broadcast_in_dim3A_2043 = vector.broadcast %jit3A_2042 : f32 to vector<16xf32>
      %select_n3A_2044 = arith.select %eq3A_1844, %neg3A_2041, %broadcast_in_dim3A_2043 : vector<16xi1>, vector<16xf32>
      %add3A_2045 = arith.addf %add3A_1818, %select_n3A_2044 : vector<16xf32>
      %jit3A_2046 = arith.constant 1.000000e+00 : f32
      %jit3A_2047 = arith.constant 0.000000e+00 : f32
      %broadcast_in_dim3A_2048 = vector.broadcast %jit3A_2046 : f32 to vector<16xf32>
      %broadcast_in_dim3A_2049 = vector.broadcast %jit3A_2047 : f32 to vector<16xf32>
      %select_n3A_2050 = arith.select %eq3A_1844, %broadcast_in_dim3A_2048, %broadcast_in_dim3A_2049 : vector<16xi1>, vector<16xf32>
      %add3A_2051 = arith.addf %add3A_1824, %select_n3A_2050 : vector<16xf32>
      %swap3A = arith.constant 0 : index
      %swap3A_2052 = tpu.vector_load %arg24[%swap3A] {strides = array<i32>} : memref<80xf32, #tpu.memory_space<vmem>>, vector<16xf32>,
      tpu.vector_store %arg24[%swap3A], %add3A_1909 {strides = array<i32>} : memref<80xf32, #tpu.memory_space<vmem>>, vector<16xf32>,
      %swap3A_2053 = arith.constant 16 : index
      %swap3A_2054 = tpu.vector_load %arg24[%swap3A_2053] {strides = array<i32>} : memref<80xf32, #tpu.memory_space<vmem>>, vector<16xf32>,
      tpu.vector_store %arg24[%swap3A_2053], %add3A_1915 {strides = array<i32>} : memref<80xf32, #tpu.memory_space<vmem>>, vector<16xf32>,
      %swap3A_2055 = arith.constant 32 : index
      %swap3A_2056 = tpu.vector_load %arg24[%swap3A_2055] {strides = array<i32>} : memref<80xf32, #tpu.memory_space<vmem>>, vector<16xf32>,
      tpu.vector_store %arg24[%swap3A_2055], %add3A_1980 {strides = array<i32>} : memref<80xf32, #tpu.memory_space<vmem>>, vector<16xf32>,
      %swap3A_2057 = arith.constant 48 : index
      %swap3A_2058 = tpu.vector_load %arg24[%swap3A_2057] {strides = array<i32>} : memref<80xf32, #tpu.memory_space<vmem>>, vector<16xf32>,
      tpu.vector_store %arg24[%swap3A_2057], %add3A_2045 {strides = array<i32>} : memref<80xf32, #tpu.memory_space<vmem>>, vector<16xf32>,
      %swap3A_2059 = arith.constant 64 : index
      %swap3A_2060 = tpu.vector_load %arg24[%swap3A_2059] {strides = array<i32>} : memref<80xf32, #tpu.memory_space<vmem>>, vector<16xf32>,
      tpu.vector_store %arg24[%swap3A_2059], %add3A_2051 {strides = array<i32>} : memref<80xf32, #tpu.memory_space<vmem>>, vector<16xf32>,
      %mul3A_2061 = arith.constant 80 : i32
      %mul3A_2062 = arith.muli %arg1, %mul3A_2061 : i32
      "tpu.region"() ({
        %run_scoped3A = tpu.sem_alloc : memref<!tpu.dma_semaphore, #tpu.memory_space<semaphore_mem>>
        %dma_start3A_2063 = tpu.memref_slice %arg28[%mul3A_2062] : memref<1200xf32, #tpu.memory_space<vmem_shared>> -> memref<80xf32, #tpu.memory_space<vmem_shared>>
        %dma_start3A_2064 = tpu.memref_slice %arg28[%mul3A_2062] : memref<1200xf32, #tpu.memory_space<vmem_shared>> -> memref<80xf32, #tpu.memory_space<vmem_shared>>
        tpu.enqueue_dma source(%arg24 : memref<80xf32, #tpu.memory_space<vmem>>) target(%dma_start3A_2064 : memref<80xf32, #tpu.memory_space<vmem_shared>>) target_semaphore(%run_scoped3A : memref<!tpu.dma_semaphore, #tpu.memory_space<semaphore_mem>>)
        %dma_wait3A_2065 = tpu.memref_slice %arg28[%mul3A_2062] : memref<1200xf32, #tpu.memory_space<vmem_shared>> -> memref<80xf32, #tpu.memory_space<vmem_shared>>
        %dma_wait3A_2066 = tpu.memref_slice %arg28[%mul3A_2062] : memref<1200xf32, #tpu.memory_space<vmem_shared>> -> memref<80xf32, #tpu.memory_space<vmem_shared>>
        tpu.wait_dma2 semaphore(%run_scoped3A : memref<!tpu.dma_semaphore, #tpu.memory_space<semaphore_mem>>) src(%arg24 : memref<80xf32, #tpu.memory_space<vmem>>) dst(%dma_wait3A_2066 : memref<80xf32, #tpu.memory_space<vmem_shared>>)
        tpu.yield
      }) : () -> ()
    } else {
    }
    %barrier3A = arith.constant 0 : index
    tpu.barrier barrier_id(%barrier3A)
    %eq3A = arith.constant 0 : i32
    %eq3A_2 = arith.cmpi eq, %arg1, %eq3A : i32
    %convert_element_type3A_3 = arith.extui %eq3A_2 : i1 to i32
    %cond3A_4 = arith.constant 0 : i32
    %cond3A_5 = arith.cmpi ne, %convert_element_type3A_3, %cond3A_4 : i32
    scf.if %cond3A_5 {
      "tpu.region"() ({
        %run_scoped3A = tpu.sem_alloc : memref<!tpu.dma_semaphore, #tpu.memory_space<semaphore_mem>>
        tpu.enqueue_dma source(%arg28 : memref<1200xf32, #tpu.memory_space<vmem_shared>>) target(%arg25 : memref<1200xf32, #tpu.memory_space<vmem>>) target_semaphore(%run_scoped3A : memref<!tpu.dma_semaphore, #tpu.memory_space<semaphore_mem>>)
        tpu.wait_dma2 semaphore(%run_scoped3A : memref<!tpu.dma_semaphore, #tpu.memory_space<semaphore_mem>>) src(%arg28 : memref<1200xf32, #tpu.memory_space<vmem_shared>>) dst(%arg25 : memref<1200xf32, #tpu.memory_space<vmem>>)
        tpu.yield
      }) : () -> ()
      %broadcast_in_dim3A = arith.constant 0.000000e+00 : f32
      %broadcast_in_dim3A_6 = vector.broadcast %broadcast_in_dim3A : f32 to vector<16xf32>
      %broadcast_in_dim3A_7 = arith.constant 0.000000e+00 : f32
      %broadcast_in_dim3A_8 = vector.broadcast %broadcast_in_dim3A_7 : f32 to vector<16xf32>
      %broadcast_in_dim3A_9 = arith.constant 0.000000e+00 : f32
      %broadcast_in_dim3A_10 = vector.broadcast %broadcast_in_dim3A_9 : f32 to vector<16xf32>
      %broadcast_in_dim3A_11 = arith.constant 0.000000e+00 : f32
      %broadcast_in_dim3A_12 = vector.broadcast %broadcast_in_dim3A_11 : f32 to vector<16xf32>
      %broadcast_in_dim3A_13 = arith.constant 0.000000e+00 : f32
      %broadcast_in_dim3A_14 = vector.broadcast %broadcast_in_dim3A_13 : f32 to vector<16xf32>
      %get3A = arith.constant 0 : index
      %get3A_15 = tpu.vector_load %arg25[%get3A] {strides = array<i32>} : memref<1200xf32, #tpu.memory_space<vmem>>, vector<16xf32>,
      %add3A = arith.addf %broadcast_in_dim3A_6, %get3A_15 : vector<16xf32>
      %get3A_16 = arith.constant 16 : index
      %get3A_17 = tpu.vector_load %arg25[%get3A_16] {strides = array<i32>} : memref<1200xf32, #tpu.memory_space<vmem>>, vector<16xf32>,
      %add3A_18 = arith.addf %broadcast_in_dim3A_8, %get3A_17 : vector<16xf32>
      %get3A_19 = arith.constant 32 : index
      %get3A_20 = tpu.vector_load %arg25[%get3A_19] {strides = array<i32>} : memref<1200xf32, #tpu.memory_space<vmem>>, vector<16xf32>,
      %add3A_21 = arith.addf %broadcast_in_dim3A_10, %get3A_20 : vector<16xf32>
      %get3A_22 = arith.constant 48 : index
      %get3A_23 = tpu.vector_load %arg25[%get3A_22] {strides = array<i32>} : memref<1200xf32, #tpu.memory_space<vmem>>, vector<16xf32>,
      %add3A_24 = arith.addf %broadcast_in_dim3A_12, %get3A_23 : vector<16xf32>
      %get3A_25 = arith.constant 64 : index
      %get3A_26 = tpu.vector_load %arg25[%get3A_25] {strides = array<i32>} : memref<1200xf32, #tpu.memory_space<vmem>>, vector<16xf32>,
      %add3A_27 = arith.addf %broadcast_in_dim3A_14, %get3A_26 : vector<16xf32>
      %get3A_28 = arith.constant 80 : index
      %get3A_29 = tpu.vector_load %arg25[%get3A_28] {strides = array<i32>} : memref<1200xf32, #tpu.memory_space<vmem>>, vector<16xf32>,
      %add3A_30 = arith.addf %add3A, %get3A_29 : vector<16xf32>
      %get3A_31 = arith.constant 96 : index
      %get3A_32 = tpu.vector_load %arg25[%get3A_31] {strides = array<i32>} : memref<1200xf32, #tpu.memory_space<vmem>>, vector<16xf32>,
      %add3A_33 = arith.addf %add3A_18, %get3A_32 : vector<16xf32>
      %get3A_34 = arith.constant 112 : index
      %get3A_35 = tpu.vector_load %arg25[%get3A_34] {strides = array<i32>} : memref<1200xf32, #tpu.memory_space<vmem>>, vector<16xf32>,
      %add3A_36 = arith.addf %add3A_21, %get3A_35 : vector<16xf32>
      %get3A_37 = arith.constant 128 : index
      %get3A_38 = tpu.vector_load %arg25[%get3A_37] {strides = array<i32>} : memref<1200xf32, #tpu.memory_space<vmem>>, vector<16xf32>,
      %add3A_39 = arith.addf %add3A_24, %get3A_38 : vector<16xf32>
      %get3A_40 = arith.constant 144 : index
      %get3A_41 = tpu.vector_load %arg25[%get3A_40] {strides = array<i32>} : memref<1200xf32, #tpu.memory_space<vmem>>, vector<16xf32>,
      %add3A_42 = arith.addf %add3A_27, %get3A_41 : vector<16xf32>
      %get3A_43 = arith.constant 160 : index
      %get3A_44 = tpu.vector_load %arg25[%get3A_43] {strides = array<i32>} : memref<1200xf32, #tpu.memory_space<vmem>>, vector<16xf32>,
      %add3A_45 = arith.addf %add3A_30, %get3A_44 : vector<16xf32>
      %get3A_46 = arith.constant 176 : index
      %get3A_47 = tpu.vector_load %arg25[%get3A_46] {strides = array<i32>} : memref<1200xf32, #tpu.memory_space<vmem>>, vector<16xf32>,
      %add3A_48 = arith.addf %add3A_33, %get3A_47 : vector<16xf32>
      %get3A_49 = arith.constant 192 : index
      %get3A_50 = tpu.vector_load %arg25[%get3A_49] {strides = array<i32>} : memref<1200xf32, #tpu.memory_space<vmem>>, vector<16xf32>,
      %add3A_51 = arith.addf %add3A_36, %get3A_50 : vector<16xf32>
      %get3A_52 = arith.constant 208 : index
      %get3A_53 = tpu.vector_load %arg25[%get3A_52] {strides = array<i32>} : memref<1200xf32, #tpu.memory_space<vmem>>, vector<16xf32>,
      %add3A_54 = arith.addf %add3A_39, %get3A_53 : vector<16xf32>
      %get3A_55 = arith.constant 224 : index
      %get3A_56 = tpu.vector_load %arg25[%get3A_55] {strides = array<i32>} : memref<1200xf32, #tpu.memory_space<vmem>>, vector<16xf32>,
      %add3A_57 = arith.addf %add3A_42, %get3A_56 : vector<16xf32>
      %get3A_58 = arith.constant 240 : index
      %get3A_59 = tpu.vector_load %arg25[%get3A_58] {strides = array<i32>} : memref<1200xf32, #tpu.memory_space<vmem>>, vector<16xf32>,
      %add3A_60 = arith.addf %add3A_45, %get3A_59 : vector<16xf32>
      %get3A_61 = arith.constant 256 : index
      %get3A_62 = tpu.vector_load %arg25[%get3A_61] {strides = array<i32>} : memref<1200xf32, #tpu.memory_space<vmem>>, vector<16xf32>,
      %add3A_63 = arith.addf %add3A_48, %get3A_62 : vector<16xf32>
      %get3A_64 = arith.constant 272 : index
      %get3A_65 = tpu.vector_load %arg25[%get3A_64] {strides = array<i32>} : memref<1200xf32, #tpu.memory_space<vmem>>, vector<16xf32>,
      %add3A_66 = arith.addf %add3A_51, %get3A_65 : vector<16xf32>
      %get3A_67 = arith.constant 288 : index
      %get3A_68 = tpu.vector_load %arg25[%get3A_67] {strides = array<i32>} : memref<1200xf32, #tpu.memory_space<vmem>>, vector<16xf32>,
      %add3A_69 = arith.addf %add3A_54, %get3A_68 : vector<16xf32>
      %get3A_70 = arith.constant 304 : index
      %get3A_71 = tpu.vector_load %arg25[%get3A_70] {strides = array<i32>} : memref<1200xf32, #tpu.memory_space<vmem>>, vector<16xf32>,
      %add3A_72 = arith.addf %add3A_57, %get3A_71 : vector<16xf32>
      %get3A_73 = arith.constant 320 : index
      %get3A_74 = tpu.vector_load %arg25[%get3A_73] {strides = array<i32>} : memref<1200xf32, #tpu.memory_space<vmem>>, vector<16xf32>,
      %add3A_75 = arith.addf %add3A_60, %get3A_74 : vector<16xf32>
      %get3A_76 = arith.constant 336 : index
      %get3A_77 = tpu.vector_load %arg25[%get3A_76] {strides = array<i32>} : memref<1200xf32, #tpu.memory_space<vmem>>, vector<16xf32>,
      %add3A_78 = arith.addf %add3A_63, %get3A_77 : vector<16xf32>
      %get3A_79 = arith.constant 352 : index
      %get3A_80 = tpu.vector_load %arg25[%get3A_79] {strides = array<i32>} : memref<1200xf32, #tpu.memory_space<vmem>>, vector<16xf32>,
      %add3A_81 = arith.addf %add3A_66, %get3A_80 : vector<16xf32>
      %get3A_82 = arith.constant 368 : index
      %get3A_83 = tpu.vector_load %arg25[%get3A_82] {strides = array<i32>} : memref<1200xf32, #tpu.memory_space<vmem>>, vector<16xf32>,
      %add3A_84 = arith.addf %add3A_69, %get3A_83 : vector<16xf32>
      %get3A_85 = arith.constant 384 : index
      %get3A_86 = tpu.vector_load %arg25[%get3A_85] {strides = array<i32>} : memref<1200xf32, #tpu.memory_space<vmem>>, vector<16xf32>,
      %add3A_87 = arith.addf %add3A_72, %get3A_86 : vector<16xf32>
      %get3A_88 = arith.constant 400 : index
      %get3A_89 = tpu.vector_load %arg25[%get3A_88] {strides = array<i32>} : memref<1200xf32, #tpu.memory_space<vmem>>, vector<16xf32>,
      %add3A_90 = arith.addf %add3A_75, %get3A_89 : vector<16xf32>
      %get3A_91 = arith.constant 416 : index
      %get3A_92 = tpu.vector_load %arg25[%get3A_91] {strides = array<i32>} : memref<1200xf32, #tpu.memory_space<vmem>>, vector<16xf32>,
      %add3A_93 = arith.addf %add3A_78, %get3A_92 : vector<16xf32>
      %get3A_94 = arith.constant 432 : index
      %get3A_95 = tpu.vector_load %arg25[%get3A_94] {strides = array<i32>} : memref<1200xf32, #tpu.memory_space<vmem>>, vector<16xf32>,
      %add3A_96 = arith.addf %add3A_81, %get3A_95 : vector<16xf32>
      %get3A_97 = arith.constant 448 : index
      %get3A_98 = tpu.vector_load %arg25[%get3A_97] {strides = array<i32>} : memref<1200xf32, #tpu.memory_space<vmem>>, vector<16xf32>,
      %add3A_99 = arith.addf %add3A_84, %get3A_98 : vector<16xf32>
      %get3A_100 = arith.constant 464 : index
      %get3A_101 = tpu.vector_load %arg25[%get3A_100] {strides = array<i32>} : memref<1200xf32, #tpu.memory_space<vmem>>, vector<16xf32>,
      %add3A_102 = arith.addf %add3A_87, %get3A_101 : vector<16xf32>
      %get3A_103 = arith.constant 480 : index
      %get3A_104 = tpu.vector_load %arg25[%get3A_103] {strides = array<i32>} : memref<1200xf32, #tpu.memory_space<vmem>>, vector<16xf32>,
      %add3A_105 = arith.addf %add3A_90, %get3A_104 : vector<16xf32>
      %get3A_106 = arith.constant 496 : index
      %get3A_107 = tpu.vector_load %arg25[%get3A_106] {strides = array<i32>} : memref<1200xf32, #tpu.memory_space<vmem>>, vector<16xf32>,
      %add3A_108 = arith.addf %add3A_93, %get3A_107 : vector<16xf32>
      %get3A_109 = arith.constant 512 : index
      %get3A_110 = tpu.vector_load %arg25[%get3A_109] {strides = array<i32>} : memref<1200xf32, #tpu.memory_space<vmem>>, vector<16xf32>,
      %add3A_111 = arith.addf %add3A_96, %get3A_110 : vector<16xf32>
      %get3A_112 = arith.constant 528 : index
      %get3A_113 = tpu.vector_load %arg25[%get3A_112] {strides = array<i32>} : memref<1200xf32, #tpu.memory_space<vmem>>, vector<16xf32>,
      %add3A_114 = arith.addf %add3A_99, %get3A_113 : vector<16xf32>
      %get3A_115 = arith.constant 544 : index
      %get3A_116 = tpu.vector_load %arg25[%get3A_115] {strides = array<i32>} : memref<1200xf32, #tpu.memory_space<vmem>>, vector<16xf32>,
      %add3A_117 = arith.addf %add3A_102, %get3A_116 : vector<16xf32>
      %get3A_118 = arith.constant 560 : index
      %get3A_119 = tpu.vector_load %arg25[%get3A_118] {strides = array<i32>} : memref<1200xf32, #tpu.memory_space<vmem>>, vector<16xf32>,
      %add3A_120 = arith.addf %add3A_105, %get3A_119 : vector<16xf32>
      %get3A_121 = arith.constant 576 : index
      %get3A_122 = tpu.vector_load %arg25[%get3A_121] {strides = array<i32>} : memref<1200xf32, #tpu.memory_space<vmem>>, vector<16xf32>,
      %add3A_123 = arith.addf %add3A_108, %get3A_122 : vector<16xf32>
      %get3A_124 = arith.constant 592 : index
      %get3A_125 = tpu.vector_load %arg25[%get3A_124] {strides = array<i32>} : memref<1200xf32, #tpu.memory_space<vmem>>, vector<16xf32>,
      %add3A_126 = arith.addf %add3A_111, %get3A_125 : vector<16xf32>
      %get3A_127 = arith.constant 608 : index
      %get3A_128 = tpu.vector_load %arg25[%get3A_127] {strides = array<i32>} : memref<1200xf32, #tpu.memory_space<vmem>>, vector<16xf32>,
      %add3A_129 = arith.addf %add3A_114, %get3A_128 : vector<16xf32>
      %get3A_130 = arith.constant 624 : index
      %get3A_131 = tpu.vector_load %arg25[%get3A_130] {strides = array<i32>} : memref<1200xf32, #tpu.memory_space<vmem>>, vector<16xf32>,
      %add3A_132 = arith.addf %add3A_117, %get3A_131 : vector<16xf32>
      %get3A_133 = arith.constant 640 : index
      %get3A_134 = tpu.vector_load %arg25[%get3A_133] {strides = array<i32>} : memref<1200xf32, #tpu.memory_space<vmem>>, vector<16xf32>,
      %add3A_135 = arith.addf %add3A_120, %get3A_134 : vector<16xf32>
      %get3A_136 = arith.constant 656 : index
      %get3A_137 = tpu.vector_load %arg25[%get3A_136] {strides = array<i32>} : memref<1200xf32, #tpu.memory_space<vmem>>, vector<16xf32>,
      %add3A_138 = arith.addf %add3A_123, %get3A_137 : vector<16xf32>
      %get3A_139 = arith.constant 672 : index
      %get3A_140 = tpu.vector_load %arg25[%get3A_139] {strides = array<i32>} : memref<1200xf32, #tpu.memory_space<vmem>>, vector<16xf32>,
      %add3A_141 = arith.addf %add3A_126, %get3A_140 : vector<16xf32>
      %get3A_142 = arith.constant 688 : index
      %get3A_143 = tpu.vector_load %arg25[%get3A_142] {strides = array<i32>} : memref<1200xf32, #tpu.memory_space<vmem>>, vector<16xf32>,
      %add3A_144 = arith.addf %add3A_129, %get3A_143 : vector<16xf32>
      %get3A_145 = arith.constant 704 : index
      %get3A_146 = tpu.vector_load %arg25[%get3A_145] {strides = array<i32>} : memref<1200xf32, #tpu.memory_space<vmem>>, vector<16xf32>,
      %add3A_147 = arith.addf %add3A_132, %get3A_146 : vector<16xf32>
      %get3A_148 = arith.constant 720 : index
      %get3A_149 = tpu.vector_load %arg25[%get3A_148] {strides = array<i32>} : memref<1200xf32, #tpu.memory_space<vmem>>, vector<16xf32>,
      %add3A_150 = arith.addf %add3A_135, %get3A_149 : vector<16xf32>
      %get3A_151 = arith.constant 736 : index
      %get3A_152 = tpu.vector_load %arg25[%get3A_151] {strides = array<i32>} : memref<1200xf32, #tpu.memory_space<vmem>>, vector<16xf32>,
      %add3A_153 = arith.addf %add3A_138, %get3A_152 : vector<16xf32>
      %get3A_154 = arith.constant 752 : index
      %get3A_155 = tpu.vector_load %arg25[%get3A_154] {strides = array<i32>} : memref<1200xf32, #tpu.memory_space<vmem>>, vector<16xf32>,
      %add3A_156 = arith.addf %add3A_141, %get3A_155 : vector<16xf32>
      %get3A_157 = arith.constant 768 : index
      %get3A_158 = tpu.vector_load %arg25[%get3A_157] {strides = array<i32>} : memref<1200xf32, #tpu.memory_space<vmem>>, vector<16xf32>,
      %add3A_159 = arith.addf %add3A_144, %get3A_158 : vector<16xf32>
      %get3A_160 = arith.constant 784 : index
      %get3A_161 = tpu.vector_load %arg25[%get3A_160] {strides = array<i32>} : memref<1200xf32, #tpu.memory_space<vmem>>, vector<16xf32>,
      %add3A_162 = arith.addf %add3A_147, %get3A_161 : vector<16xf32>
      %get3A_163 = arith.constant 800 : index
      %get3A_164 = tpu.vector_load %arg25[%get3A_163] {strides = array<i32>} : memref<1200xf32, #tpu.memory_space<vmem>>, vector<16xf32>,
      %add3A_165 = arith.addf %add3A_150, %get3A_164 : vector<16xf32>
      %get3A_166 = arith.constant 816 : index
      %get3A_167 = tpu.vector_load %arg25[%get3A_166] {strides = array<i32>} : memref<1200xf32, #tpu.memory_space<vmem>>, vector<16xf32>,
      %add3A_168 = arith.addf %add3A_153, %get3A_167 : vector<16xf32>
      %get3A_169 = arith.constant 832 : index
      %get3A_170 = tpu.vector_load %arg25[%get3A_169] {strides = array<i32>} : memref<1200xf32, #tpu.memory_space<vmem>>, vector<16xf32>,
      %add3A_171 = arith.addf %add3A_156, %get3A_170 : vector<16xf32>
      %get3A_172 = arith.constant 848 : index
      %get3A_173 = tpu.vector_load %arg25[%get3A_172] {strides = array<i32>} : memref<1200xf32, #tpu.memory_space<vmem>>, vector<16xf32>,
      %add3A_174 = arith.addf %add3A_159, %get3A_173 : vector<16xf32>
      %get3A_175 = arith.constant 864 : index
      %get3A_176 = tpu.vector_load %arg25[%get3A_175] {strides = array<i32>} : memref<1200xf32, #tpu.memory_space<vmem>>, vector<16xf32>,
      %add3A_177 = arith.addf %add3A_162, %get3A_176 : vector<16xf32>
      %get3A_178 = arith.constant 880 : index
      %get3A_179 = tpu.vector_load %arg25[%get3A_178] {strides = array<i32>} : memref<1200xf32, #tpu.memory_space<vmem>>, vector<16xf32>,
      %add3A_180 = arith.addf %add3A_165, %get3A_179 : vector<16xf32>
      %get3A_181 = arith.constant 896 : index
      %get3A_182 = tpu.vector_load %arg25[%get3A_181] {strides = array<i32>} : memref<1200xf32, #tpu.memory_space<vmem>>, vector<16xf32>,
      %add3A_183 = arith.addf %add3A_168, %get3A_182 : vector<16xf32>
      %get3A_184 = arith.constant 912 : index
      %get3A_185 = tpu.vector_load %arg25[%get3A_184] {strides = array<i32>} : memref<1200xf32, #tpu.memory_space<vmem>>, vector<16xf32>,
      %add3A_186 = arith.addf %add3A_171, %get3A_185 : vector<16xf32>
      %get3A_187 = arith.constant 928 : index
      %get3A_188 = tpu.vector_load %arg25[%get3A_187] {strides = array<i32>} : memref<1200xf32, #tpu.memory_space<vmem>>, vector<16xf32>,
      %add3A_189 = arith.addf %add3A_174, %get3A_188 : vector<16xf32>
      %get3A_190 = arith.constant 944 : index
      %get3A_191 = tpu.vector_load %arg25[%get3A_190] {strides = array<i32>} : memref<1200xf32, #tpu.memory_space<vmem>>, vector<16xf32>,
      %add3A_192 = arith.addf %add3A_177, %get3A_191 : vector<16xf32>
      %get3A_193 = arith.constant 960 : index
      %get3A_194 = tpu.vector_load %arg25[%get3A_193] {strides = array<i32>} : memref<1200xf32, #tpu.memory_space<vmem>>, vector<16xf32>,
      %add3A_195 = arith.addf %add3A_180, %get3A_194 : vector<16xf32>
      %get3A_196 = arith.constant 976 : index
      %get3A_197 = tpu.vector_load %arg25[%get3A_196] {strides = array<i32>} : memref<1200xf32, #tpu.memory_space<vmem>>, vector<16xf32>,
      %add3A_198 = arith.addf %add3A_183, %get3A_197 : vector<16xf32>
      %get3A_199 = arith.constant 992 : index
      %get3A_200 = tpu.vector_load %arg25[%get3A_199] {strides = array<i32>} : memref<1200xf32, #tpu.memory_space<vmem>>, vector<16xf32>,
      %add3A_201 = arith.addf %add3A_186, %get3A_200 : vector<16xf32>
      %get3A_202 = arith.constant 1008 : index
      %get3A_203 = tpu.vector_load %arg25[%get3A_202] {strides = array<i32>} : memref<1200xf32, #tpu.memory_space<vmem>>, vector<16xf32>,
      %add3A_204 = arith.addf %add3A_189, %get3A_203 : vector<16xf32>
      %get3A_205 = arith.constant 1024 : index
      %get3A_206 = tpu.vector_load %arg25[%get3A_205] {strides = array<i32>} : memref<1200xf32, #tpu.memory_space<vmem>>, vector<16xf32>,
      %add3A_207 = arith.addf %add3A_192, %get3A_206 : vector<16xf32>
      %get3A_208 = arith.constant 1040 : index
      %get3A_209 = tpu.vector_load %arg25[%get3A_208] {strides = array<i32>} : memref<1200xf32, #tpu.memory_space<vmem>>, vector<16xf32>,
      %add3A_210 = arith.addf %add3A_195, %get3A_209 : vector<16xf32>
      %get3A_211 = arith.constant 1056 : index
      %get3A_212 = tpu.vector_load %arg25[%get3A_211] {strides = array<i32>} : memref<1200xf32, #tpu.memory_space<vmem>>, vector<16xf32>,
      %add3A_213 = arith.addf %add3A_198, %get3A_212 : vector<16xf32>
      %get3A_214 = arith.constant 1072 : index
      %get3A_215 = tpu.vector_load %arg25[%get3A_214] {strides = array<i32>} : memref<1200xf32, #tpu.memory_space<vmem>>, vector<16xf32>,
      %add3A_216 = arith.addf %add3A_201, %get3A_215 : vector<16xf32>
      %get3A_217 = arith.constant 1088 : index
      %get3A_218 = tpu.vector_load %arg25[%get3A_217] {strides = array<i32>} : memref<1200xf32, #tpu.memory_space<vmem>>, vector<16xf32>,
      %add3A_219 = arith.addf %add3A_204, %get3A_218 : vector<16xf32>
      %get3A_220 = arith.constant 1104 : index
      %get3A_221 = tpu.vector_load %arg25[%get3A_220] {strides = array<i32>} : memref<1200xf32, #tpu.memory_space<vmem>>, vector<16xf32>,
      %add3A_222 = arith.addf %add3A_207, %get3A_221 : vector<16xf32>
      %get3A_223 = arith.constant 1120 : index
      %get3A_224 = tpu.vector_load %arg25[%get3A_223] {strides = array<i32>} : memref<1200xf32, #tpu.memory_space<vmem>>, vector<16xf32>,
      %add3A_225 = arith.addf %add3A_210, %get3A_224 : vector<16xf32>
      %get3A_226 = arith.constant 1136 : index
      %get3A_227 = tpu.vector_load %arg25[%get3A_226] {strides = array<i32>} : memref<1200xf32, #tpu.memory_space<vmem>>, vector<16xf32>,
      %add3A_228 = arith.addf %add3A_213, %get3A_227 : vector<16xf32>
      %get3A_229 = arith.constant 1152 : index
      %get3A_230 = tpu.vector_load %arg25[%get3A_229] {strides = array<i32>} : memref<1200xf32, #tpu.memory_space<vmem>>, vector<16xf32>,
      %add3A_231 = arith.addf %add3A_216, %get3A_230 : vector<16xf32>
      %get3A_232 = arith.constant 1168 : index
      %get3A_233 = tpu.vector_load %arg25[%get3A_232] {strides = array<i32>} : memref<1200xf32, #tpu.memory_space<vmem>>, vector<16xf32>,
      %add3A_234 = arith.addf %add3A_219, %get3A_233 : vector<16xf32>
      %get3A_235 = arith.constant 1184 : index
      %get3A_236 = tpu.vector_load %arg25[%get3A_235] {strides = array<i32>} : memref<1200xf32, #tpu.memory_space<vmem>>, vector<16xf32>,
      %add3A_237 = arith.addf %add3A_222, %get3A_236 : vector<16xf32>
      %broadcast_in_dim3A_238 = arith.constant 15 : i32
      %broadcast_in_dim3A_239 = vector.broadcast %broadcast_in_dim3A_238 : i32 to vector<16xi32>
      %cumsum3A = arith.constant true
      %cumsum3A_240 = vector.broadcast %cumsum3A : i1 to vector<16xi1>
      %cumsum3A_241 = tpu.scan <sum>, %add3A_225 masked %cumsum3A_240 : vector<16xf32>, vector<16xi1> -> vector<16xf32>
      %swap3A = arith.constant 0 : index
      %swap3A_242 = tpu.vector_load %arg26[%swap3A] {strides = array<i32>} : memref<16xf32, #tpu.memory_space<vmem>>, vector<16xf32>,
      tpu.vector_store %arg26[%swap3A], %cumsum3A_241 {strides = array<i32>} : memref<16xf32, #tpu.memory_space<vmem>>, vector<16xf32>,
      %gather3A = tpu.vector_load_idx %arg26[%broadcast_in_dim3A_239] : memref<16xf32, #tpu.memory_space<vmem>>[vector<16xi32>], vector<16xf32>,
      %cumsum3A_243 = arith.constant true
      %cumsum3A_244 = vector.broadcast %cumsum3A_243 : i1 to vector<16xi1>
      %cumsum3A_245 = tpu.scan <sum>, %add3A_228 masked %cumsum3A_244 : vector<16xf32>, vector<16xi1> -> vector<16xf32>
      %swap3A_246 = arith.constant 0 : index
      %swap3A_247 = tpu.vector_load %arg26[%swap3A_246] {strides = array<i32>} : memref<16xf32, #tpu.memory_space<vmem>>, vector<16xf32>,
      tpu.vector_store %arg26[%swap3A_246], %cumsum3A_245 {strides = array<i32>} : memref<16xf32, #tpu.memory_space<vmem>>, vector<16xf32>,
      %gather3A_248 = tpu.vector_load_idx %arg26[%broadcast_in_dim3A_239] : memref<16xf32, #tpu.memory_space<vmem>>[vector<16xi32>], vector<16xf32>,
      %cumsum3A_249 = arith.constant true
      %cumsum3A_250 = vector.broadcast %cumsum3A_249 : i1 to vector<16xi1>
      %cumsum3A_251 = tpu.scan <sum>, %add3A_231 masked %cumsum3A_250 : vector<16xf32>, vector<16xi1> -> vector<16xf32>
      %swap3A_252 = arith.constant 0 : index
      %swap3A_253 = tpu.vector_load %arg26[%swap3A_252] {strides = array<i32>} : memref<16xf32, #tpu.memory_space<vmem>>, vector<16xf32>,
      tpu.vector_store %arg26[%swap3A_252], %cumsum3A_251 {strides = array<i32>} : memref<16xf32, #tpu.memory_space<vmem>>, vector<16xf32>,
      %gather3A_254 = tpu.vector_load_idx %arg26[%broadcast_in_dim3A_239] : memref<16xf32, #tpu.memory_space<vmem>>[vector<16xi32>], vector<16xf32>,
      %cumsum3A_255 = arith.constant true
      %cumsum3A_256 = vector.broadcast %cumsum3A_255 : i1 to vector<16xi1>
      %cumsum3A_257 = tpu.scan <sum>, %add3A_234 masked %cumsum3A_256 : vector<16xf32>, vector<16xi1> -> vector<16xf32>
      %swap3A_258 = arith.constant 0 : index
      %swap3A_259 = tpu.vector_load %arg26[%swap3A_258] {strides = array<i32>} : memref<16xf32, #tpu.memory_space<vmem>>, vector<16xf32>,
      tpu.vector_store %arg26[%swap3A_258], %cumsum3A_257 {strides = array<i32>} : memref<16xf32, #tpu.memory_space<vmem>>, vector<16xf32>,
      %gather3A_260 = tpu.vector_load_idx %arg26[%broadcast_in_dim3A_239] : memref<16xf32, #tpu.memory_space<vmem>>[vector<16xi32>], vector<16xf32>,
      %cumsum3A_261 = arith.constant true
      %cumsum3A_262 = vector.broadcast %cumsum3A_261 : i1 to vector<16xi1>
      %cumsum3A_263 = tpu.scan <sum>, %add3A_237 masked %cumsum3A_262 : vector<16xf32>, vector<16xi1> -> vector<16xf32>
      %swap3A_264 = arith.constant 0 : index
      %swap3A_265 = tpu.vector_load %arg26[%swap3A_264] {strides = array<i32>} : memref<16xf32, #tpu.memory_space<vmem>>, vector<16xf32>,
      tpu.vector_store %arg26[%swap3A_264], %cumsum3A_263 {strides = array<i32>} : memref<16xf32, #tpu.memory_space<vmem>>, vector<16xf32>,
      %gather3A_266 = tpu.vector_load_idx %arg26[%broadcast_in_dim3A_239] : memref<16xf32, #tpu.memory_space<vmem>>[vector<16xi32>], vector<16xf32>,
      %gt3A = arith.constant 0.000000e+00 : f32
      %gt3A_267 = vector.broadcast %gt3A : f32 to vector<16xf32>
      %gt3A_268 = arith.cmpf ogt, %gather3A_248, %gt3A_267 : vector<16xf32>
      %max3A = arith.constant 1.000000e+00 : f32
      %max3A_269 = vector.broadcast %max3A : f32 to vector<16xf32>
      %max3A_270 = arith.maximumf %gather3A_248, %max3A_269 : vector<16xf32>
      %div3A = arith.divf %gather3A, %max3A_270 : vector<16xf32>
      %jit3A = arith.constant 0.000000e+00 : f32
      %broadcast_in_dim3A_271 = vector.broadcast %jit3A : f32 to vector<16xf32>
      %select_n3A = arith.select %gt3A_268, %div3A, %broadcast_in_dim3A_271 : vector<16xi1>, vector<16xf32>
      %gt3A_272 = arith.constant 0.000000e+00 : f32
      %gt3A_273 = vector.broadcast %gt3A_272 : f32 to vector<16xf32>
      %gt3A_274 = arith.cmpf ogt, %gather3A_266, %gt3A_273 : vector<16xf32>
      %max3A_275 = arith.constant 1.000000e+00 : f32
      %max3A_276 = vector.broadcast %max3A_275 : f32 to vector<16xf32>
      %max3A_277 = arith.maximumf %gather3A_266, %max3A_276 : vector<16xf32>
      %div3A_278 = arith.divf %gather3A_254, %max3A_277 : vector<16xf32>
      %jit3A_279 = arith.constant 0.000000e+00 : f32
      %broadcast_in_dim3A_280 = vector.broadcast %jit3A_279 : f32 to vector<16xf32>
      %select_n3A_281 = arith.select %gt3A_274, %div3A_278, %broadcast_in_dim3A_280 : vector<16xi1>, vector<16xf32>
      %gt3A_282 = arith.constant 0.000000e+00 : f32
      %gt3A_283 = vector.broadcast %gt3A_282 : f32 to vector<16xf32>
      %gt3A_284 = arith.cmpf ogt, %gather3A_266, %gt3A_283 : vector<16xf32>
      %max3A_285 = arith.constant 1.000000e+00 : f32
      %max3A_286 = vector.broadcast %max3A_285 : f32 to vector<16xf32>
      %max3A_287 = arith.maximumf %gather3A_266, %max3A_286 : vector<16xf32>
      %div3A_288 = arith.divf %gather3A_260, %max3A_287 : vector<16xf32>
      %jit3A_289 = arith.constant 0.000000e+00 : f32
      %broadcast_in_dim3A_290 = vector.broadcast %jit3A_289 : f32 to vector<16xf32>
      %select_n3A_291 = arith.select %gt3A_284, %div3A_288, %broadcast_in_dim3A_290 : vector<16xi1>, vector<16xf32>
      %add3A_292 = arith.addf %select_n3A, %select_n3A_281 : vector<16xf32>
      %add3A_293 = arith.addf %add3A_292, %select_n3A_291 : vector<16xf32>
      %swap3A_294 = arith.constant 0 : index
      %swap3A_295 = tpu.vector_load %arg27[%swap3A_294] {strides = array<i32>} : memref<16xf32, #tpu.memory_space<vmem>>, vector<16xf32>,
      tpu.vector_store %arg27[%swap3A_294], %add3A_293 {strides = array<i32>} : memref<16xf32, #tpu.memory_space<vmem>>, vector<16xf32>,
      "tpu.region"() ({
        %run_scoped3A = tpu.sem_alloc : memref<!tpu.dma_semaphore, #tpu.memory_space<semaphore_mem>>
        tpu.enqueue_dma source(%arg27 : memref<16xf32, #tpu.memory_space<vmem>>) target(%arg11 : memref<16xf32, #tpu.memory_space<hbm>>) target_semaphore(%run_scoped3A : memref<!tpu.dma_semaphore, #tpu.memory_space<semaphore_mem>>)
        tpu.wait_dma2 semaphore(%run_scoped3A : memref<!tpu.dma_semaphore, #tpu.memory_space<semaphore_mem>>) src(%arg27 : memref<16xf32, #tpu.memory_space<vmem>>) dst(%arg11 : memref<16xf32, #tpu.memory_space<hbm>>)
        tpu.yield
      }) : () -> ()
    } else {
    }
    return
  }
}

module attributes {stable_mosaic.version = 14 : i64} {
  func.func @_tc_prep(%arg0: memref<20x30x64xf32, #tpu.memory_space<vmem>>, %arg1: memref<30x64xi32, #tpu.memory_space<vmem>>, %arg2: memref<20x30x64xi32, #tpu.memory_space<vmem>>, %arg3: memref<20x30x64xi32, #tpu.memory_space<vmem>>, %arg4: memref<20x30x64xi32, #tpu.memory_space<vmem>>, %arg5: memref<20x30x64xi32, #tpu.memory_space<vmem>>, %arg6: memref<20x30x64xi32, #tpu.memory_space<vmem>>, %arg7: memref<32x64xi32, #tpu.memory_space<vmem>>, %arg8: memref<32x64xi32, #tpu.memory_space<vmem>>, %arg9: memref<32x64xi32, #tpu.memory_space<vmem>>, %arg10: memref<32x64xi32, #tpu.memory_space<vmem>>, %arg11: memref<32x64xi32, #tpu.memory_space<vmem>>, %arg12: memref<32x64xi32, #tpu.memory_space<vmem>>) attributes {dimension_semantics = [], scalar_prefetch = 0 : i64, scratch_operands = 0 : i64, tpu.core_type = #tpu.core_type<tc>} {
    %get3A = arith.constant 0 : index
    %get3A_0 = arith.constant 0 : index
    %get3A_1 = arith.constant 0 : index
    %get3A_2 = vector.load %arg0[%get3A, %get3A_0, %get3A_1] : memref<20x30x64xf32, #tpu.memory_space<vmem>>, vector<1x30x64xf32>
    %get3A_3 = vector.shape_cast %get3A_2 : vector<1x30x64xf32> to vector<30x64xf32>
    %broadcast_in_dim3A = arith.constant 0 : i32
    %broadcast_in_dim3A_4 = vector.broadcast %broadcast_in_dim3A : i32 to vector<30x64xi32>
    %get3A_5 = arith.constant 1 : index
    %get3A_6 = arith.constant 0 : index
    %get3A_7 = arith.constant 0 : index
    %get3A_8 = vector.load %arg0[%get3A_5, %get3A_6, %get3A_7] : memref<20x30x64xf32, #tpu.memory_space<vmem>>, vector<1x30x64xf32>
    %get3A_9 = vector.shape_cast %get3A_8 : vector<1x30x64xf32> to vector<30x64xf32>
    %gt3A = arith.cmpf ogt, %get3A_9, %get3A_3 : vector<30x64xf32>
    %select_n3A = arith.select %gt3A, %get3A_9, %get3A_3 : vector<30x64xi1>, vector<30x64xf32>
    %jit3A = arith.constant 1 : i32
    %broadcast_in_dim3A_10 = vector.broadcast %jit3A : i32 to vector<30x64xi32>
    %select_n3A_11 = arith.select %gt3A, %broadcast_in_dim3A_10, %broadcast_in_dim3A_4 : vector<30x64xi1>, vector<30x64xi32>
    %get3A_12 = arith.constant 2 : index
    %get3A_13 = arith.constant 0 : index
    %get3A_14 = arith.constant 0 : index
    %get3A_15 = vector.load %arg0[%get3A_12, %get3A_13, %get3A_14] : memref<20x30x64xf32, #tpu.memory_space<vmem>>, vector<1x30x64xf32>
    %get3A_16 = vector.shape_cast %get3A_15 : vector<1x30x64xf32> to vector<30x64xf32>
    %gt3A_17 = arith.cmpf ogt, %get3A_16, %select_n3A : vector<30x64xf32>
    %select_n3A_18 = arith.select %gt3A_17, %get3A_16, %select_n3A : vector<30x64xi1>, vector<30x64xf32>
    %jit3A_19 = arith.constant 2 : i32
    %broadcast_in_dim3A_20 = vector.broadcast %jit3A_19 : i32 to vector<30x64xi32>
    %select_n3A_21 = arith.select %gt3A_17, %broadcast_in_dim3A_20, %select_n3A_11 : vector<30x64xi1>, vector<30x64xi32>
    %get3A_22 = arith.constant 3 : index
    %get3A_23 = arith.constant 0 : index
    %get3A_24 = arith.constant 0 : index
    %get3A_25 = vector.load %arg0[%get3A_22, %get3A_23, %get3A_24] : memref<20x30x64xf32, #tpu.memory_space<vmem>>, vector<1x30x64xf32>
    %get3A_26 = vector.shape_cast %get3A_25 : vector<1x30x64xf32> to vector<30x64xf32>
    %gt3A_27 = arith.cmpf ogt, %get3A_26, %select_n3A_18 : vector<30x64xf32>
    %select_n3A_28 = arith.select %gt3A_27, %get3A_26, %select_n3A_18 : vector<30x64xi1>, vector<30x64xf32>
    %jit3A_29 = arith.constant 3 : i32
    %broadcast_in_dim3A_30 = vector.broadcast %jit3A_29 : i32 to vector<30x64xi32>
    %select_n3A_31 = arith.select %gt3A_27, %broadcast_in_dim3A_30, %select_n3A_21 : vector<30x64xi1>, vector<30x64xi32>
    %get3A_32 = arith.constant 4 : index
    %get3A_33 = arith.constant 0 : index
    %get3A_34 = arith.constant 0 : index
    %get3A_35 = vector.load %arg0[%get3A_32, %get3A_33, %get3A_34] : memref<20x30x64xf32, #tpu.memory_space<vmem>>, vector<1x30x64xf32>
    %get3A_36 = vector.shape_cast %get3A_35 : vector<1x30x64xf32> to vector<30x64xf32>
    %gt3A_37 = arith.cmpf ogt, %get3A_36, %select_n3A_28 : vector<30x64xf32>
    %select_n3A_38 = arith.select %gt3A_37, %get3A_36, %select_n3A_28 : vector<30x64xi1>, vector<30x64xf32>
    %jit3A_39 = arith.constant 4 : i32
    %broadcast_in_dim3A_40 = vector.broadcast %jit3A_39 : i32 to vector<30x64xi32>
    %select_n3A_41 = arith.select %gt3A_37, %broadcast_in_dim3A_40, %select_n3A_31 : vector<30x64xi1>, vector<30x64xi32>
    %get3A_42 = arith.constant 5 : index
    %get3A_43 = arith.constant 0 : index
    %get3A_44 = arith.constant 0 : index
    %get3A_45 = vector.load %arg0[%get3A_42, %get3A_43, %get3A_44] : memref<20x30x64xf32, #tpu.memory_space<vmem>>, vector<1x30x64xf32>
    %get3A_46 = vector.shape_cast %get3A_45 : vector<1x30x64xf32> to vector<30x64xf32>
    %gt3A_47 = arith.cmpf ogt, %get3A_46, %select_n3A_38 : vector<30x64xf32>
    %select_n3A_48 = arith.select %gt3A_47, %get3A_46, %select_n3A_38 : vector<30x64xi1>, vector<30x64xf32>
    %jit3A_49 = arith.constant 5 : i32
    %broadcast_in_dim3A_50 = vector.broadcast %jit3A_49 : i32 to vector<30x64xi32>
    %select_n3A_51 = arith.select %gt3A_47, %broadcast_in_dim3A_50, %select_n3A_41 : vector<30x64xi1>, vector<30x64xi32>
    %get3A_52 = arith.constant 6 : index
    %get3A_53 = arith.constant 0 : index
    %get3A_54 = arith.constant 0 : index
    %get3A_55 = vector.load %arg0[%get3A_52, %get3A_53, %get3A_54] : memref<20x30x64xf32, #tpu.memory_space<vmem>>, vector<1x30x64xf32>
    %get3A_56 = vector.shape_cast %get3A_55 : vector<1x30x64xf32> to vector<30x64xf32>
    %gt3A_57 = arith.cmpf ogt, %get3A_56, %select_n3A_48 : vector<30x64xf32>
    %select_n3A_58 = arith.select %gt3A_57, %get3A_56, %select_n3A_48 : vector<30x64xi1>, vector<30x64xf32>
    %jit3A_59 = arith.constant 6 : i32
    %broadcast_in_dim3A_60 = vector.broadcast %jit3A_59 : i32 to vector<30x64xi32>
    %select_n3A_61 = arith.select %gt3A_57, %broadcast_in_dim3A_60, %select_n3A_51 : vector<30x64xi1>, vector<30x64xi32>
    %get3A_62 = arith.constant 7 : index
    %get3A_63 = arith.constant 0 : index
    %get3A_64 = arith.constant 0 : index
    %get3A_65 = vector.load %arg0[%get3A_62, %get3A_63, %get3A_64] : memref<20x30x64xf32, #tpu.memory_space<vmem>>, vector<1x30x64xf32>
    %get3A_66 = vector.shape_cast %get3A_65 : vector<1x30x64xf32> to vector<30x64xf32>
    %gt3A_67 = arith.cmpf ogt, %get3A_66, %select_n3A_58 : vector<30x64xf32>
    %select_n3A_68 = arith.select %gt3A_67, %get3A_66, %select_n3A_58 : vector<30x64xi1>, vector<30x64xf32>
    %jit3A_69 = arith.constant 7 : i32
    %broadcast_in_dim3A_70 = vector.broadcast %jit3A_69 : i32 to vector<30x64xi32>
    %select_n3A_71 = arith.select %gt3A_67, %broadcast_in_dim3A_70, %select_n3A_61 : vector<30x64xi1>, vector<30x64xi32>
    %get3A_72 = arith.constant 8 : index
    %get3A_73 = arith.constant 0 : index
    %get3A_74 = arith.constant 0 : index
    %get3A_75 = vector.load %arg0[%get3A_72, %get3A_73, %get3A_74] : memref<20x30x64xf32, #tpu.memory_space<vmem>>, vector<1x30x64xf32>
    %get3A_76 = vector.shape_cast %get3A_75 : vector<1x30x64xf32> to vector<30x64xf32>
    %gt3A_77 = arith.cmpf ogt, %get3A_76, %select_n3A_68 : vector<30x64xf32>
    %select_n3A_78 = arith.select %gt3A_77, %get3A_76, %select_n3A_68 : vector<30x64xi1>, vector<30x64xf32>
    %jit3A_79 = arith.constant 8 : i32
    %broadcast_in_dim3A_80 = vector.broadcast %jit3A_79 : i32 to vector<30x64xi32>
    %select_n3A_81 = arith.select %gt3A_77, %broadcast_in_dim3A_80, %select_n3A_71 : vector<30x64xi1>, vector<30x64xi32>
    %get3A_82 = arith.constant 9 : index
    %get3A_83 = arith.constant 0 : index
    %get3A_84 = arith.constant 0 : index
    %get3A_85 = vector.load %arg0[%get3A_82, %get3A_83, %get3A_84] : memref<20x30x64xf32, #tpu.memory_space<vmem>>, vector<1x30x64xf32>
    %get3A_86 = vector.shape_cast %get3A_85 : vector<1x30x64xf32> to vector<30x64xf32>
    %gt3A_87 = arith.cmpf ogt, %get3A_86, %select_n3A_78 : vector<30x64xf32>
    %select_n3A_88 = arith.select %gt3A_87, %get3A_86, %select_n3A_78 : vector<30x64xi1>, vector<30x64xf32>
    %jit3A_89 = arith.constant 9 : i32
    %broadcast_in_dim3A_90 = vector.broadcast %jit3A_89 : i32 to vector<30x64xi32>
    %select_n3A_91 = arith.select %gt3A_87, %broadcast_in_dim3A_90, %select_n3A_81 : vector<30x64xi1>, vector<30x64xi32>
    %get3A_92 = arith.constant 10 : index
    %get3A_93 = arith.constant 0 : index
    %get3A_94 = arith.constant 0 : index
    %get3A_95 = vector.load %arg0[%get3A_92, %get3A_93, %get3A_94] : memref<20x30x64xf32, #tpu.memory_space<vmem>>, vector<1x30x64xf32>
    %get3A_96 = vector.shape_cast %get3A_95 : vector<1x30x64xf32> to vector<30x64xf32>
    %gt3A_97 = arith.cmpf ogt, %get3A_96, %select_n3A_88 : vector<30x64xf32>
    %select_n3A_98 = arith.select %gt3A_97, %get3A_96, %select_n3A_88 : vector<30x64xi1>, vector<30x64xf32>
    %jit3A_99 = arith.constant 10 : i32
    %broadcast_in_dim3A_100 = vector.broadcast %jit3A_99 : i32 to vector<30x64xi32>
    %select_n3A_101 = arith.select %gt3A_97, %broadcast_in_dim3A_100, %select_n3A_91 : vector<30x64xi1>, vector<30x64xi32>
    %get3A_102 = arith.constant 11 : index
    %get3A_103 = arith.constant 0 : index
    %get3A_104 = arith.constant 0 : index
    %get3A_105 = vector.load %arg0[%get3A_102, %get3A_103, %get3A_104] : memref<20x30x64xf32, #tpu.memory_space<vmem>>, vector<1x30x64xf32>
    %get3A_106 = vector.shape_cast %get3A_105 : vector<1x30x64xf32> to vector<30x64xf32>
    %gt3A_107 = arith.cmpf ogt, %get3A_106, %select_n3A_98 : vector<30x64xf32>
    %select_n3A_108 = arith.select %gt3A_107, %get3A_106, %select_n3A_98 : vector<30x64xi1>, vector<30x64xf32>
    %jit3A_109 = arith.constant 11 : i32
    %broadcast_in_dim3A_110 = vector.broadcast %jit3A_109 : i32 to vector<30x64xi32>
    %select_n3A_111 = arith.select %gt3A_107, %broadcast_in_dim3A_110, %select_n3A_101 : vector<30x64xi1>, vector<30x64xi32>
    %get3A_112 = arith.constant 12 : index
    %get3A_113 = arith.constant 0 : index
    %get3A_114 = arith.constant 0 : index
    %get3A_115 = vector.load %arg0[%get3A_112, %get3A_113, %get3A_114] : memref<20x30x64xf32, #tpu.memory_space<vmem>>, vector<1x30x64xf32>
    %get3A_116 = vector.shape_cast %get3A_115 : vector<1x30x64xf32> to vector<30x64xf32>
    %gt3A_117 = arith.cmpf ogt, %get3A_116, %select_n3A_108 : vector<30x64xf32>
    %select_n3A_118 = arith.select %gt3A_117, %get3A_116, %select_n3A_108 : vector<30x64xi1>, vector<30x64xf32>
    %jit3A_119 = arith.constant 12 : i32
    %broadcast_in_dim3A_120 = vector.broadcast %jit3A_119 : i32 to vector<30x64xi32>
    %select_n3A_121 = arith.select %gt3A_117, %broadcast_in_dim3A_120, %select_n3A_111 : vector<30x64xi1>, vector<30x64xi32>
    %get3A_122 = arith.constant 13 : index
    %get3A_123 = arith.constant 0 : index
    %get3A_124 = arith.constant 0 : index
    %get3A_125 = vector.load %arg0[%get3A_122, %get3A_123, %get3A_124] : memref<20x30x64xf32, #tpu.memory_space<vmem>>, vector<1x30x64xf32>
    %get3A_126 = vector.shape_cast %get3A_125 : vector<1x30x64xf32> to vector<30x64xf32>
    %gt3A_127 = arith.cmpf ogt, %get3A_126, %select_n3A_118 : vector<30x64xf32>
    %select_n3A_128 = arith.select %gt3A_127, %get3A_126, %select_n3A_118 : vector<30x64xi1>, vector<30x64xf32>
    %jit3A_129 = arith.constant 13 : i32
    %broadcast_in_dim3A_130 = vector.broadcast %jit3A_129 : i32 to vector<30x64xi32>
    %select_n3A_131 = arith.select %gt3A_127, %broadcast_in_dim3A_130, %select_n3A_121 : vector<30x64xi1>, vector<30x64xi32>
    %get3A_132 = arith.constant 14 : index
    %get3A_133 = arith.constant 0 : index
    %get3A_134 = arith.constant 0 : index
    %get3A_135 = vector.load %arg0[%get3A_132, %get3A_133, %get3A_134] : memref<20x30x64xf32, #tpu.memory_space<vmem>>, vector<1x30x64xf32>
    %get3A_136 = vector.shape_cast %get3A_135 : vector<1x30x64xf32> to vector<30x64xf32>
    %gt3A_137 = arith.cmpf ogt, %get3A_136, %select_n3A_128 : vector<30x64xf32>
    %select_n3A_138 = arith.select %gt3A_137, %get3A_136, %select_n3A_128 : vector<30x64xi1>, vector<30x64xf32>
    %jit3A_139 = arith.constant 14 : i32
    %broadcast_in_dim3A_140 = vector.broadcast %jit3A_139 : i32 to vector<30x64xi32>
    %select_n3A_141 = arith.select %gt3A_137, %broadcast_in_dim3A_140, %select_n3A_131 : vector<30x64xi1>, vector<30x64xi32>
    %get3A_142 = arith.constant 15 : index
    %get3A_143 = arith.constant 0 : index
    %get3A_144 = arith.constant 0 : index
    %get3A_145 = vector.load %arg0[%get3A_142, %get3A_143, %get3A_144] : memref<20x30x64xf32, #tpu.memory_space<vmem>>, vector<1x30x64xf32>
    %get3A_146 = vector.shape_cast %get3A_145 : vector<1x30x64xf32> to vector<30x64xf32>
    %gt3A_147 = arith.cmpf ogt, %get3A_146, %select_n3A_138 : vector<30x64xf32>
    %select_n3A_148 = arith.select %gt3A_147, %get3A_146, %select_n3A_138 : vector<30x64xi1>, vector<30x64xf32>
    %jit3A_149 = arith.constant 15 : i32
    %broadcast_in_dim3A_150 = vector.broadcast %jit3A_149 : i32 to vector<30x64xi32>
    %select_n3A_151 = arith.select %gt3A_147, %broadcast_in_dim3A_150, %select_n3A_141 : vector<30x64xi1>, vector<30x64xi32>
    %get3A_152 = arith.constant 16 : index
    %get3A_153 = arith.constant 0 : index
    %get3A_154 = arith.constant 0 : index
    %get3A_155 = vector.load %arg0[%get3A_152, %get3A_153, %get3A_154] : memref<20x30x64xf32, #tpu.memory_space<vmem>>, vector<1x30x64xf32>
    %get3A_156 = vector.shape_cast %get3A_155 : vector<1x30x64xf32> to vector<30x64xf32>
    %gt3A_157 = arith.cmpf ogt, %get3A_156, %select_n3A_148 : vector<30x64xf32>
    %select_n3A_158 = arith.select %gt3A_157, %get3A_156, %select_n3A_148 : vector<30x64xi1>, vector<30x64xf32>
    %jit3A_159 = arith.constant 16 : i32
    %broadcast_in_dim3A_160 = vector.broadcast %jit3A_159 : i32 to vector<30x64xi32>
    %select_n3A_161 = arith.select %gt3A_157, %broadcast_in_dim3A_160, %select_n3A_151 : vector<30x64xi1>, vector<30x64xi32>
    %get3A_162 = arith.constant 17 : index
    %get3A_163 = arith.constant 0 : index
    %get3A_164 = arith.constant 0 : index
    %get3A_165 = vector.load %arg0[%get3A_162, %get3A_163, %get3A_164] : memref<20x30x64xf32, #tpu.memory_space<vmem>>, vector<1x30x64xf32>
    %get3A_166 = vector.shape_cast %get3A_165 : vector<1x30x64xf32> to vector<30x64xf32>
    %gt3A_167 = arith.cmpf ogt, %get3A_166, %select_n3A_158 : vector<30x64xf32>
    %select_n3A_168 = arith.select %gt3A_167, %get3A_166, %select_n3A_158 : vector<30x64xi1>, vector<30x64xf32>
    %jit3A_169 = arith.constant 17 : i32
    %broadcast_in_dim3A_170 = vector.broadcast %jit3A_169 : i32 to vector<30x64xi32>
    %select_n3A_171 = arith.select %gt3A_167, %broadcast_in_dim3A_170, %select_n3A_161 : vector<30x64xi1>, vector<30x64xi32>
    %get3A_172 = arith.constant 18 : index
    %get3A_173 = arith.constant 0 : index
    %get3A_174 = arith.constant 0 : index
    %get3A_175 = vector.load %arg0[%get3A_172, %get3A_173, %get3A_174] : memref<20x30x64xf32, #tpu.memory_space<vmem>>, vector<1x30x64xf32>
    %get3A_176 = vector.shape_cast %get3A_175 : vector<1x30x64xf32> to vector<30x64xf32>
    %gt3A_177 = arith.cmpf ogt, %get3A_176, %select_n3A_168 : vector<30x64xf32>
    %select_n3A_178 = arith.select %gt3A_177, %get3A_176, %select_n3A_168 : vector<30x64xi1>, vector<30x64xf32>
    %jit3A_179 = arith.constant 18 : i32
    %broadcast_in_dim3A_180 = vector.broadcast %jit3A_179 : i32 to vector<30x64xi32>
    %select_n3A_181 = arith.select %gt3A_177, %broadcast_in_dim3A_180, %select_n3A_171 : vector<30x64xi1>, vector<30x64xi32>
    %get3A_182 = arith.constant 19 : index
    %get3A_183 = arith.constant 0 : index
    %get3A_184 = arith.constant 0 : index
    %get3A_185 = vector.load %arg0[%get3A_182, %get3A_183, %get3A_184] : memref<20x30x64xf32, #tpu.memory_space<vmem>>, vector<1x30x64xf32>
    %get3A_186 = vector.shape_cast %get3A_185 : vector<1x30x64xf32> to vector<30x64xf32>
    %gt3A_187 = arith.cmpf ogt, %get3A_186, %select_n3A_178 : vector<30x64xf32>
    %jit3A_188 = arith.constant 19 : i32
    %broadcast_in_dim3A_189 = vector.broadcast %jit3A_188 : i32 to vector<30x64xi32>
    %select_n3A_190 = arith.select %gt3A_187, %broadcast_in_dim3A_189, %select_n3A_181 : vector<30x64xi1>, vector<30x64xi32>
    %get3A_191 = arith.constant 0 : index
    %get3A_192 = arith.constant 0 : index
    %get3A_193 = vector.load %arg1[%get3A_191, %get3A_192] : memref<30x64xi32, #tpu.memory_space<vmem>>, vector<30x64xi32>
    %eq3A = arith.constant 1 : i32
    %eq3A_194 = vector.broadcast %eq3A : i32 to vector<30x64xi32>
    %eq3A_195 = arith.cmpi eq, %get3A_193, %eq3A_194 : vector<30x64xi32>
    %get3A_196 = arith.constant 0 : index
    %get3A_197 = arith.constant 0 : index
    %get3A_198 = arith.constant 0 : index
    %get3A_199 = vector.load %arg2[%get3A_196, %get3A_197, %get3A_198] : memref<20x30x64xi32, #tpu.memory_space<vmem>>, vector<1x30x64xi32>
    %get3A_200 = vector.shape_cast %get3A_199 : vector<1x30x64xi32> to vector<30x64xi32>
    %eq3A_201 = arith.constant 1 : i32
    %eq3A_202 = vector.broadcast %eq3A_201 : i32 to vector<30x64xi32>
    %eq3A_203 = arith.cmpi eq, %select_n3A_190, %eq3A_202 : vector<30x64xi32>
    %get3A_204 = arith.constant 1 : index
    %get3A_205 = arith.constant 0 : index
    %get3A_206 = arith.constant 0 : index
    %get3A_207 = vector.load %arg2[%get3A_204, %get3A_205, %get3A_206] : memref<20x30x64xi32, #tpu.memory_space<vmem>>, vector<1x30x64xi32>
    %get3A_208 = vector.shape_cast %get3A_207 : vector<1x30x64xi32> to vector<30x64xi32>
    %select_n3A_209 = arith.select %eq3A_203, %get3A_208, %get3A_200 : vector<30x64xi1>, vector<30x64xi32>
    %eq3A_210 = arith.constant 2 : i32
    %eq3A_211 = vector.broadcast %eq3A_210 : i32 to vector<30x64xi32>
    %eq3A_212 = arith.cmpi eq, %select_n3A_190, %eq3A_211 : vector<30x64xi32>
    %get3A_213 = arith.constant 2 : index
    %get3A_214 = arith.constant 0 : index
    %get3A_215 = arith.constant 0 : index
    %get3A_216 = vector.load %arg2[%get3A_213, %get3A_214, %get3A_215] : memref<20x30x64xi32, #tpu.memory_space<vmem>>, vector<1x30x64xi32>
    %get3A_217 = vector.shape_cast %get3A_216 : vector<1x30x64xi32> to vector<30x64xi32>
    %select_n3A_218 = arith.select %eq3A_212, %get3A_217, %select_n3A_209 : vector<30x64xi1>, vector<30x64xi32>
    %eq3A_219 = arith.constant 3 : i32
    %eq3A_220 = vector.broadcast %eq3A_219 : i32 to vector<30x64xi32>
    %eq3A_221 = arith.cmpi eq, %select_n3A_190, %eq3A_220 : vector<30x64xi32>
    %get3A_222 = arith.constant 3 : index
    %get3A_223 = arith.constant 0 : index
    %get3A_224 = arith.constant 0 : index
    %get3A_225 = vector.load %arg2[%get3A_222, %get3A_223, %get3A_224] : memref<20x30x64xi32, #tpu.memory_space<vmem>>, vector<1x30x64xi32>
    %get3A_226 = vector.shape_cast %get3A_225 : vector<1x30x64xi32> to vector<30x64xi32>
    %select_n3A_227 = arith.select %eq3A_221, %get3A_226, %select_n3A_218 : vector<30x64xi1>, vector<30x64xi32>
    %eq3A_228 = arith.constant 4 : i32
    %eq3A_229 = vector.broadcast %eq3A_228 : i32 to vector<30x64xi32>
    %eq3A_230 = arith.cmpi eq, %select_n3A_190, %eq3A_229 : vector<30x64xi32>
    %get3A_231 = arith.constant 4 : index
    %get3A_232 = arith.constant 0 : index
    %get3A_233 = arith.constant 0 : index
    %get3A_234 = vector.load %arg2[%get3A_231, %get3A_232, %get3A_233] : memref<20x30x64xi32, #tpu.memory_space<vmem>>, vector<1x30x64xi32>
    %get3A_235 = vector.shape_cast %get3A_234 : vector<1x30x64xi32> to vector<30x64xi32>
    %select_n3A_236 = arith.select %eq3A_230, %get3A_235, %select_n3A_227 : vector<30x64xi1>, vector<30x64xi32>
    %eq3A_237 = arith.constant 5 : i32
    %eq3A_238 = vector.broadcast %eq3A_237 : i32 to vector<30x64xi32>
    %eq3A_239 = arith.cmpi eq, %select_n3A_190, %eq3A_238 : vector<30x64xi32>
    %get3A_240 = arith.constant 5 : index
    %get3A_241 = arith.constant 0 : index
    %get3A_242 = arith.constant 0 : index
    %get3A_243 = vector.load %arg2[%get3A_240, %get3A_241, %get3A_242] : memref<20x30x64xi32, #tpu.memory_space<vmem>>, vector<1x30x64xi32>
    %get3A_244 = vector.shape_cast %get3A_243 : vector<1x30x64xi32> to vector<30x64xi32>
    %select_n3A_245 = arith.select %eq3A_239, %get3A_244, %select_n3A_236 : vector<30x64xi1>, vector<30x64xi32>
    %eq3A_246 = arith.constant 6 : i32
    %eq3A_247 = vector.broadcast %eq3A_246 : i32 to vector<30x64xi32>
    %eq3A_248 = arith.cmpi eq, %select_n3A_190, %eq3A_247 : vector<30x64xi32>
    %get3A_249 = arith.constant 6 : index
    %get3A_250 = arith.constant 0 : index
    %get3A_251 = arith.constant 0 : index
    %get3A_252 = vector.load %arg2[%get3A_249, %get3A_250, %get3A_251] : memref<20x30x64xi32, #tpu.memory_space<vmem>>, vector<1x30x64xi32>
    %get3A_253 = vector.shape_cast %get3A_252 : vector<1x30x64xi32> to vector<30x64xi32>
    %select_n3A_254 = arith.select %eq3A_248, %get3A_253, %select_n3A_245 : vector<30x64xi1>, vector<30x64xi32>
    %eq3A_255 = arith.constant 7 : i32
    %eq3A_256 = vector.broadcast %eq3A_255 : i32 to vector<30x64xi32>
    %eq3A_257 = arith.cmpi eq, %select_n3A_190, %eq3A_256 : vector<30x64xi32>
    %get3A_258 = arith.constant 7 : index
    %get3A_259 = arith.constant 0 : index
    %get3A_260 = arith.constant 0 : index
    %get3A_261 = vector.load %arg2[%get3A_258, %get3A_259, %get3A_260] : memref<20x30x64xi32, #tpu.memory_space<vmem>>, vector<1x30x64xi32>
    %get3A_262 = vector.shape_cast %get3A_261 : vector<1x30x64xi32> to vector<30x64xi32>
    %select_n3A_263 = arith.select %eq3A_257, %get3A_262, %select_n3A_254 : vector<30x64xi1>, vector<30x64xi32>
    %eq3A_264 = arith.constant 8 : i32
    %eq3A_265 = vector.broadcast %eq3A_264 : i32 to vector<30x64xi32>
    %eq3A_266 = arith.cmpi eq, %select_n3A_190, %eq3A_265 : vector<30x64xi32>
    %get3A_267 = arith.constant 8 : index
    %get3A_268 = arith.constant 0 : index
    %get3A_269 = arith.constant 0 : index
    %get3A_270 = vector.load %arg2[%get3A_267, %get3A_268, %get3A_269] : memref<20x30x64xi32, #tpu.memory_space<vmem>>, vector<1x30x64xi32>
    %get3A_271 = vector.shape_cast %get3A_270 : vector<1x30x64xi32> to vector<30x64xi32>
    %select_n3A_272 = arith.select %eq3A_266, %get3A_271, %select_n3A_263 : vector<30x64xi1>, vector<30x64xi32>
    %eq3A_273 = arith.constant 9 : i32
    %eq3A_274 = vector.broadcast %eq3A_273 : i32 to vector<30x64xi32>
    %eq3A_275 = arith.cmpi eq, %select_n3A_190, %eq3A_274 : vector<30x64xi32>
    %get3A_276 = arith.constant 9 : index
    %get3A_277 = arith.constant 0 : index
    %get3A_278 = arith.constant 0 : index
    %get3A_279 = vector.load %arg2[%get3A_276, %get3A_277, %get3A_278] : memref<20x30x64xi32, #tpu.memory_space<vmem>>, vector<1x30x64xi32>
    %get3A_280 = vector.shape_cast %get3A_279 : vector<1x30x64xi32> to vector<30x64xi32>
    %select_n3A_281 = arith.select %eq3A_275, %get3A_280, %select_n3A_272 : vector<30x64xi1>, vector<30x64xi32>
    %eq3A_282 = arith.constant 10 : i32
    %eq3A_283 = vector.broadcast %eq3A_282 : i32 to vector<30x64xi32>
    %eq3A_284 = arith.cmpi eq, %select_n3A_190, %eq3A_283 : vector<30x64xi32>
    %get3A_285 = arith.constant 10 : index
    %get3A_286 = arith.constant 0 : index
    %get3A_287 = arith.constant 0 : index
    %get3A_288 = vector.load %arg2[%get3A_285, %get3A_286, %get3A_287] : memref<20x30x64xi32, #tpu.memory_space<vmem>>, vector<1x30x64xi32>
    %get3A_289 = vector.shape_cast %get3A_288 : vector<1x30x64xi32> to vector<30x64xi32>
    %select_n3A_290 = arith.select %eq3A_284, %get3A_289, %select_n3A_281 : vector<30x64xi1>, vector<30x64xi32>
    %eq3A_291 = arith.constant 11 : i32
    %eq3A_292 = vector.broadcast %eq3A_291 : i32 to vector<30x64xi32>
    %eq3A_293 = arith.cmpi eq, %select_n3A_190, %eq3A_292 : vector<30x64xi32>
    %get3A_294 = arith.constant 11 : index
    %get3A_295 = arith.constant 0 : index
    %get3A_296 = arith.constant 0 : index
    %get3A_297 = vector.load %arg2[%get3A_294, %get3A_295, %get3A_296] : memref<20x30x64xi32, #tpu.memory_space<vmem>>, vector<1x30x64xi32>
    %get3A_298 = vector.shape_cast %get3A_297 : vector<1x30x64xi32> to vector<30x64xi32>
    %select_n3A_299 = arith.select %eq3A_293, %get3A_298, %select_n3A_290 : vector<30x64xi1>, vector<30x64xi32>
    %eq3A_300 = arith.constant 12 : i32
    %eq3A_301 = vector.broadcast %eq3A_300 : i32 to vector<30x64xi32>
    %eq3A_302 = arith.cmpi eq, %select_n3A_190, %eq3A_301 : vector<30x64xi32>
    %get3A_303 = arith.constant 12 : index
    %get3A_304 = arith.constant 0 : index
    %get3A_305 = arith.constant 0 : index
    %get3A_306 = vector.load %arg2[%get3A_303, %get3A_304, %get3A_305] : memref<20x30x64xi32, #tpu.memory_space<vmem>>, vector<1x30x64xi32>
    %get3A_307 = vector.shape_cast %get3A_306 : vector<1x30x64xi32> to vector<30x64xi32>
    %select_n3A_308 = arith.select %eq3A_302, %get3A_307, %select_n3A_299 : vector<30x64xi1>, vector<30x64xi32>
    %eq3A_309 = arith.constant 13 : i32
    %eq3A_310 = vector.broadcast %eq3A_309 : i32 to vector<30x64xi32>
    %eq3A_311 = arith.cmpi eq, %select_n3A_190, %eq3A_310 : vector<30x64xi32>
    %get3A_312 = arith.constant 13 : index
    %get3A_313 = arith.constant 0 : index
    %get3A_314 = arith.constant 0 : index
    %get3A_315 = vector.load %arg2[%get3A_312, %get3A_313, %get3A_314] : memref<20x30x64xi32, #tpu.memory_space<vmem>>, vector<1x30x64xi32>
    %get3A_316 = vector.shape_cast %get3A_315 : vector<1x30x64xi32> to vector<30x64xi32>
    %select_n3A_317 = arith.select %eq3A_311, %get3A_316, %select_n3A_308 : vector<30x64xi1>, vector<30x64xi32>
    %eq3A_318 = arith.constant 14 : i32
    %eq3A_319 = vector.broadcast %eq3A_318 : i32 to vector<30x64xi32>
    %eq3A_320 = arith.cmpi eq, %select_n3A_190, %eq3A_319 : vector<30x64xi32>
    %get3A_321 = arith.constant 14 : index
    %get3A_322 = arith.constant 0 : index
    %get3A_323 = arith.constant 0 : index
    %get3A_324 = vector.load %arg2[%get3A_321, %get3A_322, %get3A_323] : memref<20x30x64xi32, #tpu.memory_space<vmem>>, vector<1x30x64xi32>
    %get3A_325 = vector.shape_cast %get3A_324 : vector<1x30x64xi32> to vector<30x64xi32>
    %select_n3A_326 = arith.select %eq3A_320, %get3A_325, %select_n3A_317 : vector<30x64xi1>, vector<30x64xi32>
    %eq3A_327 = arith.constant 15 : i32
    %eq3A_328 = vector.broadcast %eq3A_327 : i32 to vector<30x64xi32>
    %eq3A_329 = arith.cmpi eq, %select_n3A_190, %eq3A_328 : vector<30x64xi32>
    %get3A_330 = arith.constant 15 : index
    %get3A_331 = arith.constant 0 : index
    %get3A_332 = arith.constant 0 : index
    %get3A_333 = vector.load %arg2[%get3A_330, %get3A_331, %get3A_332] : memref<20x30x64xi32, #tpu.memory_space<vmem>>, vector<1x30x64xi32>
    %get3A_334 = vector.shape_cast %get3A_333 : vector<1x30x64xi32> to vector<30x64xi32>
    %select_n3A_335 = arith.select %eq3A_329, %get3A_334, %select_n3A_326 : vector<30x64xi1>, vector<30x64xi32>
    %eq3A_336 = arith.constant 16 : i32
    %eq3A_337 = vector.broadcast %eq3A_336 : i32 to vector<30x64xi32>
    %eq3A_338 = arith.cmpi eq, %select_n3A_190, %eq3A_337 : vector<30x64xi32>
    %get3A_339 = arith.constant 16 : index
    %get3A_340 = arith.constant 0 : index
    %get3A_341 = arith.constant 0 : index
    %get3A_342 = vector.load %arg2[%get3A_339, %get3A_340, %get3A_341] : memref<20x30x64xi32, #tpu.memory_space<vmem>>, vector<1x30x64xi32>
    %get3A_343 = vector.shape_cast %get3A_342 : vector<1x30x64xi32> to vector<30x64xi32>
    %select_n3A_344 = arith.select %eq3A_338, %get3A_343, %select_n3A_335 : vector<30x64xi1>, vector<30x64xi32>
    %eq3A_345 = arith.constant 17 : i32
    %eq3A_346 = vector.broadcast %eq3A_345 : i32 to vector<30x64xi32>
    %eq3A_347 = arith.cmpi eq, %select_n3A_190, %eq3A_346 : vector<30x64xi32>
    %get3A_348 = arith.constant 17 : index
    %get3A_349 = arith.constant 0 : index
    %get3A_350 = arith.constant 0 : index
    %get3A_351 = vector.load %arg2[%get3A_348, %get3A_349, %get3A_350] : memref<20x30x64xi32, #tpu.memory_space<vmem>>, vector<1x30x64xi32>
    %get3A_352 = vector.shape_cast %get3A_351 : vector<1x30x64xi32> to vector<30x64xi32>
    %select_n3A_353 = arith.select %eq3A_347, %get3A_352, %select_n3A_344 : vector<30x64xi1>, vector<30x64xi32>
    %eq3A_354 = arith.constant 18 : i32
    %eq3A_355 = vector.broadcast %eq3A_354 : i32 to vector<30x64xi32>
    %eq3A_356 = arith.cmpi eq, %select_n3A_190, %eq3A_355 : vector<30x64xi32>
    %get3A_357 = arith.constant 18 : index
    %get3A_358 = arith.constant 0 : index
    %get3A_359 = arith.constant 0 : index
    %get3A_360 = vector.load %arg2[%get3A_357, %get3A_358, %get3A_359] : memref<20x30x64xi32, #tpu.memory_space<vmem>>, vector<1x30x64xi32>
    %get3A_361 = vector.shape_cast %get3A_360 : vector<1x30x64xi32> to vector<30x64xi32>
    %select_n3A_362 = arith.select %eq3A_356, %get3A_361, %select_n3A_353 : vector<30x64xi1>, vector<30x64xi32>
    %eq3A_363 = arith.constant 19 : i32
    %eq3A_364 = vector.broadcast %eq3A_363 : i32 to vector<30x64xi32>
    %eq3A_365 = arith.cmpi eq, %select_n3A_190, %eq3A_364 : vector<30x64xi32>
    %get3A_366 = arith.constant 19 : index
    %get3A_367 = arith.constant 0 : index
    %get3A_368 = arith.constant 0 : index
    %get3A_369 = vector.load %arg2[%get3A_366, %get3A_367, %get3A_368] : memref<20x30x64xi32, #tpu.memory_space<vmem>>, vector<1x30x64xi32>
    %get3A_370 = vector.shape_cast %get3A_369 : vector<1x30x64xi32> to vector<30x64xi32>
    %select_n3A_371 = arith.select %eq3A_365, %get3A_370, %select_n3A_362 : vector<30x64xi1>, vector<30x64xi32>
    %eq3A_372 = arith.constant 1 : i32
    %eq3A_373 = vector.broadcast %eq3A_372 : i32 to vector<30x64xi32>
    %eq3A_374 = arith.cmpi eq, %select_n3A_371, %eq3A_373 : vector<30x64xi32>
    %and3A = arith.andi %eq3A_374, %eq3A_195 : vector<30x64xi1>
    %convert_element_type3A = arith.extui %and3A : vector<30x64xi1> to vector<30x64xi32>
    %get3A_375 = arith.constant 0 : index
    %get3A_376 = arith.constant 0 : index
    %get3A_377 = arith.constant 0 : index
    %get3A_378 = vector.load %arg6[%get3A_375, %get3A_376, %get3A_377] : memref<20x30x64xi32, #tpu.memory_space<vmem>>, vector<1x30x64xi32>
    %get3A_379 = vector.shape_cast %get3A_378 : vector<1x30x64xi32> to vector<30x64xi32>
    %eq3A_380 = arith.constant 1 : i32
    %eq3A_381 = vector.broadcast %eq3A_380 : i32 to vector<30x64xi32>
    %eq3A_382 = arith.cmpi eq, %select_n3A_190, %eq3A_381 : vector<30x64xi32>
    %get3A_383 = arith.constant 1 : index
    %get3A_384 = arith.constant 0 : index
    %get3A_385 = arith.constant 0 : index
    %get3A_386 = vector.load %arg6[%get3A_383, %get3A_384, %get3A_385] : memref<20x30x64xi32, #tpu.memory_space<vmem>>, vector<1x30x64xi32>
    %get3A_387 = vector.shape_cast %get3A_386 : vector<1x30x64xi32> to vector<30x64xi32>
    %select_n3A_388 = arith.select %eq3A_382, %get3A_387, %get3A_379 : vector<30x64xi1>, vector<30x64xi32>
    %eq3A_389 = arith.constant 2 : i32
    %eq3A_390 = vector.broadcast %eq3A_389 : i32 to vector<30x64xi32>
    %eq3A_391 = arith.cmpi eq, %select_n3A_190, %eq3A_390 : vector<30x64xi32>
    %get3A_392 = arith.constant 2 : index
    %get3A_393 = arith.constant 0 : index
    %get3A_394 = arith.constant 0 : index
    %get3A_395 = vector.load %arg6[%get3A_392, %get3A_393, %get3A_394] : memref<20x30x64xi32, #tpu.memory_space<vmem>>, vector<1x30x64xi32>
    %get3A_396 = vector.shape_cast %get3A_395 : vector<1x30x64xi32> to vector<30x64xi32>
    %select_n3A_397 = arith.select %eq3A_391, %get3A_396, %select_n3A_388 : vector<30x64xi1>, vector<30x64xi32>
    %eq3A_398 = arith.constant 3 : i32
    %eq3A_399 = vector.broadcast %eq3A_398 : i32 to vector<30x64xi32>
    %eq3A_400 = arith.cmpi eq, %select_n3A_190, %eq3A_399 : vector<30x64xi32>
    %get3A_401 = arith.constant 3 : index
    %get3A_402 = arith.constant 0 : index
    %get3A_403 = arith.constant 0 : index
    %get3A_404 = vector.load %arg6[%get3A_401, %get3A_402, %get3A_403] : memref<20x30x64xi32, #tpu.memory_space<vmem>>, vector<1x30x64xi32>
    %get3A_405 = vector.shape_cast %get3A_404 : vector<1x30x64xi32> to vector<30x64xi32>
    %select_n3A_406 = arith.select %eq3A_400, %get3A_405, %select_n3A_397 : vector<30x64xi1>, vector<30x64xi32>
    %eq3A_407 = arith.constant 4 : i32
    %eq3A_408 = vector.broadcast %eq3A_407 : i32 to vector<30x64xi32>
    %eq3A_409 = arith.cmpi eq, %select_n3A_190, %eq3A_408 : vector<30x64xi32>
    %get3A_410 = arith.constant 4 : index
    %get3A_411 = arith.constant 0 : index
    %get3A_412 = arith.constant 0 : index
    %get3A_413 = vector.load %arg6[%get3A_410, %get3A_411, %get3A_412] : memref<20x30x64xi32, #tpu.memory_space<vmem>>, vector<1x30x64xi32>
    %get3A_414 = vector.shape_cast %get3A_413 : vector<1x30x64xi32> to vector<30x64xi32>
    %select_n3A_415 = arith.select %eq3A_409, %get3A_414, %select_n3A_406 : vector<30x64xi1>, vector<30x64xi32>
    %eq3A_416 = arith.constant 5 : i32
    %eq3A_417 = vector.broadcast %eq3A_416 : i32 to vector<30x64xi32>
    %eq3A_418 = arith.cmpi eq, %select_n3A_190, %eq3A_417 : vector<30x64xi32>
    %get3A_419 = arith.constant 5 : index
    %get3A_420 = arith.constant 0 : index
    %get3A_421 = arith.constant 0 : index
    %get3A_422 = vector.load %arg6[%get3A_419, %get3A_420, %get3A_421] : memref<20x30x64xi32, #tpu.memory_space<vmem>>, vector<1x30x64xi32>
    %get3A_423 = vector.shape_cast %get3A_422 : vector<1x30x64xi32> to vector<30x64xi32>
    %select_n3A_424 = arith.select %eq3A_418, %get3A_423, %select_n3A_415 : vector<30x64xi1>, vector<30x64xi32>
    %eq3A_425 = arith.constant 6 : i32
    %eq3A_426 = vector.broadcast %eq3A_425 : i32 to vector<30x64xi32>
    %eq3A_427 = arith.cmpi eq, %select_n3A_190, %eq3A_426 : vector<30x64xi32>
    %get3A_428 = arith.constant 6 : index
    %get3A_429 = arith.constant 0 : index
    %get3A_430 = arith.constant 0 : index
    %get3A_431 = vector.load %arg6[%get3A_428, %get3A_429, %get3A_430] : memref<20x30x64xi32, #tpu.memory_space<vmem>>, vector<1x30x64xi32>
    %get3A_432 = vector.shape_cast %get3A_431 : vector<1x30x64xi32> to vector<30x64xi32>
    %select_n3A_433 = arith.select %eq3A_427, %get3A_432, %select_n3A_424 : vector<30x64xi1>, vector<30x64xi32>
    %eq3A_434 = arith.constant 7 : i32
    %eq3A_435 = vector.broadcast %eq3A_434 : i32 to vector<30x64xi32>
    %eq3A_436 = arith.cmpi eq, %select_n3A_190, %eq3A_435 : vector<30x64xi32>
    %get3A_437 = arith.constant 7 : index
    %get3A_438 = arith.constant 0 : index
    %get3A_439 = arith.constant 0 : index
    %get3A_440 = vector.load %arg6[%get3A_437, %get3A_438, %get3A_439] : memref<20x30x64xi32, #tpu.memory_space<vmem>>, vector<1x30x64xi32>
    %get3A_441 = vector.shape_cast %get3A_440 : vector<1x30x64xi32> to vector<30x64xi32>
    %select_n3A_442 = arith.select %eq3A_436, %get3A_441, %select_n3A_433 : vector<30x64xi1>, vector<30x64xi32>
    %eq3A_443 = arith.constant 8 : i32
    %eq3A_444 = vector.broadcast %eq3A_443 : i32 to vector<30x64xi32>
    %eq3A_445 = arith.cmpi eq, %select_n3A_190, %eq3A_444 : vector<30x64xi32>
    %get3A_446 = arith.constant 8 : index
    %get3A_447 = arith.constant 0 : index
    %get3A_448 = arith.constant 0 : index
    %get3A_449 = vector.load %arg6[%get3A_446, %get3A_447, %get3A_448] : memref<20x30x64xi32, #tpu.memory_space<vmem>>, vector<1x30x64xi32>
    %get3A_450 = vector.shape_cast %get3A_449 : vector<1x30x64xi32> to vector<30x64xi32>
    %select_n3A_451 = arith.select %eq3A_445, %get3A_450, %select_n3A_442 : vector<30x64xi1>, vector<30x64xi32>
    %eq3A_452 = arith.constant 9 : i32
    %eq3A_453 = vector.broadcast %eq3A_452 : i32 to vector<30x64xi32>
    %eq3A_454 = arith.cmpi eq, %select_n3A_190, %eq3A_453 : vector<30x64xi32>
    %get3A_455 = arith.constant 9 : index
    %get3A_456 = arith.constant 0 : index
    %get3A_457 = arith.constant 0 : index
    %get3A_458 = vector.load %arg6[%get3A_455, %get3A_456, %get3A_457] : memref<20x30x64xi32, #tpu.memory_space<vmem>>, vector<1x30x64xi32>
    %get3A_459 = vector.shape_cast %get3A_458 : vector<1x30x64xi32> to vector<30x64xi32>
    %select_n3A_460 = arith.select %eq3A_454, %get3A_459, %select_n3A_451 : vector<30x64xi1>, vector<30x64xi32>
    %eq3A_461 = arith.constant 10 : i32
    %eq3A_462 = vector.broadcast %eq3A_461 : i32 to vector<30x64xi32>
    %eq3A_463 = arith.cmpi eq, %select_n3A_190, %eq3A_462 : vector<30x64xi32>
    %get3A_464 = arith.constant 10 : index
    %get3A_465 = arith.constant 0 : index
    %get3A_466 = arith.constant 0 : index
    %get3A_467 = vector.load %arg6[%get3A_464, %get3A_465, %get3A_466] : memref<20x30x64xi32, #tpu.memory_space<vmem>>, vector<1x30x64xi32>
    %get3A_468 = vector.shape_cast %get3A_467 : vector<1x30x64xi32> to vector<30x64xi32>
    %select_n3A_469 = arith.select %eq3A_463, %get3A_468, %select_n3A_460 : vector<30x64xi1>, vector<30x64xi32>
    %eq3A_470 = arith.constant 11 : i32
    %eq3A_471 = vector.broadcast %eq3A_470 : i32 to vector<30x64xi32>
    %eq3A_472 = arith.cmpi eq, %select_n3A_190, %eq3A_471 : vector<30x64xi32>
    %get3A_473 = arith.constant 11 : index
    %get3A_474 = arith.constant 0 : index
    %get3A_475 = arith.constant 0 : index
    %get3A_476 = vector.load %arg6[%get3A_473, %get3A_474, %get3A_475] : memref<20x30x64xi32, #tpu.memory_space<vmem>>, vector<1x30x64xi32>
    %get3A_477 = vector.shape_cast %get3A_476 : vector<1x30x64xi32> to vector<30x64xi32>
    %select_n3A_478 = arith.select %eq3A_472, %get3A_477, %select_n3A_469 : vector<30x64xi1>, vector<30x64xi32>
    %eq3A_479 = arith.constant 12 : i32
    %eq3A_480 = vector.broadcast %eq3A_479 : i32 to vector<30x64xi32>
    %eq3A_481 = arith.cmpi eq, %select_n3A_190, %eq3A_480 : vector<30x64xi32>
    %get3A_482 = arith.constant 12 : index
    %get3A_483 = arith.constant 0 : index
    %get3A_484 = arith.constant 0 : index
    %get3A_485 = vector.load %arg6[%get3A_482, %get3A_483, %get3A_484] : memref<20x30x64xi32, #tpu.memory_space<vmem>>, vector<1x30x64xi32>
    %get3A_486 = vector.shape_cast %get3A_485 : vector<1x30x64xi32> to vector<30x64xi32>
    %select_n3A_487 = arith.select %eq3A_481, %get3A_486, %select_n3A_478 : vector<30x64xi1>, vector<30x64xi32>
    %eq3A_488 = arith.constant 13 : i32
    %eq3A_489 = vector.broadcast %eq3A_488 : i32 to vector<30x64xi32>
    %eq3A_490 = arith.cmpi eq, %select_n3A_190, %eq3A_489 : vector<30x64xi32>
    %get3A_491 = arith.constant 13 : index
    %get3A_492 = arith.constant 0 : index
    %get3A_493 = arith.constant 0 : index
    %get3A_494 = vector.load %arg6[%get3A_491, %get3A_492, %get3A_493] : memref<20x30x64xi32, #tpu.memory_space<vmem>>, vector<1x30x64xi32>
    %get3A_495 = vector.shape_cast %get3A_494 : vector<1x30x64xi32> to vector<30x64xi32>
    %select_n3A_496 = arith.select %eq3A_490, %get3A_495, %select_n3A_487 : vector<30x64xi1>, vector<30x64xi32>
    %eq3A_497 = arith.constant 14 : i32
    %eq3A_498 = vector.broadcast %eq3A_497 : i32 to vector<30x64xi32>
    %eq3A_499 = arith.cmpi eq, %select_n3A_190, %eq3A_498 : vector<30x64xi32>
    %get3A_500 = arith.constant 14 : index
    %get3A_501 = arith.constant 0 : index
    %get3A_502 = arith.constant 0 : index
    %get3A_503 = vector.load %arg6[%get3A_500, %get3A_501, %get3A_502] : memref<20x30x64xi32, #tpu.memory_space<vmem>>, vector<1x30x64xi32>
    %get3A_504 = vector.shape_cast %get3A_503 : vector<1x30x64xi32> to vector<30x64xi32>
    %select_n3A_505 = arith.select %eq3A_499, %get3A_504, %select_n3A_496 : vector<30x64xi1>, vector<30x64xi32>
    %eq3A_506 = arith.constant 15 : i32
    %eq3A_507 = vector.broadcast %eq3A_506 : i32 to vector<30x64xi32>
    %eq3A_508 = arith.cmpi eq, %select_n3A_190, %eq3A_507 : vector<30x64xi32>
    %get3A_509 = arith.constant 15 : index
    %get3A_510 = arith.constant 0 : index
    %get3A_511 = arith.constant 0 : index
    %get3A_512 = vector.load %arg6[%get3A_509, %get3A_510, %get3A_511] : memref<20x30x64xi32, #tpu.memory_space<vmem>>, vector<1x30x64xi32>
    %get3A_513 = vector.shape_cast %get3A_512 : vector<1x30x64xi32> to vector<30x64xi32>
    %select_n3A_514 = arith.select %eq3A_508, %get3A_513, %select_n3A_505 : vector<30x64xi1>, vector<30x64xi32>
    %eq3A_515 = arith.constant 16 : i32
    %eq3A_516 = vector.broadcast %eq3A_515 : i32 to vector<30x64xi32>
    %eq3A_517 = arith.cmpi eq, %select_n3A_190, %eq3A_516 : vector<30x64xi32>
    %get3A_518 = arith.constant 16 : index
    %get3A_519 = arith.constant 0 : index
    %get3A_520 = arith.constant 0 : index
    %get3A_521 = vector.load %arg6[%get3A_518, %get3A_519, %get3A_520] : memref<20x30x64xi32, #tpu.memory_space<vmem>>, vector<1x30x64xi32>
    %get3A_522 = vector.shape_cast %get3A_521 : vector<1x30x64xi32> to vector<30x64xi32>
    %select_n3A_523 = arith.select %eq3A_517, %get3A_522, %select_n3A_514 : vector<30x64xi1>, vector<30x64xi32>
    %eq3A_524 = arith.constant 17 : i32
    %eq3A_525 = vector.broadcast %eq3A_524 : i32 to vector<30x64xi32>
    %eq3A_526 = arith.cmpi eq, %select_n3A_190, %eq3A_525 : vector<30x64xi32>
    %get3A_527 = arith.constant 17 : index
    %get3A_528 = arith.constant 0 : index
    %get3A_529 = arith.constant 0 : index
    %get3A_530 = vector.load %arg6[%get3A_527, %get3A_528, %get3A_529] : memref<20x30x64xi32, #tpu.memory_space<vmem>>, vector<1x30x64xi32>
    %get3A_531 = vector.shape_cast %get3A_530 : vector<1x30x64xi32> to vector<30x64xi32>
    %select_n3A_532 = arith.select %eq3A_526, %get3A_531, %select_n3A_523 : vector<30x64xi1>, vector<30x64xi32>
    %eq3A_533 = arith.constant 18 : i32
    %eq3A_534 = vector.broadcast %eq3A_533 : i32 to vector<30x64xi32>
    %eq3A_535 = arith.cmpi eq, %select_n3A_190, %eq3A_534 : vector<30x64xi32>
    %get3A_536 = arith.constant 18 : index
    %get3A_537 = arith.constant 0 : index
    %get3A_538 = arith.constant 0 : index
    %get3A_539 = vector.load %arg6[%get3A_536, %get3A_537, %get3A_538] : memref<20x30x64xi32, #tpu.memory_space<vmem>>, vector<1x30x64xi32>
    %get3A_540 = vector.shape_cast %get3A_539 : vector<1x30x64xi32> to vector<30x64xi32>
    %select_n3A_541 = arith.select %eq3A_535, %get3A_540, %select_n3A_532 : vector<30x64xi1>, vector<30x64xi32>
    %eq3A_542 = arith.constant 19 : i32
    %eq3A_543 = vector.broadcast %eq3A_542 : i32 to vector<30x64xi32>
    %eq3A_544 = arith.cmpi eq, %select_n3A_190, %eq3A_543 : vector<30x64xi32>
    %get3A_545 = arith.constant 19 : index
    %get3A_546 = arith.constant 0 : index
    %get3A_547 = arith.constant 0 : index
    %get3A_548 = vector.load %arg6[%get3A_545, %get3A_546, %get3A_547] : memref<20x30x64xi32, #tpu.memory_space<vmem>>, vector<1x30x64xi32>
    %get3A_549 = vector.shape_cast %get3A_548 : vector<1x30x64xi32> to vector<30x64xi32>
    %select_n3A_550 = arith.select %eq3A_544, %get3A_549, %select_n3A_541 : vector<30x64xi1>, vector<30x64xi32>
    %eq3A_551 = arith.constant 1 : i32
    %eq3A_552 = vector.broadcast %eq3A_551 : i32 to vector<30x64xi32>
    %eq3A_553 = arith.cmpi eq, %select_n3A_550, %eq3A_552 : vector<30x64xi32>
    %and3A_554 = arith.andi %eq3A_553, %eq3A_195 : vector<30x64xi1>
    %convert_element_type3A_555 = arith.extui %and3A_554 : vector<30x64xi1> to vector<30x64xi32>
    %iota3A = tpu.iota {dimensions = array<i32: 0>} : vector<30x64xi32>
    %iota3A_556 = tpu.iota {dimensions = array<i32: 1>} : vector<30x64xi32>
    %mul3A = arith.constant 1920 : i32
    %mul3A_557 = vector.broadcast %mul3A : i32 to vector<30x64xi32>
    %mul3A_558 = arith.muli %iota3A, %mul3A_557 : vector<30x64xi32>
    %mul3A_559 = arith.constant 30 : i32
    %mul3A_560 = vector.broadcast %mul3A_559 : i32 to vector<30x64xi32>
    %mul3A_561 = arith.muli %iota3A_556, %mul3A_560 : vector<30x64xi32>
    %add3A = arith.addi %mul3A_558, %mul3A_561 : vector<30x64xi32>
    %add3A_562 = arith.addi %add3A, %iota3A : vector<30x64xi32>
    %swap3A = arith.constant 0 : index
    %swap3A_563 = arith.constant 0 : index
    %swap3A_564 = vector.load %arg7[%swap3A, %swap3A_563] : memref<32x64xi32, #tpu.memory_space<vmem>>, vector<30x64xi32>
    tpu.vector_store %arg7[%swap3A, %swap3A_563], %convert_element_type3A {strides = array<i32>} : memref<32x64xi32, #tpu.memory_space<vmem>>, vector<30x64xi32>,
    %swap3A_565 = arith.constant 0 : index
    %swap3A_566 = arith.constant 0 : index
    %swap3A_567 = vector.load %arg8[%swap3A_565, %swap3A_566] : memref<32x64xi32, #tpu.memory_space<vmem>>, vector<30x64xi32>
    tpu.vector_store %arg8[%swap3A_565, %swap3A_566], %convert_element_type3A_555 {strides = array<i32>} : memref<32x64xi32, #tpu.memory_space<vmem>>, vector<30x64xi32>,
    %get3A_568 = arith.constant 0 : index
    %get3A_569 = arith.constant 0 : index
    %get3A_570 = arith.constant 0 : index
    %get3A_571 = vector.load %arg3[%get3A_568, %get3A_569, %get3A_570] : memref<20x30x64xi32, #tpu.memory_space<vmem>>, vector<1x30x64xi32>
    %get3A_572 = vector.shape_cast %get3A_571 : vector<1x30x64xi32> to vector<30x64xi32>
    %eq3A_573 = arith.constant 1 : i32
    %eq3A_574 = vector.broadcast %eq3A_573 : i32 to vector<30x64xi32>
    %eq3A_575 = arith.cmpi eq, %select_n3A_190, %eq3A_574 : vector<30x64xi32>
    %get3A_576 = arith.constant 1 : index
    %get3A_577 = arith.constant 0 : index
    %get3A_578 = arith.constant 0 : index
    %get3A_579 = vector.load %arg3[%get3A_576, %get3A_577, %get3A_578] : memref<20x30x64xi32, #tpu.memory_space<vmem>>, vector<1x30x64xi32>
    %get3A_580 = vector.shape_cast %get3A_579 : vector<1x30x64xi32> to vector<30x64xi32>
    %select_n3A_581 = arith.select %eq3A_575, %get3A_580, %get3A_572 : vector<30x64xi1>, vector<30x64xi32>
    %eq3A_582 = arith.constant 2 : i32
    %eq3A_583 = vector.broadcast %eq3A_582 : i32 to vector<30x64xi32>
    %eq3A_584 = arith.cmpi eq, %select_n3A_190, %eq3A_583 : vector<30x64xi32>
    %get3A_585 = arith.constant 2 : index
    %get3A_586 = arith.constant 0 : index
    %get3A_587 = arith.constant 0 : index
    %get3A_588 = vector.load %arg3[%get3A_585, %get3A_586, %get3A_587] : memref<20x30x64xi32, #tpu.memory_space<vmem>>, vector<1x30x64xi32>
    %get3A_589 = vector.shape_cast %get3A_588 : vector<1x30x64xi32> to vector<30x64xi32>
    %select_n3A_590 = arith.select %eq3A_584, %get3A_589, %select_n3A_581 : vector<30x64xi1>, vector<30x64xi32>
    %eq3A_591 = arith.constant 3 : i32
    %eq3A_592 = vector.broadcast %eq3A_591 : i32 to vector<30x64xi32>
    %eq3A_593 = arith.cmpi eq, %select_n3A_190, %eq3A_592 : vector<30x64xi32>
    %get3A_594 = arith.constant 3 : index
    %get3A_595 = arith.constant 0 : index
    %get3A_596 = arith.constant 0 : index
    %get3A_597 = vector.load %arg3[%get3A_594, %get3A_595, %get3A_596] : memref<20x30x64xi32, #tpu.memory_space<vmem>>, vector<1x30x64xi32>
    %get3A_598 = vector.shape_cast %get3A_597 : vector<1x30x64xi32> to vector<30x64xi32>
    %select_n3A_599 = arith.select %eq3A_593, %get3A_598, %select_n3A_590 : vector<30x64xi1>, vector<30x64xi32>
    %eq3A_600 = arith.constant 4 : i32
    %eq3A_601 = vector.broadcast %eq3A_600 : i32 to vector<30x64xi32>
    %eq3A_602 = arith.cmpi eq, %select_n3A_190, %eq3A_601 : vector<30x64xi32>
    %get3A_603 = arith.constant 4 : index
    %get3A_604 = arith.constant 0 : index
    %get3A_605 = arith.constant 0 : index
    %get3A_606 = vector.load %arg3[%get3A_603, %get3A_604, %get3A_605] : memref<20x30x64xi32, #tpu.memory_space<vmem>>, vector<1x30x64xi32>
    %get3A_607 = vector.shape_cast %get3A_606 : vector<1x30x64xi32> to vector<30x64xi32>
    %select_n3A_608 = arith.select %eq3A_602, %get3A_607, %select_n3A_599 : vector<30x64xi1>, vector<30x64xi32>
    %eq3A_609 = arith.constant 5 : i32
    %eq3A_610 = vector.broadcast %eq3A_609 : i32 to vector<30x64xi32>
    %eq3A_611 = arith.cmpi eq, %select_n3A_190, %eq3A_610 : vector<30x64xi32>
    %get3A_612 = arith.constant 5 : index
    %get3A_613 = arith.constant 0 : index
    %get3A_614 = arith.constant 0 : index
    %get3A_615 = vector.load %arg3[%get3A_612, %get3A_613, %get3A_614] : memref<20x30x64xi32, #tpu.memory_space<vmem>>, vector<1x30x64xi32>
    %get3A_616 = vector.shape_cast %get3A_615 : vector<1x30x64xi32> to vector<30x64xi32>
    %select_n3A_617 = arith.select %eq3A_611, %get3A_616, %select_n3A_608 : vector<30x64xi1>, vector<30x64xi32>
    %eq3A_618 = arith.constant 6 : i32
    %eq3A_619 = vector.broadcast %eq3A_618 : i32 to vector<30x64xi32>
    %eq3A_620 = arith.cmpi eq, %select_n3A_190, %eq3A_619 : vector<30x64xi32>
    %get3A_621 = arith.constant 6 : index
    %get3A_622 = arith.constant 0 : index
    %get3A_623 = arith.constant 0 : index
    %get3A_624 = vector.load %arg3[%get3A_621, %get3A_622, %get3A_623] : memref<20x30x64xi32, #tpu.memory_space<vmem>>, vector<1x30x64xi32>
    %get3A_625 = vector.shape_cast %get3A_624 : vector<1x30x64xi32> to vector<30x64xi32>
    %select_n3A_626 = arith.select %eq3A_620, %get3A_625, %select_n3A_617 : vector<30x64xi1>, vector<30x64xi32>
    %eq3A_627 = arith.constant 7 : i32
    %eq3A_628 = vector.broadcast %eq3A_627 : i32 to vector<30x64xi32>
    %eq3A_629 = arith.cmpi eq, %select_n3A_190, %eq3A_628 : vector<30x64xi32>
    %get3A_630 = arith.constant 7 : index
    %get3A_631 = arith.constant 0 : index
    %get3A_632 = arith.constant 0 : index
    %get3A_633 = vector.load %arg3[%get3A_630, %get3A_631, %get3A_632] : memref<20x30x64xi32, #tpu.memory_space<vmem>>, vector<1x30x64xi32>
    %get3A_634 = vector.shape_cast %get3A_633 : vector<1x30x64xi32> to vector<30x64xi32>
    %select_n3A_635 = arith.select %eq3A_629, %get3A_634, %select_n3A_626 : vector<30x64xi1>, vector<30x64xi32>
    %eq3A_636 = arith.constant 8 : i32
    %eq3A_637 = vector.broadcast %eq3A_636 : i32 to vector<30x64xi32>
    %eq3A_638 = arith.cmpi eq, %select_n3A_190, %eq3A_637 : vector<30x64xi32>
    %get3A_639 = arith.constant 8 : index
    %get3A_640 = arith.constant 0 : index
    %get3A_641 = arith.constant 0 : index
    %get3A_642 = vector.load %arg3[%get3A_639, %get3A_640, %get3A_641] : memref<20x30x64xi32, #tpu.memory_space<vmem>>, vector<1x30x64xi32>
    %get3A_643 = vector.shape_cast %get3A_642 : vector<1x30x64xi32> to vector<30x64xi32>
    %select_n3A_644 = arith.select %eq3A_638, %get3A_643, %select_n3A_635 : vector<30x64xi1>, vector<30x64xi32>
    %eq3A_645 = arith.constant 9 : i32
    %eq3A_646 = vector.broadcast %eq3A_645 : i32 to vector<30x64xi32>
    %eq3A_647 = arith.cmpi eq, %select_n3A_190, %eq3A_646 : vector<30x64xi32>
    %get3A_648 = arith.constant 9 : index
    %get3A_649 = arith.constant 0 : index
    %get3A_650 = arith.constant 0 : index
    %get3A_651 = vector.load %arg3[%get3A_648, %get3A_649, %get3A_650] : memref<20x30x64xi32, #tpu.memory_space<vmem>>, vector<1x30x64xi32>
    %get3A_652 = vector.shape_cast %get3A_651 : vector<1x30x64xi32> to vector<30x64xi32>
    %select_n3A_653 = arith.select %eq3A_647, %get3A_652, %select_n3A_644 : vector<30x64xi1>, vector<30x64xi32>
    %eq3A_654 = arith.constant 10 : i32
    %eq3A_655 = vector.broadcast %eq3A_654 : i32 to vector<30x64xi32>
    %eq3A_656 = arith.cmpi eq, %select_n3A_190, %eq3A_655 : vector<30x64xi32>
    %get3A_657 = arith.constant 10 : index
    %get3A_658 = arith.constant 0 : index
    %get3A_659 = arith.constant 0 : index
    %get3A_660 = vector.load %arg3[%get3A_657, %get3A_658, %get3A_659] : memref<20x30x64xi32, #tpu.memory_space<vmem>>, vector<1x30x64xi32>
    %get3A_661 = vector.shape_cast %get3A_660 : vector<1x30x64xi32> to vector<30x64xi32>
    %select_n3A_662 = arith.select %eq3A_656, %get3A_661, %select_n3A_653 : vector<30x64xi1>, vector<30x64xi32>
    %eq3A_663 = arith.constant 11 : i32
    %eq3A_664 = vector.broadcast %eq3A_663 : i32 to vector<30x64xi32>
    %eq3A_665 = arith.cmpi eq, %select_n3A_190, %eq3A_664 : vector<30x64xi32>
    %get3A_666 = arith.constant 11 : index
    %get3A_667 = arith.constant 0 : index
    %get3A_668 = arith.constant 0 : index
    %get3A_669 = vector.load %arg3[%get3A_666, %get3A_667, %get3A_668] : memref<20x30x64xi32, #tpu.memory_space<vmem>>, vector<1x30x64xi32>
    %get3A_670 = vector.shape_cast %get3A_669 : vector<1x30x64xi32> to vector<30x64xi32>
    %select_n3A_671 = arith.select %eq3A_665, %get3A_670, %select_n3A_662 : vector<30x64xi1>, vector<30x64xi32>
    %eq3A_672 = arith.constant 12 : i32
    %eq3A_673 = vector.broadcast %eq3A_672 : i32 to vector<30x64xi32>
    %eq3A_674 = arith.cmpi eq, %select_n3A_190, %eq3A_673 : vector<30x64xi32>
    %get3A_675 = arith.constant 12 : index
    %get3A_676 = arith.constant 0 : index
    %get3A_677 = arith.constant 0 : index
    %get3A_678 = vector.load %arg3[%get3A_675, %get3A_676, %get3A_677] : memref<20x30x64xi32, #tpu.memory_space<vmem>>, vector<1x30x64xi32>
    %get3A_679 = vector.shape_cast %get3A_678 : vector<1x30x64xi32> to vector<30x64xi32>
    %select_n3A_680 = arith.select %eq3A_674, %get3A_679, %select_n3A_671 : vector<30x64xi1>, vector<30x64xi32>
    %eq3A_681 = arith.constant 13 : i32
    %eq3A_682 = vector.broadcast %eq3A_681 : i32 to vector<30x64xi32>
    %eq3A_683 = arith.cmpi eq, %select_n3A_190, %eq3A_682 : vector<30x64xi32>
    %get3A_684 = arith.constant 13 : index
    %get3A_685 = arith.constant 0 : index
    %get3A_686 = arith.constant 0 : index
    %get3A_687 = vector.load %arg3[%get3A_684, %get3A_685, %get3A_686] : memref<20x30x64xi32, #tpu.memory_space<vmem>>, vector<1x30x64xi32>
    %get3A_688 = vector.shape_cast %get3A_687 : vector<1x30x64xi32> to vector<30x64xi32>
    %select_n3A_689 = arith.select %eq3A_683, %get3A_688, %select_n3A_680 : vector<30x64xi1>, vector<30x64xi32>
    %eq3A_690 = arith.constant 14 : i32
    %eq3A_691 = vector.broadcast %eq3A_690 : i32 to vector<30x64xi32>
    %eq3A_692 = arith.cmpi eq, %select_n3A_190, %eq3A_691 : vector<30x64xi32>
    %get3A_693 = arith.constant 14 : index
    %get3A_694 = arith.constant 0 : index
    %get3A_695 = arith.constant 0 : index
    %get3A_696 = vector.load %arg3[%get3A_693, %get3A_694, %get3A_695] : memref<20x30x64xi32, #tpu.memory_space<vmem>>, vector<1x30x64xi32>
    %get3A_697 = vector.shape_cast %get3A_696 : vector<1x30x64xi32> to vector<30x64xi32>
    %select_n3A_698 = arith.select %eq3A_692, %get3A_697, %select_n3A_689 : vector<30x64xi1>, vector<30x64xi32>
    %eq3A_699 = arith.constant 15 : i32
    %eq3A_700 = vector.broadcast %eq3A_699 : i32 to vector<30x64xi32>
    %eq3A_701 = arith.cmpi eq, %select_n3A_190, %eq3A_700 : vector<30x64xi32>
    %get3A_702 = arith.constant 15 : index
    %get3A_703 = arith.constant 0 : index
    %get3A_704 = arith.constant 0 : index
    %get3A_705 = vector.load %arg3[%get3A_702, %get3A_703, %get3A_704] : memref<20x30x64xi32, #tpu.memory_space<vmem>>, vector<1x30x64xi32>
    %get3A_706 = vector.shape_cast %get3A_705 : vector<1x30x64xi32> to vector<30x64xi32>
    %select_n3A_707 = arith.select %eq3A_701, %get3A_706, %select_n3A_698 : vector<30x64xi1>, vector<30x64xi32>
    %eq3A_708 = arith.constant 16 : i32
    %eq3A_709 = vector.broadcast %eq3A_708 : i32 to vector<30x64xi32>
    %eq3A_710 = arith.cmpi eq, %select_n3A_190, %eq3A_709 : vector<30x64xi32>
    %get3A_711 = arith.constant 16 : index
    %get3A_712 = arith.constant 0 : index
    %get3A_713 = arith.constant 0 : index
    %get3A_714 = vector.load %arg3[%get3A_711, %get3A_712, %get3A_713] : memref<20x30x64xi32, #tpu.memory_space<vmem>>, vector<1x30x64xi32>
    %get3A_715 = vector.shape_cast %get3A_714 : vector<1x30x64xi32> to vector<30x64xi32>
    %select_n3A_716 = arith.select %eq3A_710, %get3A_715, %select_n3A_707 : vector<30x64xi1>, vector<30x64xi32>
    %eq3A_717 = arith.constant 17 : i32
    %eq3A_718 = vector.broadcast %eq3A_717 : i32 to vector<30x64xi32>
    %eq3A_719 = arith.cmpi eq, %select_n3A_190, %eq3A_718 : vector<30x64xi32>
    %get3A_720 = arith.constant 17 : index
    %get3A_721 = arith.constant 0 : index
    %get3A_722 = arith.constant 0 : index
    %get3A_723 = vector.load %arg3[%get3A_720, %get3A_721, %get3A_722] : memref<20x30x64xi32, #tpu.memory_space<vmem>>, vector<1x30x64xi32>
    %get3A_724 = vector.shape_cast %get3A_723 : vector<1x30x64xi32> to vector<30x64xi32>
    %select_n3A_725 = arith.select %eq3A_719, %get3A_724, %select_n3A_716 : vector<30x64xi1>, vector<30x64xi32>
    %eq3A_726 = arith.constant 18 : i32
    %eq3A_727 = vector.broadcast %eq3A_726 : i32 to vector<30x64xi32>
    %eq3A_728 = arith.cmpi eq, %select_n3A_190, %eq3A_727 : vector<30x64xi32>
    %get3A_729 = arith.constant 18 : index
    %get3A_730 = arith.constant 0 : index
    %get3A_731 = arith.constant 0 : index
    %get3A_732 = vector.load %arg3[%get3A_729, %get3A_730, %get3A_731] : memref<20x30x64xi32, #tpu.memory_space<vmem>>, vector<1x30x64xi32>
    %get3A_733 = vector.shape_cast %get3A_732 : vector<1x30x64xi32> to vector<30x64xi32>
    %select_n3A_734 = arith.select %eq3A_728, %get3A_733, %select_n3A_725 : vector<30x64xi1>, vector<30x64xi32>
    %eq3A_735 = arith.constant 19 : i32
    %eq3A_736 = vector.broadcast %eq3A_735 : i32 to vector<30x64xi32>
    %eq3A_737 = arith.cmpi eq, %select_n3A_190, %eq3A_736 : vector<30x64xi32>
    %get3A_738 = arith.constant 19 : index
    %get3A_739 = arith.constant 0 : index
    %get3A_740 = arith.constant 0 : index
    %get3A_741 = vector.load %arg3[%get3A_738, %get3A_739, %get3A_740] : memref<20x30x64xi32, #tpu.memory_space<vmem>>, vector<1x30x64xi32>
    %get3A_742 = vector.shape_cast %get3A_741 : vector<1x30x64xi32> to vector<30x64xi32>
    %select_n3A_743 = arith.select %eq3A_737, %get3A_742, %select_n3A_734 : vector<30x64xi1>, vector<30x64xi32>
    %swap3A_744 = arith.constant 0 : index
    %swap3A_745 = arith.constant 0 : index
    %swap3A_746 = vector.load %arg9[%swap3A_744, %swap3A_745] : memref<32x64xi32, #tpu.memory_space<vmem>>, vector<30x64xi32>
    tpu.vector_store %arg9[%swap3A_744, %swap3A_745], %select_n3A_743 {strides = array<i32>} : memref<32x64xi32, #tpu.memory_space<vmem>>, vector<30x64xi32>,
    %get3A_747 = arith.constant 0 : index
    %get3A_748 = arith.constant 0 : index
    %get3A_749 = arith.constant 0 : index
    %get3A_750 = vector.load %arg4[%get3A_747, %get3A_748, %get3A_749] : memref<20x30x64xi32, #tpu.memory_space<vmem>>, vector<1x30x64xi32>
    %get3A_751 = vector.shape_cast %get3A_750 : vector<1x30x64xi32> to vector<30x64xi32>
    %eq3A_752 = arith.constant 1 : i32
    %eq3A_753 = vector.broadcast %eq3A_752 : i32 to vector<30x64xi32>
    %eq3A_754 = arith.cmpi eq, %select_n3A_190, %eq3A_753 : vector<30x64xi32>
    %get3A_755 = arith.constant 1 : index
    %get3A_756 = arith.constant 0 : index
    %get3A_757 = arith.constant 0 : index
    %get3A_758 = vector.load %arg4[%get3A_755, %get3A_756, %get3A_757] : memref<20x30x64xi32, #tpu.memory_space<vmem>>, vector<1x30x64xi32>
    %get3A_759 = vector.shape_cast %get3A_758 : vector<1x30x64xi32> to vector<30x64xi32>
    %select_n3A_760 = arith.select %eq3A_754, %get3A_759, %get3A_751 : vector<30x64xi1>, vector<30x64xi32>
    %eq3A_761 = arith.constant 2 : i32
    %eq3A_762 = vector.broadcast %eq3A_761 : i32 to vector<30x64xi32>
    %eq3A_763 = arith.cmpi eq, %select_n3A_190, %eq3A_762 : vector<30x64xi32>
    %get3A_764 = arith.constant 2 : index
    %get3A_765 = arith.constant 0 : index
    %get3A_766 = arith.constant 0 : index
    %get3A_767 = vector.load %arg4[%get3A_764, %get3A_765, %get3A_766] : memref<20x30x64xi32, #tpu.memory_space<vmem>>, vector<1x30x64xi32>
    %get3A_768 = vector.shape_cast %get3A_767 : vector<1x30x64xi32> to vector<30x64xi32>
    %select_n3A_769 = arith.select %eq3A_763, %get3A_768, %select_n3A_760 : vector<30x64xi1>, vector<30x64xi32>
    %eq3A_770 = arith.constant 3 : i32
    %eq3A_771 = vector.broadcast %eq3A_770 : i32 to vector<30x64xi32>
    %eq3A_772 = arith.cmpi eq, %select_n3A_190, %eq3A_771 : vector<30x64xi32>
    %get3A_773 = arith.constant 3 : index
    %get3A_774 = arith.constant 0 : index
    %get3A_775 = arith.constant 0 : index
    %get3A_776 = vector.load %arg4[%get3A_773, %get3A_774, %get3A_775] : memref<20x30x64xi32, #tpu.memory_space<vmem>>, vector<1x30x64xi32>
    %get3A_777 = vector.shape_cast %get3A_776 : vector<1x30x64xi32> to vector<30x64xi32>
    %select_n3A_778 = arith.select %eq3A_772, %get3A_777, %select_n3A_769 : vector<30x64xi1>, vector<30x64xi32>
    %eq3A_779 = arith.constant 4 : i32
    %eq3A_780 = vector.broadcast %eq3A_779 : i32 to vector<30x64xi32>
    %eq3A_781 = arith.cmpi eq, %select_n3A_190, %eq3A_780 : vector<30x64xi32>
    %get3A_782 = arith.constant 4 : index
    %get3A_783 = arith.constant 0 : index
    %get3A_784 = arith.constant 0 : index
    %get3A_785 = vector.load %arg4[%get3A_782, %get3A_783, %get3A_784] : memref<20x30x64xi32, #tpu.memory_space<vmem>>, vector<1x30x64xi32>
    %get3A_786 = vector.shape_cast %get3A_785 : vector<1x30x64xi32> to vector<30x64xi32>
    %select_n3A_787 = arith.select %eq3A_781, %get3A_786, %select_n3A_778 : vector<30x64xi1>, vector<30x64xi32>
    %eq3A_788 = arith.constant 5 : i32
    %eq3A_789 = vector.broadcast %eq3A_788 : i32 to vector<30x64xi32>
    %eq3A_790 = arith.cmpi eq, %select_n3A_190, %eq3A_789 : vector<30x64xi32>
    %get3A_791 = arith.constant 5 : index
    %get3A_792 = arith.constant 0 : index
    %get3A_793 = arith.constant 0 : index
    %get3A_794 = vector.load %arg4[%get3A_791, %get3A_792, %get3A_793] : memref<20x30x64xi32, #tpu.memory_space<vmem>>, vector<1x30x64xi32>
    %get3A_795 = vector.shape_cast %get3A_794 : vector<1x30x64xi32> to vector<30x64xi32>
    %select_n3A_796 = arith.select %eq3A_790, %get3A_795, %select_n3A_787 : vector<30x64xi1>, vector<30x64xi32>
    %eq3A_797 = arith.constant 6 : i32
    %eq3A_798 = vector.broadcast %eq3A_797 : i32 to vector<30x64xi32>
    %eq3A_799 = arith.cmpi eq, %select_n3A_190, %eq3A_798 : vector<30x64xi32>
    %get3A_800 = arith.constant 6 : index
    %get3A_801 = arith.constant 0 : index
    %get3A_802 = arith.constant 0 : index
    %get3A_803 = vector.load %arg4[%get3A_800, %get3A_801, %get3A_802] : memref<20x30x64xi32, #tpu.memory_space<vmem>>, vector<1x30x64xi32>
    %get3A_804 = vector.shape_cast %get3A_803 : vector<1x30x64xi32> to vector<30x64xi32>
    %select_n3A_805 = arith.select %eq3A_799, %get3A_804, %select_n3A_796 : vector<30x64xi1>, vector<30x64xi32>
    %eq3A_806 = arith.constant 7 : i32
    %eq3A_807 = vector.broadcast %eq3A_806 : i32 to vector<30x64xi32>
    %eq3A_808 = arith.cmpi eq, %select_n3A_190, %eq3A_807 : vector<30x64xi32>
    %get3A_809 = arith.constant 7 : index
    %get3A_810 = arith.constant 0 : index
    %get3A_811 = arith.constant 0 : index
    %get3A_812 = vector.load %arg4[%get3A_809, %get3A_810, %get3A_811] : memref<20x30x64xi32, #tpu.memory_space<vmem>>, vector<1x30x64xi32>
    %get3A_813 = vector.shape_cast %get3A_812 : vector<1x30x64xi32> to vector<30x64xi32>
    %select_n3A_814 = arith.select %eq3A_808, %get3A_813, %select_n3A_805 : vector<30x64xi1>, vector<30x64xi32>
    %eq3A_815 = arith.constant 8 : i32
    %eq3A_816 = vector.broadcast %eq3A_815 : i32 to vector<30x64xi32>
    %eq3A_817 = arith.cmpi eq, %select_n3A_190, %eq3A_816 : vector<30x64xi32>
    %get3A_818 = arith.constant 8 : index
    %get3A_819 = arith.constant 0 : index
    %get3A_820 = arith.constant 0 : index
    %get3A_821 = vector.load %arg4[%get3A_818, %get3A_819, %get3A_820] : memref<20x30x64xi32, #tpu.memory_space<vmem>>, vector<1x30x64xi32>
    %get3A_822 = vector.shape_cast %get3A_821 : vector<1x30x64xi32> to vector<30x64xi32>
    %select_n3A_823 = arith.select %eq3A_817, %get3A_822, %select_n3A_814 : vector<30x64xi1>, vector<30x64xi32>
    %eq3A_824 = arith.constant 9 : i32
    %eq3A_825 = vector.broadcast %eq3A_824 : i32 to vector<30x64xi32>
    %eq3A_826 = arith.cmpi eq, %select_n3A_190, %eq3A_825 : vector<30x64xi32>
    %get3A_827 = arith.constant 9 : index
    %get3A_828 = arith.constant 0 : index
    %get3A_829 = arith.constant 0 : index
    %get3A_830 = vector.load %arg4[%get3A_827, %get3A_828, %get3A_829] : memref<20x30x64xi32, #tpu.memory_space<vmem>>, vector<1x30x64xi32>
    %get3A_831 = vector.shape_cast %get3A_830 : vector<1x30x64xi32> to vector<30x64xi32>
    %select_n3A_832 = arith.select %eq3A_826, %get3A_831, %select_n3A_823 : vector<30x64xi1>, vector<30x64xi32>
    %eq3A_833 = arith.constant 10 : i32
    %eq3A_834 = vector.broadcast %eq3A_833 : i32 to vector<30x64xi32>
    %eq3A_835 = arith.cmpi eq, %select_n3A_190, %eq3A_834 : vector<30x64xi32>
    %get3A_836 = arith.constant 10 : index
    %get3A_837 = arith.constant 0 : index
    %get3A_838 = arith.constant 0 : index
    %get3A_839 = vector.load %arg4[%get3A_836, %get3A_837, %get3A_838] : memref<20x30x64xi32, #tpu.memory_space<vmem>>, vector<1x30x64xi32>
    %get3A_840 = vector.shape_cast %get3A_839 : vector<1x30x64xi32> to vector<30x64xi32>
    %select_n3A_841 = arith.select %eq3A_835, %get3A_840, %select_n3A_832 : vector<30x64xi1>, vector<30x64xi32>
    %eq3A_842 = arith.constant 11 : i32
    %eq3A_843 = vector.broadcast %eq3A_842 : i32 to vector<30x64xi32>
    %eq3A_844 = arith.cmpi eq, %select_n3A_190, %eq3A_843 : vector<30x64xi32>
    %get3A_845 = arith.constant 11 : index
    %get3A_846 = arith.constant 0 : index
    %get3A_847 = arith.constant 0 : index
    %get3A_848 = vector.load %arg4[%get3A_845, %get3A_846, %get3A_847] : memref<20x30x64xi32, #tpu.memory_space<vmem>>, vector<1x30x64xi32>
    %get3A_849 = vector.shape_cast %get3A_848 : vector<1x30x64xi32> to vector<30x64xi32>
    %select_n3A_850 = arith.select %eq3A_844, %get3A_849, %select_n3A_841 : vector<30x64xi1>, vector<30x64xi32>
    %eq3A_851 = arith.constant 12 : i32
    %eq3A_852 = vector.broadcast %eq3A_851 : i32 to vector<30x64xi32>
    %eq3A_853 = arith.cmpi eq, %select_n3A_190, %eq3A_852 : vector<30x64xi32>
    %get3A_854 = arith.constant 12 : index
    %get3A_855 = arith.constant 0 : index
    %get3A_856 = arith.constant 0 : index
    %get3A_857 = vector.load %arg4[%get3A_854, %get3A_855, %get3A_856] : memref<20x30x64xi32, #tpu.memory_space<vmem>>, vector<1x30x64xi32>
    %get3A_858 = vector.shape_cast %get3A_857 : vector<1x30x64xi32> to vector<30x64xi32>
    %select_n3A_859 = arith.select %eq3A_853, %get3A_858, %select_n3A_850 : vector<30x64xi1>, vector<30x64xi32>
    %eq3A_860 = arith.constant 13 : i32
    %eq3A_861 = vector.broadcast %eq3A_860 : i32 to vector<30x64xi32>
    %eq3A_862 = arith.cmpi eq, %select_n3A_190, %eq3A_861 : vector<30x64xi32>
    %get3A_863 = arith.constant 13 : index
    %get3A_864 = arith.constant 0 : index
    %get3A_865 = arith.constant 0 : index
    %get3A_866 = vector.load %arg4[%get3A_863, %get3A_864, %get3A_865] : memref<20x30x64xi32, #tpu.memory_space<vmem>>, vector<1x30x64xi32>
    %get3A_867 = vector.shape_cast %get3A_866 : vector<1x30x64xi32> to vector<30x64xi32>
    %select_n3A_868 = arith.select %eq3A_862, %get3A_867, %select_n3A_859 : vector<30x64xi1>, vector<30x64xi32>
    %eq3A_869 = arith.constant 14 : i32
    %eq3A_870 = vector.broadcast %eq3A_869 : i32 to vector<30x64xi32>
    %eq3A_871 = arith.cmpi eq, %select_n3A_190, %eq3A_870 : vector<30x64xi32>
    %get3A_872 = arith.constant 14 : index
    %get3A_873 = arith.constant 0 : index
    %get3A_874 = arith.constant 0 : index
    %get3A_875 = vector.load %arg4[%get3A_872, %get3A_873, %get3A_874] : memref<20x30x64xi32, #tpu.memory_space<vmem>>, vector<1x30x64xi32>
    %get3A_876 = vector.shape_cast %get3A_875 : vector<1x30x64xi32> to vector<30x64xi32>
    %select_n3A_877 = arith.select %eq3A_871, %get3A_876, %select_n3A_868 : vector<30x64xi1>, vector<30x64xi32>
    %eq3A_878 = arith.constant 15 : i32
    %eq3A_879 = vector.broadcast %eq3A_878 : i32 to vector<30x64xi32>
    %eq3A_880 = arith.cmpi eq, %select_n3A_190, %eq3A_879 : vector<30x64xi32>
    %get3A_881 = arith.constant 15 : index
    %get3A_882 = arith.constant 0 : index
    %get3A_883 = arith.constant 0 : index
    %get3A_884 = vector.load %arg4[%get3A_881, %get3A_882, %get3A_883] : memref<20x30x64xi32, #tpu.memory_space<vmem>>, vector<1x30x64xi32>
    %get3A_885 = vector.shape_cast %get3A_884 : vector<1x30x64xi32> to vector<30x64xi32>
    %select_n3A_886 = arith.select %eq3A_880, %get3A_885, %select_n3A_877 : vector<30x64xi1>, vector<30x64xi32>
    %eq3A_887 = arith.constant 16 : i32
    %eq3A_888 = vector.broadcast %eq3A_887 : i32 to vector<30x64xi32>
    %eq3A_889 = arith.cmpi eq, %select_n3A_190, %eq3A_888 : vector<30x64xi32>
    %get3A_890 = arith.constant 16 : index
    %get3A_891 = arith.constant 0 : index
    %get3A_892 = arith.constant 0 : index
    %get3A_893 = vector.load %arg4[%get3A_890, %get3A_891, %get3A_892] : memref<20x30x64xi32, #tpu.memory_space<vmem>>, vector<1x30x64xi32>
    %get3A_894 = vector.shape_cast %get3A_893 : vector<1x30x64xi32> to vector<30x64xi32>
    %select_n3A_895 = arith.select %eq3A_889, %get3A_894, %select_n3A_886 : vector<30x64xi1>, vector<30x64xi32>
    %eq3A_896 = arith.constant 17 : i32
    %eq3A_897 = vector.broadcast %eq3A_896 : i32 to vector<30x64xi32>
    %eq3A_898 = arith.cmpi eq, %select_n3A_190, %eq3A_897 : vector<30x64xi32>
    %get3A_899 = arith.constant 17 : index
    %get3A_900 = arith.constant 0 : index
    %get3A_901 = arith.constant 0 : index
    %get3A_902 = vector.load %arg4[%get3A_899, %get3A_900, %get3A_901] : memref<20x30x64xi32, #tpu.memory_space<vmem>>, vector<1x30x64xi32>
    %get3A_903 = vector.shape_cast %get3A_902 : vector<1x30x64xi32> to vector<30x64xi32>
    %select_n3A_904 = arith.select %eq3A_898, %get3A_903, %select_n3A_895 : vector<30x64xi1>, vector<30x64xi32>
    %eq3A_905 = arith.constant 18 : i32
    %eq3A_906 = vector.broadcast %eq3A_905 : i32 to vector<30x64xi32>
    %eq3A_907 = arith.cmpi eq, %select_n3A_190, %eq3A_906 : vector<30x64xi32>
    %get3A_908 = arith.constant 18 : index
    %get3A_909 = arith.constant 0 : index
    %get3A_910 = arith.constant 0 : index
    %get3A_911 = vector.load %arg4[%get3A_908, %get3A_909, %get3A_910] : memref<20x30x64xi32, #tpu.memory_space<vmem>>, vector<1x30x64xi32>
    %get3A_912 = vector.shape_cast %get3A_911 : vector<1x30x64xi32> to vector<30x64xi32>
    %select_n3A_913 = arith.select %eq3A_907, %get3A_912, %select_n3A_904 : vector<30x64xi1>, vector<30x64xi32>
    %eq3A_914 = arith.constant 19 : i32
    %eq3A_915 = vector.broadcast %eq3A_914 : i32 to vector<30x64xi32>
    %eq3A_916 = arith.cmpi eq, %select_n3A_190, %eq3A_915 : vector<30x64xi32>
    %get3A_917 = arith.constant 19 : index
    %get3A_918 = arith.constant 0 : index
    %get3A_919 = arith.constant 0 : index
    %get3A_920 = vector.load %arg4[%get3A_917, %get3A_918, %get3A_919] : memref<20x30x64xi32, #tpu.memory_space<vmem>>, vector<1x30x64xi32>
    %get3A_921 = vector.shape_cast %get3A_920 : vector<1x30x64xi32> to vector<30x64xi32>
    %select_n3A_922 = arith.select %eq3A_916, %get3A_921, %select_n3A_913 : vector<30x64xi1>, vector<30x64xi32>
    %swap3A_923 = arith.constant 0 : index
    %swap3A_924 = arith.constant 0 : index
    %swap3A_925 = vector.load %arg10[%swap3A_923, %swap3A_924] : memref<32x64xi32, #tpu.memory_space<vmem>>, vector<30x64xi32>
    tpu.vector_store %arg10[%swap3A_923, %swap3A_924], %select_n3A_922 {strides = array<i32>} : memref<32x64xi32, #tpu.memory_space<vmem>>, vector<30x64xi32>,
    %get3A_926 = arith.constant 0 : index
    %get3A_927 = arith.constant 0 : index
    %get3A_928 = arith.constant 0 : index
    %get3A_929 = vector.load %arg5[%get3A_926, %get3A_927, %get3A_928] : memref<20x30x64xi32, #tpu.memory_space<vmem>>, vector<1x30x64xi32>
    %get3A_930 = vector.shape_cast %get3A_929 : vector<1x30x64xi32> to vector<30x64xi32>
    %eq3A_931 = arith.constant 1 : i32
    %eq3A_932 = vector.broadcast %eq3A_931 : i32 to vector<30x64xi32>
    %eq3A_933 = arith.cmpi eq, %select_n3A_190, %eq3A_932 : vector<30x64xi32>
    %get3A_934 = arith.constant 1 : index
    %get3A_935 = arith.constant 0 : index
    %get3A_936 = arith.constant 0 : index
    %get3A_937 = vector.load %arg5[%get3A_934, %get3A_935, %get3A_936] : memref<20x30x64xi32, #tpu.memory_space<vmem>>, vector<1x30x64xi32>
    %get3A_938 = vector.shape_cast %get3A_937 : vector<1x30x64xi32> to vector<30x64xi32>
    %select_n3A_939 = arith.select %eq3A_933, %get3A_938, %get3A_930 : vector<30x64xi1>, vector<30x64xi32>
    %eq3A_940 = arith.constant 2 : i32
    %eq3A_941 = vector.broadcast %eq3A_940 : i32 to vector<30x64xi32>
    %eq3A_942 = arith.cmpi eq, %select_n3A_190, %eq3A_941 : vector<30x64xi32>
    %get3A_943 = arith.constant 2 : index
    %get3A_944 = arith.constant 0 : index
    %get3A_945 = arith.constant 0 : index
    %get3A_946 = vector.load %arg5[%get3A_943, %get3A_944, %get3A_945] : memref<20x30x64xi32, #tpu.memory_space<vmem>>, vector<1x30x64xi32>
    %get3A_947 = vector.shape_cast %get3A_946 : vector<1x30x64xi32> to vector<30x64xi32>
    %select_n3A_948 = arith.select %eq3A_942, %get3A_947, %select_n3A_939 : vector<30x64xi1>, vector<30x64xi32>
    %eq3A_949 = arith.constant 3 : i32
    %eq3A_950 = vector.broadcast %eq3A_949 : i32 to vector<30x64xi32>
    %eq3A_951 = arith.cmpi eq, %select_n3A_190, %eq3A_950 : vector<30x64xi32>
    %get3A_952 = arith.constant 3 : index
    %get3A_953 = arith.constant 0 : index
    %get3A_954 = arith.constant 0 : index
    %get3A_955 = vector.load %arg5[%get3A_952, %get3A_953, %get3A_954] : memref<20x30x64xi32, #tpu.memory_space<vmem>>, vector<1x30x64xi32>
    %get3A_956 = vector.shape_cast %get3A_955 : vector<1x30x64xi32> to vector<30x64xi32>
    %select_n3A_957 = arith.select %eq3A_951, %get3A_956, %select_n3A_948 : vector<30x64xi1>, vector<30x64xi32>
    %eq3A_958 = arith.constant 4 : i32
    %eq3A_959 = vector.broadcast %eq3A_958 : i32 to vector<30x64xi32>
    %eq3A_960 = arith.cmpi eq, %select_n3A_190, %eq3A_959 : vector<30x64xi32>
    %get3A_961 = arith.constant 4 : index
    %get3A_962 = arith.constant 0 : index
    %get3A_963 = arith.constant 0 : index
    %get3A_964 = vector.load %arg5[%get3A_961, %get3A_962, %get3A_963] : memref<20x30x64xi32, #tpu.memory_space<vmem>>, vector<1x30x64xi32>
    %get3A_965 = vector.shape_cast %get3A_964 : vector<1x30x64xi32> to vector<30x64xi32>
    %select_n3A_966 = arith.select %eq3A_960, %get3A_965, %select_n3A_957 : vector<30x64xi1>, vector<30x64xi32>
    %eq3A_967 = arith.constant 5 : i32
    %eq3A_968 = vector.broadcast %eq3A_967 : i32 to vector<30x64xi32>
    %eq3A_969 = arith.cmpi eq, %select_n3A_190, %eq3A_968 : vector<30x64xi32>
    %get3A_970 = arith.constant 5 : index
    %get3A_971 = arith.constant 0 : index
    %get3A_972 = arith.constant 0 : index
    %get3A_973 = vector.load %arg5[%get3A_970, %get3A_971, %get3A_972] : memref<20x30x64xi32, #tpu.memory_space<vmem>>, vector<1x30x64xi32>
    %get3A_974 = vector.shape_cast %get3A_973 : vector<1x30x64xi32> to vector<30x64xi32>
    %select_n3A_975 = arith.select %eq3A_969, %get3A_974, %select_n3A_966 : vector<30x64xi1>, vector<30x64xi32>
    %eq3A_976 = arith.constant 6 : i32
    %eq3A_977 = vector.broadcast %eq3A_976 : i32 to vector<30x64xi32>
    %eq3A_978 = arith.cmpi eq, %select_n3A_190, %eq3A_977 : vector<30x64xi32>
    %get3A_979 = arith.constant 6 : index
    %get3A_980 = arith.constant 0 : index
    %get3A_981 = arith.constant 0 : index
    %get3A_982 = vector.load %arg5[%get3A_979, %get3A_980, %get3A_981] : memref<20x30x64xi32, #tpu.memory_space<vmem>>, vector<1x30x64xi32>
    %get3A_983 = vector.shape_cast %get3A_982 : vector<1x30x64xi32> to vector<30x64xi32>
    %select_n3A_984 = arith.select %eq3A_978, %get3A_983, %select_n3A_975 : vector<30x64xi1>, vector<30x64xi32>
    %eq3A_985 = arith.constant 7 : i32
    %eq3A_986 = vector.broadcast %eq3A_985 : i32 to vector<30x64xi32>
    %eq3A_987 = arith.cmpi eq, %select_n3A_190, %eq3A_986 : vector<30x64xi32>
    %get3A_988 = arith.constant 7 : index
    %get3A_989 = arith.constant 0 : index
    %get3A_990 = arith.constant 0 : index
    %get3A_991 = vector.load %arg5[%get3A_988, %get3A_989, %get3A_990] : memref<20x30x64xi32, #tpu.memory_space<vmem>>, vector<1x30x64xi32>
    %get3A_992 = vector.shape_cast %get3A_991 : vector<1x30x64xi32> to vector<30x64xi32>
    %select_n3A_993 = arith.select %eq3A_987, %get3A_992, %select_n3A_984 : vector<30x64xi1>, vector<30x64xi32>
    %eq3A_994 = arith.constant 8 : i32
    %eq3A_995 = vector.broadcast %eq3A_994 : i32 to vector<30x64xi32>
    %eq3A_996 = arith.cmpi eq, %select_n3A_190, %eq3A_995 : vector<30x64xi32>
    %get3A_997 = arith.constant 8 : index
    %get3A_998 = arith.constant 0 : index
    %get3A_999 = arith.constant 0 : index
    %get3A_1000 = vector.load %arg5[%get3A_997, %get3A_998, %get3A_999] : memref<20x30x64xi32, #tpu.memory_space<vmem>>, vector<1x30x64xi32>
    %get3A_1001 = vector.shape_cast %get3A_1000 : vector<1x30x64xi32> to vector<30x64xi32>
    %select_n3A_1002 = arith.select %eq3A_996, %get3A_1001, %select_n3A_993 : vector<30x64xi1>, vector<30x64xi32>
    %eq3A_1003 = arith.constant 9 : i32
    %eq3A_1004 = vector.broadcast %eq3A_1003 : i32 to vector<30x64xi32>
    %eq3A_1005 = arith.cmpi eq, %select_n3A_190, %eq3A_1004 : vector<30x64xi32>
    %get3A_1006 = arith.constant 9 : index
    %get3A_1007 = arith.constant 0 : index
    %get3A_1008 = arith.constant 0 : index
    %get3A_1009 = vector.load %arg5[%get3A_1006, %get3A_1007, %get3A_1008] : memref<20x30x64xi32, #tpu.memory_space<vmem>>, vector<1x30x64xi32>
    %get3A_1010 = vector.shape_cast %get3A_1009 : vector<1x30x64xi32> to vector<30x64xi32>
    %select_n3A_1011 = arith.select %eq3A_1005, %get3A_1010, %select_n3A_1002 : vector<30x64xi1>, vector<30x64xi32>
    %eq3A_1012 = arith.constant 10 : i32
    %eq3A_1013 = vector.broadcast %eq3A_1012 : i32 to vector<30x64xi32>
    %eq3A_1014 = arith.cmpi eq, %select_n3A_190, %eq3A_1013 : vector<30x64xi32>
    %get3A_1015 = arith.constant 10 : index
    %get3A_1016 = arith.constant 0 : index
    %get3A_1017 = arith.constant 0 : index
    %get3A_1018 = vector.load %arg5[%get3A_1015, %get3A_1016, %get3A_1017] : memref<20x30x64xi32, #tpu.memory_space<vmem>>, vector<1x30x64xi32>
    %get3A_1019 = vector.shape_cast %get3A_1018 : vector<1x30x64xi32> to vector<30x64xi32>
    %select_n3A_1020 = arith.select %eq3A_1014, %get3A_1019, %select_n3A_1011 : vector<30x64xi1>, vector<30x64xi32>
    %eq3A_1021 = arith.constant 11 : i32
    %eq3A_1022 = vector.broadcast %eq3A_1021 : i32 to vector<30x64xi32>
    %eq3A_1023 = arith.cmpi eq, %select_n3A_190, %eq3A_1022 : vector<30x64xi32>
    %get3A_1024 = arith.constant 11 : index
    %get3A_1025 = arith.constant 0 : index
    %get3A_1026 = arith.constant 0 : index
    %get3A_1027 = vector.load %arg5[%get3A_1024, %get3A_1025, %get3A_1026] : memref<20x30x64xi32, #tpu.memory_space<vmem>>, vector<1x30x64xi32>
    %get3A_1028 = vector.shape_cast %get3A_1027 : vector<1x30x64xi32> to vector<30x64xi32>
    %select_n3A_1029 = arith.select %eq3A_1023, %get3A_1028, %select_n3A_1020 : vector<30x64xi1>, vector<30x64xi32>
    %eq3A_1030 = arith.constant 12 : i32
    %eq3A_1031 = vector.broadcast %eq3A_1030 : i32 to vector<30x64xi32>
    %eq3A_1032 = arith.cmpi eq, %select_n3A_190, %eq3A_1031 : vector<30x64xi32>
    %get3A_1033 = arith.constant 12 : index
    %get3A_1034 = arith.constant 0 : index
    %get3A_1035 = arith.constant 0 : index
    %get3A_1036 = vector.load %arg5[%get3A_1033, %get3A_1034, %get3A_1035] : memref<20x30x64xi32, #tpu.memory_space<vmem>>, vector<1x30x64xi32>
    %get3A_1037 = vector.shape_cast %get3A_1036 : vector<1x30x64xi32> to vector<30x64xi32>
    %select_n3A_1038 = arith.select %eq3A_1032, %get3A_1037, %select_n3A_1029 : vector<30x64xi1>, vector<30x64xi32>
    %eq3A_1039 = arith.constant 13 : i32
    %eq3A_1040 = vector.broadcast %eq3A_1039 : i32 to vector<30x64xi32>
    %eq3A_1041 = arith.cmpi eq, %select_n3A_190, %eq3A_1040 : vector<30x64xi32>
    %get3A_1042 = arith.constant 13 : index
    %get3A_1043 = arith.constant 0 : index
    %get3A_1044 = arith.constant 0 : index
    %get3A_1045 = vector.load %arg5[%get3A_1042, %get3A_1043, %get3A_1044] : memref<20x30x64xi32, #tpu.memory_space<vmem>>, vector<1x30x64xi32>
    %get3A_1046 = vector.shape_cast %get3A_1045 : vector<1x30x64xi32> to vector<30x64xi32>
    %select_n3A_1047 = arith.select %eq3A_1041, %get3A_1046, %select_n3A_1038 : vector<30x64xi1>, vector<30x64xi32>
    %eq3A_1048 = arith.constant 14 : i32
    %eq3A_1049 = vector.broadcast %eq3A_1048 : i32 to vector<30x64xi32>
    %eq3A_1050 = arith.cmpi eq, %select_n3A_190, %eq3A_1049 : vector<30x64xi32>
    %get3A_1051 = arith.constant 14 : index
    %get3A_1052 = arith.constant 0 : index
    %get3A_1053 = arith.constant 0 : index
    %get3A_1054 = vector.load %arg5[%get3A_1051, %get3A_1052, %get3A_1053] : memref<20x30x64xi32, #tpu.memory_space<vmem>>, vector<1x30x64xi32>
    %get3A_1055 = vector.shape_cast %get3A_1054 : vector<1x30x64xi32> to vector<30x64xi32>
    %select_n3A_1056 = arith.select %eq3A_1050, %get3A_1055, %select_n3A_1047 : vector<30x64xi1>, vector<30x64xi32>
    %eq3A_1057 = arith.constant 15 : i32
    %eq3A_1058 = vector.broadcast %eq3A_1057 : i32 to vector<30x64xi32>
    %eq3A_1059 = arith.cmpi eq, %select_n3A_190, %eq3A_1058 : vector<30x64xi32>
    %get3A_1060 = arith.constant 15 : index
    %get3A_1061 = arith.constant 0 : index
    %get3A_1062 = arith.constant 0 : index
    %get3A_1063 = vector.load %arg5[%get3A_1060, %get3A_1061, %get3A_1062] : memref<20x30x64xi32, #tpu.memory_space<vmem>>, vector<1x30x64xi32>
    %get3A_1064 = vector.shape_cast %get3A_1063 : vector<1x30x64xi32> to vector<30x64xi32>
    %select_n3A_1065 = arith.select %eq3A_1059, %get3A_1064, %select_n3A_1056 : vector<30x64xi1>, vector<30x64xi32>
    %eq3A_1066 = arith.constant 16 : i32
    %eq3A_1067 = vector.broadcast %eq3A_1066 : i32 to vector<30x64xi32>
    %eq3A_1068 = arith.cmpi eq, %select_n3A_190, %eq3A_1067 : vector<30x64xi32>
    %get3A_1069 = arith.constant 16 : index
    %get3A_1070 = arith.constant 0 : index
    %get3A_1071 = arith.constant 0 : index
    %get3A_1072 = vector.load %arg5[%get3A_1069, %get3A_1070, %get3A_1071] : memref<20x30x64xi32, #tpu.memory_space<vmem>>, vector<1x30x64xi32>
    %get3A_1073 = vector.shape_cast %get3A_1072 : vector<1x30x64xi32> to vector<30x64xi32>
    %select_n3A_1074 = arith.select %eq3A_1068, %get3A_1073, %select_n3A_1065 : vector<30x64xi1>, vector<30x64xi32>
    %eq3A_1075 = arith.constant 17 : i32
    %eq3A_1076 = vector.broadcast %eq3A_1075 : i32 to vector<30x64xi32>
    %eq3A_1077 = arith.cmpi eq, %select_n3A_190, %eq3A_1076 : vector<30x64xi32>
    %get3A_1078 = arith.constant 17 : index
    %get3A_1079 = arith.constant 0 : index
    %get3A_1080 = arith.constant 0 : index
    %get3A_1081 = vector.load %arg5[%get3A_1078, %get3A_1079, %get3A_1080] : memref<20x30x64xi32, #tpu.memory_space<vmem>>, vector<1x30x64xi32>
    %get3A_1082 = vector.shape_cast %get3A_1081 : vector<1x30x64xi32> to vector<30x64xi32>
    %select_n3A_1083 = arith.select %eq3A_1077, %get3A_1082, %select_n3A_1074 : vector<30x64xi1>, vector<30x64xi32>
    %eq3A_1084 = arith.constant 18 : i32
    %eq3A_1085 = vector.broadcast %eq3A_1084 : i32 to vector<30x64xi32>
    %eq3A_1086 = arith.cmpi eq, %select_n3A_190, %eq3A_1085 : vector<30x64xi32>
    %get3A_1087 = arith.constant 18 : index
    %get3A_1088 = arith.constant 0 : index
    %get3A_1089 = arith.constant 0 : index
    %get3A_1090 = vector.load %arg5[%get3A_1087, %get3A_1088, %get3A_1089] : memref<20x30x64xi32, #tpu.memory_space<vmem>>, vector<1x30x64xi32>
    %get3A_1091 = vector.shape_cast %get3A_1090 : vector<1x30x64xi32> to vector<30x64xi32>
    %select_n3A_1092 = arith.select %eq3A_1086, %get3A_1091, %select_n3A_1083 : vector<30x64xi1>, vector<30x64xi32>
    %eq3A_1093 = arith.constant 19 : i32
    %eq3A_1094 = vector.broadcast %eq3A_1093 : i32 to vector<30x64xi32>
    %eq3A_1095 = arith.cmpi eq, %select_n3A_190, %eq3A_1094 : vector<30x64xi32>
    %get3A_1096 = arith.constant 19 : index
    %get3A_1097 = arith.constant 0 : index
    %get3A_1098 = arith.constant 0 : index
    %get3A_1099 = vector.load %arg5[%get3A_1096, %get3A_1097, %get3A_1098] : memref<20x30x64xi32, #tpu.memory_space<vmem>>, vector<1x30x64xi32>
    %get3A_1100 = vector.shape_cast %get3A_1099 : vector<1x30x64xi32> to vector<30x64xi32>
    %select_n3A_1101 = arith.select %eq3A_1095, %get3A_1100, %select_n3A_1092 : vector<30x64xi1>, vector<30x64xi32>
    %swap3A_1102 = arith.constant 0 : index
    %swap3A_1103 = arith.constant 0 : index
    %swap3A_1104 = vector.load %arg11[%swap3A_1102, %swap3A_1103] : memref<32x64xi32, #tpu.memory_space<vmem>>, vector<30x64xi32>
    tpu.vector_store %arg11[%swap3A_1102, %swap3A_1103], %select_n3A_1101 {strides = array<i32>} : memref<32x64xi32, #tpu.memory_space<vmem>>, vector<30x64xi32>,
    %swap3A_1105 = arith.constant 0 : index
    %swap3A_1106 = arith.constant 0 : index
    %swap3A_1107 = vector.load %arg12[%swap3A_1105, %swap3A_1106] : memref<32x64xi32, #tpu.memory_space<vmem>>, vector<30x64xi32>
    tpu.vector_store %arg12[%swap3A_1105, %swap3A_1106], %add3A_562 {strides = array<i32>} : memref<32x64xi32, #tpu.memory_space<vmem>>, vector<30x64xi32>,
    return
  }
}

</mosaic_0001>

<sc_bundles>
// kernel: kernel.4.cloned.1.call-start
scs
__scs_entry_jumppad:
0x0: {  	(pc) =	sbr.rel $0x88, $3  }
0x1: {  	(tag) =	ssettag $0x0;
	lr =	simm.s32 $0x1  }
0x2: {  	[smem:$0x3F97] =	sst lr;
	_ =	strace $0xD0000000  }
0x3: {  	_ = 	snop  }
0x4: {  	_ = 	snop  }
0x5: {  	_ = 	snop  }
0x6: {  	_ = 	snop  }
0x7: {  	_ = 	snop  }
__scs_overlays_trampoline_lowered:
0x8: {  	[smem:$0x3FA6] =	sst s0  }
0x9: {  	[smem:$0x3FA7] =	sst s1  }
0xa: {  	[smem:$0x3FA8] =	sst s2  }
0xb: {  	[smem:$0x3FA9] =	sst s3  }
0xc: {  	[smem:$0x3FAA] =	sst s4  }
0xd: {  	[smem:$0x3FAB] =	sst s5  }
0xe: {  	[smem:$0x3FAC] =	sst s6  }
0xf: {  	[smem:$0x3FAD] =	sst s7  }
0x10: {  	[smem:$0x3FAE] =	sst s8  }
0x11: {  	[smem:$0x3FAF] =	sst s9;
	s0 =	simm.s32 @!p0 $0x0  }
0x12: {  	s1 =	sld [smem:$0x3F95];
	s0 =	simm.s32 @p0 $0x1  }
0x13: {  	[smem:$0x3FB0] =	sst s0;
	s0 =	simm.s32 @!p1 $0x0  }
0x14: {  	s2 =	sld [smem:$0x3F94];
	s0 =	simm.s32 @p1 $0x1  }
0x15: {  	[smem:$0x3FB1] =	sst s0;
	s0 =	simm.s32 @!p2 $0x0  }
0x16: {  	s3 =	sld [smem:$0x3FDB];
	s0 =	simm.s32 @p2 $0x1  }
0x17: {  	s4 =	simm.s32 $0x1BF5;
	[smem:$0x3FB3] =	sst s0  }
0x18: {  	s0 =	sld [smem:$0x3F96];
	_ =	swait.ge [sflag:s4], $0x0  }
0x19: {  	s7 =	sld [smem:$0x3F97]  }
0x1a: {  	s8 =	sadd.s32 $0xFFFFE003, lr  }
0x1b: {  	s9 =	sadd.s32 $0xFFFFFEF7, lr;
	s5 =	simm.s32 $0xFFFFFFFF;
	p2 =	slt.u32 s8, $0xFFFFF086  }
0x1c: {  	p1 =	slt.u32 s9, $0xF7A;
	s5 =	simm.s32 @!p2 $0x0  }
0x1d: {  	s5 =	simm.s32 @p1 $0x1;
	p0 =	seq.s32 s7, s2  }
0x1e: {  	s7 =	smul.u32 @!p0 $0xF7A, s2;
	p2 =	seq.s32 @!p0 s5, $0x0  }
0x1f: {  	s9 =	smul.u32 $0xF7A, s1;
	s8 =	simm.s32 @!p0 $0x1BF5;
	p2 =	por !p2, p0  }
0x20: {  	[sflag:s8] =	ssyncset.s32 @!p0 $0xFFFFF086;
	s6 =	sadd.s32 @!p0 s3, s7;
	s7 =	simm.s32 @!p0 $0x108  }
0x21: {  	s3 =	sadd.s32 s3, s9;
	s6 =	sadd.s32 @!p0 $0x88, s6;
	s7 =	simm.s32 @p2 $0x1082  }
0x22: {  	[simem:s7], [sflag:s8] =	dma.local @!p0 [hbm:s6], $0xF7A  }
0x23: {  	s9 =	sor.u32 $0xD0000000, s2;
	s6 =	simm.s32 $0x108;
	_ =	swait.ge @!p0 [sflag:s8], $0x0  }
0x24: {  	s3 =	sadd.s32 $0x88, s3;
	s6 =	simm.s32 @!p1 $0x1082;
	[sflag:s4] =	ssyncset.s32 $0xFFFFF086  }
0x25: {  	[simem:s6], [sflag:s4] =	dma.local [hbm:s3], $0xF7A  }
0x26: {  	[smem:$0x3F97] =	sst s1;
	(tag) =	ssettag s2;
	_ =	strace s9  }
0x27: {  	s1 =	sld [smem:$0x3FA7]  }
0x28: {  	s2 =	sld [smem:$0x3FA8]  }
0x29: {  	s4 =	sld [smem:$0x3FAA]  }
0x2a: {  	p0 =	seq.s32 s5, $0x0;
	s5 =	sld [smem:$0x3FAB]  }
0x2b: {  	s6 =	sld [smem:$0x3FAC]  }
0x2c: {  	s7 =	sld [smem:$0x3FAD]  }
0x2d: {  	s3 =	simm.s32 $0x108;
	s8 =	sld [smem:$0x3FAE]  }
0x2e: {  	s3 =	simm.s32 @!p0 $0x1082;
	s9 =	sld [smem:$0x3FAF]  }
0x2f: {  	lr =	sadd.s32 s0, s3;
	s0 =	sld [smem:$0x3FA6]  }
0x30: {  	s3 =	sld [smem:$0x3FA9]  }
0x31: {  	[smem:$0x3FB2] =	sst s10  }
0x32: {  	s10 =	sld [smem:$0x3FB0];
	_ =	sdelay $0x3  }
0x33: {  	p0 =	seq.s32 s10, $0x1;
	s10 =	sld [smem:$0x3FB2];
	_ =	sdelay $0x3  }
0x34: {  	[smem:$0x3FB2] =	sst s10  }
0x35: {  	s10 =	sld [smem:$0x3FB1];
	_ =	sdelay $0x3  }
0x36: {  	p1 =	seq.s32 s10, $0x1;
	s10 =	sld [smem:$0x3FB2];
	_ =	sdelay $0x3  }
0x37: {  	[smem:$0x3FB2] =	sst s10  }
0x38: {  	s10 =	sld [smem:$0x3FB3]  }
0x39: {  	_ = 	snop;
	(pc) =	sbr.ind lr, $3  }
0x3a: {  	_ = 	snop  }
0x3b: {  	_ = 	snop  }
0x3c: {  	p2 =	seq.s32 s10, $0x1;
	s10 =	sld [smem:$0x3FB2]  }
0x3d: {  	_ =	shalt  }
0x3e: {  	_ =	shalt  }
0x3f: {  	_ =	shalt  }
0x40: {  	_ =	shalt  }
0x41: {  	_ =	shalt  }
0x42: {  	_ =	shalt  }
0x43: {  	_ =	shalt  }
0x44: {  	_ =	shalt  }
0x45: {  	_ =	shalt  }
0x46: {  	_ =	shalt  }
0x47: {  	_ =	shalt  }
0x48: {  	_ =	shalt  }
0x49: {  	_ =	shalt  }
0x4a: {  	_ =	shalt  }
0x4b: {  	_ =	shalt  }
0x4c: {  	_ =	shalt  }
0x4d: {  	_ =	shalt  }
0x4e: {  	_ =	shalt  }
0x4f: {  	_ =	shalt  }
0x50: {  	_ =	shalt  }
0x51: {  	_ =	shalt  }
0x52: {  	_ =	shalt  }
0x53: {  	_ =	shalt  }
0x54: {  	_ =	shalt  }
0x55: {  	_ =	shalt  }
0x56: {  	_ =	shalt  }
0x57: {  	_ =	shalt  }
0x58: {  	_ =	shalt  }
0x59: {  	_ =	shalt  }
0x5a: {  	_ =	shalt  }
0x5b: {  	_ =	shalt  }
0x5c: {  	_ =	shalt  }
0x5d: {  	_ =	shalt  }
0x5e: {  	_ =	shalt  }
0x5f: {  	_ =	shalt  }
0x60: {  	_ =	shalt  }
0x61: {  	_ =	shalt  }
0x62: {  	_ =	shalt  }
0x63: {  	_ =	shalt  }
0x64: {  	_ =	shalt  }
0x65: {  	_ =	shalt  }
0x66: {  	_ =	shalt  }
0x67: {  	_ =	shalt  }
0x68: {  	_ =	shalt  }
0x69: {  	_ =	shalt  }
0x6a: {  	_ =	shalt  }
0x6b: {  	_ =	shalt  }
0x6c: {  	_ =	shalt  }
0x6d: {  	_ =	shalt  }
0x6e: {  	_ =	shalt  }
0x6f: {  	_ =	shalt  }
0x70: {  	_ =	shalt  }
0x71: {  	_ =	shalt  }
0x72: {  	_ =	shalt  }
0x73: {  	_ =	shalt  }
0x74: {  	_ =	shalt  }
0x75: {  	_ =	shalt  }
0x76: {  	_ =	shalt  }
0x77: {  	_ =	shalt  }
0x78: {  	_ =	shalt  }
0x79: {  	_ =	shalt  }
0x7a: {  	_ =	shalt  }
0x7b: {  	_ =	shalt  }
0x7c: {  	_ =	shalt  }
0x7d: {  	_ =	shalt  }
0x7e: {  	_ =	shalt  }
0x7f: {  	_ =	shalt  }
0x80: {  	_ =	shalt  }
0x81: {  	_ =	shalt  }
0x82: {  	_ =	shalt  }
0x83: {  	_ =	shalt  }
0x84: {  	_ =	shalt  }
0x85: {  	_ =	shalt  }
0x86: {  	_ =	shalt  }
0x87: {  	_ =	shalt  }
.Lfunc_end0:
.L_simem_size_0:
called_computation_lowered:
.L_overlay_start_0:
0x88: {  	s0 =	sld [smem:$0x3FD9]  }
0x89: {  	s1 =	sld [smem:$0x3FFE];
	_ =	sdelay $0x3  }
0x8a: {  	s0 =	sadd.s32 s1, s0  }
0x8b: {  	[smem:$0x3FBE] =	sst s0  }
0x8c: {  	_ = 	snop  }
0x8d: {  	s0 =	sld [smem:$0x3FC7]  }
0x8e: {  	s16 =	sld [smem:$0x3FC6]  }
0x8f: {  	s2 =	sld [smem:$0x3FC5]  }
0x90: {  	s3 =	sld [smem:$0x3FD0];
	(tm) =	ssettm $0x1  }
0x91: {  	s4 =	sld [smem:$0x3FFB];
	_ =	sdelay $0x3  }
0x92: {  	_ =	strace s4  }
0x93: {  	s4 =	sld [smem:$0x3FFC];
	_ =	sdelay $0x3  }
0x94: {  	_ =	strace s4  }
0x95: {  	s4 =	sld [smem:$0x3FFD];
	_ =	sdelay $0x3  }
0x96: {  	_ =	strace s4  }
0x97: {  	_ =	strace $0x8FFFFFFF  }
0x98: {  	s17 =	sld [smem:$0x3FDB];
	_ =	sdelay $0x1  }
0x99: {  	s5 =	simm.s32 $_scs_section_size  }
0x9a: {  	s6 =	simm.s32 $_size__tile_overlayer_lowered;
	s7 =	simm.s32 $_tile_overlayer_lowered  }
0x9b: {  	s20 =	simm.s32 $0x1BFF;
	s19 =	sshll.u32 s7, $0x1;
	s4 =	sadd.s32 s5, s17  }
0x9c: {  	s8 =	simm.s32 $0x0;
	s18 =	sshll.u32 s6, $0x1;
	s6 =	sadd.s32 s19, s4  }
0x9d: {  	[timem:s8], [sflag:s20] =	dma.local [hbm:s6], s18  }
0x9e: {  	_ =	swait.ge [sflag:s20], s18  }
0x9f: {  	s5 =	ssub.s32 $0x0, s18;
	[sflag:s20] =	ssyncset.done $0x0  }
0xa0: {  	[sflag:s20] =	ssyncadd.s32 s5;
	_ =	sdelay $0x1  }
0xa1: {  	s21 =	simm.s32 $0x1B8B  }
0xa2: {  	_ =	swait.ge [sflag:s21], $0x1  }
0xa3: {  	[sflag:s21] =	ssyncset.done $0x0  }
0xa4: {  	s23 =	simm.s32 $0x1B8E;
	s22 =	sld [smem:$0x3FFE];
	[sflag:s21] =	ssyncadd.s32 $0xFFFFFFFF  }
0xa5: {  	s24 =	simm.s32 $execute0_lowered;
	[smem:$0x3FD2] =	sst s23  }
0xa6: {  	s6 =	sshll.u32 s24, $0x1;
	_ =	strace $0x80000046;
	[dreg:$0x1] =	wrdreg $0xFFFFFFFF  }
0xa7: {  	s25 =	simm.s32 $_size_execute0_lowered;
	s4 =	sadd.s32 s4, s6;
	[dreg:$0x0] =	wrdreg $0x0  }
0xa8: {  	s6 =	sshll.u32 s25, $0x1;
	[dreg:$0x2] =	wrdreg s4  }
0xa9: {  	[dreg:$0x3] =	wrdreg s6  }
0xaa: {  	[dreg:$0x4] =	wrdreg $0xC0  }
0xab: {  	_ =	task [dreg:s8], $0x5FFFF  }
0xac: {  	[dreg:$0x1] =	wrdreg $0xFFFFFFFF  }
0xad: {  	[dreg:$0x0] =	wrdreg $0x60  }
0xae: {  	[dreg:$0x2] =	wrdreg s22  }
0xaf: {  	[dreg:$0x3] =	wrdreg s2  }
0xb0: {  	[dreg:$0x4] =	wrdreg s0  }
0xb1: {  	[dreg:$0x5] =	wrdreg s16  }
0xb2: {  	[dreg:$0x6] =	wrdreg s3  }
0xb3: {  	[dreg:$0x7] =	wrdreg $0x15E800  }
0xb4: {  	[dreg:$0x8] =	wrdreg $0x9  }
0xb5: {  	_ =	task.clear_ibuf [dreg:s8], $0x9FFFF;
	_ =	strace $0x90000046  }
0xb6: {  	s26 =	simm.s32 $0x9;
	_ =	strace $0x80000048  }
0xb7: {  	_ =	swait.ge [sflag:s26], $0x1  }
0xb8: {  	[sflag:s26] =	ssyncadd.s32 $0xFFFFFFFF  }
0xb9: {  	_ =	strace $0x90000048  }
0xba: {  	_ =	sfence  }
0xbb: {  	s28 =	sld [smem:$0x0];
	_ =	sdelay $0x1  }
0xbc: {  	s29 =	srdreg.scid  }
0xbd: {  	s30 =	sshll.u32 s29, $0xD;
	s31 =	sshrl.u32 s29, $0x2  }
0xbe: {  	s1 =	sand.u32 $0x1, s29;
	s2 =	sand.u32 $0x4000, s30;
	s0 =	sadd.s32 s31, s28  }
0xbf: {  	s1 =	sor.u32 s2, s1;
	s0 =	sshll.u32 s0, $0x11  }
0xc0: {  	s0 =	sor.u32 s0, s1  }
0xc1: {  	s0 =	sadd.s32 $0x8F2B, s0  }
0xc2: {  	[sflag:s0] =	ssyncadd.remote.s32 $0x1  }
0xc3: {  	_ =	sfence.sel $0xFFFF  }
0xc4: {  	[dreg:$0x0] =	wrdreg $0xFFFFFFFF;
	(pc) =	sbr.abs _section_cstart, $3  }
0xc5: {  	[dreg:$0x1] =	wrdreg $0xFFFFFFFF  }
0xc6: {  	_ =	task.clear_ibuf [dreg:s8], $0x2FFFF;
	_ =	strace $0x9FFFFFFF  }
0xc7: {  	(tm) =	ssettm $0x7FFFFFFF  }
tec
execute0_lowered:
.L_overlay_start_1:
0x0: {  	(tag) =	ssettag $0x1  }
0x1: {  	s5 =	stileid.u32  }
0x2: {  	s0 =	rddreg [dreg:$0x0];
	p0 =	sne.s32 s5, $0xF  }
.Ltmp0:
0x3: {  	s21 =	rddreg [dreg:$0x1];
	(pc) =	sbr.rel @p0 .LBB2_2-.Ltmp0, $4  }
0x4: {  	s18 =	rddreg [dreg:$0x2]  }
0x5: {  	s13 =	rddreg [dreg:$0x3];
	s4 =	simm.s32 $0x0  }
0x6: {  	[smem:$0x7FF] =	sst s4  }
0x7: {  	s3 =	rddreg [dreg:$0x6];
	_ =	strace $0x80000047  }
.Ltmp1:
0x8: {  	(pc) =	sbr.rel .LBB2_4-.Ltmp1, $2  }
0x9: {  	_ =	sdelay $0x1  }
0xa: {  	[bflag:$0x0] =	sbarrier.arrive $0xFFFF;
	_ =	sdelay $0x1  }
.LBB2_2:
0xb: {  	s1 =	sshll.u32 s5, $0x5  }
0xc: {  	s2 =	sadd.s32 $0x2A00, s0;
	s1 =	sand.u32 $0x180, s1  }
0xd: {  	s3 =	sadd.s32 $0x2000, s0;
	s2 =	sadd.s32 s2, s1  }
0xe: {  	[tilespmem:s4], [sflag:$0x1] =	stream.linear.gather [hbm4b:s2+s4], $0x400, $0x38;
	[tilespmem:$0x15ED0] =	vst v63  }
0xf: {  	s16 =	sadd.s32 $0x2200, s0;
	s19 =	simm.s32 $0x400;
	s3 =	sadd.s32 s3, s1  }
0x10: {  	[tilespmem:s19], [sflag:$0x1] =	stream.linear.gather [hbm4b:s3+s4], $0x400, $0x38;
	[tilespmem:$0x15ED0] =	vst v63  }
0x11: {  	s17 =	sadd.s32 $0x2400, s0;
	s8 =	simm.s32 $0x800;
	s2 =	sadd.s32 s16, s1  }
0x12: {  	[tilespmem:s8], [sflag:$0x1] =	stream.linear.gather [hbm4b:s2+s4], $0x400, $0x38;
	[tilespmem:$0x15ED0] =	vst v63  }
0x13: {  	s20 =	sadd.s32 $0x2600, s0;
	s6 =	simm.s32 $0xC00;
	s3 =	sadd.s32 s17, s1  }
0x14: {  	[tilespmem:s6], [sflag:$0x1] =	stream.linear.gather [hbm4b:s3+s4], $0x400, $0x38;
	[tilespmem:$0x15ED0] =	vst v63  }
0x15: {  	s22 =	sadd.s32 $0x2800, s0;
	s7 =	simm.s32 $0x1000;
	s2 =	sadd.s32 s20, s1  }
0x16: {  	[tilespmem:s7], [sflag:$0x1] =	stream.linear.gather [hbm4b:s2+s4], $0x400, $0x38;
	[tilespmem:$0x15ED0] =	vst v63  }
0x17: {  	s23 =	simm.s32 $0x1400;
	s26 =	simm.s32 $0x1;
	s0 =	sadd.s32 s22, s1  }
0x18: {  	[tilespmem:s23], [sflag:$0x1] =	stream.linear.gather [hbm4b:s0+s4], $0x400, $0x38;
	[tilespmem:$0x15ED0] =	vst v63  }
0x19: {  	_ =	swait.ge [sflag:s26], $0x400  }
0x1a: {  	[sflag:s26] =	ssyncset.done $0x0  }
0x1b: {  	[sflag:s26] =	ssyncadd.s32 $0xFFFFFC00  }
0x1c: {  	_ =	swait.ge [sflag:s26], $0x400  }
0x1d: {  	[sflag:s26] =	ssyncset.done $0x0  }
0x1e: {  	[sflag:s26] =	ssyncadd.s32 $0xFFFFFC00  }
0x1f: {  	_ =	swait.ge [sflag:s26], $0x400  }
0x20: {  	[sflag:s26] =	ssyncset.done $0x0  }
0x21: {  	[sflag:s26] =	ssyncadd.s32 $0xFFFFFC00  }
0x22: {  	_ =	swait.ge [sflag:s26], $0x400  }
0x23: {  	[sflag:s26] =	ssyncset.done $0x0  }
0x24: {  	[sflag:s26] =	ssyncadd.s32 $0xFFFFFC00  }
0x25: {  	_ =	swait.ge [sflag:s26], $0x400  }
0x26: {  	[sflag:s26] =	ssyncset.done $0x0  }
0x27: {  	[sflag:s26] =	ssyncadd.s32 $0xFFFFFC00  }
0x28: {  	_ =	swait.ge [sflag:s26], $0x400  }
0x29: {  	s24 =	sshll.u32 s5, $0x8;
	[sflag:s26] =	ssyncset.done $0x0  }
0x2a: {  	s16 =	sand.u32 $0x300, s24;
	[sflag:s26] =	ssyncadd.s32 $0xFFFFFC00  }
0x2b: {  	v0 =	vld [tilespmem:s16+$0x1400];
	_ =	sdelay $0x4  }
0x2c: {  	v1 =	vshll.u32 v0, $0x1  }
0x2d: {  	v8 =	vlaneseq.u32;
	v0 =	vand.u32 $0x7, v0;
	v1 =	vand.u32 $0xFFFFFFF0, v1  }
0x2e: {  	v6 =	vand.u32 $0x7, v8;
	v32 =	vshrl.u32 v8, $0x3;
	v0 =	vor.u32 v0, v1  }
0x2f: {  	v4 =	vmul.u32 $0x8, v32;
	v2 =	vperm.xlane v0, v6  }
0x30: {  	v5 =	vor.u32 $0x8, v8  }
0x31: {  	v0 =	vperm.xlane v0, v5;
	v1 =	vadd.s32 v4, v2;
	_ =	sdelay $0x1  }
0x32: {  	v0 =	vadd.s32 v4, v0;
	_ =	sdelay $0x1  }
0x33: {  	vm0 =	vmmov $0xffff;
	s24 =	simm.s32 $0x1800  }
0x34: {  	[tilespmem:s24], [sflag:$0x1] =	stream.indirect_vreg.gather [hbm4b:s21+s4], $0x80, v1, vm0, $0xb8;
	[tilespmem:$0x15ED0] =	vst v63  }
0x35: {  	s25 =	simm.s32 $0x2000  }
0x36: {  	[tilespmem:s25], [sflag:$0x1] =	stream.indirect_vreg.gather [hbm4b:s21+s4], $0x80, v0, vm0, $0xb8;
	[tilespmem:$0x15ED0] =	vst v63  }
0x37: {  	v0 =	vld [tilespmem:s16+$0x1410];
	_ =	sdelay $0x4  }
0x38: {  	v33 =	vshll.u32 v0, $0x1  }
0x39: {  	v0 =	vand.u32 $0x7, v0;
	v1 =	vand.u32 $0xFFFFFFF0, v33  }
0x3a: {  	v0 =	vor.u32 v0, v1  }
0x3b: {  	v1 =	vperm.xlane v0, v6;
	_ =	sdelay $0x1  }
0x3c: {  	v0 =	vperm.xlane v0, v5;
	v1 =	vadd.s32 v4, v1;
	_ =	sdelay $0x1  }
0x3d: {  	v0 =	vadd.s32 v4, v0;
	_ =	sdelay $0x1  }
0x3e: {  	s28 =	simm.s32 $0x2800  }
0x3f: {  	[tilespmem:s28], [sflag:$0x1] =	stream.indirect_vreg.gather [hbm4b:s21+s4], $0x80, v1, vm0, $0xb8;
	[tilespmem:$0x15ED0] =	vst v63  }
0x40: {  	s31 =	simm.s32 $0x3000  }
0x41: {  	[tilespmem:s31], [sflag:$0x1] =	stream.indirect_vreg.gather [hbm4b:s21+s4], $0x80, v0, vm0, $0xb8;
	[tilespmem:$0x15ED0] =	vst v63  }
0x42: {  	v0 =	vld [tilespmem:s16+$0x1400];
	_ =	sdelay $0x4  }
0x43: {  	v34 =	vshll.u32 v0, $0x2  }
0x44: {  	v0 =	vand.u32 $0x7, v0;
	v1 =	vand.u32 $0xFFFFFFE0, v34  }
0x45: {  	v0 =	vor.u32 v0, v1  }
0x46: {  	v1 =	vperm.xlane v0, v6;
	_ =	sdelay $0x1  }
0x47: {  	v1 =	vadd.s32 v4, v1;
	_ =	sdelay $0x1  }
0x48: {  	v0 =	vperm.xlane v0, v5;
	_ =	sdelay $0x1  }
0x49: {  	s14 =	simm.s32 $0x3800;
	v0 =	vadd.s32 v4, v0  }
0x4a: {  	[tilespmem:s14], [sflag:$0x1] =	stream.indirect_vreg.gather [hbm4b:s18+s4], $0x80, v1, vm0, $0xb8;
	[tilespmem:$0x15ED0] =	vst v63  }
0x4b: {  	s29 =	simm.s32 $0x4000;
	s20 =	sadd.s32 $0x100, s18  }
0x4c: {  	[tilespmem:s29], [sflag:$0x1] =	stream.indirect_vreg.gather [hbm4b:s20+s4], $0x80, v1, vm0, $0xb8;
	[tilespmem:$0x15ED0] =	vst v63  }
0x4d: {  	s28 =	simm.s32 $0x4800  }
0x4e: {  	[tilespmem:s28], [sflag:$0x1] =	stream.indirect_vreg.gather [hbm4b:s18+s4], $0x80, v0, vm0, $0xb8;
	[tilespmem:$0x15ED0] =	vst v63  }
0x4f: {  	s25 =	simm.s32 $0x5000  }
0x50: {  	[tilespmem:s25], [sflag:$0x1] =	stream.indirect_vreg.gather [hbm4b:s20+s4], $0x80, v0, vm0, $0xb8;
	[tilespmem:$0x15ED0] =	vst v63  }
0x51: {  	v0 =	vld [tilespmem:s16+$0x1410];
	_ =	sdelay $0x4  }
0x52: {  	v35 =	vshll.u32 v0, $0x2  }
0x53: {  	v0 =	vand.u32 $0x7, v0;
	v1 =	vand.u32 $0xFFFFFFE0, v35  }
0x54: {  	v0 =	vor.u32 v0, v1  }
0x55: {  	v1 =	vperm.xlane v0, v6;
	_ =	sdelay $0x1  }
0x56: {  	v1 =	vadd.s32 v4, v1;
	_ =	sdelay $0x1  }
0x57: {  	v0 =	vperm.xlane v0, v5;
	_ =	sdelay $0x1  }
0x58: {  	s23 =	simm.s32 $0x5800;
	v0 =	vadd.s32 v4, v0  }
0x59: {  	[tilespmem:s23], [sflag:$0x1] =	stream.indirect_vreg.gather [hbm4b:s18+s4], $0x80, v1, vm0, $0xb8;
	[tilespmem:$0x15ED0] =	vst v63  }
0x5a: {  	s22 =	simm.s32 $0x6000  }
0x5b: {  	[tilespmem:s22], [sflag:$0x1] =	stream.indirect_vreg.gather [hbm4b:s20+s4], $0x80, v1, vm0, $0xb8;
	[tilespmem:$0x15ED0] =	vst v63  }
0x5c: {  	s12 =	simm.s32 $0x6800  }
0x5d: {  	[tilespmem:s12], [sflag:$0x1] =	stream.indirect_vreg.gather [hbm4b:s18+s4], $0x80, v0, vm0, $0xb8;
	[tilespmem:$0x15ED0] =	vst v63  }
0x5e: {  	s11 =	simm.s32 $0x7000  }
0x5f: {  	[tilespmem:s11], [sflag:$0x1] =	stream.indirect_vreg.gather [hbm4b:s20+s4], $0x80, v0, vm0, $0xb8;
	[tilespmem:$0x15ED0] =	vst v63  }
0x60: {  	v0 =	vld [tilespmem:s16+$0x1400];
	_ =	sdelay $0x4  }
0x61: {  	v36 =	vshll.u32 v0, $0x2  }
0x62: {  	v0 =	vand.u32 $0x7, v0;
	v1 =	vand.u32 $0xFFFFFFE0, v36  }
0x63: {  	v0 =	vor.u32 v0, v1  }
0x64: {  	v1 =	vperm.xlane v0, v6;
	_ =	sdelay $0x1  }
0x65: {  	v1 =	vadd.s32 v4, v1;
	_ =	sdelay $0x1  }
0x66: {  	v0 =	vperm.xlane v0, v5;
	_ =	sdelay $0x1  }
0x67: {  	s15 =	simm.s32 $0x7800;
	v0 =	vadd.s32 v4, v0  }
0x68: {  	[tilespmem:s15], [sflag:$0x1] =	stream.indirect_vreg.gather [hbm4b:s13+s4], $0x80, v1, vm0, $0xb8;
	[tilespmem:$0x15ED0] =	vst v63  }
0x69: {  	s10 =	simm.s32 $0x8000;
	s17 =	sadd.s32 $0x100, s13  }
0x6a: {  	[tilespmem:s10], [sflag:$0x1] =	stream.indirect_vreg.gather [hbm4b:s17+s4], $0x80, v1, vm0, $0xb8;
	[tilespmem:$0x15ED0] =	vst v63  }
0x6b: {  	s9 =	simm.s32 $0x8800  }
0x6c: {  	[tilespmem:s9], [sflag:$0x1] =	stream.indirect_vreg.gather [hbm4b:s13+s4], $0x80, v0, vm0, $0xb8;
	[tilespmem:$0x15ED0] =	vst v63  }
0x6d: {  	s5 =	simm.s32 $0x9000  }
0x6e: {  	[tilespmem:s5], [sflag:$0x1] =	stream.indirect_vreg.gather [hbm4b:s17+s4], $0x80, v0, vm0, $0xb8;
	[tilespmem:$0x15ED0] =	vst v63  }
0x6f: {  	v0 =	vld [tilespmem:s16+$0x1410];
	_ =	sdelay $0x4  }
0x70: {  	v37 =	vshll.u32 v0, $0x2  }
0x71: {  	v0 =	vand.u32 $0x7, v0;
	v1 =	vand.u32 $0xFFFFFFE0, v37  }
0x72: {  	v0 =	vor.u32 v0, v1  }
0x73: {  	v1 =	vperm.xlane v0, v6;
	_ =	sdelay $0x1  }
0x74: {  	v1 =	vadd.s32 v4, v1;
	_ =	sdelay $0x1  }
0x75: {  	v0 =	vperm.xlane v0, v5;
	_ =	sdelay $0x1  }
0x76: {  	s3 =	simm.s32 $0x9800;
	v0 =	vadd.s32 v4, v0  }
0x77: {  	[tilespmem:s3], [sflag:$0x1] =	stream.indirect_vreg.gather [hbm4b:s13+s4], $0x80, v1, vm0, $0xb8;
	[tilespmem:$0x15ED0] =	vst v63  }
0x78: {  	s1 =	simm.s32 $0xA000  }
0x79: {  	[tilespmem:s1], [sflag:$0x1] =	stream.indirect_vreg.gather [hbm4b:s17+s4], $0x80, v1, vm0, $0xb8;
	[tilespmem:$0x15ED0] =	vst v63  }
0x7a: {  	s2 =	simm.s32 $0xA800  }
0x7b: {  	[tilespmem:s2], [sflag:$0x1] =	stream.indirect_vreg.gather [hbm4b:s13+s4], $0x80, v0, vm0, $0xb8;
	[tilespmem:$0x15ED0] =	vst v63  }
0x7c: {  	s0 =	simm.s32 $0xB000  }
0x7d: {  	[tilespmem:s0], [sflag:$0x1] =	stream.indirect_vreg.gather [hbm4b:s17+s4], $0x80, v0, vm0, $0xb8;
	[tilespmem:$0x15ED0] =	vst v63  }
0x7e: {  	_ =	swait.ge [sflag:s26], $0x2000  }
0x7f: {  	[sflag:s26] =	ssyncset.done $0x0  }
0x80: {  	[sflag:s26] =	ssyncadd.s32 $0xFFFFE000  }
0x81: {  	_ =	swait.ge [sflag:s26], $0x4000  }
0x82: {  	[sflag:s26] =	ssyncset.done $0x0  }
0x83: {  	[sflag:s26] =	ssyncadd.s32 $0xFFFFC000  }
0x84: {  	_ =	swait.ge [sflag:s26], $0x4000  }
0x85: {  	[sflag:s26] =	ssyncset.done $0x0  }
0x86: {  	[sflag:s26] =	ssyncadd.s32 $0xFFFFC000  }
0x87: {  	v38 =	vld [tilespmem:s16+$0x1420];
	_ =	sdelay $0x4  }
0x88: {  	v39 =	vshll.u32 v38, $0x1  }
0x89: {  	v0 =	vand.u32 $0x7, v38;
	v1 =	vand.u32 $0xFFFFFFF0, v39  }
0x8a: {  	v0 =	vor.u32 v0, v1  }
0x8b: {  	v1 =	vperm.xlane v0, v6;
	_ =	sdelay $0x1  }
0x8c: {  	v0 =	vperm.xlane v0, v5;
	v1 =	vadd.s32 v4, v1;
	_ =	sdelay $0x1  }
0x8d: {  	v0 =	vadd.s32 v4, v0;
	_ =	sdelay $0x1  }
0x8e: {  	s30 =	simm.s32 $0xB800  }
0x8f: {  	[tilespmem:s30], [sflag:$0x2] =	stream.indirect_vreg.gather [hbm4b:s21+s4], $0x80, v1, vm0, $0xb8;
	[tilespmem:$0x15ED0] =	vst v63  }
0x90: {  	s30 =	simm.s32 $0xC000  }
0x91: {  	[tilespmem:s30], [sflag:$0x2] =	stream.indirect_vreg.gather [hbm4b:s21+s4], $0x80, v0, vm0, $0xb8;
	[tilespmem:$0x15ED0] =	vst v63  }
0x92: {  	v0 =	vld [tilespmem:s16+$0x1430];
	_ =	sdelay $0x4  }
0x93: {  	v40 =	vshll.u32 v0, $0x1  }
0x94: {  	v0 =	vand.u32 $0x7, v0;
	v1 =	vand.u32 $0xFFFFFFF0, v40  }
0x95: {  	v0 =	vor.u32 v0, v1  }
0x96: {  	v1 =	vperm.xlane v0, v6;
	_ =	sdelay $0x1  }
0x97: {  	v0 =	vperm.xlane v0, v5;
	v1 =	vadd.s32 v4, v1;
	_ =	sdelay $0x1  }
0x98: {  	v0 =	vadd.s32 v4, v0;
	_ =	sdelay $0x1  }
0x99: {  	s30 =	simm.s32 $0xC800  }
0x9a: {  	[tilespmem:s30], [sflag:$0x2] =	stream.indirect_vreg.gather [hbm4b:s21+s4], $0x80, v1, vm0, $0xb8;
	[tilespmem:$0x15ED0] =	vst v63  }
0x9b: {  	s30 =	simm.s32 $0xD000  }
0x9c: {  	[tilespmem:s30], [sflag:$0x2] =	stream.indirect_vreg.gather [hbm4b:s21+s4], $0x80, v0, vm0, $0xb8;
	[tilespmem:$0x15ED0] =	vst v63  }
0x9d: {  	v0 =	vld [tilespmem:s16+$0x1420];
	_ =	sdelay $0x4  }
0x9e: {  	v41 =	vshll.u32 v0, $0x2  }
0x9f: {  	v0 =	vand.u32 $0x7, v0;
	v1 =	vand.u32 $0xFFFFFFE0, v41  }
0xa0: {  	v0 =	vor.u32 v0, v1  }
0xa1: {  	v1 =	vperm.xlane v0, v6;
	_ =	sdelay $0x1  }
0xa2: {  	v1 =	vadd.s32 v4, v1;
	_ =	sdelay $0x1  }
0xa3: {  	v0 =	vperm.xlane v0, v5;
	_ =	sdelay $0x1  }
0xa4: {  	s30 =	simm.s32 $0xD800;
	v0 =	vadd.s32 v4, v0  }
0xa5: {  	[tilespmem:s30], [sflag:$0x2] =	stream.indirect_vreg.gather [hbm4b:s18+s4], $0x80, v1, vm0, $0xb8;
	[tilespmem:$0x15ED0] =	vst v63  }
0xa6: {  	s30 =	simm.s32 $0xE000  }
0xa7: {  	[tilespmem:s30], [sflag:$0x2] =	stream.indirect_vreg.gather [hbm4b:s20+s4], $0x80, v1, vm0, $0xb8;
	[tilespmem:$0x15ED0] =	vst v63  }
0xa8: {  	s30 =	simm.s32 $0xE800  }
0xa9: {  	[tilespmem:s30], [sflag:$0x2] =	stream.indirect_vreg.gather [hbm4b:s18+s4], $0x80, v0, vm0, $0xb8;
	[tilespmem:$0x15ED0] =	vst v63  }
0xaa: {  	s30 =	simm.s32 $0xF000  }
0xab: {  	[tilespmem:s30], [sflag:$0x2] =	stream.indirect_vreg.gather [hbm4b:s20+s4], $0x80, v0, vm0, $0xb8;
	[tilespmem:$0x15ED0] =	vst v63  }
0xac: {  	v0 =	vld [tilespmem:s16+$0x1430];
	_ =	sdelay $0x4  }
0xad: {  	v42 =	vshll.u32 v0, $0x2  }
0xae: {  	v0 =	vand.u32 $0x7, v0;
	v1 =	vand.u32 $0xFFFFFFE0, v42  }
0xaf: {  	v0 =	vor.u32 v0, v1  }
0xb0: {  	v1 =	vperm.xlane v0, v6;
	_ =	sdelay $0x1  }
0xb1: {  	v1 =	vadd.s32 v4, v1;
	_ =	sdelay $0x1  }
0xb2: {  	v0 =	vperm.xlane v0, v5;
	_ =	sdelay $0x1  }
0xb3: {  	s30 =	simm.s32 $0xF800;
	v0 =	vadd.s32 v4, v0  }
0xb4: {  	[tilespmem:s30], [sflag:$0x2] =	stream.indirect_vreg.gather [hbm4b:s18+s4], $0x80, v1, vm0, $0xb8;
	[tilespmem:$0x15ED0] =	vst v63  }
0xb5: {  	s30 =	simm.s32 $0x10000  }
0xb6: {  	[tilespmem:s30], [sflag:$0x2] =	stream.indirect_vreg.gather [hbm4b:s20+s4], $0x80, v1, vm0, $0xb8;
	[tilespmem:$0x15ED0] =	vst v63  }
0xb7: {  	s30 =	simm.s32 $0x10800  }
0xb8: {  	[tilespmem:s30], [sflag:$0x2] =	stream.indirect_vreg.gather [hbm4b:s18+s4], $0x80, v0, vm0, $0xb8;
	[tilespmem:$0x15ED0] =	vst v63  }
0xb9: {  	s30 =	simm.s32 $0x11000  }
0xba: {  	[tilespmem:s30], [sflag:$0x2] =	stream.indirect_vreg.gather [hbm4b:s20+s4], $0x80, v0, vm0, $0xb8;
	[tilespmem:$0x15ED0] =	vst v63  }
0xbb: {  	v0 =	vld [tilespmem:s16+$0x1420];
	_ =	sdelay $0x4  }
0xbc: {  	v43 =	vshll.u32 v0, $0x2  }
0xbd: {  	v0 =	vand.u32 $0x7, v0;
	v1 =	vand.u32 $0xFFFFFFE0, v43  }
0xbe: {  	v0 =	vor.u32 v0, v1  }
0xbf: {  	v1 =	vperm.xlane v0, v6;
	_ =	sdelay $0x1  }
0xc0: {  	v1 =	vadd.s32 v4, v1;
	_ =	sdelay $0x1  }
0xc1: {  	v0 =	vperm.xlane v0, v5;
	_ =	sdelay $0x1  }
0xc2: {  	s30 =	simm.s32 $0x11800;
	v0 =	vadd.s32 v4, v0  }
0xc3: {  	[tilespmem:s30], [sflag:$0x2] =	stream.indirect_vreg.gather [hbm4b:s13+s4], $0x80, v1, vm0, $0xb8;
	[tilespmem:$0x15ED0] =	vst v63  }
0xc4: {  	s30 =	simm.s32 $0x12000  }
0xc5: {  	[tilespmem:s30], [sflag:$0x2] =	stream.indirect_vreg.gather [hbm4b:s17+s4], $0x80, v1, vm0, $0xb8;
	[tilespmem:$0x15ED0] =	vst v63  }
0xc6: {  	s30 =	simm.s32 $0x12800  }
0xc7: {  	[tilespmem:s30], [sflag:$0x2] =	stream.indirect_vreg.gather [hbm4b:s13+s4], $0x80, v0, vm0, $0xb8;
	[tilespmem:$0x15ED0] =	vst v63  }
0xc8: {  	s30 =	simm.s32 $0x13000  }
0xc9: {  	[tilespmem:s30], [sflag:$0x2] =	stream.indirect_vreg.gather [hbm4b:s17+s4], $0x80, v0, vm0, $0xb8;
	[tilespmem:$0x15ED0] =	vst v63  }
0xca: {  	v0 =	vld [tilespmem:s16+$0x1430];
	_ =	sdelay $0x3  }
0xcb: {  	v45 =	vimm.s32 $0xB80  }
0xcc: {  	vm10 =	vcmask $0x300;
	vm11 =	vcmask $0x704;
	v44 =	vshll.u32 v0, $0x2  }
0xcd: {  	vm12 =	vcmask $0xB08;
	v0 =	vand.u32 $0x7, v0;
	v1 =	vand.u32 $0xFFFFFFE0, v44  }
0xce: {  	vm7 =	vcmask $0xF0C;
	vm8 =	vcmask $0x1310;
	v0 =	vor.u32 v0, v1  }
0xcf: {  	vm9 =	vcmask $0x1714;
	vm5 =	vcmask $0x1B18;
	v1 =	vperm.xlane v0, v6  }
0xd0: {  	vm6 =	vcmask $0x1F1C;
	vm3 =	vcmask $0x2320;
	v3 =	vimm.s32 $0x1380  }
0xd1: {  	vm4 =	vcmask $0x2724;
	vm2 =	vcmask $0x2B28;
	v1 =	vadd.s32 v4, v1  }
0xd2: {  	vm1 =	vcmask $0x2F2C;
	v7 =	vimm.s32 $0x1B80;
	v9 =	vimm.s32 $0x3380  }
0xd3: {  	v10 =	vor.u32 $0x10, v8;
	v3 =	vsel vm10, $0x0, v3;
	v7 =	vsel vm10, $0x1000, v7  }
0xd4: {  	v9 =	vsel vm10, $0x2000, v9;
	v3 =	vsel vm11, $0x80, v3;
	v7 =	vsel vm11, $0x1080, v7  }
0xd5: {  	v9 =	vsel vm11, $0x2080, v9;
	v3 =	vsel vm12, $0x100, v3;
	s30 =	simm.s32 $0x13800;
	v0 =	vperm.xlane v0, v5  }
0xd6: {  	v7 =	vsel vm12, $0x1100, v7;
	v9 =	vsel vm12, $0x2100, v9;
	v11 =	vor.u32 s16, v8;
	[tilespmem:s30], [sflag:$0x2] =	stream.indirect_vreg.gather [hbm4b:s13+s4], $0x80, v1, vm0, $0xb8;
	[tilespmem:$0x15ED0] =	vst v63  }
0xd7: {  	v12 =	vor.u32 s16, v10;
	v3 =	vsel vm7, $0x180, v3;
	v0 =	vadd.s32 v4, v0;
	s30 =	simm.s32 $0x14000  }
0xd8: {  	v7 =	vsel vm7, $0x1180, v7;
	v9 =	vsel vm7, $0x2180, v9;
	[tilespmem:s30], [sflag:$0x2] =	stream.indirect_vreg.gather [hbm4b:s17+s4], $0x80, v1, vm0, $0xb8;
	v1 =	vsel vm10, $0x0, v45;
	[tilespmem:$0x15ED0] =	vst v63  }
0xd9: {  	v3 =	vsel vm8, $0x200, v3;
	v7 =	vsel vm8, $0x1200, v7;
	v1 =	vsel vm11, $0x80, v1  }
0xda: {  	v9 =	vsel vm8, $0x2200, v9;
	v3 =	vsel vm9, $0x280, v3;
	v1 =	vsel vm12, $0x100, v1  }
0xdb: {  	v49 =	vsel vm9, $0x1280, v7;
	v9 =	vsel vm9, $0x2280, v9;
	s30 =	simm.s32 $0x14800;
	v1 =	vsel vm7, $0x180, v1  }
0xdc: {  	v3 =	vsel vm5, $0x300, v3;
	v9 =	vsel vm5, $0x2300, v9;
	[tilespmem:s30], [sflag:$0x2] =	stream.indirect_vreg.gather [hbm4b:s13+s4], $0x80, v0, vm0, $0xb8;
	v1 =	vsel vm8, $0x200, v1;
	[tilespmem:$0x15ED0] =	vst v63  }
0xdd: {  	v3 =	vsel vm6, $0x380, v3;
	v9 =	vsel vm6, $0x2380, v9;
	s30 =	simm.s32 $0x15000;
	v1 =	vsel vm9, $0x280, v1  }
0xde: {  	v3 =	vsel vm3, $0x1000, v3;
	v9 =	vsel vm3, $0x3000, v9;
	[tilespmem:s30], [sflag:$0x2] =	stream.indirect_vreg.gather [hbm4b:s17+s4], $0x80, v0, vm0, $0xb8;
	v1 =	vsel vm5, $0x300, v1;
	[tilespmem:$0x15ED0] =	vst v63  }
0xdf: {  	v14 =	vsel vm4, $0x1080, v3;
	v9 =	vsel vm4, $0x3080, v9;
	v0 =	vld.idx.msk [tilespmem:v11+s8+$0x0], $0xffff;
	v1 =	vsel vm6, $0x380, v1  }
0xe0: {  	v47 =	vsel vm2, $0x1100, v14;
	v9 =	vsel vm2, $0x3100, v9;
	v13 =	vld.idx.msk [tilespmem:v11+s6+$0x0], $0xffff;
	v1 =	vsel vm3, $0x800, v1  }
0xe1: {  	v9 =	vsel vm1, $0x3180, v9;
	vm10 =	vcmask $0x3330;
	v15 =	vld.idx.msk [tilespmem:v11+s7+$0x0], $0xffff;
	v1 =	vsel vm4, $0x880, v1  }
0xe2: {  	vm11 =	vcmask $0x3734;
	v9 =	vsel vm10, $0x3200, v9;
	v1 =	vsel vm2, $0x900, v1  }
0xe3: {  	vm12 =	vcmask $0x3B38;
	v56 =	vsel vm11, $0x3280, v9;
	v1 =	vsel vm1, $0x980, v1  }
0xe4: {  	v46 =	vand.u32 $0x7F, v0;
	v0 =	vshll.u32 v0, $0x3;
	v1 =	vsel vm10, $0xA00, v1  }
0xe5: {  	v52 =	vld.idx.msk [tilespmem:v12+s8+$0x0], $0xffff;
	v48 =	vand.u32 $0x7F, v13;
	v13 =	vshll.u32 v13, $0x3;
	v1 =	vsel vm11, $0xA80, v1  }
0xe6: {  	v51 =	vand.u32 $0x7F, v15;
	v3 =	vsel vm12, $0xB00, v1;
	v1 =	vsel vm1, $0x1180, v47  }
0xe7: {  	v53 =	vld.idx.msk [tilespmem:v12+s6+$0x0], $0xffff;
	v15 =	vshll.u32 v15, $0x3;
	v0 =	vand.u32 $0xFFFFFC00, v0;
	v1 =	vsel vm10, $0x1200, v1  }
0xe8: {  	v17 =	vld.idx.msk [tilespmem:v12+s7+$0x0], $0xffff;
	v13 =	vand.u32 $0xFFFFFC00, v13;
	v0 =	vor.u32 v46, v0;
	v1 =	vsel vm11, $0x1280, v1  }
0xe9: {  	v0 =	vadd.s32 v3, v0;
	v2 =	vsel vm12, $0x1300, v1;
	v1 =	vsel vm5, $0x1300, v49  }
0xea: {  	v16 =	vand.u32 $0x7F, v52;
	v13 =	vor.u32 v48, v13;
	v1 =	vsel vm6, $0x1380, v1  }
0xeb: {  	v14 =	vshll.u32 v52, $0x3;
	v50 =	vadd.s32 v2, v13;
	v1 =	vsel vm3, $0x1800, v1  }
0xec: {  	v55 =	vshll.u32 v53, $0x3;
	v15 =	vand.u32 $0xFFFFFC00, v15;
	v1 =	vsel vm4, $0x1880, v1  }
0xed: {  	v57 =	vshll.u32 v17, $0x3;
	v13 =	vor.u32 v51, v15;
	v1 =	vsel vm2, $0x1900, v1  }
0xee: {  	v14 =	vand.u32 $0xFFFFFC00, v14;
	v13 =	vadd.s32 v2, v13;
	v18 =	vld.idx.msk [tilespmem:v0+s24+$0x0], $0xffff;
	v1 =	vsel vm1, $0x1980, v1  }
0xef: {  	v15 =	vand.u32 $0x7F, v53;
	v0 =	vand.u32 $0xFFFFFC00, v55;
	v1 =	vsel vm10, $0x1A00, v1  }
0xf0: {  	v15 =	vor.u32 v15, v0;
	v0 =	vsel vm12, $0x3300, v56;
	v7 =	vld.idx.msk [tilespmem:v50+s14+$0x0], $0xffff;
	v1 =	vsel vm11, $0x1A80, v1  }
0xf1: {  	v54 =	vor.u32 v16, v14;
	v15 =	vadd.s32 v0, v15;
	v1 =	vsel vm12, $0x1B00, v1  }
0xf2: {  	v58 =	vand.u32 $0x7F, v17;
	v9 =	vand.u32 $0xFFFFFC00, v57;
	v14 =	vadd.s32 v1, v54  }
0xf3: {  	v9 =	vor.u32 v58, v9;
	v13 =	vld.idx.msk [tilespmem:v13+s15+$0x0], $0xffff;
	v27 =	vadd.f32 $9.999999740e-06, v18  }
0xf4: {  	v59 =	vadd.s32 v0, v9  }
0xf5: {  	v60 =	vand.u32 $0x7FFFFF, v27;
	v25 =	vadd.f32 $9.999999740e-06, v7  }
0xf6: {  	v21 =	vld.idx.msk [tilespmem:v15+s14+$0x0], $0xffff;
	v9 =	vor.u32 $0x3F800000, v60  }
0xf7: {  	v62 =	vmul.f32 $5.000000000e-01, v9;
	v61 =	vand.u32 $0x7FFFFF, v25;
	v14 =	vld.idx.msk [tilespmem:v14+s24+$0x0], $0xffff  }
0xf8: {  	vm7 =	vgt.f32 v9, $1.414213540e+00;
	v22 =	vadd.f32 $9.999999740e-06, v13;
	v16 =	vor.u32 $0x3F800000, v61  }
0xf9: {  	v23 =	vld.idx.msk [tilespmem:v59+s15+$0x0], $0xffff;
	v17 =	vsel vm7, v62, v9;
	v63 =	vmul.f32 $5.000000000e-01, v16  }
0xfa: {  	v28 =	vand.u32 $0x7FFFFF, v22;
	vm8 =	vgt.f32 v16, $1.414213540e+00;
	v9 =	vadd.f32 $1.000000000e+00, v17  }
0xfb: {  	v19 =	vadd.f32 $9.999999740e-06, v21;
	v7 =	vsel vm8, v63, v16;
	v16 =	vor.u32 $0x3F800000, v28  }
0xfc: {  	(erf) = vrcp.f32 v9;
	v18 =	vadd.f32 $1.000000000e+00, v7;
	v24 =	vadd.f32 $9.999999740e-06, v14  }
0xfd: {  	v39 =	vand.u32 $0x7FFFFF, v19;
	v29 =	vmul.f32 $5.000000000e-01, v16;
	vm10 =	vgt.f32 v16, $1.414213540e+00  }
0xfe: {  	v14 =	vadd.f32 $9.999999740e-06, v23;
	(erf) = vrcp.f32 v18;
	v30 =	vand.u32 $0x7FFFFF, v24  }
0xff: {  	v9 =	vsel vm10, v29, v16;
	v16 =	vor.u32 $0x3F800000, v39;
	v13 =	vor.u32 $0x3F800000, v30  }
0x100: {  	v31 =	vadd.f32 $1.000000000e+00, v9;
	v20 =	vand.u32 $0x7FFFFF, v14;
	v40 =	vmul.f32 $5.000000000e-01, v13  }
0x101: {  	v21 =	vmul.f32 $5.000000000e-01, v16;
	v20 =	vor.u32 $0x3F800000, v20;
	vm11 =	vgt.f32 v13, $1.414213540e+00  }
0x102: {  	vm3 =	vgt.f32 v16, $1.414213540e+00;
	v41 =	vmul.f32 $5.000000000e-01, v20;
	v37 =	vsel vm11, v40, v13  }
0x103: {  	v35 =	vsel vm3, v21, v16;
	vm2 =	vgt.f32 v20, $1.414213540e+00;
	v18 =	vadd.f32 $1.000000000e+00, v37  }
0x104: {  	(erf) = vrcp.f32 v31;
	v42 =	vadd.f32 $1.000000000e+00, v35;
	v31 =	vsel vm2, v41, v20  }
0x105: {  	v13 =	vadd.f32 $1.000000000e+00, v31;
	(erf) = vrcp.f32 v18  }
0x106: {  	(erf) = vrcp.f32 v42  }
0x107: {  	(erf) = vrcp.f32 v13;
	_ =	sdelay $0x3  }
0x108: {  	v49 =	vpop (erf)  }
0x109: {  	v47 =	vpop (erf)  }
0x10a: {  	v18 =	vpop (erf)  }
0x10b: {  	v15 =	vld.idx.msk [tilespmem:v12+s19+$0x0], $0xffff;
	v41 =	vpop (erf)  }
0x10c: {  	v23 =	vld.idx.msk [tilespmem:v11+s4+$0x0], $0xffff;
	v38 =	vpop (erf)  }
0x10d: {  	v20 =	vld.idx.msk [tilespmem:v11+s19+$0x0], $0xffff;
	s19 =	simm.s32 $0x2;
	v34 =	vpop (erf)  }
0x10e: {  	v16 =	vld.idx.msk [tilespmem:v12+s4+$0x0], $0xffff;
	_ =	swait.ge [sflag:s19], $0x2000  }
0x10f: {  	[sflag:s19] =	ssyncset.done $0x0  }
0x110: {  	[sflag:s19] =	ssyncadd.s32 $0xFFFFE000  }
0x111: {  	_ =	swait.ge [sflag:s19], $0x4000  }
0x112: {  	[sflag:s19] =	ssyncset.done $0x0  }
0x113: {  	[sflag:s19] =	ssyncadd.s32 $0xFFFFC000  }
0x114: {  	_ =	swait.ge [sflag:s19], $0x4000  }
0x115: {  	[sflag:s19] =	ssyncset.done $0x0  }
0x116: {  	[sflag:s19] =	ssyncadd.s32 $0xFFFFC000  }
0x117: {  	v43 =	vld [tilespmem:s16+$0x1480];
	_ =	sdelay $0x4  }
0x118: {  	v44 =	vshll.u32 v43, $0x1  }
0x119: {  	v11 =	vand.u32 $0x7, v43;
	v12 =	vand.u32 $0xFFFFFFF0, v44  }
0x11a: {  	v11 =	vor.u32 v11, v12  }
0x11b: {  	v12 =	vperm.xlane v11, v6;
	_ =	sdelay $0x1  }
0x11c: {  	v11 =	vperm.xlane v11, v5;
	v12 =	vadd.s32 v4, v12;
	_ =	sdelay $0x1  }
0x11d: {  	v11 =	vadd.s32 v4, v11;
	_ =	sdelay $0x2  }
0x11e: {  	[tilespmem:s24], [sflag:$0x1] =	stream.indirect_vreg.gather [hbm4b:s21+s4], $0x80, v12, vm0, $0xb8;
	[tilespmem:$0x15ED0] =	vst v63  }
0x11f: {  	s30 =	simm.s32 $0x2000  }
0x120: {  	[tilespmem:s30], [sflag:$0x1] =	stream.indirect_vreg.gather [hbm4b:s21+s4], $0x80, v11, vm0, $0xb8;
	[tilespmem:$0x15ED0] =	vst v63  }
0x121: {  	v11 =	vld [tilespmem:s16+$0x1490];
	_ =	sdelay $0x4  }
0x122: {  	v45 =	vshll.u32 v11, $0x1  }
0x123: {  	v11 =	vand.u32 $0x7, v11;
	v12 =	vand.u32 $0xFFFFFFF0, v45  }
0x124: {  	v11 =	vor.u32 v11, v12  }
0x125: {  	v12 =	vperm.xlane v11, v6;
	_ =	sdelay $0x1  }
0x126: {  	v11 =	vperm.xlane v11, v5;
	v12 =	vadd.s32 v4, v12;
	_ =	sdelay $0x1  }
0x127: {  	v11 =	vadd.s32 v4, v11;
	_ =	sdelay $0x1  }
0x128: {  	s30 =	simm.s32 $0x2800  }
0x129: {  	[tilespmem:s30], [sflag:$0x1] =	stream.indirect_vreg.gather [hbm4b:s21+s4], $0x80, v12, vm0, $0xb8;
	[tilespmem:$0x15ED0] =	vst v63  }
0x12a: {  	_ = 	snop  }
0x12b: {  	[tilespmem:s31], [sflag:$0x1] =	stream.indirect_vreg.gather [hbm4b:s21+s4], $0x80, v11, vm0, $0xb8;
	[tilespmem:$0x15ED0] =	vst v63  }
0x12c: {  	v11 =	vld [tilespmem:s16+$0x1480];
	_ =	sdelay $0x4  }
0x12d: {  	v46 =	vshll.u32 v11, $0x2  }
0x12e: {  	v11 =	vand.u32 $0x7, v11;
	v12 =	vand.u32 $0xFFFFFFE0, v46  }
0x12f: {  	v11 =	vor.u32 v11, v12  }
0x130: {  	v12 =	vperm.xlane v11, v6;
	_ =	sdelay $0x1  }
0x131: {  	v12 =	vadd.s32 v4, v12;
	_ =	sdelay $0x1  }
0x132: {  	v11 =	vperm.xlane v11, v5;
	_ =	sdelay $0x1  }
0x133: {  	v11 =	vadd.s32 v4, v11  }
0x134: {  	[tilespmem:s14], [sflag:$0x1] =	stream.indirect_vreg.gather [hbm4b:s18+s4], $0x80, v12, vm0, $0xb8;
	[tilespmem:$0x15ED0] =	vst v63  }
0x135: {  	_ = 	snop  }
0x136: {  	[tilespmem:s29], [sflag:$0x1] =	stream.indirect_vreg.gather [hbm4b:s20+s4], $0x80, v12, vm0, $0xb8;
	[tilespmem:$0x15ED0] =	vst v63  }
0x137: {  	_ = 	snop  }
0x138: {  	[tilespmem:s28], [sflag:$0x1] =	stream.indirect_vreg.gather [hbm4b:s18+s4], $0x80, v11, vm0, $0xb8;
	[tilespmem:$0x15ED0] =	vst v63  }
0x139: {  	_ = 	snop  }
0x13a: {  	[tilespmem:s25], [sflag:$0x1] =	stream.indirect_vreg.gather [hbm4b:s20+s4], $0x80, v11, vm0, $0xb8;
	[tilespmem:$0x15ED0] =	vst v63  }
0x13b: {  	v11 =	vld [tilespmem:s16+$0x1490];
	_ =	sdelay $0x4  }
0x13c: {  	v48 =	vshll.u32 v11, $0x2  }
0x13d: {  	v11 =	vand.u32 $0x7, v11;
	v12 =	vand.u32 $0xFFFFFFE0, v48  }
0x13e: {  	v11 =	vor.u32 v11, v12  }
0x13f: {  	v12 =	vperm.xlane v11, v6;
	_ =	sdelay $0x1  }
0x140: {  	v12 =	vadd.s32 v4, v12;
	_ =	sdelay $0x1  }
0x141: {  	v11 =	vperm.xlane v11, v5;
	_ =	sdelay $0x1  }
0x142: {  	v11 =	vadd.s32 v4, v11  }
0x143: {  	[tilespmem:s23], [sflag:$0x1] =	stream.indirect_vreg.gather [hbm4b:s18+s4], $0x80, v12, vm0, $0xb8;
	[tilespmem:$0x15ED0] =	vst v63  }
0x144: {  	_ = 	snop  }
0x145: {  	[tilespmem:s22], [sflag:$0x1] =	stream.indirect_vreg.gather [hbm4b:s20+s4], $0x80, v12, vm0, $0xb8;
	[tilespmem:$0x15ED0] =	vst v63  }
0x146: {  	_ = 	snop  }
0x147: {  	[tilespmem:s12], [sflag:$0x1] =	stream.indirect_vreg.gather [hbm4b:s18+s4], $0x80, v11, vm0, $0xb8;
	[tilespmem:$0x15ED0] =	vst v63  }
0x148: {  	_ = 	snop  }
0x149: {  	[tilespmem:s11], [sflag:$0x1] =	stream.indirect_vreg.gather [hbm4b:s20+s4], $0x80, v11, vm0, $0xb8;
	[tilespmem:$0x15ED0] =	vst v63  }
0x14a: {  	v11 =	vld [tilespmem:s16+$0x1480];
	_ =	sdelay $0x4  }
0x14b: {  	v50 =	vshll.u32 v11, $0x2  }
0x14c: {  	v11 =	vand.u32 $0x7, v11;
	v12 =	vand.u32 $0xFFFFFFE0, v50  }
0x14d: {  	v11 =	vor.u32 v11, v12  }
0x14e: {  	v12 =	vperm.xlane v11, v6;
	_ =	sdelay $0x1  }
0x14f: {  	v12 =	vadd.s32 v4, v12;
	_ =	sdelay $0x1  }
0x150: {  	v11 =	vperm.xlane v11, v5;
	_ =	sdelay $0x1  }
0x151: {  	v11 =	vadd.s32 v4, v11  }
0x152: {  	[tilespmem:s15], [sflag:$0x1] =	stream.indirect_vreg.gather [hbm4b:s13+s4], $0x80, v12, vm0, $0xb8;
	[tilespmem:$0x15ED0] =	vst v63  }
0x153: {  	_ = 	snop  }
0x154: {  	[tilespmem:s10], [sflag:$0x1] =	stream.indirect_vreg.gather [hbm4b:s17+s4], $0x80, v12, vm0, $0xb8;
	[tilespmem:$0x15ED0] =	vst v63  }
0x155: {  	_ = 	snop  }
0x156: {  	[tilespmem:s9], [sflag:$0x1] =	stream.indirect_vreg.gather [hbm4b:s13+s4], $0x80, v11, vm0, $0xb8;
	[tilespmem:$0x15ED0] =	vst v63  }
0x157: {  	_ = 	snop  }
0x158: {  	[tilespmem:s5], [sflag:$0x1] =	stream.indirect_vreg.gather [hbm4b:s17+s4], $0x80, v11, vm0, $0xb8;
	[tilespmem:$0x15ED0] =	vst v63  }
0x159: {  	v11 =	vld [tilespmem:s16+$0x1490];
	_ =	sdelay $0x4  }
0x15a: {  	v51 =	vshll.u32 v11, $0x2  }
0x15b: {  	v11 =	vand.u32 $0x7, v11;
	v12 =	vand.u32 $0xFFFFFFE0, v51  }
0x15c: {  	v11 =	vor.u32 v11, v12  }
0x15d: {  	v12 =	vperm.xlane v11, v6;
	_ =	sdelay $0x1  }
0x15e: {  	v12 =	vadd.s32 v4, v12;
	_ =	sdelay $0x1  }
0x15f: {  	v11 =	vperm.xlane v11, v5;
	_ =	sdelay $0x1  }
0x160: {  	v11 =	vadd.s32 v4, v11  }
0x161: {  	[tilespmem:s3], [sflag:$0x1] =	stream.indirect_vreg.gather [hbm4b:s13+s4], $0x80, v12, vm0, $0xb8;
	[tilespmem:$0x15ED0] =	vst v63  }
0x162: {  	v53 =	vor.u32 $0x20, v8  }
0x163: {  	[tilespmem:s1], [sflag:$0x1] =	stream.indirect_vreg.gather [hbm4b:s17+s4], $0x80, v12, vm0, $0xb8;
	v12 =	vor.u32 s16, v53;
	[tilespmem:$0x15ED0] =	vst v63  }
0x164: {  	_ = 	snop  }
0x165: {  	[tilespmem:s2], [sflag:$0x1] =	stream.indirect_vreg.gather [hbm4b:s13+s4], $0x80, v11, vm0, $0xb8;
	[tilespmem:$0x15ED0] =	vst v63  }
0x166: {  	v54 =	vor.u32 $0x30, v8  }
0x167: {  	v28 =	vor.u32 s16, v54;
	[tilespmem:s0], [sflag:$0x1] =	stream.indirect_vreg.gather [hbm4b:s17+s4], $0x80, v11, vm0, $0xb8;
	[tilespmem:$0x15ED0] =	vst v63  }
0x168: {  	v11 =	vld.idx.msk [tilespmem:v12+s8+$0x0], $0xffff  }
0x169: {  	v52 =	vld.idx.msk [tilespmem:v12+s6+$0x0], $0xffff  }
0x16a: {  	v55 =	vld.idx.msk [tilespmem:v12+s7+$0x0], $0xffff;
	_ =	sdelay $0x1  }
0x16b: {  	v57 =	vld.idx.msk [tilespmem:v28+s8+$0x0], $0xffff  }
0x16c: {  	v26 =	vshll.u32 v11, $0x3;
	v11 =	vand.u32 $0x7F, v11  }
0x16d: {  	v29 =	vshll.u32 v52, $0x3;
	v13 =	vand.u32 $0x7F, v52;
	v26 =	vand.u32 $0xFFFFFC00, v26  }
0x16e: {  	v30 =	vld.idx.msk [tilespmem:v28+s6+$0x0], $0xffff;
	v58 =	vshll.u32 v55, $0x3;
	v56 =	vand.u32 $0xFFFFFC00, v29;
	v11 =	vor.u32 v11, v26  }
0x16f: {  	v32 =	vld.idx.msk [tilespmem:v28+s7+$0x0], $0xffff;
	v21 =	vand.u32 $0x7F, v55;
	v13 =	vor.u32 v13, v56;
	v11 =	vadd.s32 v3, v11  }
0x170: {  	v59 =	vshll.u32 v57, $0x3;
	v26 =	vand.u32 $0xFFFFFC00, v58;
	v13 =	vadd.s32 v2, v13  }
0x171: {  	v29 =	vand.u32 $0x7F, v57;
	v21 =	vor.u32 v21, v26;
	v26 =	vand.u32 $0xFFFFFC00, v59  }
0x172: {  	v21 =	vadd.s32 v2, v21;
	v26 =	vor.u32 v29, v26  }
0x173: {  	s29 =	simm.s32 $0xB800;
	v60 =	vshll.u32 v30, $0x3;
	v26 =	vadd.s32 v1, v26  }
0x174: {  	s30 =	simm.s32 $0xD800;
	v30 =	vand.u32 $0x7F, v30;
	v33 =	vshll.u32 v32, $0x3;
	v29 =	vand.u32 $0xFFFFFC00, v60;
	v11 =	vld.idx.msk [tilespmem:v11+s29+$0x0], $0xffff  }
0x175: {  	v61 =	vand.u32 $0x7F, v32;
	v62 =	vand.u32 $0xFFFFFC00, v33;
	v29 =	vor.u32 v30, v29;
	v13 =	vld.idx.msk [tilespmem:v13+s30+$0x0], $0xffff  }
0x176: {  	s31 =	simm.s32 $0x11800;
	v44 =	vor.u32 v61, v62;
	v63 =	vadd.s32 v0, v29  }
0x177: {  	v45 =	vadd.s32 v0, v44;
	v21 =	vld.idx.msk [tilespmem:v21+s31+$0x0], $0xffff  }
0x178: {  	v26 =	vld.idx.msk [tilespmem:v26+s29+$0x0], $0xffff;
	_ =	sdelay $0x1  }
0x179: {  	v39 =	vadd.f32 $9.999999740e-06, v11;
	v32 =	vadd.f32 $9.999999740e-06, v13  }
0x17a: {  	v11 =	vld.idx.msk [tilespmem:v63+s30+$0x0], $0xffff  }
0x17b: {  	v13 =	vld.idx.msk [tilespmem:v45+s31+$0x0], $0xffff;
	v29 =	vadd.f32 $9.999999740e-06, v21;
	v46 =	vand.u32 $0x7FFFFF, v39;
	v50 =	vand.u32 $0x7FFFFF, v32  }
0x17c: {  	v26 =	vadd.f32 $9.999999740e-06, v26;
	v48 =	vor.u32 $0x3F800000, v46;
	v36 =	vor.u32 $0x3F800000, v50  }
0x17d: {  	v55 =	vand.u32 $0x7FFFFF, v29;
	v51 =	vmul.f32 $5.000000000e-01, v48;
	vm12 =	vgt.f32 v48, $1.414213540e+00  }
0x17e: {  	v40 =	vmul.f32 $5.000000000e-01, v36;
	vm9 =	vgt.f32 v36, $1.414213540e+00;
	v30 =	vor.u32 $0x3F800000, v55  }
0x17f: {  	v58 =	vand.u32 $0x7FFFFF, v26;
	v57 =	vmul.f32 $5.000000000e-01, v30;
	vm6 =	vgt.f32 v30, $1.414213540e+00  }
0x180: {  	v21 =	vadd.f32 $9.999999740e-06, v11;
	v13 =	vadd.f32 $9.999999740e-06, v13;
	v11 =	vor.u32 $0x3F800000, v58  }
0x181: {  	v51 =	vsel vm12, v51, v48;
	v46 =	vsel vm9, v40, v36;
	v60 =	vmul.f32 $5.000000000e-01, v11  }
0x182: {  	vm13 =	vgt.f32 v11, $1.414213540e+00;
	v52 =	vadd.f32 $1.000000000e+00, v51;
	v56 =	vadd.f32 $1.000000000e+00, v46  }
0x183: {  	v44 =	vsel vm6, v57, v30;
	v59 =	vand.u32 $0x7FFFFF, v21;
	v61 =	vand.u32 $0x7FFFFF, v13  }
0x184: {  	v30 =	vadd.f32 $1.000000000e+00, v44;
	v33 =	vor.u32 $0x3F800000, v59;
	v40 =	vor.u32 $0x3F800000, v61  }
0x185: {  	v43 =	vsel vm13, v60, v11;
	(erf) = vrcp.f32 v52;
	v42 =	vmul.f32 $5.000000000e-01, v33  }
0x186: {  	vm14 =	vgt.f32 v33, $1.414213540e+00;
	v62 =	vmul.f32 $5.000000000e-01, v40;
	v36 =	vadd.f32 $1.000000000e+00, v43  }
0x187: {  	vm1 =	vgt.f32 v40, $1.414213540e+00;
	(erf) = vrcp.f32 v56;
	v33 =	vsel vm14, v42, v33  }
0x188: {  	(erf) = vrcp.f32 v30;
	v30 =	vsel vm1, v62, v40;
	v42 =	vadd.f32 $1.000000000e+00, v33  }
0x189: {  	(erf) = vrcp.f32 v36;
	v11 =	vadd.f32 $1.000000000e+00, v30  }
0x18a: {  	(erf) = vrcp.f32 v42  }
0x18b: {  	(erf) = vrcp.f32 v11;
	_ =	sdelay $0x3  }
0x18c: {  	v52 =	vpop (erf)  }
0x18d: {  	s1 =	simm.s32 $0x400;
	v50 =	vpop (erf)  }
0x18e: {  	v40 =	vld.idx.msk [tilespmem:v12+s1+$0x0], $0xffff;
	v48 =	vpop (erf)  }
0x18f: {  	v42 =	vld.idx.msk [tilespmem:v12+s4+$0x0], $0xffff;
	v45 =	vpop (erf)  }
0x190: {  	v12 =	vld.idx.msk [tilespmem:v28+s4+$0x0], $0xffff;
	v36 =	vpop (erf)  }
0x191: {  	s3 =	rddreg [dreg:$0x6];
	v11 =	vld.idx.msk [tilespmem:v28+s1+$0x0], $0xffff;
	v28 =	vpop (erf)  }
0x192: {  	s2 =	rddreg [dreg:$0x5];
	_ =	swait.ge [sflag:s26], $0x2000  }
0x193: {  	[sflag:s26] =	ssyncset.done $0x0  }
0x194: {  	[sflag:s26] =	ssyncadd.s32 $0xFFFFE000  }
0x195: {  	_ =	swait.ge [sflag:s26], $0x4000  }
0x196: {  	[sflag:s26] =	ssyncset.done $0x0  }
0x197: {  	[sflag:s26] =	ssyncadd.s32 $0xFFFFC000  }
0x198: {  	_ =	swait.ge [sflag:s26], $0x4000  }
0x199: {  	[sflag:s26] =	ssyncset.done $0x0  }
0x19a: {  	[sflag:s26] =	ssyncadd.s32 $0xFFFFC000  }
0x19b: {  	v55 =	vld [tilespmem:s16+$0x14A0];
	_ =	sdelay $0x4  }
0x19c: {  	v56 =	vshll.u32 v55, $0x1  }
0x19d: {  	v55 =	vand.u32 $0x7, v55;
	v56 =	vand.u32 $0xFFFFFFF0, v56  }
0x19e: {  	v55 =	vor.u32 v55, v56  }
0x19f: {  	v56 =	vperm.xlane v55, v6;
	_ =	sdelay $0x1  }
0x1a0: {  	v55 =	vperm.xlane v55, v5;
	v56 =	vadd.s32 v4, v56;
	_ =	sdelay $0x1  }
0x1a1: {  	v55 =	vadd.s32 v4, v55;
	_ =	sdelay $0x1  }
0x1a2: {  	s9 =	simm.s32 $0xB800  }
0x1a3: {  	[tilespmem:s9], [sflag:$0x2] =	stream.indirect_vreg.gather [hbm4b:s21+s4], $0x80, v56, vm0, $0xb8;
	[tilespmem:$0x15ED0] =	vst v63  }
0x1a4: {  	s12 =	simm.s32 $0xC000  }
0x1a5: {  	[tilespmem:s12], [sflag:$0x2] =	stream.indirect_vreg.gather [hbm4b:s21+s4], $0x80, v55, vm0, $0xb8;
	[tilespmem:$0x15ED0] =	vst v63  }
0x1a6: {  	v55 =	vld [tilespmem:s16+$0x14B0];
	_ =	sdelay $0x4  }
0x1a7: {  	v63 =	vshll.u32 v55, $0x1  }
0x1a8: {  	v55 =	vand.u32 $0x7, v55;
	v56 =	vand.u32 $0xFFFFFFF0, v63  }
0x1a9: {  	v55 =	vor.u32 v55, v56  }
0x1aa: {  	v56 =	vperm.xlane v55, v6;
	_ =	sdelay $0x1  }
0x1ab: {  	v55 =	vperm.xlane v55, v5;
	v56 =	vadd.s32 v4, v56;
	_ =	sdelay $0x1  }
0x1ac: {  	v55 =	vadd.s32 v4, v55;
	_ =	sdelay $0x1  }
0x1ad: {  	s22 =	simm.s32 $0xC800  }
0x1ae: {  	[tilespmem:s22], [sflag:$0x2] =	stream.indirect_vreg.gather [hbm4b:s21+s4], $0x80, v56, vm0, $0xb8;
	[tilespmem:$0x15ED0] =	vst v63  }
0x1af: {  	s23 =	simm.s32 $0xD000  }
0x1b0: {  	[tilespmem:s23], [sflag:$0x2] =	stream.indirect_vreg.gather [hbm4b:s21+s4], $0x80, v55, vm0, $0xb8;
	[tilespmem:$0x15ED0] =	vst v63  }
0x1b1: {  	v55 =	vld [tilespmem:s16+$0x14A0];
	_ =	sdelay $0x3  }
0x1b2: {  	v17 =	vadd.f32 $-1.000000000e+00, v17  }
0x1b3: {  	v60 =	vshll.u32 v55, $0x2  }
0x1b4: {  	v49 =	vmul.f32 v49, v17;
	v61 =	vand.u32 $0x7, v55;
	v62 =	vand.u32 $0xFFFFFFE0, v60  }
0x1b5: {  	v17 =	vor.u32 v61, v62  }
0x1b6: {  	v7 =	vadd.f32 $-1.000000000e+00, v7;
	v55 =	vmul.f32 v49, v49;
	v63 =	vperm.xlane v17, v6  }
0x1b7: {  	v27 =	vshra.s32 v27, $0x17  }
0x1b8: {  	v47 =	vmul.f32 v47, v7;
	v57 =	vmul.f32 $2.222222240e-01, v55;
	v7 =	vadd.s32 v4, v63  }
0x1b9: {  	v25 =	vshra.s32 v25, $0x17;
	v22 =	vshra.s32 v22, $0x17;
	v9 =	vadd.f32 $-1.000000000e+00, v9  }
0x1ba: {  	v17 =	vperm.xlane v17, v5;
	v60 =	vadd.f32 $2.857142980e-01, v57;
	v57 =	vmul.f32 v47, v47  }
0x1bb: {  	v24 =	vshra.s32 v24, $0x17;
	v14 =	vshra.s32 v14, $0x17;
	v37 =	vadd.f32 $-1.000000000e+00, v37  }
0x1bc: {  	s10 =	simm.s32 $0xD800;
	v59 =	vadd.s32 v4, v17;
	v56 =	vmul.f32 v60, v55;
	v58 =	vmul.f32 $2.222222240e-01, v57  }
0x1bd: {  	v35 =	vadd.f32 $-1.000000000e+00, v35;
	vm15 =	veq.s32 v23, $0x1;
	v31 =	vadd.f32 $-1.000000000e+00, v31;
	[tilespmem:s10], [sflag:$0x2] =	stream.indirect_vreg.gather [hbm4b:s18+s4], $0x80, v7, vm0, $0xb8;
	[tilespmem:$0x15ED0] =	vst v63  }
0x1be: {  	v37 =	vmul.f32 v41, v37;
	s26 =	simm.s32 $0xE000;
	v61 =	vadd.f32 $4.000000060e-01, v56;
	v62 =	vadd.f32 $2.857142980e-01, v58  }
0x1bf: {  	v35 =	vmul.f32 v38, v35;
	v31 =	vmul.f32 v34, v31;
	v39 =	vshra.s32 v39, $0x17;
	[tilespmem:s26], [sflag:$0x2] =	stream.indirect_vreg.gather [hbm4b:s20+s4], $0x80, v7, vm0, $0xb8;
	[tilespmem:$0x15ED0] =	vst v63  }
0x1c0: {  	s28 =	simm.s32 $0xE800;
	s25 =	sor.u32 $0x80, s16;
	v32 =	vshra.s32 v32, $0x17;
	v63 =	vmul.f32 v61, v55;
	v61 =	vmul.f32 v62, v57  }
0x1c1: {  	v26 =	vshra.s32 v26, $0x17;
	v21 =	vshra.s32 v21, $0x17;
	v60 =	vmul.f32 v18, v9;
	[tilespmem:s28], [sflag:$0x2] =	stream.indirect_vreg.gather [hbm4b:s18+s4], $0x80, v59, vm0, $0xb8;
	[tilespmem:$0x15ED0] =	vst v63  }
0x1c2: {  	s29 =	simm.s32 $0xF000;
	v9 =	vor.u32 s25, v53;
	v53 =	vadd.f32 $6.666666860e-01, v63;
	v56 =	vadd.f32 $4.000000060e-01, v61  }
0x1c3: {  	v44 =	vadd.f32 $-1.000000000e+00, v44;
	v7 =	vor.u32 s25, v54;
	v54 =	vmul.f32 v60, v60;
	[tilespmem:s29], [sflag:$0x2] =	stream.indirect_vreg.gather [hbm4b:s20+s4], $0x80, v59, vm0, $0xb8;
	[tilespmem:$0x15ED0] =	vst v63  }
0x1c4: {  	v43 =	vadd.f32 $-1.000000000e+00, v43;
	v53 =	vmul.f32 v53, v55;
	v55 =	vmul.f32 v56, v57;
	v56 =	vld [tilespmem:s16+$0x14B0]  }
0x1c5: {  	v13 =	vshra.s32 v13, $0x17;
	v30 =	vadd.f32 $-1.000000000e+00, v30;
	v62 =	vmul.f32 $2.222222240e-01, v54  }
0x1c6: {  	v44 =	vmul.f32 v48, v44;
	v48 =	vadd.f32 $-1.000000000e+00, v33;
	v43 =	vmul.f32 v45, v43  }
0x1c7: {  	v17 =	vor.u32 s25, v10;
	v10 =	vadd.f32 $2.857142980e-01, v62;
	v53 =	vadd.f32 $2.000000000e+00, v53  }
0x1c8: {  	v18 =	vor.u32 s25, v8;
	v8 =	vimm.s32 $0x0;
	v55 =	vadd.f32 $6.666666860e-01, v55  }
0x1c9: {  	v10 =	vmul.f32 v10, v54;
	v41 =	vmul.f32 v53, v49;
	v63 =	vshll.u32 v56, $0x2  }
0x1ca: {  	v49 =	vmul.f32 v55, v57;
	v56 =	vand.u32 $0x7, v56;
	v55 =	vand.u32 $0xFFFFFFE0, v63  }
0x1cb: {  	v58 =	vsel vm7, $0x1, v8;
	v10 =	vadd.f32 $4.000000060e-01, v10;
	v55 =	vor.u32 v56, v55  }
0x1cc: {  	vm7 =	veq.s32 v20, $0x1;
	v27 =	vadd.s32 v58, v27;
	v57 =	vperm.xlane v55, v6  }
0x1cd: {  	v27 =	vadd.s32 $0xFFFFFF81, v27;
	v53 =	vmul.f32 v37, v37;
	v10 =	vmul.f32 v10, v54  }
0x1ce: {  	v27 =	vcvt.s32.f32 v27;
	v61 =	vsel vm10, $0x1, v8;
	v38 =	vadd.s32 v4, v57  }
0x1cf: {  	vm10 =	veq.s32 v15, $0x1;
	v63 =	vmul.f32 $2.222222240e-01, v53;
	v10 =	vadd.f32 $6.666666860e-01, v10  }
0x1d0: {  	v27 =	vmul.f32 $6.931471820e-01, v27;
	v49 =	vadd.f32 $2.000000000e+00, v49;
	v55 =	vperm.xlane v55, v5  }
0x1d1: {  	v58 =	vadd.f32 $2.857142980e-01, v63;
	v10 =	vmul.f32 v10, v54;
	v54 =	vmul.f32 v35, v35  }
0x1d2: {  	s30 =	simm.s32 $0xF800;
	v22 =	vadd.s32 v61, v22;
	v47 =	vmul.f32 v49, v47;
	v55 =	vadd.s32 v4, v55  }
0x1d3: {  	v61 =	vshra.s32 v19, $0x17;
	v49 =	vmul.f32 v58, v53;
	v63 =	vmul.f32 $2.222222240e-01, v54;
	[tilespmem:s30], [sflag:$0x2] =	stream.indirect_vreg.gather [hbm4b:s18+s4], $0x80, v38, vm0, $0xb8;
	[tilespmem:$0x15ED0] =	vst v63  }
0x1d4: {  	s31 =	simm.s32 $0x10000;
	v22 =	vadd.s32 $0xFFFFFF81, v22;
	v59 =	vsel vm8, $0x1, v8;
	v62 =	vsel vm11, $0x1, v8  }
0x1d5: {  	v25 =	vadd.s32 v59, v25;
	v59 =	vadd.f32 $4.000000060e-01, v49;
	v63 =	vadd.f32 $2.857142980e-01, v63;
	[tilespmem:s31], [sflag:$0x2] =	stream.indirect_vreg.gather [hbm4b:s20+s4], $0x80, v38, vm0, $0xb8;
	[tilespmem:$0x15ED0] =	vst v63  }
0x1d6: {  	s12 =	simm.s32 $0x10800;
	v22 =	vcvt.s32.f32 v22;
	vm8 =	veq.s32 v16, $0x1;
	v24 =	vadd.s32 v62, v24  }
0x1d7: {  	v25 =	vadd.s32 $0xFFFFFF81, v25;
	v34 =	vmul.f32 v59, v53;
	v49 =	vmul.f32 v63, v54;
	[tilespmem:s12], [sflag:$0x2] =	stream.indirect_vreg.gather [hbm4b:s18+s4], $0x80, v55, vm0, $0xb8;
	[tilespmem:$0x15ED0] =	vst v63  }
0x1d8: {  	v22 =	vmul.f32 $6.931471820e-01, v22;
	v24 =	vadd.s32 $0xFFFFFF81, v24;
	v25 =	vcvt.s32.f32 v25;
	s18 =	simm.s32 $0x11000  }
0x1d9: {  	v24 =	vcvt.s32.f32 v24;
	v34 =	vadd.f32 $6.666666860e-01, v34;
	v57 =	vadd.f32 $4.000000060e-01, v49;
	[tilespmem:s18], [sflag:$0x2] =	stream.indirect_vreg.gather [hbm4b:s20+s4], $0x80, v55, vm0, $0xb8;
	[tilespmem:$0x15ED0] =	vst v63  }
0x1da: {  	v25 =	vmul.f32 $6.931471820e-01, v25;
	v10 =	vadd.f32 $2.000000000e+00, v10;
	v49 =	vmul.f32 v31, v31;
	v59 =	vld [tilespmem:s16+$0x14A0]  }
0x1db: {  	v27 =	vadd.f32 v41, v27;
	v34 =	vmul.f32 v34, v53;
	v38 =	vmul.f32 v57, v54  }
0x1dc: {  	v25 =	vadd.f32 v47, v25;
	v10 =	vmul.f32 v10, v60;
	v58 =	vmul.f32 $2.222222240e-01, v49  }
0x1dd: {  	vm11 =	veq.s32 v42, $0x1;
	v34 =	vadd.f32 $2.000000000e+00, v34;
	v38 =	vadd.f32 $6.666666860e-01, v38  }
0x1de: {  	v24 =	vmul.f32 $6.931471820e-01, v24;
	v47 =	vadd.f32 v10, v22;
	v53 =	vadd.f32 $2.857142980e-01, v58  }
0x1df: {  	v34 =	vmul.f32 v34, v37;
	v38 =	vmul.f32 v38, v54;
	v56 =	vshll.u32 v59, $0x2  }
0x1e0: {  	v60 =	vmul.f32 v53, v49;
	v58 =	vand.u32 $0x7, v59;
	v10 =	vand.u32 $0xFFFFFFE0, v56  }
0x1e1: {  	v57 =	vadd.f32 $-1.000000000e+00, v51;
	v24 =	vadd.f32 v34, v24;
	v34 =	vor.u32 v58, v10  }
0x1e2: {  	v63 =	vadd.f32 $2.000000000e+00, v38;
	v41 =	vadd.f32 $4.000000060e-01, v60;
	v60 =	vperm.xlane v34, v6  }
0x1e3: {  	v62 =	vsel vm3, $0x1, v8;
	v47 =	vsub.f32 $0.0e+00, v47;
	v37 =	vmul.f32 v52, v57  }
0x1e4: {  	v54 =	vsub.f32 $0.0e+00, v27;
	v27 =	vmul.f32 v63, v35;
	v63 =	vadd.s32 v4, v60  }
0x1e5: {  	v52 =	vsel vm2, $0x1, v8;
	v53 =	vadd.s32 v62, v61;
	v61 =	vsub.f32 $0.0e+00, v25  }
0x1e6: {  	v14 =	vadd.s32 v52, v14;
	v51 =	vadd.s32 $0xFFFFFF81, v53;
	v34 =	vperm.xlane v34, v5  }
0x1e7: {  	v19 =	vnsel vm15, $0x0, v54;
	v54 =	vcvt.s32.f32 v51;
	v51 =	vsel vm12, $0x1, v8  }
0x1e8: {  	s11 =	simm.s32 $0x11800;
	v20 =	vnsel vm7, $0x0, v61;
	v39 =	vadd.s32 v51, v39;
	v34 =	vadd.s32 v4, v34  }
0x1e9: {  	v24 =	vsub.f32 $0.0e+00, v24;
	v55 =	vmul.f32 v41, v49;
	v35 =	vmul.f32 v37, v37;
	[tilespmem:s11], [sflag:$0x2] =	stream.indirect_vreg.gather [hbm4b:s13+s4], $0x80, v63, vm0, $0xb8;
	[tilespmem:$0x15ED0] =	vst v63  }
0x1ea: {  	s21 =	simm.s32 $0x12000;
	vm12 =	veq.s32 v40, $0x1;
	v40 =	vsel vm6, $0x1, v8;
	v39 =	vadd.s32 $0xFFFFFF81, v39  }
0x1eb: {  	v16 =	vnsel vm8, $0x0, v24;
	v59 =	vadd.f32 $6.666666860e-01, v55;
	v53 =	vmul.f32 $2.222222240e-01, v35;
	[tilespmem:s21], [sflag:$0x2] =	stream.indirect_vreg.gather [hbm4b:s17+s4], $0x80, v63, vm0, $0xb8;
	[tilespmem:$0x15ED0] =	vst v63  }
0x1ec: {  	s22 =	simm.s32 $0x12800;
	v39 =	vcvt.s32.f32 v39;
	v10 =	vimm.f32 $0.0e+00;
	v55 =	vadd.s32 $0xFFFFFF81, v14  }
0x1ed: {  	v14 =	vnsel vm7, $0x0, v47;
	v62 =	vmul.f32 v59, v49;
	v38 =	vadd.f32 $2.857142980e-01, v53;
	[tilespmem:s22], [sflag:$0x2] =	stream.indirect_vreg.gather [hbm4b:s13+s4], $0x80, v34, vm0, $0xb8;
	[tilespmem:$0x15ED0] =	vst v63  }
0x1ee: {  	s23 =	simm.s32 $0x13000;
	v58 =	vadd.f32 $-1.000000000e+00, v46;
	v46 =	vmul.f32 v44, v44;
	v49 =	vmul.f32 $6.931471820e-01, v54  }
0x1ef: {  	v16 =	vadd.f32 v16, v19;
	v25 =	vadd.f32 $2.000000000e+00, v62;
	v38 =	vmul.f32 v38, v35;
	[tilespmem:s23], [sflag:$0x2] =	stream.indirect_vreg.gather [hbm4b:s17+s4], $0x80, v34, vm0, $0xb8;
	[tilespmem:$0x15ED0] =	vst v63  }
0x1f0: {  	v22 =	vsel vm15, $0x3F800000, v10;
	v56 =	vcvt.s32.f32 v55;
	v59 =	vadd.f32 v27, v49;
	v49 =	vld [tilespmem:s16+$0x14B0]  }
0x1f1: {  	v25 =	vmul.f32 v25, v31;
	v60 =	vadd.f32 $4.000000060e-01, v38;
	v31 =	vmul.f32 v50, v58  }
0x1f2: {  	v23 =	vsel vm7, $0x3F800000, v10;
	v24 =	vsel vm8, $0x3F800000, v10;
	v39 =	vmul.f32 $6.931471820e-01, v39  }
0x1f3: {  	v55 =	vsel vm9, $0x1, v8;
	v27 =	vmul.f32 v60, v35;
	v63 =	vmul.f32 v31, v31  }
0x1f4: {  	v53 =	vmul.f32 $2.222222240e-01, v46;
	v32 =	vadd.s32 v55, v32;
	v57 =	vmul.f32 $6.931471820e-01, v56  }
0x1f5: {  	v27 =	vadd.f32 $6.666666860e-01, v27;
	v50 =	vmul.f32 $2.222222240e-01, v63;
	v52 =	vshll.u32 v49, $0x2  }
0x1f6: {  	v56 =	vmul.f32 v43, v43;
	v41 =	vand.u32 $0x7, v49;
	v47 =	vand.u32 $0xFFFFFFE0, v52  }
0x1f7: {  	v35 =	vmul.f32 v27, v35;
	v34 =	vadd.f32 $2.857142980e-01, v50;
	v41 =	vor.u32 v41, v47  }
0x1f8: {  	v32 =	vadd.s32 $0xFFFFFF81, v32;
	v54 =	vadd.f32 $2.857142980e-01, v53;
	v6 =	vperm.xlane v41, v6  }
0x1f9: {  	v32 =	vcvt.s32.f32 v32;
	v35 =	vadd.f32 $2.000000000e+00, v35;
	v34 =	vmul.f32 v34, v63  }
0x1fa: {  	v53 =	vsel vm13, $0x1, v8;
	v25 =	vadd.f32 v25, v57;
	v6 =	vadd.s32 v4, v6  }
0x1fb: {  	v35 =	vmul.f32 v35, v37;
	v37 =	vmul.f32 v54, v46;
	v34 =	vadd.f32 $4.000000060e-01, v34  }
0x1fc: {  	v61 =	vsub.f32 $0.0e+00, v59;
	v57 =	vmul.f32 $2.222222240e-01, v56;
	v5 =	vperm.xlane v41, v5  }
0x1fd: {  	v62 =	vsub.f32 $0.0e+00, v25;
	v37 =	vadd.f32 $4.000000060e-01, v37;
	v34 =	vmul.f32 v34, v63  }
0x1fe: {  	s25 =	simm.s32 $0x13800;
	v25 =	vnsel vm10, $0x0, v61;
	v61 =	vadd.f32 $2.857142980e-01, v57;
	v4 =	vadd.s32 v4, v5  }
0x1ff: {  	v55 =	vadd.s32 v53, v26;
	v60 =	vmul.f32 v37, v46;
	v34 =	vadd.f32 $6.666666860e-01, v34;
	[tilespmem:s25], [sflag:$0x2] =	stream.indirect_vreg.gather [hbm4b:s13+s4], $0x80, v6, vm0, $0xb8;
	[tilespmem:$0x15ED0] =	vst v63  }
0x200: {  	s26 =	simm.s32 $0x14000;
	v20 =	vadd.f32 v25, v20;
	v15 =	vnsel vm10, $0x0, v62;
	v38 =	vmul.f32 v61, v56  }
0x201: {  	v27 =	vsel vm10, $0x3F800000, v10;
	v34 =	vmul.f32 v34, v63;
	v63 =	vadd.f32 $6.666666860e-01, v60;
	[tilespmem:s26], [sflag:$0x2] =	stream.indirect_vreg.gather [hbm4b:s17+s4], $0x80, v6, vm0, $0xb8;
	[tilespmem:$0x15ED0] =	vst v63  }
0x202: {  	s28 =	simm.s32 $0x14800;
	v62 =	vmul.f32 $6.931471820e-01, v32;
	v42 =	vadd.f32 $4.000000060e-01, v38;
	v35 =	vadd.f32 v35, v39  }
0x203: {  	v14 =	vadd.f32 v15, v14;
	v58 =	vadd.f32 $2.000000000e+00, v34;
	v41 =	vmul.f32 v63, v46;
	[tilespmem:s28], [sflag:$0x2] =	stream.indirect_vreg.gather [hbm4b:s13+s4], $0x80, v4, vm0, $0xb8;
	[tilespmem:$0x15ED0] =	vst v63  }
0x204: {  	s29 =	simm.s32 $0x15000;
	v39 =	vshra.s32 v29, $0x17;
	v59 =	vsub.f32 $0.0e+00, v35;
	v34 =	vmul.f32 v42, v56  }
0x205: {  	v29 =	vsel vm11, $0x3F800000, v10;
	v5 =	vmul.f32 v58, v31;
	v49 =	vadd.f32 $2.000000000e+00, v41;
	[tilespmem:s29], [sflag:$0x2] =	stream.indirect_vreg.gather [hbm4b:s17+s4], $0x80, v4, vm0, $0xb8;
	[tilespmem:$0x15ED0] =	vst v63  }
0x206: {  	v31 =	vnsel vm11, $0x0, v59;
	v52 =	vadd.f32 $6.666666860e-01, v34;
	v41 =	vmul.f32 v28, v30;
	v50 =	vld.idx.msk [tilespmem:v18+s8+$0x0], $0xffff  }
0x207: {  	vm11 =	veq.s32 v12, $0x1;
	v5 =	vadd.f32 v5, v62;
	v51 =	vmul.f32 v49, v44;
	v54 =	vld.idx.msk [tilespmem:v18+s6+$0x0], $0xffff  }
0x208: {  	v16 =	vadd.f32 v31, v16;
	v56 =	vmul.f32 v52, v56;
	v4 =	vmul.f32 v36, v48;
	v57 =	vld.idx.msk [tilespmem:v18+s7+$0x0], $0xffff  }
0x209: {  	v42 =	vmul.f32 v41, v41;
	v6 =	vadd.s32 v40, v39;
	v46 =	vsub.f32 $0.0e+00, v5;
	v63 =	vld.idx.msk [tilespmem:v17+s8+$0x0], $0xffff  }
0x20a: {  	v26 =	vadd.f32 $2.000000000e+00, v56;
	v47 =	vadd.s32 $0xFFFFFF81, v6;
	v37 =	vmul.f32 v4, v4  }
0x20b: {  	v6 =	vadd.s32 $0xFFFFFF81, v55;
	v5 =	vcvt.s32.f32 v47;
	v32 =	vnsel vm12, $0x0, v46  }
0x20c: {  	v58 =	vmul.f32 $2.222222240e-01, v37;
	v59 =	vshll.u32 v50, $0x3;
	v35 =	vand.u32 $0x7F, v50  }
0x20d: {  	v62 =	vshll.u32 v54, $0x3;
	v36 =	vand.u32 $0x7F, v54;
	v44 =	vshll.u32 v57, $0x3  }
0x20e: {  	v33 =	vand.u32 $0x7F, v57;
	v49 =	vshll.u32 v63, $0x3;
	v38 =	vand.u32 $0xFFFFFC00, v59  }
0x20f: {  	v50 =	vand.u32 $0x7F, v63;
	v45 =	vand.u32 $0xFFFFFC00, v44;
	v61 =	vor.u32 v35, v38  }
0x210: {  	v30 =	vand.u32 $0xFFFFFC00, v49;
	v33 =	vor.u32 v33, v45;
	v34 =	vadd.s32 v3, v61  }
0x211: {  	v48 =	vld.idx.msk [tilespmem:v17+s7+$0x0], $0xffff;
	v35 =	vand.u32 $0xFFFFFC00, v62;
	v30 =	vor.u32 v50, v30;
	v47 =	vadd.s32 v2, v33  }
0x212: {  	v5 =	vmul.f32 $6.931471820e-01, v5;
	v35 =	vor.u32 v36, v35;
	v53 =	vadd.s32 v1, v30  }
0x213: {  	v39 =	vcvt.s32.f32 v6;
	v46 =	vld.idx.msk [tilespmem:v17+s6+$0x0], $0xffff;
	v60 =	vadd.f32 $2.857142980e-01, v58;
	v35 =	vadd.s32 v2, v35  }
0x214: {  	v52 =	vmul.f32 $2.222222240e-01, v42;
	v40 =	vmul.f32 v26, v43;
	v5 =	vadd.f32 v51, v5  }
0x215: {  	v20 =	vadd.f32 v32, v20;
	v39 =	vmul.f32 $6.931471820e-01, v39;
	v6 =	vmul.f32 v60, v37;
	v34 =	vld.idx.msk [tilespmem:v34+s24+$0x0], $0xffff  }
0x216: {  	v51 =	vsel vm14, $0x1, v8;
	v5 =	vsub.f32 $0.0e+00, v5;
	v55 =	vshll.u32 v48, $0x3;
	v26 =	vld.idx.msk [tilespmem:v47+s15+$0x0], $0xffff  }
0x217: {  	v28 =	vand.u32 $0x7F, v48;
	v56 =	vand.u32 $0xFFFFFC00, v55;
	v6 =	vadd.f32 $4.000000060e-01, v6;
	v60 =	vld.idx.msk [tilespmem:v53+s24+$0x0], $0xffff  }
0x218: {  	v54 =	vshll.u32 v46, $0x3;
	v28 =	vor.u32 v28, v56;
	v38 =	vadd.s32 v51, v21;
	v35 =	vld.idx.msk [tilespmem:v35+s14+$0x0], $0xffff  }
0x219: {  	v36 =	vand.u32 $0x7F, v46;
	v30 =	vand.u32 $0xFFFFFC00, v54;
	v6 =	vmul.f32 v6, v37  }
0x21a: {  	v33 =	vadd.f32 $2.857142980e-01, v52;
	v28 =	vadd.s32 v0, v28;
	v30 =	vor.u32 v36, v30  }
0x21b: {  	v38 =	vadd.s32 $0xFFFFFF81, v38;
	v57 =	vadd.s32 v0, v30;
	v6 =	vadd.f32 $6.666666860e-01, v6  }
0x21c: {  	v58 =	vmul.f32 v33, v42;
	v36 =	vadd.f32 $9.999999740e-06, v34;
	v30 =	vadd.f32 $9.999999740e-06, v26  }
0x21d: {  	v38 =	vcvt.s32.f32 v38;
	v26 =	vadd.f32 $9.999999740e-06, v60;
	v33 =	vadd.f32 $9.999999740e-06, v35  }
0x21e: {  	v35 =	vmul.f32 v6, v37;
	v37 =	vadd.f32 $4.000000060e-01, v58;
	v59 =	vand.u32 $0x7FFFFF, v36  }
0x21f: {  	v48 =	vand.u32 $0x7FFFFF, v30;
	v54 =	vand.u32 $0x7FFFFF, v26;
	v6 =	vor.u32 $0x3F800000, v59  }
0x220: {  	v28 =	vld.idx.msk [tilespmem:v28+s15+$0x0], $0xffff;
	v61 =	vand.u32 $0x7FFFFF, v33;
	v44 =	vor.u32 $0x3F800000, v48;
	v55 =	vor.u32 $0x3F800000, v54  }
0x221: {  	v37 =	vmul.f32 v37, v42;
	v63 =	vmul.f32 $5.000000000e-01, v6;
	v21 =	vor.u32 $0x3F800000, v61  }
0x222: {  	v62 =	vld.idx.msk [tilespmem:v57+s14+$0x0], $0xffff;
	vm13 =	vgt.f32 v6, $1.414213540e+00;
	v50 =	vmul.f32 $5.000000000e-01, v44;
	vm15 =	vgt.f32 v44, $1.414213540e+00  }
0x223: {  	v57 =	vmul.f32 $5.000000000e-01, v55;
	vm8 =	vgt.f32 v55, $1.414213540e+00;
	v49 =	vmul.f32 $5.000000000e-01, v21  }
0x224: {  	vm14 =	vgt.f32 v21, $1.414213540e+00;
	v37 =	vadd.f32 $6.666666860e-01, v37;
	v43 =	vsel vm13, v63, v6  }
0x225: {  	v44 =	vsel vm15, v50, v44;
	v6 =	vadd.f32 $9.999999740e-06, v28;
	v46 =	vsel vm8, v57, v55  }
0x226: {  	v51 =	vadd.f32 $1.000000000e+00, v43;
	v45 =	vsel vm14, v49, v21;
	v53 =	vadd.f32 $1.000000000e+00, v44  }
0x227: {  	v21 =	vadd.f32 $9.999999740e-06, v62;
	v61 =	vadd.f32 $1.000000000e+00, v46;
	v37 =	vmul.f32 v37, v42  }
0x228: {  	v52 =	vadd.f32 $1.000000000e+00, v45;
	v58 =	vand.u32 $0x7FFFFF, v6;
	(erf) = vrcp.f32 v51  }
0x229: {  	v56 =	vand.u32 $0x7FFFFF, v21;
	v47 =	vor.u32 $0x3F800000, v58;
	v51 =	vsel vm1, $0x1, v8  }
0x22a: {  	v37 =	vadd.f32 $2.000000000e+00, v37;
	(erf) = vrcp.f32 v52;
	v34 =	vor.u32 $0x3F800000, v56  }
0x22b: {  	v60 =	vmul.f32 $5.000000000e-01, v47;
	v13 =	vadd.s32 v51, v13;
	v59 =	vmul.f32 $5.000000000e-01, v34  }
0x22c: {  	vm10 =	vgt.f32 v47, $1.414213540e+00;
	vm9 =	vgt.f32 v34, $1.414213540e+00;
	v13 =	vadd.s32 $0xFFFFFF81, v13  }
0x22d: {  	(erf) = vrcp.f32 v53;
	v13 =	vcvt.s32.f32 v13;
	v34 =	vsel vm9, v59, v34  }
0x22e: {  	v37 =	vmul.f32 v37, v41;
	v28 =	vsel vm10, v60, v47;
	v62 =	vadd.f32 $1.000000000e+00, v34  }
0x22f: {  	(erf) = vrcp.f32 v61;
	v63 =	vadd.f32 $1.000000000e+00, v28;
	v13 =	vmul.f32 $6.931471820e-01, v13  }
0x230: {  	v38 =	vmul.f32 $6.931471820e-01, v38;
	v35 =	vadd.f32 $2.000000000e+00, v35;
	(erf) = vrcp.f32 v62  }
0x231: {  	v26 =	vshra.s32 v26, $0x17;
	v13 =	vadd.f32 v37, v13;
	(erf) = vrcp.f32 v63  }
0x232: {  	v54 =	vadd.f32 v40, v39;
	v4 =	vmul.f32 v35, v4;
	v52 =	vadd.f32 $-1.000000000e+00, v43  }
0x233: {  	v35 =	vld.idx.msk [tilespmem:v17+s4+$0x0], $0xffff;
	v57 =	vsel vm12, $0x3F800000, v10;
	v61 =	vadd.f32 $-1.000000000e+00, v45;
	v53 =	vpop (erf);
	v13 =	vsub.f32 $0.0e+00, v13  }
0x234: {  	v56 =	vnsel vm12, $0x0, v5;
	vm12 =	veq.s32 v11, $0x1;
	v42 =	vmul.f32 v53, v52;
	v43 =	vpop (erf)  }
0x235: {  	s1 =	simm.s32 $0x400;
	v4 =	vadd.f32 v4, v38;
	v51 =	vnsel vm12, $0x0, v13;
	v13 =	vmul.f32 v43, v61  }
0x236: {  	v48 =	vld.idx.msk [tilespmem:v18+s1+$0x0], $0xffff;
	v6 =	vshra.s32 v6, $0x17;
	v58 =	vsub.f32 $0.0e+00, v54;
	v41 =	vmul.f32 v42, v42  }
0x237: {  	v38 =	vld.idx.msk [tilespmem:v18+s4+$0x0], $0xffff;
	v4 =	vsub.f32 $0.0e+00, v4;
	v21 =	vshra.s32 v21, $0x17;
	v55 =	vpop (erf);
	v52 =	vmul.f32 v13, v13  }
0x238: {  	v5 =	vld.idx.msk [tilespmem:v17+s1+$0x0], $0xffff;
	v17 =	vsel vm11, $0x3F800000, v10;
	vm5 =	veq.s32 v35, $0x1;
	v18 =	vpop (erf);
	v59 =	vmul.f32 $2.222222240e-01, v41  }
0x239: {  	v50 =	vnsel vm12, $0x0, v4;
	v4 =	vsel vm12, $0x3F800000, v10;
	v53 =	vmul.f32 $2.222222240e-01, v52;
	v49 =	vpop (erf)  }
0x23a: {  	v60 =	vnsel vm11, $0x0, v58;
	v43 =	vadd.f32 $-1.000000000e+00, v44;
	v12 =	vadd.f32 $2.857142980e-01, v59;
	v37 =	vpop (erf)  }
0x23b: {  	v11 =	vadd.f32 v60, v16;
	v60 =	vsel vm15, $0x1, v8;
	v25 =	vadd.f32 $2.857142980e-01, v53;
	_ =	swait.ge [sflag:s19], $0x2000  }
0x23c: {  	v63 =	vadd.f32 v24, v22;
	v24 =	vmul.f32 v55, v43;
	v12 =	vmul.f32 v12, v41;
	[sflag:s19] =	ssyncset.done $0x0  }
0x23d: {  	v28 =	vadd.f32 $-1.000000000e+00, v28;
	v47 =	vadd.f32 $-1.000000000e+00, v34;
	v59 =	vmul.f32 v25, v52;
	[sflag:s19] =	ssyncadd.s32 $0xFFFFE000  }
0x23e: {  	v62 =	vsel vm13, $0x1, v8;
	v55 =	vmul.f32 v24, v24;
	v12 =	vadd.f32 $4.000000060e-01, v12;
	_ =	swait.ge [sflag:s19], $0x4000  }
0x23f: {  	vm13 =	veq.s32 v38, $0x1;
	v22 =	vsel vm14, $0x1, v8;
	v16 =	vadd.f32 $4.000000060e-01, v59;
	[sflag:s19] =	ssyncset.done $0x0  }
0x240: {  	v44 =	vadd.f32 v27, v23;
	v58 =	vmul.f32 $2.222222240e-01, v55;
	v12 =	vmul.f32 v12, v41;
	[sflag:s19] =	ssyncadd.s32 $0xFFFFC000  }
0x241: {  	v27 =	vadd.f32 v56, v14;
	v56 =	vshra.s32 v36, $0x17;
	v16 =	vmul.f32 v16, v52;
	_ =	swait.ge [sflag:s19], $0x4000  }
0x242: {  	v15 =	vadd.s32 v62, v56;
	v32 =	vadd.f32 $2.857142980e-01, v58;
	v54 =	vadd.f32 $6.666666860e-01, v12;
	[sflag:s19] =	ssyncset.done $0x0  }
0x243: {  	vm14 =	veq.s32 v48, $0x1;
	v15 =	vadd.s32 $0xFFFFFF81, v15;
	v16 =	vadd.f32 $6.666666860e-01, v16;
	[sflag:s19] =	ssyncadd.s32 $0xFFFFC000  }
0x244: {  	v32 =	vmul.f32 v32, v55;
	v12 =	vadd.f32 v57, v44;
	v14 =	vmul.f32 v54, v41;
	v57 =	vld.idx.msk [tilespmem:v9+s8+$0x0], $0xffff  }
0x245: {  	v19 =	vadd.f32 v29, v63;
	v15 =	vcvt.s32.f32 v15;
	v16 =	vmul.f32 v16, v52  }
0x246: {  	v63 =	vshra.s32 v33, $0x17;
	v32 =	vadd.f32 $4.000000060e-01, v32;
	v14 =	vadd.f32 $2.000000000e+00, v14  }
0x247: {  	v33 =	vshra.s32 v30, $0x17;
	v15 =	vmul.f32 $6.931471820e-01, v15;
	v16 =	vadd.f32 $2.000000000e+00, v16  }
0x248: {  	v62 =	vadd.f32 $-1.000000000e+00, v46;
	v32 =	vmul.f32 v32, v55;
	v14 =	vmul.f32 v14, v42  }
0x249: {  	v4 =	vadd.f32 v4, v12;
	v13 =	vmul.f32 v16, v13;
	v61 =	vshll.u32 v57, $0x3  }
0x24a: {  	v31 =	vand.u32 $0x7F, v57;
	v14 =	vadd.f32 v14, v15;
	v15 =	vadd.s32 v22, v63  }
0x24b: {  	v22 =	vmul.f32 v18, v62;
	v18 =	vadd.s32 v60, v33;
	v57 =	vsel vm8, $0x1, v8  }
0x24c: {  	v59 =	vld.idx.msk [tilespmem:v9+s6+$0x0], $0xffff;
	v62 =	vmul.f32 v37, v28;
	v63 =	vsel vm9, $0x1, v8;
	vm8 =	veq.s32 v5, $0x1  }
0x24d: {  	v36 =	vand.u32 $0xFFFFFC00, v61;
	v15 =	vadd.s32 $0xFFFFFF81, v15;
	v40 =	vadd.s32 $0xFFFFFF81, v18  }
0x24e: {  	v26 =	vadd.s32 v57, v26;
	v21 =	vadd.s32 v63, v21;
	v31 =	vor.u32 v31, v36  }
0x24f: {  	v36 =	vadd.f32 $6.666666860e-01, v32;
	v15 =	vcvt.s32.f32 v15;
	v14 =	vsub.f32 $0.0e+00, v14  }
0x250: {  	v38 =	vmul.f32 v22, v22;
	v42 =	vcvt.s32.f32 v40;
	v60 =	vadd.s32 $0xFFFFFF81, v26  }
0x251: {  	v32 =	vand.u32 $0x7F, v59;
	v3 =	vadd.s32 v3, v31;
	v23 =	vmul.f32 v36, v55  }
0x252: {  	v21 =	vadd.s32 $0xFFFFFF81, v21;
	v15 =	vmul.f32 $6.931471820e-01, v15;
	v43 =	vmul.f32 $2.222222240e-01, v38  }
0x253: {  	v21 =	vcvt.s32.f32 v21;
	v18 =	vnsel vm13, $0x0, v14;
	v41 =	vadd.f32 $2.000000000e+00, v23  }
0x254: {  	v45 =	vmul.f32 $6.931471820e-01, v42;
	v44 =	vadd.f32 v13, v15;
	v46 =	vadd.f32 $2.857142980e-01, v43  }
0x255: {  	v36 =	vmul.f32 v62, v62;
	v21 =	vmul.f32 $6.931471820e-01, v21;
	v11 =	vadd.f32 v18, v11  }
0x256: {  	v39 =	vld.idx.msk [tilespmem:v3+s9+$0x0], $0xffff;
	v16 =	vmul.f32 v41, v24;
	v14 =	vsub.f32 $0.0e+00, v44;
	v48 =	vmul.f32 v46, v38  }
0x257: {  	v13 =	vsel vm13, $0x3F800000, v10;
	v3 =	vadd.f32 v17, v19;
	v24 =	vmul.f32 v49, v47;
	v41 =	vld.idx.msk [tilespmem:v9+s7+$0x0], $0xffff  }
0x258: {  	v15 =	vadd.f32 v16, v45;
	v14 =	vnsel vm14, $0x0, v14;
	v53 =	vadd.f32 $4.000000060e-01, v48  }
0x259: {  	v54 =	vmul.f32 v24, v24;
	v48 =	vsel vm10, $0x1, v8;
	v3 =	vadd.f32 v13, v3  }
0x25a: {  	v6 =	vadd.s32 v48, v6;
	v15 =	vsub.f32 $0.0e+00, v15;
	v19 =	vmul.f32 v53, v38  }
0x25b: {  	v56 =	vmul.f32 $2.222222240e-01, v54;
	v6 =	vadd.s32 $0xFFFFFF81, v6;
	v23 =	vadd.f32 $9.999999740e-06, v39  }
0x25c: {  	v39 =	vmul.f32 $2.222222240e-01, v36;
	v45 =	vshll.u32 v41, $0x3;
	v6 =	vcvt.s32.f32 v6  }
0x25d: {  	v16 =	vnsel vm14, $0x0, v15;
	v15 =	vsel vm14, $0x3F800000, v10;
	v19 =	vadd.f32 $6.666666860e-01, v19  }
0x25e: {  	v53 =	vld.idx.msk [tilespmem:v7+s8+$0x0], $0xffff;
	v31 =	vadd.f32 $2.857142980e-01, v56;
	v52 =	vand.u32 $0x7FFFFF, v23;
	v42 =	vadd.f32 $2.857142980e-01, v39  }
0x25f: {  	v6 =	vmul.f32 $6.931471820e-01, v6;
	v23 =	vshra.s32 v23, $0x17;
	v4 =	vadd.f32 v15, v4  }
0x260: {  	v17 =	vor.u32 $0x3F800000, v52;
	v25 =	vmul.f32 v19, v38;
	v61 =	vmul.f32 v31, v54  }
0x261: {  	v19 =	vadd.f32 v51, v27;
	v38 =	vshll.u32 v59, $0x3;
	v55 =	vmul.f32 $5.000000000e-01, v17  }
0x262: {  	vm15 =	vgt.f32 v17, $1.414213540e+00;
	v44 =	vmul.f32 v42, v36;
	v26 =	vadd.f32 $4.000000060e-01, v61  }
0x263: {  	v25 =	vadd.f32 $2.000000000e+00, v25;
	v57 =	vsel vm15, $0x1, v8;
	v61 =	vshll.u32 v53, $0x3  }
0x264: {  	v30 =	vsel vm15, v55, v17;
	v37 =	vmul.f32 v26, v54;
	v26 =	vand.u32 $0xFFFFFC00, v38  }
0x265: {  	v16 =	vadd.f32 v16, v19;
	v58 =	vadd.f32 $1.000000000e+00, v30;
	v26 =	vor.u32 v32, v26  }
0x266: {  	v59 =	vld.idx.msk [tilespmem:v7+s6+$0x0], $0xffff;
	v17 =	vadd.f32 v50, v20;
	v20 =	vcvt.s32.f32 v60;
	v26 =	vadd.s32 v2, v26  }
0x267: {  	v42 =	vld.idx.msk [tilespmem:v9+s4+$0x0], $0xffff;
	v28 =	vadd.f32 $4.000000060e-01, v44;
	v23 =	vadd.s32 v57, v23;
	(erf) = vrcp.f32 v58  }
0x268: {  	v9 =	vld.idx.msk [tilespmem:v9+s1+$0x0], $0xffff;
	v22 =	vmul.f32 v25, v22;
	v20 =	vmul.f32 $6.931471820e-01, v20;
	v40 =	vadd.f32 $6.666666860e-01, v37  }
0x269: {  	v30 =	vadd.f32 $-1.000000000e+00, v30;
	v25 =	vand.u32 $0x7F, v41;
	v28 =	vmul.f32 v28, v36  }
0x26a: {  	v60 =	vld.idx.msk [tilespmem:v7+s7+$0x0], $0xffff;
	v23 =	vadd.s32 $0xFFFFFF81, v23;
	v20 =	vadd.f32 v22, v20;
	v22 =	vmul.f32 v40, v54  }
0x26b: {  	v23 =	vcvt.s32.f32 v23;
	v38 =	vshll.u32 v59, $0x3;
	v49 =	vadd.f32 $6.666666860e-01, v28;
	v26 =	vld.idx.msk [tilespmem:v26+s10+$0x0], $0xffff  }
0x26c: {  	v27 =	vand.u32 $0x7F, v59;
	v14 =	vadd.f32 v14, v17;
	v22 =	vadd.f32 $2.000000000e+00, v22  }
0x26d: {  	vm9 =	veq.s32 v42, $0x1;
	vm13 =	veq.s32 v9, $0x1;
	v51 =	vmul.f32 v49, v36  }
0x26e: {  	v28 =	vand.u32 $0x7F, v53;
	v23 =	vmul.f32 $6.931471820e-01, v23;
	v22 =	vmul.f32 v22, v24  }
0x26f: {  	v39 =	vshll.u32 v60, $0x3;
	v20 =	vsub.f32 $0.0e+00, v20;
	v54 =	vadd.f32 $2.000000000e+00, v51  }
0x270: {  	v31 =	vand.u32 $0x7F, v60;
	v21 =	vadd.f32 v22, v21;
	v43 =	vpop (erf);
	v26 =	vadd.f32 $9.999999740e-06, v26  }
0x271: {  	v22 =	vmul.f32 v54, v62;
	v29 =	vmul.f32 v43, v30;
	v30 =	vand.u32 $0xFFFFFC00, v45  }
0x272: {  	v62 =	vand.u32 $0xFFFFFC00, v61;
	v25 =	vor.u32 v25, v30;
	v56 =	vand.u32 $0x7FFFFF, v26  }
0x273: {  	v46 =	vmul.f32 v29, v29;
	v2 =	vadd.s32 v2, v25;
	v25 =	vor.u32 $0x3F800000, v56  }
0x274: {  	v20 =	vnsel vm5, $0x0, v20;
	v28 =	vor.u32 v28, v62;
	v58 =	vmul.f32 $5.000000000e-01, v25  }
0x275: {  	v1 =	vadd.s32 v1, v28;
	v47 =	vmul.f32 $2.222222240e-01, v46;
	vm6 =	vgt.f32 v25, $1.414213540e+00  }
0x276: {  	v40 =	vand.u32 $0xFFFFFC00, v39;
	v11 =	vadd.f32 v20, v11;
	v25 =	vsel vm6, v58, v25  }
0x277: {  	v31 =	vor.u32 v31, v40;
	v50 =	vadd.f32 $2.857142980e-01, v47;
	v33 =	vadd.f32 $1.000000000e+00, v25  }
0x278: {  	v6 =	vadd.f32 v22, v6;
	v44 =	vsub.f32 $0.0e+00, v21;
	v30 =	vsel vm5, $0x3F800000, v10;
	v2 =	vld.idx.msk [tilespmem:v2+s11+$0x0], $0xffff  }
0x279: {  	v52 =	vmul.f32 v50, v46;
	(erf) = vrcp.f32 v33;
	v33 =	vand.u32 $0xFFFFFC00, v38  }
0x27a: {  	v6 =	vsub.f32 $0.0e+00, v6;
	v5 =	vnsel vm8, $0x0, v44;
	v1 =	vld.idx.msk [tilespmem:v1+s9+$0x0], $0xffff;
	v27 =	vor.u32 v27, v33  }
0x27b: {  	v3 =	vadd.f32 v30, v3;
	v55 =	vadd.f32 $4.000000060e-01, v52;
	v27 =	vadd.s32 v0, v27  }
0x27c: {  	v40 =	vshra.s32 v26, $0x17;
	v6 =	vnsel vm8, $0x0, v6;
	v0 =	vadd.s32 v0, v31  }
0x27d: {  	v54 =	vsel vm6, $0x1, v8;
	v24 =	vmul.f32 v55, v46;
	v2 =	vadd.f32 $9.999999740e-06, v2  }
0x27e: {  	v5 =	vadd.f32 v5, v14;
	v6 =	vadd.f32 v6, v16;
	v14 =	vadd.s32 v54, v40  }
0x27f: {  	v1 =	vadd.f32 $9.999999740e-06, v1;
	v24 =	vadd.f32 $6.666666860e-01, v24;
	v63 =	vand.u32 $0x7FFFFF, v2  }
0x280: {  	v45 =	vadd.f32 $-1.000000000e+00, v25;
	v14 =	vadd.s32 $0xFFFFFF81, v14;
	v36 =	vor.u32 $0x3F800000, v63;
	v47 =	vld.idx.msk [tilespmem:v27+s10+$0x0], $0xffff  }
0x281: {  	v52 =	vand.u32 $0x7FFFFF, v1;
	v24 =	vmul.f32 v24, v46;
	v37 =	vmul.f32 $5.000000000e-01, v36;
	v0 =	vld.idx.msk [tilespmem:v0+s11+$0x0], $0xffff  }
0x282: {  	v50 =	vsel vm8, $0x3F800000, v10;
	v21 =	vor.u32 $0x3F800000, v52;
	vm7 =	vgt.f32 v36, $1.414213540e+00  }
0x283: {  	v55 =	vmul.f32 $5.000000000e-01, v21;
	v24 =	vadd.f32 $2.000000000e+00, v24;
	v41 =	vsel vm7, v37, v36  }
0x284: {  	v14 =	vcvt.s32.f32 v14;
	vm10 =	vgt.f32 v21, $1.414213540e+00;
	v43 =	vadd.f32 $1.000000000e+00, v41  }
0x285: {  	v21 =	vsel vm10, v55, v21;
	v46 =	vpop (erf);
	v24 =	vmul.f32 v24, v29;
	v25 =	vadd.f32 $9.999999740e-06, v47  }
0x286: {  	v48 =	vmul.f32 v46, v45;
	(erf) = vrcp.f32 v43;
	v0 =	vadd.f32 $9.999999740e-06, v0  }
0x287: {  	v58 =	vadd.f32 $1.000000000e+00, v21;
	v23 =	vadd.f32 v24, v23;
	v56 =	vand.u32 $0x7FFFFF, v25  }
0x288: {  	v24 =	vmul.f32 v48, v48;
	v59 =	vand.u32 $0x7FFFFF, v0;
	v31 =	vor.u32 $0x3F800000, v56  }
0x289: {  	(erf) = vrcp.f32 v58;
	v34 =	vor.u32 $0x3F800000, v59;
	v60 =	vmul.f32 $5.000000000e-01, v31  }
0x28a: {  	v53 =	vmul.f32 $2.222222240e-01, v24;
	vm11 =	vgt.f32 v31, $1.414213540e+00;
	v61 =	vmul.f32 $5.000000000e-01, v34  }
0x28b: {  	v4 =	vadd.f32 v50, v4;
	vm12 =	vgt.f32 v34, $1.414213540e+00;
	v31 =	vsel vm11, v60, v31  }
0x28c: {  	v28 =	vadd.f32 $2.857142980e-01, v53;
	v33 =	vsel vm12, v61, v34;
	v32 =	vadd.f32 $1.000000000e+00, v31  }
0x28d: {  	v14 =	vmul.f32 $6.931471820e-01, v14;
	v1 =	vshra.s32 v1, $0x17;
	v34 =	vadd.f32 $1.000000000e+00, v33  }
0x28e: {  	v2 =	vshra.s32 v2, $0x17;
	v28 =	vmul.f32 v28, v24;
	(erf) = vrcp.f32 v32  }
0x28f: {  	v27 =	vsel vm9, $0x3F800000, v10;
	v22 =	vadd.f32 $-1.000000000e+00, v41;
	v57 =	vpop (erf);
	(erf) = vrcp.f32 v34  }
0x290: {  	v62 =	vsel vm7, $0x1, v8;
	v21 =	vadd.f32 $-1.000000000e+00, v21;
	v32 =	vadd.f32 $4.000000060e-01, v28  }
0x291: {  	v3 =	vadd.f32 v27, v3;
	v2 =	vadd.s32 v62, v2;
	v22 =	vmul.f32 v57, v22  }
0x292: {  	v37 =	vsel vm10, $0x1, v8;
	v2 =	vadd.s32 $0xFFFFFF81, v2;
	v36 =	vmul.f32 v32, v24  }
0x293: {  	v1 =	vadd.s32 v37, v1;
	v2 =	vcvt.s32.f32 v2;
	v39 =	vpop (erf);
	v63 =	vmul.f32 v22, v22  }
0x294: {  	v1 =	vadd.s32 $0xFFFFFF81, v1;
	v21 =	vmul.f32 v39, v21;
	v15 =	vadd.f32 $6.666666860e-01, v36  }
0x295: {  	v1 =	vcvt.s32.f32 v1;
	v49 =	vsub.f32 $0.0e+00, v23;
	v34 =	vmul.f32 $2.222222240e-01, v63  }
0x296: {  	v44 =	vadd.f32 $-1.000000000e+00, v31;
	v42 =	vmul.f32 v21, v21;
	v15 =	vmul.f32 v15, v24  }
0x297: {  	v2 =	vmul.f32 $6.931471820e-01, v2;
	v45 =	vadd.f32 $-1.000000000e+00, v33;
	v19 =	vadd.f32 $2.857142980e-01, v34;
	v43 =	vpop (erf)  }
0x298: {  	v46 =	vmul.f32 $2.222222240e-01, v42;
	v15 =	vadd.f32 $2.000000000e+00, v15;
	v47 =	vpop (erf);
	v24 =	vmul.f32 v43, v44  }
0x299: {  	v51 =	vnsel vm9, $0x0, v49;
	v19 =	vmul.f32 v19, v63;
	v23 =	vmul.f32 v47, v45  }
0x29a: {  	v12 =	vmul.f32 v15, v48;
	v15 =	vadd.f32 $2.857142980e-01, v46;
	v49 =	vmul.f32 v24, v24  }
0x29b: {  	v1 =	vmul.f32 $6.931471820e-01, v1;
	v41 =	vadd.f32 $4.000000060e-01, v19;
	v50 =	vmul.f32 v23, v23  }
0x29c: {  	v11 =	vadd.f32 v51, v11;
	v15 =	vmul.f32 v15, v42;
	v51 =	vmul.f32 $2.222222240e-01, v49  }
0x29d: {  	v12 =	vadd.f32 v12, v14;
	v16 =	vmul.f32 v41, v63;
	v52 =	vmul.f32 $2.222222240e-01, v50  }
0x29e: {  	v0 =	vshra.s32 v0, $0x17;
	v15 =	vadd.f32 $4.000000060e-01, v15;
	v14 =	vadd.f32 $2.857142980e-01, v51  }
0x29f: {  	v56 =	vshra.s32 v25, $0x17;
	v16 =	vadd.f32 $6.666666860e-01, v16;
	v18 =	vadd.f32 $2.857142980e-01, v52  }
0x2a0: {  	v38 =	vsel vm11, $0x1, v8;
	v15 =	vmul.f32 v15, v42;
	v14 =	vmul.f32 v14, v49  }
0x2a1: {  	v8 =	vsel vm12, $0x1, v8;
	v48 =	vmul.f32 v16, v63;
	v18 =	vmul.f32 v18, v50  }
0x2a2: {  	v59 =	vld.idx.msk [tilespmem:v7+s4+$0x0], $0xffff;
	v0 =	vadd.s32 v8, v0;
	v15 =	vadd.f32 $6.666666860e-01, v15;
	v14 =	vadd.f32 $4.000000060e-01, v14  }
0x2a3: {  	v60 =	vsel vm13, $0x3F800000, v10;
	v9 =	vadd.f32 $2.000000000e+00, v48;
	v53 =	vadd.f32 $4.000000060e-01, v18  }
0x2a4: {  	v0 =	vadd.s32 $0xFFFFFF81, v0;
	v15 =	vmul.f32 v15, v42;
	v14 =	vmul.f32 v14, v49  }
0x2a5: {  	v4 =	vadd.f32 v60, v4;
	v9 =	vmul.f32 v9, v22;
	v17 =	vmul.f32 v53, v50  }
0x2a6: {  	v0 =	vcvt.s32.f32 v0;
	v15 =	vadd.f32 $2.000000000e+00, v15;
	v54 =	vadd.f32 $6.666666860e-01, v14  }
0x2a7: {  	vm14 =	veq.s32 v59, $0x1;
	v2 =	vadd.f32 v9, v2;
	v17 =	vadd.f32 $6.666666860e-01, v17  }
0x2a8: {  	v55 =	vmul.f32 v15, v21;
	v15 =	vadd.s32 v38, v56;
	v9 =	vmul.f32 v54, v49  }
0x2a9: {  	v61 =	vsel vm14, $0x3F800000, v10;
	v57 =	vadd.s32 $0xFFFFFF81, v15;
	v58 =	vmul.f32 v17, v50  }
0x2aa: {  	v12 =	vsub.f32 $0.0e+00, v12;
	v13 =	vcvt.s32.f32 v57;
	v9 =	vadd.f32 $2.000000000e+00, v9  }
0x2ab: {  	v7 =	vld.idx.msk [tilespmem:v7+s1+$0x0], $0xffff;
	v0 =	vmul.f32 $6.931471820e-01, v0;
	v1 =	vadd.f32 v55, v1;
	v8 =	vadd.f32 $2.000000000e+00, v58  }
0x2ac: {  	v3 =	vadd.f32 v61, v3;
	v13 =	vmul.f32 $6.931471820e-01, v13;
	v9 =	vmul.f32 v9, v24  }
0x2ad: {  	v12 =	vnsel vm13, $0x0, v12;
	v1 =	vsub.f32 $0.0e+00, v1;
	v8 =	vmul.f32 v8, v23  }
0x2ae: {  	v5 =	vadd.f32 v12, v5;
	v9 =	vadd.f32 v9, v13  }
0x2af: {  	v2 =	vsub.f32 $0.0e+00, v2;
	v1 =	vnsel vm14, $0x0, v1;
	v0 =	vadd.f32 v8, v0  }
0x2b0: {  	vm15 =	veq.s32 v7, $0x1;
	v1 =	vadd.f32 v1, v11;
	v9 =	vsub.f32 $0.0e+00, v9  }
0x2b1: {  	v63 =	vsel vm15, $0x3F800000, v10;
	v2 =	vnsel vm13, $0x0, v2;
	v0 =	vsub.f32 $0.0e+00, v0  }
0x2b2: {  	s5 =	stileid.u32;
	v2 =	vadd.f32 v2, v6;
	[tilespmem:$0x15800] =	vst v1;
	v1 =	vadd.f32 v63, v4;
	v62 =	vnsel vm15, $0x0, v9  }
0x2b3: {  	s30 =	smul.u32 $0x140, s5;
	[tilespmem:$0x15810] =	vst v3;
	v5 =	vadd.f32 v62, v5;
	v0 =	vnsel vm15, $0x0, v0  }
0x2b4: {  	[tilespmem:$0x15840] =	vst v1;
	v0 =	vadd.f32 v0, v2  }
0x2b5: {  	s0 =	sshrl.u32 s30, $0x2;
	[tilespmem:$0x15820] =	vst v5  }
0x2b6: {  	s31 =	simm.s32 $0x15800;
	s0 =	sadd.s32 s0, s2;
	[tilespmem:$0x15830] =	vst v0  }
0x2b7: {  	[spmem:s0] =	stream.linear.scatter [tilespmem:s31], [sflag:$0x3], $0x50, $0x38;
	[tilespmem:$0x15ED0] =	vst v63  }
0x2b8: {  	p0 =	sne.s32 s5, $0x0;
	s0 =	simm.s32 $0x3  }
.Ltmp2:
0x2b9: {  	_ =	swait.ge [sflag:s0], $0x50;
	(pc) =	sbr.rel @p0 .LBB2_4-.Ltmp2, $3  }
0x2ba: {  	[sflag:s0] =	ssyncset.done $0x0  }
0x2bb: {  	[sflag:s0] =	ssyncadd.s32 $0xFFFFFFB0  }
0x2bc: {  	[bflag:$0x0] =	sbarrier.arrive $0xFFFF;
	_ =	sdelay $0x1  }
0x2bd: {  	s1 =	simm.s32 $0x15880  }
0x2be: {  	[tilespmem:s1], [sflag:$0x3] =	stream.linear.gather [spmem:s2], $0x500, $0x38;
	[tilespmem:$0x15ED0] =	vst v63  }
0x2bf: {  	_ =	swait.ge [sflag:s0], $0x500  }
0x2c0: {  	[sflag:s0] =	ssyncset.done $0x0  }
0x2c1: {  	[sflag:s0] =	ssyncadd.s32 $0xFFFFFB00  }
0x2c2: {  	v0 =	vld [tilespmem:$0x15880]  }
0x2c3: {  	v1 =	vld [tilespmem:$0x15890]  }
0x2c4: {  	v2 =	vld [tilespmem:$0x158A0]  }
0x2c5: {  	v3 =	vld [tilespmem:$0x158B0]  }
0x2c6: {  	v4 =	vld [tilespmem:$0x158C0]  }
0x2c7: {  	v5 =	vld [tilespmem:$0x158D0]  }
0x2c8: {  	v6 =	vld [tilespmem:$0x158E0]  }
0x2c9: {  	v7 =	vld [tilespmem:$0x158F0]  }
0x2ca: {  	v8 =	vld [tilespmem:$0x15900]  }
0x2cb: {  	v9 =	vld [tilespmem:$0x15910]  }
0x2cc: {  	v10 =	vld [tilespmem:$0x15920]  }
0x2cd: {  	v11 =	vld [tilespmem:$0x15930]  }
0x2ce: {  	v12 =	vld [tilespmem:$0x15940]  }
0x2cf: {  	v13 =	vld [tilespmem:$0x15950]  }
0x2d0: {  	v14 =	vld [tilespmem:$0x15960]  }
0x2d1: {  	v15 =	vld [tilespmem:$0x15970]  }
0x2d2: {  	v16 =	vld [tilespmem:$0x15980]  }
0x2d3: {  	v17 =	vld [tilespmem:$0x15990]  }
0x2d4: {  	v18 =	vld [tilespmem:$0x159A0]  }
0x2d5: {  	v19 =	vld [tilespmem:$0x159B0]  }
0x2d6: {  	v20 =	vld [tilespmem:$0x159C0]  }
0x2d7: {  	v21 =	vld [tilespmem:$0x159D0]  }
0x2d8: {  	v22 =	vld [tilespmem:$0x159E0]  }
0x2d9: {  	v23 =	vld [tilespmem:$0x159F0]  }
0x2da: {  	v24 =	vld [tilespmem:$0x15A00]  }
0x2db: {  	v25 =	vld [tilespmem:$0x15A10]  }
0x2dc: {  	v26 =	vld [tilespmem:$0x15A20]  }
0x2dd: {  	v27 =	vld [tilespmem:$0x15A30]  }
0x2de: {  	v28 =	vld [tilespmem:$0x15A40]  }
0x2df: {  	v29 =	vld [tilespmem:$0x15A50]  }
0x2e0: {  	v30 =	vld [tilespmem:$0x15A60]  }
0x2e1: {  	v31 =	vld [tilespmem:$0x15A70]  }
0x2e2: {  	v32 =	vld [tilespmem:$0x15A80]  }
0x2e3: {  	v33 =	vld [tilespmem:$0x15A90]  }
0x2e4: {  	v34 =	vld [tilespmem:$0x15AA0]  }
0x2e5: {  	v35 =	vld [tilespmem:$0x15AB0]  }
0x2e6: {  	v36 =	vld [tilespmem:$0x15AC0]  }
0x2e7: {  	v37 =	vld [tilespmem:$0x15AD0]  }
0x2e8: {  	v38 =	vld [tilespmem:$0x15AE0]  }
0x2e9: {  	v39 =	vld [tilespmem:$0x15AF0]  }
0x2ea: {  	v40 =	vld [tilespmem:$0x15B00]  }
0x2eb: {  	v41 =	vld [tilespmem:$0x15B10];
	v0 =	vadd.f32 $0.0e+00, v0  }
0x2ec: {  	v54 =	vld [tilespmem:$0x15B20];
	v1 =	vadd.f32 $0.0e+00, v1;
	v2 =	vadd.f32 $0.0e+00, v2  }
0x2ed: {  	v55 =	vld [tilespmem:$0x15B30];
	v3 =	vadd.f32 $0.0e+00, v3;
	v4 =	vadd.f32 $0.0e+00, v4  }
0x2ee: {  	v56 =	vld [tilespmem:$0x15B40];
	v0 =	vadd.f32 v5, v0;
	v1 =	vadd.f32 v6, v1  }
0x2ef: {  	v57 =	vld [tilespmem:$0x15B50];
	v2 =	vadd.f32 v7, v2;
	v3 =	vadd.f32 v8, v3  }
0x2f0: {  	v58 =	vld [tilespmem:$0x15B60];
	v4 =	vadd.f32 v9, v4;
	v0 =	vadd.f32 v10, v0  }
0x2f1: {  	v59 =	vld [tilespmem:$0x15B70];
	v1 =	vadd.f32 v11, v1;
	v2 =	vadd.f32 v12, v2  }
0x2f2: {  	v60 =	vld [tilespmem:$0x15B80];
	v3 =	vadd.f32 v13, v3;
	v4 =	vadd.f32 v14, v4  }
0x2f3: {  	v61 =	vld [tilespmem:$0x15B90];
	v0 =	vadd.f32 v15, v0;
	v1 =	vadd.f32 v16, v1  }
0x2f4: {  	v62 =	vld [tilespmem:$0x15BA0];
	v2 =	vadd.f32 v17, v2;
	v3 =	vadd.f32 v18, v3  }
0x2f5: {  	v63 =	vld [tilespmem:$0x15BB0];
	v4 =	vadd.f32 v19, v4;
	v0 =	vadd.f32 v20, v0  }
0x2f6: {  	v42 =	vld [tilespmem:$0x15CC0];
	v1 =	vadd.f32 v21, v1;
	v2 =	vadd.f32 v22, v2  }
0x2f7: {  	v43 =	vld [tilespmem:$0x15D00];
	v3 =	vadd.f32 v23, v3;
	v4 =	vadd.f32 v24, v4  }
0x2f8: {  	v24 =	vld [tilespmem:$0x15BC0];
	v0 =	vadd.f32 v25, v0;
	v1 =	vadd.f32 v26, v1  }
0x2f9: {  	v25 =	vld [tilespmem:$0x15BD0];
	v2 =	vadd.f32 v27, v2;
	v3 =	vadd.f32 v28, v3  }
0x2fa: {  	v26 =	vld [tilespmem:$0x15BE0];
	v4 =	vadd.f32 v29, v4;
	v0 =	vadd.f32 v30, v0  }
0x2fb: {  	v27 =	vld [tilespmem:$0x15BF0];
	v1 =	vadd.f32 v31, v1;
	v2 =	vadd.f32 v32, v2  }
0x2fc: {  	v28 =	vld [tilespmem:$0x15C00];
	v3 =	vadd.f32 v33, v3;
	v4 =	vadd.f32 v34, v4  }
0x2fd: {  	v29 =	vld [tilespmem:$0x15C10];
	v0 =	vadd.f32 v35, v0;
	v1 =	vadd.f32 v36, v1  }
0x2fe: {  	v30 =	vld [tilespmem:$0x15C20];
	v2 =	vadd.f32 v37, v2;
	v3 =	vadd.f32 v38, v3  }
0x2ff: {  	v31 =	vld [tilespmem:$0x15C30];
	v4 =	vadd.f32 v39, v4;
	v0 =	vadd.f32 v40, v0  }
0x300: {  	v32 =	vld [tilespmem:$0x15C40];
	v1 =	vadd.f32 v41, v1;
	v2 =	vadd.f32 v54, v2  }
0x301: {  	v33 =	vld [tilespmem:$0x15C50];
	v3 =	vadd.f32 v55, v3;
	v4 =	vadd.f32 v56, v4  }
0x302: {  	v34 =	vld [tilespmem:$0x15C60];
	v0 =	vadd.f32 v57, v0;
	v1 =	vadd.f32 v58, v1  }
0x303: {  	v35 =	vld [tilespmem:$0x15C70];
	v2 =	vadd.f32 v59, v2;
	v3 =	vadd.f32 v60, v3  }
0x304: {  	v36 =	vld [tilespmem:$0x15C80];
	v4 =	vadd.f32 v61, v4;
	v0 =	vadd.f32 v62, v0  }
0x305: {  	v37 =	vld [tilespmem:$0x15C90];
	v1 =	vadd.f32 v63, v1;
	v2 =	vadd.f32 v24, v2  }
0x306: {  	v38 =	vld [tilespmem:$0x15CA0];
	v3 =	vadd.f32 v25, v3;
	v4 =	vadd.f32 v26, v4  }
0x307: {  	v39 =	vld [tilespmem:$0x15CE0];
	v0 =	vadd.f32 v27, v0;
	v1 =	vadd.f32 v28, v1  }
0x308: {  	v40 =	vld [tilespmem:$0x15CB0];
	v2 =	vadd.f32 v29, v2;
	v3 =	vadd.f32 v30, v3  }
0x309: {  	v41 =	vld [tilespmem:$0x15CF0];
	v4 =	vadd.f32 v31, v4;
	v0 =	vadd.f32 v32, v0  }
0x30a: {  	v44 =	vld [tilespmem:$0x15CD0];
	v1 =	vadd.f32 v33, v1;
	v2 =	vadd.f32 v34, v2  }
0x30b: {  	v45 =	vld [tilespmem:$0x15D10];
	v3 =	vadd.f32 v35, v3;
	v0 =	vadd.f32 v37, v0  }
0x30c: {  	v47 =	vld [tilespmem:$0x15D20];
	v46 =	vadd.f32 v36, v4;
	v1 =	vadd.f32 v38, v1  }
0x30d: {  	v2 =	vadd.f32 v40, v2;
	v0 =	vadd.f32 v39, v0  }
0x30e: {  	v3 =	vadd.f32 v42, v3;
	v1 =	vadd.f32 v41, v1  }
0x30f: {  	v2 =	vadd.f32 v43, v2;
	(xrf2) =	vadd.scan.msk.f32 $0xffff, v0;
	v0 =	vadd.f32 v44, v46  }
0x310: {  	v48 =	vadd.f32 v45, v3;
	(xrf2) =	vadd.scan.msk.f32 $0xffff, v1  }
0x311: {  	(xrf2) =	vadd.scan.msk.f32 $0xffff, v2;
	v0 =	vadd.f32 v47, v0  }
0x312: {  	(xrf2) =	vadd.scan.msk.f32 $0xffff, v48  }
0x313: {  	(xrf2) =	vadd.scan.msk.f32 $0xffff, v0;
	_ =	sdelay $0x2  }
0x314: {  	v49 =	vimm.s32 $0xF;
	_ =	sdelay $0x2  }
0x315: {  	v50, _, _ =	vpop (xrf2)  }
0x316: {  	s29 =	simm.s32 $0x15D80;
	[tilespmem:$0x15D80] =	vst v50;
	v51, _, _ =	vpop (xrf2)  }
0x317: {  	v52 =	vld.idx.msk [tilespmem:v49+s29+$0x0], $0xffff;
	[tilespmem:$0x15D80] =	vst v51;
	v53, _, _ =	vpop (xrf2)  }
0x318: {  	v54 =	vld.idx.msk [tilespmem:v49+s29+$0x0], $0xffff;
	[tilespmem:$0x15D80] =	vst v53;
	v55, _, _ =	vpop (xrf2)  }
0x319: {  	v56 =	vld.idx.msk [tilespmem:v49+s29+$0x0], $0xffff;
	[tilespmem:$0x15D80] =	vst v55;
	v57, _, _ =	vpop (xrf2)  }
0x31a: {  	v0 =	vld.idx.msk [tilespmem:v49+s29+$0x0], $0xffff;
	[tilespmem:$0x15D80] =	vst v57  }
0x31b: {  	v1 =	vld.idx.msk [tilespmem:v49+s29+$0x0], $0xffff;
	_ =	sdelay $0x3  }
0x31c: {  	v58 =	vmax.f32 v54, $1.000000000e+00  }
0x31d: {  	(erf) = vrcp.f32 v58;
	v59 =	vmax.f32 v1, $1.000000000e+00  }
0x31e: {  	(erf) = vrcp.f32 v59;
	_ =	sdelay $0x7  }
0x31f: {  	v60 =	vpop (erf)  }
0x320: {  	v61 =	vpop (erf)  }
0x321: {  	v2 =	vmul.f32 v60, v52;
	v4 =	vmul.f32 v61, v56  }
0x322: {  	vm0 =	vgt.f32 v54, $0.0e+00;
	vm1 =	vgt.f32 v1, $0.0e+00  }
0x323: {  	v62 =	vnsel vm0, $0x0, v2;
	v0 =	vmul.f32 v61, v0;
	v63 =	vnsel vm1, $0x0, v4  }
0x324: {  	v1 =	vadd.f32 v63, v62  }
0x325: {  	v0 =	vnsel vm1, $0x0, v0  }
0x326: {  	v0 =	vadd.f32 v1, v0;
	_ =	sdelay $0x1  }
0x327: {  	s30 =	simm.s32 $0x0;
	s31 =	simm.s32 $0x15E00;
	s4 =	rddreg [dreg:$0x4];
	[tilespmem:$0x15E00] =	vst v0  }
0x328: {  	[hbm4b:s4+s30] =	stream.linear.scatter [tilespmem:s31], [sflag:$0x3], $0x80, $0x38;
	[tilespmem:$0x15ED0] =	vst v63  }
0x329: {  	_ =	swait.ge [sflag:s0], $0x80  }
0x32a: {  	[sflag:s0] =	ssyncset.done $0x0  }
0x32b: {  	[sflag:s0] =	ssyncadd.s32 $0xFFFFFF80  }
.LBB2_4:
0x32c: {  	_ =	sfence.sel $0x180000  }
0x32d: {  	[bflag:$0x0] =	sbarrier.arrive $0xFFFF  }
0x32e: {  	p0 =	sne.s32 s5, $0x0;
	_ =	strace $0x90000047  }
0x32f: {  	s0 =	sadd.s32 @!p0 $0x100000, s3;
	[bflag:$0x2] =	sbarrier.arrive $0xFFFF  }
0x330: {  	[sflag:s0] =	ssyncadd.tile.s32 @!p0 $0x1;
	_ =	shalt  }
.Lfunc_end2:
_tile_overlayer_lowered:
.L_overlay_start_2:
0x331: {  	(tag) =	ssettag $0x2  }
0x332: {  	s0 =	rddreg [dreg:$0x0];
	s2 =	stileid.u32  }
0x333: {  	s1 =	rddreg [dreg:$0x1];
	p0 =	sne.s32 s2, $0x0  }
0x334: {  	s3 =	rddreg [dreg:$0x2];
	[bflag:$0x3] =	sbarrier.arrive $0xFFFF;
	s2 =	simm.s32 @!p0 $0x1C03  }
0x335: {  	[timem:s3], [sflag:s2] =	dma.local @!p0 [hbm:s0], s1  }
0x336: {  	s0 =	simm.s32 @!p0 $0x3  }
0x337: {  	_ =	swait.ge @!p0 [sflag:s0], s1  }
0x338: {  	s1 =	ssub.s32 @!p0 $0x0, s1;
	[sflag:s0] =	ssyncset.done @!p0 $0x0  }
0x339: {  	[sflag:s0] =	ssyncadd.s32 @!p0 s1  }
0x33a: {  	[bflag:$0x3] =	sbarrier.arrive $0xFFFF  }
0x33b: {  	_ =	shalt  }

</sc_bundles>
